<compile_context>
chip_gen: v7x
topology: tpu7x:2x2x1
jax: 0.10.2.dev20260603
libtpu: 0.0.44.dev20260713+nightly
codegen_flags: <defaults>
</compile_context>

<pallas_src>
import functools

import jax
import jax.numpy as jnp
from jax import lax
from jax.experimental import pallas as pl
from jax.experimental.pallas import tpu as pltpu
from jax.experimental.pallas import tpu_sc as plsc

N = 10000
E = 320000
D = 128

NC = 2
NS = 16
NW = NC * NS

EBLK = 80
NBLK = 128
E_PAD = NW * NBLK * EBLK
DBLK = 128
NBLK_D = NW * NBLK * EBLK // NW // DBLK
NDGRP = NBLK_D // 16
NPAD = 10240
ROWS_PER_TILE = NPAD // NS
DUMMY = NPAD - 1


@functools.cache
def _sc_kernels():
    mesh = plsc.VectorSubcoreMesh(
        core_axis_name="c", subcore_axis_name="s",
        num_cores=NC, num_subcores=NS)

    @functools.partial(
        pl.kernel,
        out_type=jax.ShapeDtypeStruct((NC, NPAD, D), jnp.float32),
        mesh=mesh,
        scratch_types=[
            pltpu.VMEM((8, DBLK), jnp.int32),
            pltpu.VMEM((8, DBLK), jnp.int32),
            pltpu.VMEM((8, DBLK), jnp.int32),
            pltpu.VMEM((8, DBLK), jnp.int32),
            pltpu.VMEM((DBLK, D), jnp.float32),
            pltpu.VMEM((DBLK, D), jnp.float32),
            pltpu.VMEM_SHARED((NPAD, D), jnp.float32),
            pltpu.SemaphoreType.DMA,
            pltpu.SemaphoreType.DMA,
            pltpu.SemaphoreType.DMA,
            pltpu.SemaphoreType.DMA,
        ],
    )
    def degree_pass(src3_hbm, dst3_hbm, ones_l_hbm, ones_r_hbm, zeros_hbm,
                    deg_hbm,
                    isA, isB, idA, idB, ones_l, ones_r, acc,
                    sA, sB, isemA, isemB):
        c = lax.axis_index("c")
        s = lax.axis_index("s")
        wid = c * NS + s
        r0 = s * ROWS_PER_TILE
        ssems = (sA, sB)
        isbufs = (isA, isB)
        idbufs = (idA, idB)
        isems = (isemA, isemB)

        def idx_fire(p, sb):
            pltpu.async_copy(src3_hbm.at[wid, pl.ds(sb * 8, 8)],
                             isbufs[p], isems[p])
            pltpu.async_copy(dst3_hbm.at[wid, pl.ds(sb * 8, 8)],
                             idbufs[p], isems[p])

        def idx_wait(p):
            pltpu.make_async_copy(
                src3_hbm.at[wid, pl.ds(0, 8)], isbufs[p], isems[p]).wait()
            pltpu.make_async_copy(
                src3_hbm.at[wid, pl.ds(0, 8)], idbufs[p], isems[p]).wait()

        def sc_fire(j):
            p, r = j // 8, j % 8
            pltpu.async_copy(ones_l, acc.at[isbufs[p].at[r]],
                             ssems[p], add=True)
            pltpu.async_copy(ones_r, acc.at[idbufs[p].at[r]],
                             ssems[p], add=True)

        def sc_drain(p):
            for _ in range(16):
                pltpu.make_async_copy(
                    zeros_hbm.at[pl.ds(0, DBLK)], ones_l, ssems[p]).wait()

        pltpu.sync_copy(ones_l_hbm, ones_l)
        pltpu.sync_copy(ones_r_hbm, ones_r)
        pltpu.sync_copy(src3_hbm.at[wid, pl.ds(0, 8)], isA)
        pltpu.sync_copy(dst3_hbm.at[wid, pl.ds(0, 8)], idA)
        pltpu.sync_copy(zeros_hbm, acc.at[pl.ds(r0, ROWS_PER_TILE)])
        plsc.subcore_barrier()

        def body(t, carry):
            for j in range(16):
                if j == 0:
                    @pl.when(t > 0)
                    def _():
                        sc_drain(1)
                if j == 1:
                    idx_fire(1, 2 * t + 1)
                if j == 7:
                    idx_wait(1)
                if j == 11:
                    @pl.when(t < NDGRP - 1)
                    def _():
                        sc_drain(0)
                        idx_fire(0, 2 * t + 2)
                if j == 14:
                    @pl.when(t < NDGRP - 1)
                    def _():
                        idx_wait(0)
                sc_fire(j)
            return carry

        lax.fori_loop(0, NDGRP, body, 0)
        sc_drain(0)
        sc_drain(1)
        plsc.subcore_barrier()

        pltpu.sync_copy(acc.at[pl.ds(r0, ROWS_PER_TILE)],
                        deg_hbm.at[c, pl.ds(r0, ROWS_PER_TILE)])

    @functools.partial(
        pl.kernel,
        out_type=jax.ShapeDtypeStruct((NC, NPAD, D), jnp.float32),
        mesh=mesh,
        scratch_types=[
            pltpu.VMEM((8, EBLK), jnp.int32),
            pltpu.VMEM((8, EBLK), jnp.int32),
            pltpu.VMEM((8, EBLK), jnp.int32),
            pltpu.VMEM((8, EBLK), jnp.int32),
            pltpu.VMEM((4, EBLK, D), jnp.float32),
            pltpu.VMEM_SHARED((NPAD, D), jnp.float32),
            pltpu.SemaphoreType.DMA,
            pltpu.SemaphoreType.DMA,
            pltpu.SemaphoreType.DMA,
            pltpu.SemaphoreType.DMA,
            pltpu.SemaphoreType.DMA,
            pltpu.SemaphoreType.DMA,
            pltpu.SemaphoreType.DMA,
            pltpu.SemaphoreType.DMA,
            pltpu.SemaphoreType.DMA,
            pltpu.SemaphoreType.DMA,
        ],
    )
    def edge_pass(h_hbm, src3_hbm, dst3_hbm, zeros_hbm, out_hbm,
                  isA, isB, idA, idB, rows, acc,
                  g0, g1, g2, g3, s0, s1, s2, s3, isemA, isemB):
        c = lax.axis_index("c")
        s = lax.axis_index("s")
        wid = c * NS + s
        r0 = s * ROWS_PER_TILE
        gsems = (g0, g1, g2, g3)
        ssems = (s0, s1, s2, s3)
        isbufs = (isA, isB)
        idbufs = (idA, idB)
        isems = (isemA, isemB)

        def idx_fire(p, sb):
            pltpu.async_copy(src3_hbm.at[wid, pl.ds(sb * 8, 8)],
                             isbufs[p], isems[p])
            pltpu.async_copy(dst3_hbm.at[wid, pl.ds(sb * 8, 8)],
                             idbufs[p], isems[p])

        def idx_wait(p):
            pltpu.make_async_copy(
                src3_hbm.at[wid, pl.ds(0, 8)], isbufs[p], isems[p]).wait()
            pltpu.make_async_copy(
                src3_hbm.at[wid, pl.ds(0, 8)], idbufs[p], isems[p]).wait()

        def g_start(j1, b, t_off):
            pltpu.async_copy(h_hbm.at[isbufs[(j1 // 8) % 2].at[j1 % 8]],
                             rows.at[b], gsems[b])

        def g_wait(b):
            pltpu.make_async_copy(
                h_hbm.at[pl.ds(0, EBLK)], rows.at[b], gsems[b]).wait()

        def s_start(j, b):
            pltpu.async_copy(rows.at[b],
                             acc.at[idbufs[j // 8].at[j % 8]],
                             ssems[b], add=True)

        def s_wait(b):
            pltpu.make_async_copy(
                h_hbm.at[pl.ds(0, EBLK)], rows.at[b], ssems[b]).wait()

        pltpu.sync_copy(src3_hbm.at[wid, pl.ds(0, 8)], isA)
        pltpu.sync_copy(dst3_hbm.at[wid, pl.ds(0, 8)], idA)
        pltpu.sync_copy(zeros_hbm, acc.at[pl.ds(r0, ROWS_PER_TILE)])
        plsc.subcore_barrier()
        g_start(0, 0, 0)
        g_start(1, 1, 0)
        g_start(2, 2, 0)

        def body(t, carry):
            for j in range(16):
                b = j % 4
                b3 = (j + 3) % 4
                g_wait(b)
                s_start(j, b)
                if j == 0:
                    @pl.when(t > 0)
                    def _():
                        s_wait(b3)
                else:
                    s_wait(b3)
                if j == 1:
                    idx_fire(1, 2 * t + 1)
                if j == 5:
                    idx_wait(1)
                if j == 9:
                    @pl.when(t < 7)
                    def _():
                        idx_fire(0, 2 * t + 2)
                if j <= 12:
                    g_start(j + 3, b3, t)
                elif j == 13:
                    @pl.when(t < 7)
                    def _():
                        idx_wait(0)
                        g_start(0, b3, t)
                else:
                    @pl.when(t < 7)
                    def _(b3=b3, j=j):
                        g_start(j + 3 - 16, b3, t)
            return carry

        lax.fori_loop(0, 8, body, 0)
        s_wait(3)
        plsc.subcore_barrier()

        pltpu.sync_copy(acc.at[pl.ds(r0, ROWS_PER_TILE)],
                        out_hbm.at[c, pl.ds(r0, ROWS_PER_TILE)])

    return degree_pass, edge_pass



R = 400
GRID = N // R


def _norm(degp_blk, col):
    deg = degp_blk[0, :, col:col + 1] + degp_blk[1, :, col:col + 1]
    return jnp.where(deg > 0, lax.rsqrt(jnp.maximum(deg, 1e-12)), 0.0)


def _mm1_body(x_ref, degp_ref, w_ref, o_ref):
    h = x_ref[...] * _norm(degp_ref, 0)
    o_ref[...] = jnp.dot(h, w_ref[...], preferred_element_type=jnp.float32)


def _mm2_body(aggp_ref, degp_ref, b_ref, w_ref, o_ref):
    agg = aggp_ref[0] + aggp_ref[1]
    t = jnp.maximum(agg * _norm(degp_ref, 64) + b_ref[...], 0.0)
    h = t * _norm(degp_ref, 0)
    o_ref[...] = jnp.dot(h, w_ref[...], preferred_element_type=jnp.float32)


def _fin_body(aggp_ref, degp_ref, b_ref, o_ref):
    agg = aggp_ref[0] + aggp_ref[1]
    o_ref[...] = agg * _norm(degp_ref, 64) + b_ref[...]


_row_spec = pl.BlockSpec((R, D), lambda i: (i, 0))
_agg_spec = pl.BlockSpec((2, R, D), lambda i: (0, i, 0))
_b_spec = pl.BlockSpec((1, D), lambda i: (0, 0))
_w_spec = pl.BlockSpec((D, D), lambda i: (0, 0))

_mm1 = pl.pallas_call(
    _mm1_body,
    grid=(GRID,),
    in_specs=[_row_spec, _agg_spec, _w_spec],
    out_specs=_row_spec,
    out_shape=jax.ShapeDtypeStruct((NPAD, D), jnp.float32),
)

_mm2 = pl.pallas_call(
    _mm2_body,
    grid=(GRID,),
    in_specs=[_agg_spec, _agg_spec, _b_spec, _w_spec],
    out_specs=_row_spec,
    out_shape=jax.ShapeDtypeStruct((NPAD, D), jnp.float32),
)

_fin = pl.pallas_call(
    _fin_body,
    grid=(GRID,),
    in_specs=[_agg_spec, _agg_spec, _b_spec],
    out_specs=_row_spec,
    out_shape=jax.ShapeDtypeStruct((N, D), jnp.float32),
)


def kernel(x, edge_index, W1, b1, W2, b2):
    pad = N + jnp.arange(E_PAD - E, dtype=jnp.int32) % (NPAD - N)
    src3 = jnp.concatenate([edge_index[0], pad]).reshape(NW, NBLK, EBLK)
    dst3 = jnp.concatenate([edge_index[1], pad]).reshape(NW, NBLK, EBLK)
    src3d = src3.reshape(NW, NBLK_D, DBLK)
    dst3d = dst3.reshape(NW, NBLK_D, DBLK)
    ones_l = jnp.concatenate(
        [jnp.ones((DBLK, 64), jnp.float32), jnp.zeros((DBLK, 64), jnp.float32)], 1)
    ones_r = jnp.concatenate(
        [jnp.zeros((DBLK, 64), jnp.float32), jnp.ones((DBLK, 64), jnp.float32)], 1)
    zerosD = jnp.zeros((ROWS_PER_TILE, D), jnp.float32)
    b1r = b1.reshape(1, D)
    b2r = b2.reshape(1, D)

    degree_pass, edge_pass = _sc_kernels()
    deg_p = degree_pass(src3d, dst3d, ones_l, ones_r, zerosD)
    h1 = _mm1(x, deg_p, W1)
    agg1_p = edge_pass(h1, src3, dst3, zerosD)
    h2 = _mm2(agg1_p, deg_p, b1r, W2)
    agg2_p = edge_pass(h2, src3, dst3, zerosD)
    return _fin(agg2_p, deg_p, b2r)

# --- scband reference (transcript-rebuilt; emitter-appended) ---
"""Pipeline reference for scband-gcn-59794534695170 (READ-ONLY COPY).

The authoritative reference and input builder live on the scoring server;
editing this copy changes nothing except your own understanding.
"""

import jax, jax.numpy as jnp
import numpy as np

N = 10000
E = 320000
D_IN = 128
D_HID = 128
D_OUT = 128


def setup_inputs(seed: int = 0) -> dict:
    key = jax.random.key(seed)
    k1, k2, k3, k4, k5, k6 = jax.random.split(key, 6)
    x = jax.random.normal(k1, (N, D_IN), dtype=jnp.float32)
    edge_index = jax.random.randint(k2, (2, E), 0, N, dtype=jnp.int32)
    W1 = jax.random.normal(k3, (D_IN, D_HID), dtype=jnp.float32) / np.sqrt(D_IN)
    b1 = jnp.zeros((D_HID,), dtype=jnp.float32)
    W2 = jax.random.normal(k4, (D_HID, D_OUT), dtype=jnp.float32) / np.sqrt(D_HID)
    b2 = jnp.zeros((D_OUT,), dtype=jnp.float32)
    return {"x": x, "edge_index": edge_index, "W1": W1, "b1": b1, "W2": W2, "b2": b2}


def _graph_conv(x, edge_index, W, b):
    # DGL GraphConv with norm='both', allow_zero_in_degree=True:
    # h = D_in^{-1/2} A D_out^{-1/2} x W + b
    src = edge_index[0]
    dst = edge_index[1]
    ones = jnp.ones((src.shape[0],), dtype=jnp.float32)
    deg_out = jnp.zeros((N,), dtype=jnp.float32).at[src].add(ones)
    deg_in = jnp.zeros((N,), dtype=jnp.float32).at[dst].add(ones)
    norm_out = jnp.where(deg_out > 0, jax.lax.rsqrt(jnp.maximum(deg_out, 1e-12)), 0.0)
    norm_in = jnp.where(deg_in > 0, jax.lax.rsqrt(jnp.maximum(deg_in, 1e-12)), 0.0)
    h = x * norm_out[:, None]
    # mult W first (in_feats >= out_feats path in DGL reduces work)
    h = h @ W
    msgs = jnp.take(h, src, axis=0)
    agg = jax.ops.segment_sum(msgs, dst, num_segments=N)
    agg = agg * norm_in[:, None]
    return agg + b


def reference(x, edge_index, W1, b1, W2, b2):
    hidden = _graph_conv(x, edge_index, W1, b1)
    hidden = jax.nn.relu(hidden)
    out = _graph_conv(hidden, edge_index, W2, b2)
    return out

if __name__ == "__main__":
    import jax
    _d = setup_inputs()
    print(jax.jit(kernel)(*tuple(_d.values())))

</pallas_src>

<mosaic_0001>
#map = affine_map<(d0, d1) -> (0, 0, 0)>
#map1 = affine_map<(d0, d1) -> (0, 0)>
module attributes {stable_mosaic.version = 14 : i64} {
  func.func @degree_pass(%arg0: i32, %arg1: i32, %arg2: memref<32x80x128xi32, #tpu.memory_space<hbm>>, %arg3: memref<32x80x128xi32, #tpu.memory_space<hbm>>, %arg4: memref<128x128xf32, #tpu.memory_space<hbm>>, %arg5: memref<128x128xf32, #tpu.memory_space<hbm>>, %arg6: memref<640x128xf32, #tpu.memory_space<hbm>>, %arg7: memref<2x10240x128xf32, #tpu.memory_space<hbm>>, %arg8: memref<8x128xi32, #tpu.memory_space<vmem>>, %arg9: memref<8x128xi32, #tpu.memory_space<vmem>>, %arg10: memref<8x128xi32, #tpu.memory_space<vmem>>, %arg11: memref<8x128xi32, #tpu.memory_space<vmem>>, %arg12: memref<128x128xf32, #tpu.memory_space<vmem>>, %arg13: memref<128x128xf32, #tpu.memory_space<vmem>>, %arg14: memref<10240x128xf32, #tpu.memory_space<vmem_shared>>, %arg15: memref<!tpu.dma_semaphore, #tpu.memory_space<semaphore_mem>>, %arg16: memref<!tpu.dma_semaphore, #tpu.memory_space<semaphore_mem>>, %arg17: memref<!tpu.dma_semaphore, #tpu.memory_space<semaphore_mem>>, %arg18: memref<!tpu.dma_semaphore, #tpu.memory_space<semaphore_mem>>) attributes {dimension_semantics = [#tpu.dimension_semantics<core_parallel>, #tpu.dimension_semantics<subcore_parallel>], iteration_bounds = array<i64: 2, 16>, scalar_prefetch = 0 : i64, scratch_operands = 11 : i64, tpu.core_type = #tpu.core_type<sc_vector_subcore>, window_params = [{transform_indices = #map}, {transform_indices = #map}, {transform_indices = #map1}, {transform_indices = #map1}, {transform_indices = #map1}, {transform_indices = #map}]} {
    %mul3A = arith.constant 16 : i32
    %mul3A_0 = arith.muli %arg0, %mul3A : i32
    %add3A = arith.addi %mul3A_0, %arg1 : i32
    %mul3A_1 = arith.constant 640 : i32
    %mul3A_2 = arith.muli %arg1, %mul3A_1 : i32
    "tpu.region"() ({
      %run_scoped3A = tpu.sem_alloc : memref<!tpu.dma_semaphore, #tpu.memory_space<semaphore_mem>>
      tpu.enqueue_dma source(%arg4 : memref<128x128xf32, #tpu.memory_space<hbm>>) target(%arg12 : memref<128x128xf32, #tpu.memory_space<vmem>>) target_semaphore(%run_scoped3A : memref<!tpu.dma_semaphore, #tpu.memory_space<semaphore_mem>>)
      tpu.wait_dma2 semaphore(%run_scoped3A : memref<!tpu.dma_semaphore, #tpu.memory_space<semaphore_mem>>) src(%arg4 : memref<128x128xf32, #tpu.memory_space<hbm>>) dst(%arg12 : memref<128x128xf32, #tpu.memory_space<vmem>>)
      tpu.yield
    }) : () -> ()
    "tpu.region"() ({
      %run_scoped3A = tpu.sem_alloc : memref<!tpu.dma_semaphore, #tpu.memory_space<semaphore_mem>>
      tpu.enqueue_dma source(%arg5 : memref<128x128xf32, #tpu.memory_space<hbm>>) target(%arg13 : memref<128x128xf32, #tpu.memory_space<vmem>>) target_semaphore(%run_scoped3A : memref<!tpu.dma_semaphore, #tpu.memory_space<semaphore_mem>>)
      tpu.wait_dma2 semaphore(%run_scoped3A : memref<!tpu.dma_semaphore, #tpu.memory_space<semaphore_mem>>) src(%arg5 : memref<128x128xf32, #tpu.memory_space<hbm>>) dst(%arg13 : memref<128x128xf32, #tpu.memory_space<vmem>>)
      tpu.yield
    }) : () -> ()
    "tpu.region"() ({
      %run_scoped3A = tpu.sem_alloc : memref<!tpu.dma_semaphore, #tpu.memory_space<semaphore_mem>>
      %dma_start3A = arith.constant 0 : i32
      %dma_start3A_200 = arith.constant 0 : i32
      %dma_start3A_201 = tpu.memref_slice %arg2[%add3A, %dma_start3A, %dma_start3A_200] : memref<32x80x128xi32, #tpu.memory_space<hbm>> -> memref<1x8x128xi32, #tpu.memory_space<hbm>>
      %dma_start3A_202 = tpu.memref_squeeze %dma_start3A_201 : memref<1x8x128xi32, #tpu.memory_space<hbm>> -> memref<8x128xi32, #tpu.memory_space<hbm>>
      %dma_start3A_203 = arith.constant 0 : i32
      %dma_start3A_204 = arith.constant 0 : i32
      %dma_start3A_205 = tpu.memref_slice %arg2[%add3A, %dma_start3A_203, %dma_start3A_204] : memref<32x80x128xi32, #tpu.memory_space<hbm>> -> memref<1x8x128xi32, #tpu.memory_space<hbm>>
      %dma_start3A_206 = tpu.memref_squeeze %dma_start3A_205 : memref<1x8x128xi32, #tpu.memory_space<hbm>> -> memref<8x128xi32, #tpu.memory_space<hbm>>
      tpu.enqueue_dma source(%dma_start3A_206 : memref<8x128xi32, #tpu.memory_space<hbm>>) target(%arg8 : memref<8x128xi32, #tpu.memory_space<vmem>>) target_semaphore(%run_scoped3A : memref<!tpu.dma_semaphore, #tpu.memory_space<semaphore_mem>>)
      %dma_wait3A_207 = arith.constant 0 : i32
      %dma_wait3A_208 = arith.constant 0 : i32
      %dma_wait3A_209 = tpu.memref_slice %arg2[%add3A, %dma_wait3A_207, %dma_wait3A_208] : memref<32x80x128xi32, #tpu.memory_space<hbm>> -> memref<1x8x128xi32, #tpu.memory_space<hbm>>
      %dma_wait3A_210 = tpu.memref_squeeze %dma_wait3A_209 : memref<1x8x128xi32, #tpu.memory_space<hbm>> -> memref<8x128xi32, #tpu.memory_space<hbm>>
      %dma_wait3A_211 = arith.constant 0 : i32
      %dma_wait3A_212 = arith.constant 0 : i32
      %dma_wait3A_213 = tpu.memref_slice %arg2[%add3A, %dma_wait3A_211, %dma_wait3A_212] : memref<32x80x128xi32, #tpu.memory_space<hbm>> -> memref<1x8x128xi32, #tpu.memory_space<hbm>>
      %dma_wait3A_214 = tpu.memref_squeeze %dma_wait3A_213 : memref<1x8x128xi32, #tpu.memory_space<hbm>> -> memref<8x128xi32, #tpu.memory_space<hbm>>
      tpu.wait_dma2 semaphore(%run_scoped3A : memref<!tpu.dma_semaphore, #tpu.memory_space<semaphore_mem>>) src(%dma_wait3A_214 : memref<8x128xi32, #tpu.memory_space<hbm>>) dst(%arg8 : memref<8x128xi32, #tpu.memory_space<vmem>>)
      tpu.yield
    }) : () -> ()
    "tpu.region"() ({
      %run_scoped3A = tpu.sem_alloc : memref<!tpu.dma_semaphore, #tpu.memory_space<semaphore_mem>>
      %dma_start3A = arith.constant 0 : i32
      %dma_start3A_200 = arith.constant 0 : i32
      %dma_start3A_201 = tpu.memref_slice %arg3[%add3A, %dma_start3A, %dma_start3A_200] : memref<32x80x128xi32, #tpu.memory_space<hbm>> -> memref<1x8x128xi32, #tpu.memory_space<hbm>>
      %dma_start3A_202 = tpu.memref_squeeze %dma_start3A_201 : memref<1x8x128xi32, #tpu.memory_space<hbm>> -> memref<8x128xi32, #tpu.memory_space<hbm>>
      %dma_start3A_203 = arith.constant 0 : i32
      %dma_start3A_204 = arith.constant 0 : i32
      %dma_start3A_205 = tpu.memref_slice %arg3[%add3A, %dma_start3A_203, %dma_start3A_204] : memref<32x80x128xi32, #tpu.memory_space<hbm>> -> memref<1x8x128xi32, #tpu.memory_space<hbm>>
      %dma_start3A_206 = tpu.memref_squeeze %dma_start3A_205 : memref<1x8x128xi32, #tpu.memory_space<hbm>> -> memref<8x128xi32, #tpu.memory_space<hbm>>
      tpu.enqueue_dma source(%dma_start3A_206 : memref<8x128xi32, #tpu.memory_space<hbm>>) target(%arg10 : memref<8x128xi32, #tpu.memory_space<vmem>>) target_semaphore(%run_scoped3A : memref<!tpu.dma_semaphore, #tpu.memory_space<semaphore_mem>>)
      %dma_wait3A_207 = arith.constant 0 : i32
      %dma_wait3A_208 = arith.constant 0 : i32
      %dma_wait3A_209 = tpu.memref_slice %arg3[%add3A, %dma_wait3A_207, %dma_wait3A_208] : memref<32x80x128xi32, #tpu.memory_space<hbm>> -> memref<1x8x128xi32, #tpu.memory_space<hbm>>
      %dma_wait3A_210 = tpu.memref_squeeze %dma_wait3A_209 : memref<1x8x128xi32, #tpu.memory_space<hbm>> -> memref<8x128xi32, #tpu.memory_space<hbm>>
      %dma_wait3A_211 = arith.constant 0 : i32
      %dma_wait3A_212 = arith.constant 0 : i32
      %dma_wait3A_213 = tpu.memref_slice %arg3[%add3A, %dma_wait3A_211, %dma_wait3A_212] : memref<32x80x128xi32, #tpu.memory_space<hbm>> -> memref<1x8x128xi32, #tpu.memory_space<hbm>>
      %dma_wait3A_214 = tpu.memref_squeeze %dma_wait3A_213 : memref<1x8x128xi32, #tpu.memory_space<hbm>> -> memref<8x128xi32, #tpu.memory_space<hbm>>
      tpu.wait_dma2 semaphore(%run_scoped3A : memref<!tpu.dma_semaphore, #tpu.memory_space<semaphore_mem>>) src(%dma_wait3A_214 : memref<8x128xi32, #tpu.memory_space<hbm>>) dst(%arg10 : memref<8x128xi32, #tpu.memory_space<vmem>>)
      tpu.yield
    }) : () -> ()
    "tpu.region"() ({
      %run_scoped3A = tpu.sem_alloc : memref<!tpu.dma_semaphore, #tpu.memory_space<semaphore_mem>>
      %dma_start3A = arith.constant 0 : i32
      %dma_start3A_200 = tpu.memref_slice %arg14[%mul3A_2, %dma_start3A] : memref<10240x128xf32, #tpu.memory_space<vmem_shared>> -> memref<640x128xf32, #tpu.memory_space<vmem_shared>>
      tpu.enqueue_dma source(%arg6 : memref<640x128xf32, #tpu.memory_space<hbm>>) target(%dma_start3A_200 : memref<640x128xf32, #tpu.memory_space<vmem_shared>>) target_semaphore(%run_scoped3A : memref<!tpu.dma_semaphore, #tpu.memory_space<semaphore_mem>>)
      %dma_wait3A_201 = arith.constant 0 : i32
      %dma_wait3A_202 = tpu.memref_slice %arg14[%mul3A_2, %dma_wait3A_201] : memref<10240x128xf32, #tpu.memory_space<vmem_shared>> -> memref<640x128xf32, #tpu.memory_space<vmem_shared>>
      tpu.wait_dma2 semaphore(%run_scoped3A : memref<!tpu.dma_semaphore, #tpu.memory_space<semaphore_mem>>) src(%arg6 : memref<640x128xf32, #tpu.memory_space<hbm>>) dst(%dma_wait3A_202 : memref<640x128xf32, #tpu.memory_space<vmem_shared>>)
      tpu.yield
    }) : () -> ()
    %barrier3A = arith.constant 0 : index
    tpu.barrier barrier_id(%barrier3A)
    %scan3A = arith.constant 0 : i32
    %scan3A_3 = arith.constant 0 : i32
    %scan3A_4 = arith.constant 5 : i32
    %scan3A_5 = arith.addi %scan3A_3, %scan3A_4 : i32
    %scan3A_6 = arith.constant 1 : i32
    scf.for %scan3A_200 = %scan3A_3 to %scan3A_5 step %scan3A_6  : i32 {
      %gt3A = arith.constant 0 : i32
      %gt3A_201 = arith.cmpi sgt, %scan3A_200, %gt3A : i32
      %convert_element_type3A = arith.extui %gt3A_201 : i1 to i32
      %cond3A = arith.constant 0 : i32
      %cond3A_202 = arith.cmpi ne, %convert_element_type3A, %cond3A : i32
      scf.if %cond3A_202 {
        %dma_wait3A_471 = arith.constant 0 : i32
        %dma_wait3A_472 = arith.constant 0 : i32
        %dma_wait3A_473 = tpu.memref_slice %arg6[%dma_wait3A_471, %dma_wait3A_472] : memref<640x128xf32, #tpu.memory_space<hbm>> -> memref<128x128xf32, #tpu.memory_space<hbm>>
        %dma_wait3A_474 = arith.constant 0 : i32
        %dma_wait3A_475 = arith.constant 0 : i32
        %dma_wait3A_476 = tpu.memref_slice %arg6[%dma_wait3A_474, %dma_wait3A_475] : memref<640x128xf32, #tpu.memory_space<hbm>> -> memref<128x128xf32, #tpu.memory_space<hbm>>
        tpu.wait_dma2 semaphore(%arg16 : memref<!tpu.dma_semaphore, #tpu.memory_space<semaphore_mem>>) src(%dma_wait3A_476 : memref<128x128xf32, #tpu.memory_space<hbm>>) dst(%arg12 : memref<128x128xf32, #tpu.memory_space<vmem>>)
        %dma_wait3A_477 = arith.constant 0 : i32
        %dma_wait3A_478 = arith.constant 0 : i32
        %dma_wait3A_479 = tpu.memref_slice %arg6[%dma_wait3A_477, %dma_wait3A_478] : memref<640x128xf32, #tpu.memory_space<hbm>> -> memref<128x128xf32, #tpu.memory_space<hbm>>
        %dma_wait3A_480 = arith.constant 0 : i32
        %dma_wait3A_481 = arith.constant 0 : i32
        %dma_wait3A_482 = tpu.memref_slice %arg6[%dma_wait3A_480, %dma_wait3A_481] : memref<640x128xf32, #tpu.memory_space<hbm>> -> memref<128x128xf32, #tpu.memory_space<hbm>>
        tpu.wait_dma2 semaphore(%arg16 : memref<!tpu.dma_semaphore, #tpu.memory_space<semaphore_mem>>) src(%dma_wait3A_482 : memref<128x128xf32, #tpu.memory_space<hbm>>) dst(%arg12 : memref<128x128xf32, #tpu.memory_space<vmem>>)
        %dma_wait3A_483 = arith.constant 0 : i32
        %dma_wait3A_484 = arith.constant 0 : i32
        %dma_wait3A_485 = tpu.memref_slice %arg6[%dma_wait3A_483, %dma_wait3A_484] : memref<640x128xf32, #tpu.memory_space<hbm>> -> memref<128x128xf32, #tpu.memory_space<hbm>>
        %dma_wait3A_486 = arith.constant 0 : i32
        %dma_wait3A_487 = arith.constant 0 : i32
        %dma_wait3A_488 = tpu.memref_slice %arg6[%dma_wait3A_486, %dma_wait3A_487] : memref<640x128xf32, #tpu.memory_space<hbm>> -> memref<128x128xf32, #tpu.memory_space<hbm>>
        tpu.wait_dma2 semaphore(%arg16 : memref<!tpu.dma_semaphore, #tpu.memory_space<semaphore_mem>>) src(%dma_wait3A_488 : memref<128x128xf32, #tpu.memory_space<hbm>>) dst(%arg12 : memref<128x128xf32, #tpu.memory_space<vmem>>)
        %dma_wait3A_489 = arith.constant 0 : i32
        %dma_wait3A_490 = arith.constant 0 : i32
        %dma_wait3A_491 = tpu.memref_slice %arg6[%dma_wait3A_489, %dma_wait3A_490] : memref<640x128xf32, #tpu.memory_space<hbm>> -> memref<128x128xf32, #tpu.memory_space<hbm>>
        %dma_wait3A_492 = arith.constant 0 : i32
        %dma_wait3A_493 = arith.constant 0 : i32
        %dma_wait3A_494 = tpu.memref_slice %arg6[%dma_wait3A_492, %dma_wait3A_493] : memref<640x128xf32, #tpu.memory_space<hbm>> -> memref<128x128xf32, #tpu.memory_space<hbm>>
        tpu.wait_dma2 semaphore(%arg16 : memref<!tpu.dma_semaphore, #tpu.memory_space<semaphore_mem>>) src(%dma_wait3A_494 : memref<128x128xf32, #tpu.memory_space<hbm>>) dst(%arg12 : memref<128x128xf32, #tpu.memory_space<vmem>>)
        %dma_wait3A_495 = arith.constant 0 : i32
        %dma_wait3A_496 = arith.constant 0 : i32
        %dma_wait3A_497 = tpu.memref_slice %arg6[%dma_wait3A_495, %dma_wait3A_496] : memref<640x128xf32, #tpu.memory_space<hbm>> -> memref<128x128xf32, #tpu.memory_space<hbm>>
        %dma_wait3A_498 = arith.constant 0 : i32
        %dma_wait3A_499 = arith.constant 0 : i32
        %dma_wait3A_500 = tpu.memref_slice %arg6[%dma_wait3A_498, %dma_wait3A_499] : memref<640x128xf32, #tpu.memory_space<hbm>> -> memref<128x128xf32, #tpu.memory_space<hbm>>
        tpu.wait_dma2 semaphore(%arg16 : memref<!tpu.dma_semaphore, #tpu.memory_space<semaphore_mem>>) src(%dma_wait3A_500 : memref<128x128xf32, #tpu.memory_space<hbm>>) dst(%arg12 : memref<128x128xf32, #tpu.memory_space<vmem>>)
        %dma_wait3A_501 = arith.constant 0 : i32
        %dma_wait3A_502 = arith.constant 0 : i32
        %dma_wait3A_503 = tpu.memref_slice %arg6[%dma_wait3A_501, %dma_wait3A_502] : memref<640x128xf32, #tpu.memory_space<hbm>> -> memref<128x128xf32, #tpu.memory_space<hbm>>
        %dma_wait3A_504 = arith.constant 0 : i32
        %dma_wait3A_505 = arith.constant 0 : i32
        %dma_wait3A_506 = tpu.memref_slice %arg6[%dma_wait3A_504, %dma_wait3A_505] : memref<640x128xf32, #tpu.memory_space<hbm>> -> memref<128x128xf32, #tpu.memory_space<hbm>>
        tpu.wait_dma2 semaphore(%arg16 : memref<!tpu.dma_semaphore, #tpu.memory_space<semaphore_mem>>) src(%dma_wait3A_506 : memref<128x128xf32, #tpu.memory_space<hbm>>) dst(%arg12 : memref<128x128xf32, #tpu.memory_space<vmem>>)
        %dma_wait3A_507 = arith.constant 0 : i32
        %dma_wait3A_508 = arith.constant 0 : i32
        %dma_wait3A_509 = tpu.memref_slice %arg6[%dma_wait3A_507, %dma_wait3A_508] : memref<640x128xf32, #tpu.memory_space<hbm>> -> memref<128x128xf32, #tpu.memory_space<hbm>>
        %dma_wait3A_510 = arith.constant 0 : i32
        %dma_wait3A_511 = arith.constant 0 : i32
        %dma_wait3A_512 = tpu.memref_slice %arg6[%dma_wait3A_510, %dma_wait3A_511] : memref<640x128xf32, #tpu.memory_space<hbm>> -> memref<128x128xf32, #tpu.memory_space<hbm>>
        tpu.wait_dma2 semaphore(%arg16 : memref<!tpu.dma_semaphore, #tpu.memory_space<semaphore_mem>>) src(%dma_wait3A_512 : memref<128x128xf32, #tpu.memory_space<hbm>>) dst(%arg12 : memref<128x128xf32, #tpu.memory_space<vmem>>)
        %dma_wait3A_513 = arith.constant 0 : i32
        %dma_wait3A_514 = arith.constant 0 : i32
        %dma_wait3A_515 = tpu.memref_slice %arg6[%dma_wait3A_513, %dma_wait3A_514] : memref<640x128xf32, #tpu.memory_space<hbm>> -> memref<128x128xf32, #tpu.memory_space<hbm>>
        %dma_wait3A_516 = arith.constant 0 : i32
        %dma_wait3A_517 = arith.constant 0 : i32
        %dma_wait3A_518 = tpu.memref_slice %arg6[%dma_wait3A_516, %dma_wait3A_517] : memref<640x128xf32, #tpu.memory_space<hbm>> -> memref<128x128xf32, #tpu.memory_space<hbm>>
        tpu.wait_dma2 semaphore(%arg16 : memref<!tpu.dma_semaphore, #tpu.memory_space<semaphore_mem>>) src(%dma_wait3A_518 : memref<128x128xf32, #tpu.memory_space<hbm>>) dst(%arg12 : memref<128x128xf32, #tpu.memory_space<vmem>>)
        %dma_wait3A_519 = arith.constant 0 : i32
        %dma_wait3A_520 = arith.constant 0 : i32
        %dma_wait3A_521 = tpu.memref_slice %arg6[%dma_wait3A_519, %dma_wait3A_520] : memref<640x128xf32, #tpu.memory_space<hbm>> -> memref<128x128xf32, #tpu.memory_space<hbm>>
        %dma_wait3A_522 = arith.constant 0 : i32
        %dma_wait3A_523 = arith.constant 0 : i32
        %dma_wait3A_524 = tpu.memref_slice %arg6[%dma_wait3A_522, %dma_wait3A_523] : memref<640x128xf32, #tpu.memory_space<hbm>> -> memref<128x128xf32, #tpu.memory_space<hbm>>
        tpu.wait_dma2 semaphore(%arg16 : memref<!tpu.dma_semaphore, #tpu.memory_space<semaphore_mem>>) src(%dma_wait3A_524 : memref<128x128xf32, #tpu.memory_space<hbm>>) dst(%arg12 : memref<128x128xf32, #tpu.memory_space<vmem>>)
        %dma_wait3A_525 = arith.constant 0 : i32
        %dma_wait3A_526 = arith.constant 0 : i32
        %dma_wait3A_527 = tpu.memref_slice %arg6[%dma_wait3A_525, %dma_wait3A_526] : memref<640x128xf32, #tpu.memory_space<hbm>> -> memref<128x128xf32, #tpu.memory_space<hbm>>
        %dma_wait3A_528 = arith.constant 0 : i32
        %dma_wait3A_529 = arith.constant 0 : i32
        %dma_wait3A_530 = tpu.memref_slice %arg6[%dma_wait3A_528, %dma_wait3A_529] : memref<640x128xf32, #tpu.memory_space<hbm>> -> memref<128x128xf32, #tpu.memory_space<hbm>>
        tpu.wait_dma2 semaphore(%arg16 : memref<!tpu.dma_semaphore, #tpu.memory_space<semaphore_mem>>) src(%dma_wait3A_530 : memref<128x128xf32, #tpu.memory_space<hbm>>) dst(%arg12 : memref<128x128xf32, #tpu.memory_space<vmem>>)
        %dma_wait3A_531 = arith.constant 0 : i32
        %dma_wait3A_532 = arith.constant 0 : i32
        %dma_wait3A_533 = tpu.memref_slice %arg6[%dma_wait3A_531, %dma_wait3A_532] : memref<640x128xf32, #tpu.memory_space<hbm>> -> memref<128x128xf32, #tpu.memory_space<hbm>>
        %dma_wait3A_534 = arith.constant 0 : i32
        %dma_wait3A_535 = arith.constant 0 : i32
        %dma_wait3A_536 = tpu.memref_slice %arg6[%dma_wait3A_534, %dma_wait3A_535] : memref<640x128xf32, #tpu.memory_space<hbm>> -> memref<128x128xf32, #tpu.memory_space<hbm>>
        tpu.wait_dma2 semaphore(%arg16 : memref<!tpu.dma_semaphore, #tpu.memory_space<semaphore_mem>>) src(%dma_wait3A_536 : memref<128x128xf32, #tpu.memory_space<hbm>>) dst(%arg12 : memref<128x128xf32, #tpu.memory_space<vmem>>)
        %dma_wait3A_537 = arith.constant 0 : i32
        %dma_wait3A_538 = arith.constant 0 : i32
        %dma_wait3A_539 = tpu.memref_slice %arg6[%dma_wait3A_537, %dma_wait3A_538] : memref<640x128xf32, #tpu.memory_space<hbm>> -> memref<128x128xf32, #tpu.memory_space<hbm>>
        %dma_wait3A_540 = arith.constant 0 : i32
        %dma_wait3A_541 = arith.constant 0 : i32
        %dma_wait3A_542 = tpu.memref_slice %arg6[%dma_wait3A_540, %dma_wait3A_541] : memref<640x128xf32, #tpu.memory_space<hbm>> -> memref<128x128xf32, #tpu.memory_space<hbm>>
        tpu.wait_dma2 semaphore(%arg16 : memref<!tpu.dma_semaphore, #tpu.memory_space<semaphore_mem>>) src(%dma_wait3A_542 : memref<128x128xf32, #tpu.memory_space<hbm>>) dst(%arg12 : memref<128x128xf32, #tpu.memory_space<vmem>>)
        %dma_wait3A_543 = arith.constant 0 : i32
        %dma_wait3A_544 = arith.constant 0 : i32
        %dma_wait3A_545 = tpu.memref_slice %arg6[%dma_wait3A_543, %dma_wait3A_544] : memref<640x128xf32, #tpu.memory_space<hbm>> -> memref<128x128xf32, #tpu.memory_space<hbm>>
        %dma_wait3A_546 = arith.constant 0 : i32
        %dma_wait3A_547 = arith.constant 0 : i32
        %dma_wait3A_548 = tpu.memref_slice %arg6[%dma_wait3A_546, %dma_wait3A_547] : memref<640x128xf32, #tpu.memory_space<hbm>> -> memref<128x128xf32, #tpu.memory_space<hbm>>
        tpu.wait_dma2 semaphore(%arg16 : memref<!tpu.dma_semaphore, #tpu.memory_space<semaphore_mem>>) src(%dma_wait3A_548 : memref<128x128xf32, #tpu.memory_space<hbm>>) dst(%arg12 : memref<128x128xf32, #tpu.memory_space<vmem>>)
        %dma_wait3A_549 = arith.constant 0 : i32
        %dma_wait3A_550 = arith.constant 0 : i32
        %dma_wait3A_551 = tpu.memref_slice %arg6[%dma_wait3A_549, %dma_wait3A_550] : memref<640x128xf32, #tpu.memory_space<hbm>> -> memref<128x128xf32, #tpu.memory_space<hbm>>
        %dma_wait3A_552 = arith.constant 0 : i32
        %dma_wait3A_553 = arith.constant 0 : i32
        %dma_wait3A_554 = tpu.memref_slice %arg6[%dma_wait3A_552, %dma_wait3A_553] : memref<640x128xf32, #tpu.memory_space<hbm>> -> memref<128x128xf32, #tpu.memory_space<hbm>>
        tpu.wait_dma2 semaphore(%arg16 : memref<!tpu.dma_semaphore, #tpu.memory_space<semaphore_mem>>) src(%dma_wait3A_554 : memref<128x128xf32, #tpu.memory_space<hbm>>) dst(%arg12 : memref<128x128xf32, #tpu.memory_space<vmem>>)
        %dma_wait3A_555 = arith.constant 0 : i32
        %dma_wait3A_556 = arith.constant 0 : i32
        %dma_wait3A_557 = tpu.memref_slice %arg6[%dma_wait3A_555, %dma_wait3A_556] : memref<640x128xf32, #tpu.memory_space<hbm>> -> memref<128x128xf32, #tpu.memory_space<hbm>>
        %dma_wait3A_558 = arith.constant 0 : i32
        %dma_wait3A_559 = arith.constant 0 : i32
        %dma_wait3A_560 = tpu.memref_slice %arg6[%dma_wait3A_558, %dma_wait3A_559] : memref<640x128xf32, #tpu.memory_space<hbm>> -> memref<128x128xf32, #tpu.memory_space<hbm>>
        tpu.wait_dma2 semaphore(%arg16 : memref<!tpu.dma_semaphore, #tpu.memory_space<semaphore_mem>>) src(%dma_wait3A_560 : memref<128x128xf32, #tpu.memory_space<hbm>>) dst(%arg12 : memref<128x128xf32, #tpu.memory_space<vmem>>)
        %dma_wait3A_561 = arith.constant 0 : i32
        %dma_wait3A_562 = arith.constant 0 : i32
        %dma_wait3A_563 = tpu.memref_slice %arg6[%dma_wait3A_561, %dma_wait3A_562] : memref<640x128xf32, #tpu.memory_space<hbm>> -> memref<128x128xf32, #tpu.memory_space<hbm>>
        %dma_wait3A_564 = arith.constant 0 : i32
        %dma_wait3A_565 = arith.constant 0 : i32
        %dma_wait3A_566 = tpu.memref_slice %arg6[%dma_wait3A_564, %dma_wait3A_565] : memref<640x128xf32, #tpu.memory_space<hbm>> -> memref<128x128xf32, #tpu.memory_space<hbm>>
        tpu.wait_dma2 semaphore(%arg16 : memref<!tpu.dma_semaphore, #tpu.memory_space<semaphore_mem>>) src(%dma_wait3A_566 : memref<128x128xf32, #tpu.memory_space<hbm>>) dst(%arg12 : memref<128x128xf32, #tpu.memory_space<vmem>>)
      } else {
      }
      %dma_start3A = arith.constant 0 : i32
      %dma_start3A_203 = arith.constant 0 : i32
      %dma_start3A_204 = tpu.memref_slice %arg8[%dma_start3A, %dma_start3A_203] : memref<8x128xi32, #tpu.memory_space<vmem>> -> memref<1x128xi32, #tpu.memory_space<vmem>>
      %dma_start3A_205 = tpu.memref_squeeze %dma_start3A_204 : memref<1x128xi32, #tpu.memory_space<vmem>> -> memref<128xi32, #tpu.memory_space<vmem>>
      %dma_start3A_206 = arith.constant 0 : i32
      %dma_start3A_207 = arith.constant 0 : i32
      %dma_start3A_208 = tpu.memref_slice %arg14[%dma_start3A_206, %dma_start3A_207] : memref<10240x128xf32, #tpu.memory_space<vmem_shared>> -> memref<10240x128xf32, #tpu.memory_space<vmem_shared>>
      tpu.enqueue_indirect_dma source(%arg12 : memref<128x128xf32, #tpu.memory_space<vmem>>) target(%dma_start3A_208 : memref<10240x128xf32, #tpu.memory_space<vmem_shared>>) offsets(%dma_start3A_205 : memref<128xi32, #tpu.memory_space<vmem>>) semaphore(%arg15 : memref<!tpu.dma_semaphore, #tpu.memory_space<semaphore_mem>>) {add = true}
      %dma_start3A_209 = arith.constant 0 : i32
      %dma_start3A_210 = arith.constant 0 : i32
      %dma_start3A_211 = tpu.memref_slice %arg10[%dma_start3A_209, %dma_start3A_210] : memref<8x128xi32, #tpu.memory_space<vmem>> -> memref<1x128xi32, #tpu.memory_space<vmem>>
      %dma_start3A_212 = tpu.memref_squeeze %dma_start3A_211 : memref<1x128xi32, #tpu.memory_space<vmem>> -> memref<128xi32, #tpu.memory_space<vmem>>
      %dma_start3A_213 = arith.constant 0 : i32
      %dma_start3A_214 = arith.constant 0 : i32
      %dma_start3A_215 = tpu.memref_slice %arg14[%dma_start3A_213, %dma_start3A_214] : memref<10240x128xf32, #tpu.memory_space<vmem_shared>> -> memref<10240x128xf32, #tpu.memory_space<vmem_shared>>
      tpu.enqueue_indirect_dma source(%arg13 : memref<128x128xf32, #tpu.memory_space<vmem>>) target(%dma_start3A_215 : memref<10240x128xf32, #tpu.memory_space<vmem_shared>>) offsets(%dma_start3A_212 : memref<128xi32, #tpu.memory_space<vmem>>) semaphore(%arg15 : memref<!tpu.dma_semaphore, #tpu.memory_space<semaphore_mem>>) {add = true}
      %mul3A_216 = arith.constant 2 : i32
      %mul3A_217 = arith.muli %mul3A_216, %scan3A_200 : i32
      %add3A_218 = arith.constant 1 : i32
      %add3A_219 = arith.addi %mul3A_217, %add3A_218 : i32
      %mul3A_220 = arith.constant 8 : i32
      %mul3A_221 = arith.muli %add3A_219, %mul3A_220 : i32
      %dma_start3A_222 = arith.constant 0 : i32
      %dma_start3A_223 = tpu.memref_slice %arg2[%add3A, %mul3A_221, %dma_start3A_222] : memref<32x80x128xi32, #tpu.memory_space<hbm>> -> memref<1x8x128xi32, #tpu.memory_space<hbm>>
      %dma_start3A_224 = tpu.memref_squeeze %dma_start3A_223 : memref<1x8x128xi32, #tpu.memory_space<hbm>> -> memref<8x128xi32, #tpu.memory_space<hbm>>
      %dma_start3A_225 = arith.constant 0 : i32
      %dma_start3A_226 = tpu.memref_slice %arg2[%add3A, %mul3A_221, %dma_start3A_225] : memref<32x80x128xi32, #tpu.memory_space<hbm>> -> memref<1x8x128xi32, #tpu.memory_space<hbm>>
      %dma_start3A_227 = tpu.memref_squeeze %dma_start3A_226 : memref<1x8x128xi32, #tpu.memory_space<hbm>> -> memref<8x128xi32, #tpu.memory_space<hbm>>
      tpu.enqueue_dma source(%dma_start3A_227 : memref<8x128xi32, #tpu.memory_space<hbm>>) target(%arg9 : memref<8x128xi32, #tpu.memory_space<vmem>>) target_semaphore(%arg18 : memref<!tpu.dma_semaphore, #tpu.memory_space<semaphore_mem>>)
      %mul3A_228 = arith.constant 8 : i32
      %mul3A_229 = arith.muli %add3A_219, %mul3A_228 : i32
      %dma_start3A_230 = arith.constant 0 : i32
      %dma_start3A_231 = tpu.memref_slice %arg3[%add3A, %mul3A_229, %dma_start3A_230] : memref<32x80x128xi32, #tpu.memory_space<hbm>> -> memref<1x8x128xi32, #tpu.memory_space<hbm>>
      %dma_start3A_232 = tpu.memref_squeeze %dma_start3A_231 : memref<1x8x128xi32, #tpu.memory_space<hbm>> -> memref<8x128xi32, #tpu.memory_space<hbm>>
      %dma_start3A_233 = arith.constant 0 : i32
      %dma_start3A_234 = tpu.memref_slice %arg3[%add3A, %mul3A_229, %dma_start3A_233] : memref<32x80x128xi32, #tpu.memory_space<hbm>> -> memref<1x8x128xi32, #tpu.memory_space<hbm>>
      %dma_start3A_235 = tpu.memref_squeeze %dma_start3A_234 : memref<1x8x128xi32, #tpu.memory_space<hbm>> -> memref<8x128xi32, #tpu.memory_space<hbm>>
      tpu.enqueue_dma source(%dma_start3A_235 : memref<8x128xi32, #tpu.memory_space<hbm>>) target(%arg11 : memref<8x128xi32, #tpu.memory_space<vmem>>) target_semaphore(%arg18 : memref<!tpu.dma_semaphore, #tpu.memory_space<semaphore_mem>>)
      %dma_start3A_236 = arith.constant 1 : i32
      %dma_start3A_237 = arith.constant 0 : i32
      %dma_start3A_238 = tpu.memref_slice %arg8[%dma_start3A_236, %dma_start3A_237] : memref<8x128xi32, #tpu.memory_space<vmem>> -> memref<1x128xi32, #tpu.memory_space<vmem>>
      %dma_start3A_239 = tpu.memref_squeeze %dma_start3A_238 : memref<1x128xi32, #tpu.memory_space<vmem>> -> memref<128xi32, #tpu.memory_space<vmem>>
      %dma_start3A_240 = arith.constant 0 : i32
      %dma_start3A_241 = arith.constant 0 : i32
      %dma_start3A_242 = tpu.memref_slice %arg14[%dma_start3A_240, %dma_start3A_241] : memref<10240x128xf32, #tpu.memory_space<vmem_shared>> -> memref<10240x128xf32, #tpu.memory_space<vmem_shared>>
      tpu.enqueue_indirect_dma source(%arg12 : memref<128x128xf32, #tpu.memory_space<vmem>>) target(%dma_start3A_242 : memref<10240x128xf32, #tpu.memory_space<vmem_shared>>) offsets(%dma_start3A_239 : memref<128xi32, #tpu.memory_space<vmem>>) semaphore(%arg15 : memref<!tpu.dma_semaphore, #tpu.memory_space<semaphore_mem>>) {add = true}
      %dma_start3A_243 = arith.constant 1 : i32
      %dma_start3A_244 = arith.constant 0 : i32
      %dma_start3A_245 = tpu.memref_slice %arg10[%dma_start3A_243, %dma_start3A_244] : memref<8x128xi32, #tpu.memory_space<vmem>> -> memref<1x128xi32, #tpu.memory_space<vmem>>
      %dma_start3A_246 = tpu.memref_squeeze %dma_start3A_245 : memref<1x128xi32, #tpu.memory_space<vmem>> -> memref<128xi32, #tpu.memory_space<vmem>>
      %dma_start3A_247 = arith.constant 0 : i32
      %dma_start3A_248 = arith.constant 0 : i32
      %dma_start3A_249 = tpu.memref_slice %arg14[%dma_start3A_247, %dma_start3A_248] : memref<10240x128xf32, #tpu.memory_space<vmem_shared>> -> memref<10240x128xf32, #tpu.memory_space<vmem_shared>>
      tpu.enqueue_indirect_dma source(%arg13 : memref<128x128xf32, #tpu.memory_space<vmem>>) target(%dma_start3A_249 : memref<10240x128xf32, #tpu.memory_space<vmem_shared>>) offsets(%dma_start3A_246 : memref<128xi32, #tpu.memory_space<vmem>>) semaphore(%arg15 : memref<!tpu.dma_semaphore, #tpu.memory_space<semaphore_mem>>) {add = true}
      %dma_start3A_250 = arith.constant 2 : i32
      %dma_start3A_251 = arith.constant 0 : i32
      %dma_start3A_252 = tpu.memref_slice %arg8[%dma_start3A_250, %dma_start3A_251] : memref<8x128xi32, #tpu.memory_space<vmem>> -> memref<1x128xi32, #tpu.memory_space<vmem>>
      %dma_start3A_253 = tpu.memref_squeeze %dma_start3A_252 : memref<1x128xi32, #tpu.memory_space<vmem>> -> memref<128xi32, #tpu.memory_space<vmem>>
      %dma_start3A_254 = arith.constant 0 : i32
      %dma_start3A_255 = arith.constant 0 : i32
      %dma_start3A_256 = tpu.memref_slice %arg14[%dma_start3A_254, %dma_start3A_255] : memref<10240x128xf32, #tpu.memory_space<vmem_shared>> -> memref<10240x128xf32, #tpu.memory_space<vmem_shared>>
      tpu.enqueue_indirect_dma source(%arg12 : memref<128x128xf32, #tpu.memory_space<vmem>>) target(%dma_start3A_256 : memref<10240x128xf32, #tpu.memory_space<vmem_shared>>) offsets(%dma_start3A_253 : memref<128xi32, #tpu.memory_space<vmem>>) semaphore(%arg15 : memref<!tpu.dma_semaphore, #tpu.memory_space<semaphore_mem>>) {add = true}
      %dma_start3A_257 = arith.constant 2 : i32
      %dma_start3A_258 = arith.constant 0 : i32
      %dma_start3A_259 = tpu.memref_slice %arg10[%dma_start3A_257, %dma_start3A_258] : memref<8x128xi32, #tpu.memory_space<vmem>> -> memref<1x128xi32, #tpu.memory_space<vmem>>
      %dma_start3A_260 = tpu.memref_squeeze %dma_start3A_259 : memref<1x128xi32, #tpu.memory_space<vmem>> -> memref<128xi32, #tpu.memory_space<vmem>>
      %dma_start3A_261 = arith.constant 0 : i32
      %dma_start3A_262 = arith.constant 0 : i32
      %dma_start3A_263 = tpu.memref_slice %arg14[%dma_start3A_261, %dma_start3A_262] : memref<10240x128xf32, #tpu.memory_space<vmem_shared>> -> memref<10240x128xf32, #tpu.memory_space<vmem_shared>>
      tpu.enqueue_indirect_dma source(%arg13 : memref<128x128xf32, #tpu.memory_space<vmem>>) target(%dma_start3A_263 : memref<10240x128xf32, #tpu.memory_space<vmem_shared>>) offsets(%dma_start3A_260 : memref<128xi32, #tpu.memory_space<vmem>>) semaphore(%arg15 : memref<!tpu.dma_semaphore, #tpu.memory_space<semaphore_mem>>) {add = true}
      %dma_start3A_264 = arith.constant 3 : i32
      %dma_start3A_265 = arith.constant 0 : i32
      %dma_start3A_266 = tpu.memref_slice %arg8[%dma_start3A_264, %dma_start3A_265] : memref<8x128xi32, #tpu.memory_space<vmem>> -> memref<1x128xi32, #tpu.memory_space<vmem>>
      %dma_start3A_267 = tpu.memref_squeeze %dma_start3A_266 : memref<1x128xi32, #tpu.memory_space<vmem>> -> memref<128xi32, #tpu.memory_space<vmem>>
      %dma_start3A_268 = arith.constant 0 : i32
      %dma_start3A_269 = arith.constant 0 : i32
      %dma_start3A_270 = tpu.memref_slice %arg14[%dma_start3A_268, %dma_start3A_269] : memref<10240x128xf32, #tpu.memory_space<vmem_shared>> -> memref<10240x128xf32, #tpu.memory_space<vmem_shared>>
      tpu.enqueue_indirect_dma source(%arg12 : memref<128x128xf32, #tpu.memory_space<vmem>>) target(%dma_start3A_270 : memref<10240x128xf32, #tpu.memory_space<vmem_shared>>) offsets(%dma_start3A_267 : memref<128xi32, #tpu.memory_space<vmem>>) semaphore(%arg15 : memref<!tpu.dma_semaphore, #tpu.memory_space<semaphore_mem>>) {add = true}
      %dma_start3A_271 = arith.constant 3 : i32
      %dma_start3A_272 = arith.constant 0 : i32
      %dma_start3A_273 = tpu.memref_slice %arg10[%dma_start3A_271, %dma_start3A_272] : memref<8x128xi32, #tpu.memory_space<vmem>> -> memref<1x128xi32, #tpu.memory_space<vmem>>
      %dma_start3A_274 = tpu.memref_squeeze %dma_start3A_273 : memref<1x128xi32, #tpu.memory_space<vmem>> -> memref<128xi32, #tpu.memory_space<vmem>>
      %dma_start3A_275 = arith.constant 0 : i32
      %dma_start3A_276 = arith.constant 0 : i32
      %dma_start3A_277 = tpu.memref_slice %arg14[%dma_start3A_275, %dma_start3A_276] : memref<10240x128xf32, #tpu.memory_space<vmem_shared>> -> memref<10240x128xf32, #tpu.memory_space<vmem_shared>>
      tpu.enqueue_indirect_dma source(%arg13 : memref<128x128xf32, #tpu.memory_space<vmem>>) target(%dma_start3A_277 : memref<10240x128xf32, #tpu.memory_space<vmem_shared>>) offsets(%dma_start3A_274 : memref<128xi32, #tpu.memory_space<vmem>>) semaphore(%arg15 : memref<!tpu.dma_semaphore, #tpu.memory_space<semaphore_mem>>) {add = true}
      %dma_start3A_278 = arith.constant 4 : i32
      %dma_start3A_279 = arith.constant 0 : i32
      %dma_start3A_280 = tpu.memref_slice %arg8[%dma_start3A_278, %dma_start3A_279] : memref<8x128xi32, #tpu.memory_space<vmem>> -> memref<1x128xi32, #tpu.memory_space<vmem>>
      %dma_start3A_281 = tpu.memref_squeeze %dma_start3A_280 : memref<1x128xi32, #tpu.memory_space<vmem>> -> memref<128xi32, #tpu.memory_space<vmem>>
      %dma_start3A_282 = arith.constant 0 : i32
      %dma_start3A_283 = arith.constant 0 : i32
      %dma_start3A_284 = tpu.memref_slice %arg14[%dma_start3A_282, %dma_start3A_283] : memref<10240x128xf32, #tpu.memory_space<vmem_shared>> -> memref<10240x128xf32, #tpu.memory_space<vmem_shared>>
      tpu.enqueue_indirect_dma source(%arg12 : memref<128x128xf32, #tpu.memory_space<vmem>>) target(%dma_start3A_284 : memref<10240x128xf32, #tpu.memory_space<vmem_shared>>) offsets(%dma_start3A_281 : memref<128xi32, #tpu.memory_space<vmem>>) semaphore(%arg15 : memref<!tpu.dma_semaphore, #tpu.memory_space<semaphore_mem>>) {add = true}
      %dma_start3A_285 = arith.constant 4 : i32
      %dma_start3A_286 = arith.constant 0 : i32
      %dma_start3A_287 = tpu.memref_slice %arg10[%dma_start3A_285, %dma_start3A_286] : memref<8x128xi32, #tpu.memory_space<vmem>> -> memref<1x128xi32, #tpu.memory_space<vmem>>
      %dma_start3A_288 = tpu.memref_squeeze %dma_start3A_287 : memref<1x128xi32, #tpu.memory_space<vmem>> -> memref<128xi32, #tpu.memory_space<vmem>>
      %dma_start3A_289 = arith.constant 0 : i32
      %dma_start3A_290 = arith.constant 0 : i32
      %dma_start3A_291 = tpu.memref_slice %arg14[%dma_start3A_289, %dma_start3A_290] : memref<10240x128xf32, #tpu.memory_space<vmem_shared>> -> memref<10240x128xf32, #tpu.memory_space<vmem_shared>>
      tpu.enqueue_indirect_dma source(%arg13 : memref<128x128xf32, #tpu.memory_space<vmem>>) target(%dma_start3A_291 : memref<10240x128xf32, #tpu.memory_space<vmem_shared>>) offsets(%dma_start3A_288 : memref<128xi32, #tpu.memory_space<vmem>>) semaphore(%arg15 : memref<!tpu.dma_semaphore, #tpu.memory_space<semaphore_mem>>) {add = true}
      %dma_start3A_292 = arith.constant 5 : i32
      %dma_start3A_293 = arith.constant 0 : i32
      %dma_start3A_294 = tpu.memref_slice %arg8[%dma_start3A_292, %dma_start3A_293] : memref<8x128xi32, #tpu.memory_space<vmem>> -> memref<1x128xi32, #tpu.memory_space<vmem>>
      %dma_start3A_295 = tpu.memref_squeeze %dma_start3A_294 : memref<1x128xi32, #tpu.memory_space<vmem>> -> memref<128xi32, #tpu.memory_space<vmem>>
      %dma_start3A_296 = arith.constant 0 : i32
      %dma_start3A_297 = arith.constant 0 : i32
      %dma_start3A_298 = tpu.memref_slice %arg14[%dma_start3A_296, %dma_start3A_297] : memref<10240x128xf32, #tpu.memory_space<vmem_shared>> -> memref<10240x128xf32, #tpu.memory_space<vmem_shared>>
      tpu.enqueue_indirect_dma source(%arg12 : memref<128x128xf32, #tpu.memory_space<vmem>>) target(%dma_start3A_298 : memref<10240x128xf32, #tpu.memory_space<vmem_shared>>) offsets(%dma_start3A_295 : memref<128xi32, #tpu.memory_space<vmem>>) semaphore(%arg15 : memref<!tpu.dma_semaphore, #tpu.memory_space<semaphore_mem>>) {add = true}
      %dma_start3A_299 = arith.constant 5 : i32
      %dma_start3A_300 = arith.constant 0 : i32
      %dma_start3A_301 = tpu.memref_slice %arg10[%dma_start3A_299, %dma_start3A_300] : memref<8x128xi32, #tpu.memory_space<vmem>> -> memref<1x128xi32, #tpu.memory_space<vmem>>
      %dma_start3A_302 = tpu.memref_squeeze %dma_start3A_301 : memref<1x128xi32, #tpu.memory_space<vmem>> -> memref<128xi32, #tpu.memory_space<vmem>>
      %dma_start3A_303 = arith.constant 0 : i32
      %dma_start3A_304 = arith.constant 0 : i32
      %dma_start3A_305 = tpu.memref_slice %arg14[%dma_start3A_303, %dma_start3A_304] : memref<10240x128xf32, #tpu.memory_space<vmem_shared>> -> memref<10240x128xf32, #tpu.memory_space<vmem_shared>>
      tpu.enqueue_indirect_dma source(%arg13 : memref<128x128xf32, #tpu.memory_space<vmem>>) target(%dma_start3A_305 : memref<10240x128xf32, #tpu.memory_space<vmem_shared>>) offsets(%dma_start3A_302 : memref<128xi32, #tpu.memory_space<vmem>>) semaphore(%arg15 : memref<!tpu.dma_semaphore, #tpu.memory_space<semaphore_mem>>) {add = true}
      %dma_start3A_306 = arith.constant 6 : i32
      %dma_start3A_307 = arith.constant 0 : i32
      %dma_start3A_308 = tpu.memref_slice %arg8[%dma_start3A_306, %dma_start3A_307] : memref<8x128xi32, #tpu.memory_space<vmem>> -> memref<1x128xi32, #tpu.memory_space<vmem>>
      %dma_start3A_309 = tpu.memref_squeeze %dma_start3A_308 : memref<1x128xi32, #tpu.memory_space<vmem>> -> memref<128xi32, #tpu.memory_space<vmem>>
      %dma_start3A_310 = arith.constant 0 : i32
      %dma_start3A_311 = arith.constant 0 : i32
      %dma_start3A_312 = tpu.memref_slice %arg14[%dma_start3A_310, %dma_start3A_311] : memref<10240x128xf32, #tpu.memory_space<vmem_shared>> -> memref<10240x128xf32, #tpu.memory_space<vmem_shared>>
      tpu.enqueue_indirect_dma source(%arg12 : memref<128x128xf32, #tpu.memory_space<vmem>>) target(%dma_start3A_312 : memref<10240x128xf32, #tpu.memory_space<vmem_shared>>) offsets(%dma_start3A_309 : memref<128xi32, #tpu.memory_space<vmem>>) semaphore(%arg15 : memref<!tpu.dma_semaphore, #tpu.memory_space<semaphore_mem>>) {add = true}
      %dma_start3A_313 = arith.constant 6 : i32
      %dma_start3A_314 = arith.constant 0 : i32
      %dma_start3A_315 = tpu.memref_slice %arg10[%dma_start3A_313, %dma_start3A_314] : memref<8x128xi32, #tpu.memory_space<vmem>> -> memref<1x128xi32, #tpu.memory_space<vmem>>
      %dma_start3A_316 = tpu.memref_squeeze %dma_start3A_315 : memref<1x128xi32, #tpu.memory_space<vmem>> -> memref<128xi32, #tpu.memory_space<vmem>>
      %dma_start3A_317 = arith.constant 0 : i32
      %dma_start3A_318 = arith.constant 0 : i32
      %dma_start3A_319 = tpu.memref_slice %arg14[%dma_start3A_317, %dma_start3A_318] : memref<10240x128xf32, #tpu.memory_space<vmem_shared>> -> memref<10240x128xf32, #tpu.memory_space<vmem_shared>>
      tpu.enqueue_indirect_dma source(%arg13 : memref<128x128xf32, #tpu.memory_space<vmem>>) target(%dma_start3A_319 : memref<10240x128xf32, #tpu.memory_space<vmem_shared>>) offsets(%dma_start3A_316 : memref<128xi32, #tpu.memory_space<vmem>>) semaphore(%arg15 : memref<!tpu.dma_semaphore, #tpu.memory_space<semaphore_mem>>) {add = true}
      %dma_wait3A_320 = arith.constant 0 : i32
      %dma_wait3A_321 = arith.constant 0 : i32
      %dma_wait3A_322 = tpu.memref_slice %arg2[%add3A, %dma_wait3A_320, %dma_wait3A_321] : memref<32x80x128xi32, #tpu.memory_space<hbm>> -> memref<1x8x128xi32, #tpu.memory_space<hbm>>
      %dma_wait3A_323 = tpu.memref_squeeze %dma_wait3A_322 : memref<1x8x128xi32, #tpu.memory_space<hbm>> -> memref<8x128xi32, #tpu.memory_space<hbm>>
      %dma_wait3A_324 = arith.constant 0 : i32
      %dma_wait3A_325 = arith.constant 0 : i32
      %dma_wait3A_326 = tpu.memref_slice %arg2[%add3A, %dma_wait3A_324, %dma_wait3A_325] : memref<32x80x128xi32, #tpu.memory_space<hbm>> -> memref<1x8x128xi32, #tpu.memory_space<hbm>>
      %dma_wait3A_327 = tpu.memref_squeeze %dma_wait3A_326 : memref<1x8x128xi32, #tpu.memory_space<hbm>> -> memref<8x128xi32, #tpu.memory_space<hbm>>
      tpu.wait_dma2 semaphore(%arg18 : memref<!tpu.dma_semaphore, #tpu.memory_space<semaphore_mem>>) src(%dma_wait3A_327 : memref<8x128xi32, #tpu.memory_space<hbm>>) dst(%arg9 : memref<8x128xi32, #tpu.memory_space<vmem>>)
      %dma_wait3A_328 = arith.constant 0 : i32
      %dma_wait3A_329 = arith.constant 0 : i32
      %dma_wait3A_330 = tpu.memref_slice %arg2[%add3A, %dma_wait3A_328, %dma_wait3A_329] : memref<32x80x128xi32, #tpu.memory_space<hbm>> -> memref<1x8x128xi32, #tpu.memory_space<hbm>>
      %dma_wait3A_331 = tpu.memref_squeeze %dma_wait3A_330 : memref<1x8x128xi32, #tpu.memory_space<hbm>> -> memref<8x128xi32, #tpu.memory_space<hbm>>
      %dma_wait3A_332 = arith.constant 0 : i32
      %dma_wait3A_333 = arith.constant 0 : i32
      %dma_wait3A_334 = tpu.memref_slice %arg2[%add3A, %dma_wait3A_332, %dma_wait3A_333] : memref<32x80x128xi32, #tpu.memory_space<hbm>> -> memref<1x8x128xi32, #tpu.memory_space<hbm>>
      %dma_wait3A_335 = tpu.memref_squeeze %dma_wait3A_334 : memref<1x8x128xi32, #tpu.memory_space<hbm>> -> memref<8x128xi32, #tpu.memory_space<hbm>>
      tpu.wait_dma2 semaphore(%arg18 : memref<!tpu.dma_semaphore, #tpu.memory_space<semaphore_mem>>) src(%dma_wait3A_335 : memref<8x128xi32, #tpu.memory_space<hbm>>) dst(%arg11 : memref<8x128xi32, #tpu.memory_space<vmem>>)
      %dma_start3A_336 = arith.constant 7 : i32
      %dma_start3A_337 = arith.constant 0 : i32
      %dma_start3A_338 = tpu.memref_slice %arg8[%dma_start3A_336, %dma_start3A_337] : memref<8x128xi32, #tpu.memory_space<vmem>> -> memref<1x128xi32, #tpu.memory_space<vmem>>
      %dma_start3A_339 = tpu.memref_squeeze %dma_start3A_338 : memref<1x128xi32, #tpu.memory_space<vmem>> -> memref<128xi32, #tpu.memory_space<vmem>>
      %dma_start3A_340 = arith.constant 0 : i32
      %dma_start3A_341 = arith.constant 0 : i32
      %dma_start3A_342 = tpu.memref_slice %arg14[%dma_start3A_340, %dma_start3A_341] : memref<10240x128xf32, #tpu.memory_space<vmem_shared>> -> memref<10240x128xf32, #tpu.memory_space<vmem_shared>>
      tpu.enqueue_indirect_dma source(%arg12 : memref<128x128xf32, #tpu.memory_space<vmem>>) target(%dma_start3A_342 : memref<10240x128xf32, #tpu.memory_space<vmem_shared>>) offsets(%dma_start3A_339 : memref<128xi32, #tpu.memory_space<vmem>>) semaphore(%arg15 : memref<!tpu.dma_semaphore, #tpu.memory_space<semaphore_mem>>) {add = true}
      %dma_start3A_343 = arith.constant 7 : i32
      %dma_start3A_344 = arith.constant 0 : i32
      %dma_start3A_345 = tpu.memref_slice %arg10[%dma_start3A_343, %dma_start3A_344] : memref<8x128xi32, #tpu.memory_space<vmem>> -> memref<1x128xi32, #tpu.memory_space<vmem>>
      %dma_start3A_346 = tpu.memref_squeeze %dma_start3A_345 : memref<1x128xi32, #tpu.memory_space<vmem>> -> memref<128xi32, #tpu.memory_space<vmem>>
      %dma_start3A_347 = arith.constant 0 : i32
      %dma_start3A_348 = arith.constant 0 : i32
      %dma_start3A_349 = tpu.memref_slice %arg14[%dma_start3A_347, %dma_start3A_348] : memref<10240x128xf32, #tpu.memory_space<vmem_shared>> -> memref<10240x128xf32, #tpu.memory_space<vmem_shared>>
      tpu.enqueue_indirect_dma source(%arg13 : memref<128x128xf32, #tpu.memory_space<vmem>>) target(%dma_start3A_349 : memref<10240x128xf32, #tpu.memory_space<vmem_shared>>) offsets(%dma_start3A_346 : memref<128xi32, #tpu.memory_space<vmem>>) semaphore(%arg15 : memref<!tpu.dma_semaphore, #tpu.memory_space<semaphore_mem>>) {add = true}
      %dma_start3A_350 = arith.constant 0 : i32
      %dma_start3A_351 = arith.constant 0 : i32
      %dma_start3A_352 = tpu.memref_slice %arg9[%dma_start3A_350, %dma_start3A_351] : memref<8x128xi32, #tpu.memory_space<vmem>> -> memref<1x128xi32, #tpu.memory_space<vmem>>
      %dma_start3A_353 = tpu.memref_squeeze %dma_start3A_352 : memref<1x128xi32, #tpu.memory_space<vmem>> -> memref<128xi32, #tpu.memory_space<vmem>>
      %dma_start3A_354 = arith.constant 0 : i32
      %dma_start3A_355 = arith.constant 0 : i32
      %dma_start3A_356 = tpu.memref_slice %arg14[%dma_start3A_354, %dma_start3A_355] : memref<10240x128xf32, #tpu.memory_space<vmem_shared>> -> memref<10240x128xf32, #tpu.memory_space<vmem_shared>>
      tpu.enqueue_indirect_dma source(%arg12 : memref<128x128xf32, #tpu.memory_space<vmem>>) target(%dma_start3A_356 : memref<10240x128xf32, #tpu.memory_space<vmem_shared>>) offsets(%dma_start3A_353 : memref<128xi32, #tpu.memory_space<vmem>>) semaphore(%arg16 : memref<!tpu.dma_semaphore, #tpu.memory_space<semaphore_mem>>) {add = true}
      %dma_start3A_357 = arith.constant 0 : i32
      %dma_start3A_358 = arith.constant 0 : i32
      %dma_start3A_359 = tpu.memref_slice %arg11[%dma_start3A_357, %dma_start3A_358] : memref<8x128xi32, #tpu.memory_space<vmem>> -> memref<1x128xi32, #tpu.memory_space<vmem>>
      %dma_start3A_360 = tpu.memref_squeeze %dma_start3A_359 : memref<1x128xi32, #tpu.memory_space<vmem>> -> memref<128xi32, #tpu.memory_space<vmem>>
      %dma_start3A_361 = arith.constant 0 : i32
      %dma_start3A_362 = arith.constant 0 : i32
      %dma_start3A_363 = tpu.memref_slice %arg14[%dma_start3A_361, %dma_start3A_362] : memref<10240x128xf32, #tpu.memory_space<vmem_shared>> -> memref<10240x128xf32, #tpu.memory_space<vmem_shared>>
      tpu.enqueue_indirect_dma source(%arg13 : memref<128x128xf32, #tpu.memory_space<vmem>>) target(%dma_start3A_363 : memref<10240x128xf32, #tpu.memory_space<vmem_shared>>) offsets(%dma_start3A_360 : memref<128xi32, #tpu.memory_space<vmem>>) semaphore(%arg16 : memref<!tpu.dma_semaphore, #tpu.memory_space<semaphore_mem>>) {add = true}
      %dma_start3A_364 = arith.constant 1 : i32
      %dma_start3A_365 = arith.constant 0 : i32
      %dma_start3A_366 = tpu.memref_slice %arg9[%dma_start3A_364, %dma_start3A_365] : memref<8x128xi32, #tpu.memory_space<vmem>> -> memref<1x128xi32, #tpu.memory_space<vmem>>
      %dma_start3A_367 = tpu.memref_squeeze %dma_start3A_366 : memref<1x128xi32, #tpu.memory_space<vmem>> -> memref<128xi32, #tpu.memory_space<vmem>>
      %dma_start3A_368 = arith.constant 0 : i32
      %dma_start3A_369 = arith.constant 0 : i32
      %dma_start3A_370 = tpu.memref_slice %arg14[%dma_start3A_368, %dma_start3A_369] : memref<10240x128xf32, #tpu.memory_space<vmem_shared>> -> memref<10240x128xf32, #tpu.memory_space<vmem_shared>>
      tpu.enqueue_indirect_dma source(%arg12 : memref<128x128xf32, #tpu.memory_space<vmem>>) target(%dma_start3A_370 : memref<10240x128xf32, #tpu.memory_space<vmem_shared>>) offsets(%dma_start3A_367 : memref<128xi32, #tpu.memory_space<vmem>>) semaphore(%arg16 : memref<!tpu.dma_semaphore, #tpu.memory_space<semaphore_mem>>) {add = true}
      %dma_start3A_371 = arith.constant 1 : i32
      %dma_start3A_372 = arith.constant 0 : i32
      %dma_start3A_373 = tpu.memref_slice %arg11[%dma_start3A_371, %dma_start3A_372] : memref<8x128xi32, #tpu.memory_space<vmem>> -> memref<1x128xi32, #tpu.memory_space<vmem>>
      %dma_start3A_374 = tpu.memref_squeeze %dma_start3A_373 : memref<1x128xi32, #tpu.memory_space<vmem>> -> memref<128xi32, #tpu.memory_space<vmem>>
      %dma_start3A_375 = arith.constant 0 : i32
      %dma_start3A_376 = arith.constant 0 : i32
      %dma_start3A_377 = tpu.memref_slice %arg14[%dma_start3A_375, %dma_start3A_376] : memref<10240x128xf32, #tpu.memory_space<vmem_shared>> -> memref<10240x128xf32, #tpu.memory_space<vmem_shared>>
      tpu.enqueue_indirect_dma source(%arg13 : memref<128x128xf32, #tpu.memory_space<vmem>>) target(%dma_start3A_377 : memref<10240x128xf32, #tpu.memory_space<vmem_shared>>) offsets(%dma_start3A_374 : memref<128xi32, #tpu.memory_space<vmem>>) semaphore(%arg16 : memref<!tpu.dma_semaphore, #tpu.memory_space<semaphore_mem>>) {add = true}
      %dma_start3A_378 = arith.constant 2 : i32
      %dma_start3A_379 = arith.constant 0 : i32
      %dma_start3A_380 = tpu.memref_slice %arg9[%dma_start3A_378, %dma_start3A_379] : memref<8x128xi32, #tpu.memory_space<vmem>> -> memref<1x128xi32, #tpu.memory_space<vmem>>
      %dma_start3A_381 = tpu.memref_squeeze %dma_start3A_380 : memref<1x128xi32, #tpu.memory_space<vmem>> -> memref<128xi32, #tpu.memory_space<vmem>>
      %dma_start3A_382 = arith.constant 0 : i32
      %dma_start3A_383 = arith.constant 0 : i32
      %dma_start3A_384 = tpu.memref_slice %arg14[%dma_start3A_382, %dma_start3A_383] : memref<10240x128xf32, #tpu.memory_space<vmem_shared>> -> memref<10240x128xf32, #tpu.memory_space<vmem_shared>>
      tpu.enqueue_indirect_dma source(%arg12 : memref<128x128xf32, #tpu.memory_space<vmem>>) target(%dma_start3A_384 : memref<10240x128xf32, #tpu.memory_space<vmem_shared>>) offsets(%dma_start3A_381 : memref<128xi32, #tpu.memory_space<vmem>>) semaphore(%arg16 : memref<!tpu.dma_semaphore, #tpu.memory_space<semaphore_mem>>) {add = true}
      %dma_start3A_385 = arith.constant 2 : i32
      %dma_start3A_386 = arith.constant 0 : i32
      %dma_start3A_387 = tpu.memref_slice %arg11[%dma_start3A_385, %dma_start3A_386] : memref<8x128xi32, #tpu.memory_space<vmem>> -> memref<1x128xi32, #tpu.memory_space<vmem>>
      %dma_start3A_388 = tpu.memref_squeeze %dma_start3A_387 : memref<1x128xi32, #tpu.memory_space<vmem>> -> memref<128xi32, #tpu.memory_space<vmem>>
      %dma_start3A_389 = arith.constant 0 : i32
      %dma_start3A_390 = arith.constant 0 : i32
      %dma_start3A_391 = tpu.memref_slice %arg14[%dma_start3A_389, %dma_start3A_390] : memref<10240x128xf32, #tpu.memory_space<vmem_shared>> -> memref<10240x128xf32, #tpu.memory_space<vmem_shared>>
      tpu.enqueue_indirect_dma source(%arg13 : memref<128x128xf32, #tpu.memory_space<vmem>>) target(%dma_start3A_391 : memref<10240x128xf32, #tpu.memory_space<vmem_shared>>) offsets(%dma_start3A_388 : memref<128xi32, #tpu.memory_space<vmem>>) semaphore(%arg16 : memref<!tpu.dma_semaphore, #tpu.memory_space<semaphore_mem>>) {add = true}
      %lt3A = arith.constant 4 : i32
      %lt3A_392 = arith.cmpi slt, %scan3A_200, %lt3A : i32
      %convert_element_type3A_393 = arith.extui %lt3A_392 : i1 to i32
      %cond3A_394 = arith.constant 0 : i32
      %cond3A_395 = arith.cmpi ne, %convert_element_type3A_393, %cond3A_394 : i32
      scf.if %cond3A_395 {
        %dma_wait3A_471 = arith.constant 0 : i32
        %dma_wait3A_472 = arith.constant 0 : i32
        %dma_wait3A_473 = tpu.memref_slice %arg6[%dma_wait3A_471, %dma_wait3A_472] : memref<640x128xf32, #tpu.memory_space<hbm>> -> memref<128x128xf32, #tpu.memory_space<hbm>>
        %dma_wait3A_474 = arith.constant 0 : i32
        %dma_wait3A_475 = arith.constant 0 : i32
        %dma_wait3A_476 = tpu.memref_slice %arg6[%dma_wait3A_474, %dma_wait3A_475] : memref<640x128xf32, #tpu.memory_space<hbm>> -> memref<128x128xf32, #tpu.memory_space<hbm>>
        tpu.wait_dma2 semaphore(%arg15 : memref<!tpu.dma_semaphore, #tpu.memory_space<semaphore_mem>>) src(%dma_wait3A_476 : memref<128x128xf32, #tpu.memory_space<hbm>>) dst(%arg12 : memref<128x128xf32, #tpu.memory_space<vmem>>)
        %dma_wait3A_477 = arith.constant 0 : i32
        %dma_wait3A_478 = arith.constant 0 : i32
        %dma_wait3A_479 = tpu.memref_slice %arg6[%dma_wait3A_477, %dma_wait3A_478] : memref<640x128xf32, #tpu.memory_space<hbm>> -> memref<128x128xf32, #tpu.memory_space<hbm>>
        %dma_wait3A_480 = arith.constant 0 : i32
        %dma_wait3A_481 = arith.constant 0 : i32
        %dma_wait3A_482 = tpu.memref_slice %arg6[%dma_wait3A_480, %dma_wait3A_481] : memref<640x128xf32, #tpu.memory_space<hbm>> -> memref<128x128xf32, #tpu.memory_space<hbm>>
        tpu.wait_dma2 semaphore(%arg15 : memref<!tpu.dma_semaphore, #tpu.memory_space<semaphore_mem>>) src(%dma_wait3A_482 : memref<128x128xf32, #tpu.memory_space<hbm>>) dst(%arg12 : memref<128x128xf32, #tpu.memory_space<vmem>>)
        %dma_wait3A_483 = arith.constant 0 : i32
        %dma_wait3A_484 = arith.constant 0 : i32
        %dma_wait3A_485 = tpu.memref_slice %arg6[%dma_wait3A_483, %dma_wait3A_484] : memref<640x128xf32, #tpu.memory_space<hbm>> -> memref<128x128xf32, #tpu.memory_space<hbm>>
        %dma_wait3A_486 = arith.constant 0 : i32
        %dma_wait3A_487 = arith.constant 0 : i32
        %dma_wait3A_488 = tpu.memref_slice %arg6[%dma_wait3A_486, %dma_wait3A_487] : memref<640x128xf32, #tpu.memory_space<hbm>> -> memref<128x128xf32, #tpu.memory_space<hbm>>
        tpu.wait_dma2 semaphore(%arg15 : memref<!tpu.dma_semaphore, #tpu.memory_space<semaphore_mem>>) src(%dma_wait3A_488 : memref<128x128xf32, #tpu.memory_space<hbm>>) dst(%arg12 : memref<128x128xf32, #tpu.memory_space<vmem>>)
        %dma_wait3A_489 = arith.constant 0 : i32
        %dma_wait3A_490 = arith.constant 0 : i32
        %dma_wait3A_491 = tpu.memref_slice %arg6[%dma_wait3A_489, %dma_wait3A_490] : memref<640x128xf32, #tpu.memory_space<hbm>> -> memref<128x128xf32, #tpu.memory_space<hbm>>
        %dma_wait3A_492 = arith.constant 0 : i32
        %dma_wait3A_493 = arith.constant 0 : i32
        %dma_wait3A_494 = tpu.memref_slice %arg6[%dma_wait3A_492, %dma_wait3A_493] : memref<640x128xf32, #tpu.memory_space<hbm>> -> memref<128x128xf32, #tpu.memory_space<hbm>>
        tpu.wait_dma2 semaphore(%arg15 : memref<!tpu.dma_semaphore, #tpu.memory_space<semaphore_mem>>) src(%dma_wait3A_494 : memref<128x128xf32, #tpu.memory_space<hbm>>) dst(%arg12 : memref<128x128xf32, #tpu.memory_space<vmem>>)
        %dma_wait3A_495 = arith.constant 0 : i32
        %dma_wait3A_496 = arith.constant 0 : i32
        %dma_wait3A_497 = tpu.memref_slice %arg6[%dma_wait3A_495, %dma_wait3A_496] : memref<640x128xf32, #tpu.memory_space<hbm>> -> memref<128x128xf32, #tpu.memory_space<hbm>>
        %dma_wait3A_498 = arith.constant 0 : i32
        %dma_wait3A_499 = arith.constant 0 : i32
        %dma_wait3A_500 = tpu.memref_slice %arg6[%dma_wait3A_498, %dma_wait3A_499] : memref<640x128xf32, #tpu.memory_space<hbm>> -> memref<128x128xf32, #tpu.memory_space<hbm>>
        tpu.wait_dma2 semaphore(%arg15 : memref<!tpu.dma_semaphore, #tpu.memory_space<semaphore_mem>>) src(%dma_wait3A_500 : memref<128x128xf32, #tpu.memory_space<hbm>>) dst(%arg12 : memref<128x128xf32, #tpu.memory_space<vmem>>)
        %dma_wait3A_501 = arith.constant 0 : i32
        %dma_wait3A_502 = arith.constant 0 : i32
        %dma_wait3A_503 = tpu.memref_slice %arg6[%dma_wait3A_501, %dma_wait3A_502] : memref<640x128xf32, #tpu.memory_space<hbm>> -> memref<128x128xf32, #tpu.memory_space<hbm>>
        %dma_wait3A_504 = arith.constant 0 : i32
        %dma_wait3A_505 = arith.constant 0 : i32
        %dma_wait3A_506 = tpu.memref_slice %arg6[%dma_wait3A_504, %dma_wait3A_505] : memref<640x128xf32, #tpu.memory_space<hbm>> -> memref<128x128xf32, #tpu.memory_space<hbm>>
        tpu.wait_dma2 semaphore(%arg15 : memref<!tpu.dma_semaphore, #tpu.memory_space<semaphore_mem>>) src(%dma_wait3A_506 : memref<128x128xf32, #tpu.memory_space<hbm>>) dst(%arg12 : memref<128x128xf32, #tpu.memory_space<vmem>>)
        %dma_wait3A_507 = arith.constant 0 : i32
        %dma_wait3A_508 = arith.constant 0 : i32
        %dma_wait3A_509 = tpu.memref_slice %arg6[%dma_wait3A_507, %dma_wait3A_508] : memref<640x128xf32, #tpu.memory_space<hbm>> -> memref<128x128xf32, #tpu.memory_space<hbm>>
        %dma_wait3A_510 = arith.constant 0 : i32
        %dma_wait3A_511 = arith.constant 0 : i32
        %dma_wait3A_512 = tpu.memref_slice %arg6[%dma_wait3A_510, %dma_wait3A_511] : memref<640x128xf32, #tpu.memory_space<hbm>> -> memref<128x128xf32, #tpu.memory_space<hbm>>
        tpu.wait_dma2 semaphore(%arg15 : memref<!tpu.dma_semaphore, #tpu.memory_space<semaphore_mem>>) src(%dma_wait3A_512 : memref<128x128xf32, #tpu.memory_space<hbm>>) dst(%arg12 : memref<128x128xf32, #tpu.memory_space<vmem>>)
        %dma_wait3A_513 = arith.constant 0 : i32
        %dma_wait3A_514 = arith.constant 0 : i32
        %dma_wait3A_515 = tpu.memref_slice %arg6[%dma_wait3A_513, %dma_wait3A_514] : memref<640x128xf32, #tpu.memory_space<hbm>> -> memref<128x128xf32, #tpu.memory_space<hbm>>
        %dma_wait3A_516 = arith.constant 0 : i32
        %dma_wait3A_517 = arith.constant 0 : i32
        %dma_wait3A_518 = tpu.memref_slice %arg6[%dma_wait3A_516, %dma_wait3A_517] : memref<640x128xf32, #tpu.memory_space<hbm>> -> memref<128x128xf32, #tpu.memory_space<hbm>>
        tpu.wait_dma2 semaphore(%arg15 : memref<!tpu.dma_semaphore, #tpu.memory_space<semaphore_mem>>) src(%dma_wait3A_518 : memref<128x128xf32, #tpu.memory_space<hbm>>) dst(%arg12 : memref<128x128xf32, #tpu.memory_space<vmem>>)
        %dma_wait3A_519 = arith.constant 0 : i32
        %dma_wait3A_520 = arith.constant 0 : i32
        %dma_wait3A_521 = tpu.memref_slice %arg6[%dma_wait3A_519, %dma_wait3A_520] : memref<640x128xf32, #tpu.memory_space<hbm>> -> memref<128x128xf32, #tpu.memory_space<hbm>>
        %dma_wait3A_522 = arith.constant 0 : i32
        %dma_wait3A_523 = arith.constant 0 : i32
        %dma_wait3A_524 = tpu.memref_slice %arg6[%dma_wait3A_522, %dma_wait3A_523] : memref<640x128xf32, #tpu.memory_space<hbm>> -> memref<128x128xf32, #tpu.memory_space<hbm>>
        tpu.wait_dma2 semaphore(%arg15 : memref<!tpu.dma_semaphore, #tpu.memory_space<semaphore_mem>>) src(%dma_wait3A_524 : memref<128x128xf32, #tpu.memory_space<hbm>>) dst(%arg12 : memref<128x128xf32, #tpu.memory_space<vmem>>)
        %dma_wait3A_525 = arith.constant 0 : i32
        %dma_wait3A_526 = arith.constant 0 : i32
        %dma_wait3A_527 = tpu.memref_slice %arg6[%dma_wait3A_525, %dma_wait3A_526] : memref<640x128xf32, #tpu.memory_space<hbm>> -> memref<128x128xf32, #tpu.memory_space<hbm>>
        %dma_wait3A_528 = arith.constant 0 : i32
        %dma_wait3A_529 = arith.constant 0 : i32
        %dma_wait3A_530 = tpu.memref_slice %arg6[%dma_wait3A_528, %dma_wait3A_529] : memref<640x128xf32, #tpu.memory_space<hbm>> -> memref<128x128xf32, #tpu.memory_space<hbm>>
        tpu.wait_dma2 semaphore(%arg15 : memref<!tpu.dma_semaphore, #tpu.memory_space<semaphore_mem>>) src(%dma_wait3A_530 : memref<128x128xf32, #tpu.memory_space<hbm>>) dst(%arg12 : memref<128x128xf32, #tpu.memory_space<vmem>>)
        %dma_wait3A_531 = arith.constant 0 : i32
        %dma_wait3A_532 = arith.constant 0 : i32
        %dma_wait3A_533 = tpu.memref_slice %arg6[%dma_wait3A_531, %dma_wait3A_532] : memref<640x128xf32, #tpu.memory_space<hbm>> -> memref<128x128xf32, #tpu.memory_space<hbm>>
        %dma_wait3A_534 = arith.constant 0 : i32
        %dma_wait3A_535 = arith.constant 0 : i32
        %dma_wait3A_536 = tpu.memref_slice %arg6[%dma_wait3A_534, %dma_wait3A_535] : memref<640x128xf32, #tpu.memory_space<hbm>> -> memref<128x128xf32, #tpu.memory_space<hbm>>
        tpu.wait_dma2 semaphore(%arg15 : memref<!tpu.dma_semaphore, #tpu.memory_space<semaphore_mem>>) src(%dma_wait3A_536 : memref<128x128xf32, #tpu.memory_space<hbm>>) dst(%arg12 : memref<128x128xf32, #tpu.memory_space<vmem>>)
        %dma_wait3A_537 = arith.constant 0 : i32
        %dma_wait3A_538 = arith.constant 0 : i32
        %dma_wait3A_539 = tpu.memref_slice %arg6[%dma_wait3A_537, %dma_wait3A_538] : memref<640x128xf32, #tpu.memory_space<hbm>> -> memref<128x128xf32, #tpu.memory_space<hbm>>
        %dma_wait3A_540 = arith.constant 0 : i32
        %dma_wait3A_541 = arith.constant 0 : i32
        %dma_wait3A_542 = tpu.memref_slice %arg6[%dma_wait3A_540, %dma_wait3A_541] : memref<640x128xf32, #tpu.memory_space<hbm>> -> memref<128x128xf32, #tpu.memory_space<hbm>>
        tpu.wait_dma2 semaphore(%arg15 : memref<!tpu.dma_semaphore, #tpu.memory_space<semaphore_mem>>) src(%dma_wait3A_542 : memref<128x128xf32, #tpu.memory_space<hbm>>) dst(%arg12 : memref<128x128xf32, #tpu.memory_space<vmem>>)
        %dma_wait3A_543 = arith.constant 0 : i32
        %dma_wait3A_544 = arith.constant 0 : i32
        %dma_wait3A_545 = tpu.memref_slice %arg6[%dma_wait3A_543, %dma_wait3A_544] : memref<640x128xf32, #tpu.memory_space<hbm>> -> memref<128x128xf32, #tpu.memory_space<hbm>>
        %dma_wait3A_546 = arith.constant 0 : i32
        %dma_wait3A_547 = arith.constant 0 : i32
        %dma_wait3A_548 = tpu.memref_slice %arg6[%dma_wait3A_546, %dma_wait3A_547] : memref<640x128xf32, #tpu.memory_space<hbm>> -> memref<128x128xf32, #tpu.memory_space<hbm>>
        tpu.wait_dma2 semaphore(%arg15 : memref<!tpu.dma_semaphore, #tpu.memory_space<semaphore_mem>>) src(%dma_wait3A_548 : memref<128x128xf32, #tpu.memory_space<hbm>>) dst(%arg12 : memref<128x128xf32, #tpu.memory_space<vmem>>)
        %dma_wait3A_549 = arith.constant 0 : i32
        %dma_wait3A_550 = arith.constant 0 : i32
        %dma_wait3A_551 = tpu.memref_slice %arg6[%dma_wait3A_549, %dma_wait3A_550] : memref<640x128xf32, #tpu.memory_space<hbm>> -> memref<128x128xf32, #tpu.memory_space<hbm>>
        %dma_wait3A_552 = arith.constant 0 : i32
        %dma_wait3A_553 = arith.constant 0 : i32
        %dma_wait3A_554 = tpu.memref_slice %arg6[%dma_wait3A_552, %dma_wait3A_553] : memref<640x128xf32, #tpu.memory_space<hbm>> -> memref<128x128xf32, #tpu.memory_space<hbm>>
        tpu.wait_dma2 semaphore(%arg15 : memref<!tpu.dma_semaphore, #tpu.memory_space<semaphore_mem>>) src(%dma_wait3A_554 : memref<128x128xf32, #tpu.memory_space<hbm>>) dst(%arg12 : memref<128x128xf32, #tpu.memory_space<vmem>>)
        %dma_wait3A_555 = arith.constant 0 : i32
        %dma_wait3A_556 = arith.constant 0 : i32
        %dma_wait3A_557 = tpu.memref_slice %arg6[%dma_wait3A_555, %dma_wait3A_556] : memref<640x128xf32, #tpu.memory_space<hbm>> -> memref<128x128xf32, #tpu.memory_space<hbm>>
        %dma_wait3A_558 = arith.constant 0 : i32
        %dma_wait3A_559 = arith.constant 0 : i32
        %dma_wait3A_560 = tpu.memref_slice %arg6[%dma_wait3A_558, %dma_wait3A_559] : memref<640x128xf32, #tpu.memory_space<hbm>> -> memref<128x128xf32, #tpu.memory_space<hbm>>
        tpu.wait_dma2 semaphore(%arg15 : memref<!tpu.dma_semaphore, #tpu.memory_space<semaphore_mem>>) src(%dma_wait3A_560 : memref<128x128xf32, #tpu.memory_space<hbm>>) dst(%arg12 : memref<128x128xf32, #tpu.memory_space<vmem>>)
        %dma_wait3A_561 = arith.constant 0 : i32
        %dma_wait3A_562 = arith.constant 0 : i32
        %dma_wait3A_563 = tpu.memref_slice %arg6[%dma_wait3A_561, %dma_wait3A_562] : memref<640x128xf32, #tpu.memory_space<hbm>> -> memref<128x128xf32, #tpu.memory_space<hbm>>
        %dma_wait3A_564 = arith.constant 0 : i32
        %dma_wait3A_565 = arith.constant 0 : i32
        %dma_wait3A_566 = tpu.memref_slice %arg6[%dma_wait3A_564, %dma_wait3A_565] : memref<640x128xf32, #tpu.memory_space<hbm>> -> memref<128x128xf32, #tpu.memory_space<hbm>>
        tpu.wait_dma2 semaphore(%arg15 : memref<!tpu.dma_semaphore, #tpu.memory_space<semaphore_mem>>) src(%dma_wait3A_566 : memref<128x128xf32, #tpu.memory_space<hbm>>) dst(%arg12 : memref<128x128xf32, #tpu.memory_space<vmem>>)
        %mul3A_567 = arith.constant 2 : i32
        %mul3A_568 = arith.muli %mul3A_567, %scan3A_200 : i32
        %add3A_569 = arith.constant 2 : i32
        %add3A_570 = arith.addi %mul3A_568, %add3A_569 : i32
        %mul3A_571 = arith.constant 8 : i32
        %mul3A_572 = arith.muli %add3A_570, %mul3A_571 : i32
        %dma_start3A_573 = arith.constant 0 : i32
        %dma_start3A_574 = tpu.memref_slice %arg2[%add3A, %mul3A_572, %dma_start3A_573] : memref<32x80x128xi32, #tpu.memory_space<hbm>> -> memref<1x8x128xi32, #tpu.memory_space<hbm>>
        %dma_start3A_575 = tpu.memref_squeeze %dma_start3A_574 : memref<1x8x128xi32, #tpu.memory_space<hbm>> -> memref<8x128xi32, #tpu.memory_space<hbm>>
        %dma_start3A_576 = arith.constant 0 : i32
        %dma_start3A_577 = tpu.memref_slice %arg2[%add3A, %mul3A_572, %dma_start3A_576] : memref<32x80x128xi32, #tpu.memory_space<hbm>> -> memref<1x8x128xi32, #tpu.memory_space<hbm>>
        %dma_start3A_578 = tpu.memref_squeeze %dma_start3A_577 : memref<1x8x128xi32, #tpu.memory_space<hbm>> -> memref<8x128xi32, #tpu.memory_space<hbm>>
        tpu.enqueue_dma source(%dma_start3A_578 : memref<8x128xi32, #tpu.memory_space<hbm>>) target(%arg8 : memref<8x128xi32, #tpu.memory_space<vmem>>) target_semaphore(%arg17 : memref<!tpu.dma_semaphore, #tpu.memory_space<semaphore_mem>>)
        %mul3A_579 = arith.constant 8 : i32
        %mul3A_580 = arith.muli %add3A_570, %mul3A_579 : i32
        %dma_start3A_581 = arith.constant 0 : i32
        %dma_start3A_582 = tpu.memref_slice %arg3[%add3A, %mul3A_580, %dma_start3A_581] : memref<32x80x128xi32, #tpu.memory_space<hbm>> -> memref<1x8x128xi32, #tpu.memory_space<hbm>>
        %dma_start3A_583 = tpu.memref_squeeze %dma_start3A_582 : memref<1x8x128xi32, #tpu.memory_space<hbm>> -> memref<8x128xi32, #tpu.memory_space<hbm>>
        %dma_start3A_584 = arith.constant 0 : i32
        %dma_start3A_585 = tpu.memref_slice %arg3[%add3A, %mul3A_580, %dma_start3A_584] : memref<32x80x128xi32, #tpu.memory_space<hbm>> -> memref<1x8x128xi32, #tpu.memory_space<hbm>>
        %dma_start3A_586 = tpu.memref_squeeze %dma_start3A_585 : memref<1x8x128xi32, #tpu.memory_space<hbm>> -> memref<8x128xi32, #tpu.memory_space<hbm>>
        tpu.enqueue_dma source(%dma_start3A_586 : memref<8x128xi32, #tpu.memory_space<hbm>>) target(%arg10 : memref<8x128xi32, #tpu.memory_space<vmem>>) target_semaphore(%arg17 : memref<!tpu.dma_semaphore, #tpu.memory_space<semaphore_mem>>)
      } else {
      }
      %dma_start3A_396 = arith.constant 3 : i32
      %dma_start3A_397 = arith.constant 0 : i32
      %dma_start3A_398 = tpu.memref_slice %arg9[%dma_start3A_396, %dma_start3A_397] : memref<8x128xi32, #tpu.memory_space<vmem>> -> memref<1x128xi32, #tpu.memory_space<vmem>>
      %dma_start3A_399 = tpu.memref_squeeze %dma_start3A_398 : memref<1x128xi32, #tpu.memory_space<vmem>> -> memref<128xi32, #tpu.memory_space<vmem>>
      %dma_start3A_400 = arith.constant 0 : i32
      %dma_start3A_401 = arith.constant 0 : i32
      %dma_start3A_402 = tpu.memref_slice %arg14[%dma_start3A_400, %dma_start3A_401] : memref<10240x128xf32, #tpu.memory_space<vmem_shared>> -> memref<10240x128xf32, #tpu.memory_space<vmem_shared>>
      tpu.enqueue_indirect_dma source(%arg12 : memref<128x128xf32, #tpu.memory_space<vmem>>) target(%dma_start3A_402 : memref<10240x128xf32, #tpu.memory_space<vmem_shared>>) offsets(%dma_start3A_399 : memref<128xi32, #tpu.memory_space<vmem>>) semaphore(%arg16 : memref<!tpu.dma_semaphore, #tpu.memory_space<semaphore_mem>>) {add = true}
      %dma_start3A_403 = arith.constant 3 : i32
      %dma_start3A_404 = arith.constant 0 : i32
      %dma_start3A_405 = tpu.memref_slice %arg11[%dma_start3A_403, %dma_start3A_404] : memref<8x128xi32, #tpu.memory_space<vmem>> -> memref<1x128xi32, #tpu.memory_space<vmem>>
      %dma_start3A_406 = tpu.memref_squeeze %dma_start3A_405 : memref<1x128xi32, #tpu.memory_space<vmem>> -> memref<128xi32, #tpu.memory_space<vmem>>
      %dma_start3A_407 = arith.constant 0 : i32
      %dma_start3A_408 = arith.constant 0 : i32
      %dma_start3A_409 = tpu.memref_slice %arg14[%dma_start3A_407, %dma_start3A_408] : memref<10240x128xf32, #tpu.memory_space<vmem_shared>> -> memref<10240x128xf32, #tpu.memory_space<vmem_shared>>
      tpu.enqueue_indirect_dma source(%arg13 : memref<128x128xf32, #tpu.memory_space<vmem>>) target(%dma_start3A_409 : memref<10240x128xf32, #tpu.memory_space<vmem_shared>>) offsets(%dma_start3A_406 : memref<128xi32, #tpu.memory_space<vmem>>) semaphore(%arg16 : memref<!tpu.dma_semaphore, #tpu.memory_space<semaphore_mem>>) {add = true}
      %dma_start3A_410 = arith.constant 4 : i32
      %dma_start3A_411 = arith.constant 0 : i32
      %dma_start3A_412 = tpu.memref_slice %arg9[%dma_start3A_410, %dma_start3A_411] : memref<8x128xi32, #tpu.memory_space<vmem>> -> memref<1x128xi32, #tpu.memory_space<vmem>>
      %dma_start3A_413 = tpu.memref_squeeze %dma_start3A_412 : memref<1x128xi32, #tpu.memory_space<vmem>> -> memref<128xi32, #tpu.memory_space<vmem>>
      %dma_start3A_414 = arith.constant 0 : i32
      %dma_start3A_415 = arith.constant 0 : i32
      %dma_start3A_416 = tpu.memref_slice %arg14[%dma_start3A_414, %dma_start3A_415] : memref<10240x128xf32, #tpu.memory_space<vmem_shared>> -> memref<10240x128xf32, #tpu.memory_space<vmem_shared>>
      tpu.enqueue_indirect_dma source(%arg12 : memref<128x128xf32, #tpu.memory_space<vmem>>) target(%dma_start3A_416 : memref<10240x128xf32, #tpu.memory_space<vmem_shared>>) offsets(%dma_start3A_413 : memref<128xi32, #tpu.memory_space<vmem>>) semaphore(%arg16 : memref<!tpu.dma_semaphore, #tpu.memory_space<semaphore_mem>>) {add = true}
      %dma_start3A_417 = arith.constant 4 : i32
      %dma_start3A_418 = arith.constant 0 : i32
      %dma_start3A_419 = tpu.memref_slice %arg11[%dma_start3A_417, %dma_start3A_418] : memref<8x128xi32, #tpu.memory_space<vmem>> -> memref<1x128xi32, #tpu.memory_space<vmem>>
      %dma_start3A_420 = tpu.memref_squeeze %dma_start3A_419 : memref<1x128xi32, #tpu.memory_space<vmem>> -> memref<128xi32, #tpu.memory_space<vmem>>
      %dma_start3A_421 = arith.constant 0 : i32
      %dma_start3A_422 = arith.constant 0 : i32
      %dma_start3A_423 = tpu.memref_slice %arg14[%dma_start3A_421, %dma_start3A_422] : memref<10240x128xf32, #tpu.memory_space<vmem_shared>> -> memref<10240x128xf32, #tpu.memory_space<vmem_shared>>
      tpu.enqueue_indirect_dma source(%arg13 : memref<128x128xf32, #tpu.memory_space<vmem>>) target(%dma_start3A_423 : memref<10240x128xf32, #tpu.memory_space<vmem_shared>>) offsets(%dma_start3A_420 : memref<128xi32, #tpu.memory_space<vmem>>) semaphore(%arg16 : memref<!tpu.dma_semaphore, #tpu.memory_space<semaphore_mem>>) {add = true}
      %dma_start3A_424 = arith.constant 5 : i32
      %dma_start3A_425 = arith.constant 0 : i32
      %dma_start3A_426 = tpu.memref_slice %arg9[%dma_start3A_424, %dma_start3A_425] : memref<8x128xi32, #tpu.memory_space<vmem>> -> memref<1x128xi32, #tpu.memory_space<vmem>>
      %dma_start3A_427 = tpu.memref_squeeze %dma_start3A_426 : memref<1x128xi32, #tpu.memory_space<vmem>> -> memref<128xi32, #tpu.memory_space<vmem>>
      %dma_start3A_428 = arith.constant 0 : i32
      %dma_start3A_429 = arith.constant 0 : i32
      %dma_start3A_430 = tpu.memref_slice %arg14[%dma_start3A_428, %dma_start3A_429] : memref<10240x128xf32, #tpu.memory_space<vmem_shared>> -> memref<10240x128xf32, #tpu.memory_space<vmem_shared>>
      tpu.enqueue_indirect_dma source(%arg12 : memref<128x128xf32, #tpu.memory_space<vmem>>) target(%dma_start3A_430 : memref<10240x128xf32, #tpu.memory_space<vmem_shared>>) offsets(%dma_start3A_427 : memref<128xi32, #tpu.memory_space<vmem>>) semaphore(%arg16 : memref<!tpu.dma_semaphore, #tpu.memory_space<semaphore_mem>>) {add = true}
      %dma_start3A_431 = arith.constant 5 : i32
      %dma_start3A_432 = arith.constant 0 : i32
      %dma_start3A_433 = tpu.memref_slice %arg11[%dma_start3A_431, %dma_start3A_432] : memref<8x128xi32, #tpu.memory_space<vmem>> -> memref<1x128xi32, #tpu.memory_space<vmem>>
      %dma_start3A_434 = tpu.memref_squeeze %dma_start3A_433 : memref<1x128xi32, #tpu.memory_space<vmem>> -> memref<128xi32, #tpu.memory_space<vmem>>
      %dma_start3A_435 = arith.constant 0 : i32
      %dma_start3A_436 = arith.constant 0 : i32
      %dma_start3A_437 = tpu.memref_slice %arg14[%dma_start3A_435, %dma_start3A_436] : memref<10240x128xf32, #tpu.memory_space<vmem_shared>> -> memref<10240x128xf32, #tpu.memory_space<vmem_shared>>
      tpu.enqueue_indirect_dma source(%arg13 : memref<128x128xf32, #tpu.memory_space<vmem>>) target(%dma_start3A_437 : memref<10240x128xf32, #tpu.memory_space<vmem_shared>>) offsets(%dma_start3A_434 : memref<128xi32, #tpu.memory_space<vmem>>) semaphore(%arg16 : memref<!tpu.dma_semaphore, #tpu.memory_space<semaphore_mem>>) {add = true}
      %lt3A_438 = arith.constant 4 : i32
      %lt3A_439 = arith.cmpi slt, %scan3A_200, %lt3A_438 : i32
      %convert_element_type3A_440 = arith.extui %lt3A_439 : i1 to i32
      %cond3A_441 = arith.constant 0 : i32
      %cond3A_442 = arith.cmpi ne, %convert_element_type3A_440, %cond3A_441 : i32
      scf.if %cond3A_442 {
        %dma_wait3A_471 = arith.constant 0 : i32
        %dma_wait3A_472 = arith.constant 0 : i32
        %dma_wait3A_473 = tpu.memref_slice %arg2[%add3A, %dma_wait3A_471, %dma_wait3A_472] : memref<32x80x128xi32, #tpu.memory_space<hbm>> -> memref<1x8x128xi32, #tpu.memory_space<hbm>>
        %dma_wait3A_474 = tpu.memref_squeeze %dma_wait3A_473 : memref<1x8x128xi32, #tpu.memory_space<hbm>> -> memref<8x128xi32, #tpu.memory_space<hbm>>
        %dma_wait3A_475 = arith.constant 0 : i32
        %dma_wait3A_476 = arith.constant 0 : i32
        %dma_wait3A_477 = tpu.memref_slice %arg2[%add3A, %dma_wait3A_475, %dma_wait3A_476] : memref<32x80x128xi32, #tpu.memory_space<hbm>> -> memref<1x8x128xi32, #tpu.memory_space<hbm>>
        %dma_wait3A_478 = tpu.memref_squeeze %dma_wait3A_477 : memref<1x8x128xi32, #tpu.memory_space<hbm>> -> memref<8x128xi32, #tpu.memory_space<hbm>>
        tpu.wait_dma2 semaphore(%arg17 : memref<!tpu.dma_semaphore, #tpu.memory_space<semaphore_mem>>) src(%dma_wait3A_478 : memref<8x128xi32, #tpu.memory_space<hbm>>) dst(%arg8 : memref<8x128xi32, #tpu.memory_space<vmem>>)
        %dma_wait3A_479 = arith.constant 0 : i32
        %dma_wait3A_480 = arith.constant 0 : i32
        %dma_wait3A_481 = tpu.memref_slice %arg2[%add3A, %dma_wait3A_479, %dma_wait3A_480] : memref<32x80x128xi32, #tpu.memory_space<hbm>> -> memref<1x8x128xi32, #tpu.memory_space<hbm>>
        %dma_wait3A_482 = tpu.memref_squeeze %dma_wait3A_481 : memref<1x8x128xi32, #tpu.memory_space<hbm>> -> memref<8x128xi32, #tpu.memory_space<hbm>>
        %dma_wait3A_483 = arith.constant 0 : i32
        %dma_wait3A_484 = arith.constant 0 : i32
        %dma_wait3A_485 = tpu.memref_slice %arg2[%add3A, %dma_wait3A_483, %dma_wait3A_484] : memref<32x80x128xi32, #tpu.memory_space<hbm>> -> memref<1x8x128xi32, #tpu.memory_space<hbm>>
        %dma_wait3A_486 = tpu.memref_squeeze %dma_wait3A_485 : memref<1x8x128xi32, #tpu.memory_space<hbm>> -> memref<8x128xi32, #tpu.memory_space<hbm>>
        tpu.wait_dma2 semaphore(%arg17 : memref<!tpu.dma_semaphore, #tpu.memory_space<semaphore_mem>>) src(%dma_wait3A_486 : memref<8x128xi32, #tpu.memory_space<hbm>>) dst(%arg10 : memref<8x128xi32, #tpu.memory_space<vmem>>)
      } else {
      }
      %dma_start3A_443 = arith.constant 6 : i32
      %dma_start3A_444 = arith.constant 0 : i32
      %dma_start3A_445 = tpu.memref_slice %arg9[%dma_start3A_443, %dma_start3A_444] : memref<8x128xi32, #tpu.memory_space<vmem>> -> memref<1x128xi32, #tpu.memory_space<vmem>>
      %dma_start3A_446 = tpu.memref_squeeze %dma_start3A_445 : memref<1x128xi32, #tpu.memory_space<vmem>> -> memref<128xi32, #tpu.memory_space<vmem>>
      %dma_start3A_447 = arith.constant 0 : i32
      %dma_start3A_448 = arith.constant 0 : i32
      %dma_start3A_449 = tpu.memref_slice %arg14[%dma_start3A_447, %dma_start3A_448] : memref<10240x128xf32, #tpu.memory_space<vmem_shared>> -> memref<10240x128xf32, #tpu.memory_space<vmem_shared>>
      tpu.enqueue_indirect_dma source(%arg12 : memref<128x128xf32, #tpu.memory_space<vmem>>) target(%dma_start3A_449 : memref<10240x128xf32, #tpu.memory_space<vmem_shared>>) offsets(%dma_start3A_446 : memref<128xi32, #tpu.memory_space<vmem>>) semaphore(%arg16 : memref<!tpu.dma_semaphore, #tpu.memory_space<semaphore_mem>>) {add = true}
      %dma_start3A_450 = arith.constant 6 : i32
      %dma_start3A_451 = arith.constant 0 : i32
      %dma_start3A_452 = tpu.memref_slice %arg11[%dma_start3A_450, %dma_start3A_451] : memref<8x128xi32, #tpu.memory_space<vmem>> -> memref<1x128xi32, #tpu.memory_space<vmem>>
      %dma_start3A_453 = tpu.memref_squeeze %dma_start3A_452 : memref<1x128xi32, #tpu.memory_space<vmem>> -> memref<128xi32, #tpu.memory_space<vmem>>
      %dma_start3A_454 = arith.constant 0 : i32
      %dma_start3A_455 = arith.constant 0 : i32
      %dma_start3A_456 = tpu.memref_slice %arg14[%dma_start3A_454, %dma_start3A_455] : memref<10240x128xf32, #tpu.memory_space<vmem_shared>> -> memref<10240x128xf32, #tpu.memory_space<vmem_shared>>
      tpu.enqueue_indirect_dma source(%arg13 : memref<128x128xf32, #tpu.memory_space<vmem>>) target(%dma_start3A_456 : memref<10240x128xf32, #tpu.memory_space<vmem_shared>>) offsets(%dma_start3A_453 : memref<128xi32, #tpu.memory_space<vmem>>) semaphore(%arg16 : memref<!tpu.dma_semaphore, #tpu.memory_space<semaphore_mem>>) {add = true}
      %dma_start3A_457 = arith.constant 7 : i32
      %dma_start3A_458 = arith.constant 0 : i32
      %dma_start3A_459 = tpu.memref_slice %arg9[%dma_start3A_457, %dma_start3A_458] : memref<8x128xi32, #tpu.memory_space<vmem>> -> memref<1x128xi32, #tpu.memory_space<vmem>>
      %dma_start3A_460 = tpu.memref_squeeze %dma_start3A_459 : memref<1x128xi32, #tpu.memory_space<vmem>> -> memref<128xi32, #tpu.memory_space<vmem>>
      %dma_start3A_461 = arith.constant 0 : i32
      %dma_start3A_462 = arith.constant 0 : i32
      %dma_start3A_463 = tpu.memref_slice %arg14[%dma_start3A_461, %dma_start3A_462] : memref<10240x128xf32, #tpu.memory_space<vmem_shared>> -> memref<10240x128xf32, #tpu.memory_space<vmem_shared>>
      tpu.enqueue_indirect_dma source(%arg12 : memref<128x128xf32, #tpu.memory_space<vmem>>) target(%dma_start3A_463 : memref<10240x128xf32, #tpu.memory_space<vmem_shared>>) offsets(%dma_start3A_460 : memref<128xi32, #tpu.memory_space<vmem>>) semaphore(%arg16 : memref<!tpu.dma_semaphore, #tpu.memory_space<semaphore_mem>>) {add = true}
      %dma_start3A_464 = arith.constant 7 : i32
      %dma_start3A_465 = arith.constant 0 : i32
      %dma_start3A_466 = tpu.memref_slice %arg11[%dma_start3A_464, %dma_start3A_465] : memref<8x128xi32, #tpu.memory_space<vmem>> -> memref<1x128xi32, #tpu.memory_space<vmem>>
      %dma_start3A_467 = tpu.memref_squeeze %dma_start3A_466 : memref<1x128xi32, #tpu.memory_space<vmem>> -> memref<128xi32, #tpu.memory_space<vmem>>
      %dma_start3A_468 = arith.constant 0 : i32
      %dma_start3A_469 = arith.constant 0 : i32
      %dma_start3A_470 = tpu.memref_slice %arg14[%dma_start3A_468, %dma_start3A_469] : memref<10240x128xf32, #tpu.memory_space<vmem_shared>> -> memref<10240x128xf32, #tpu.memory_space<vmem_shared>>
      tpu.enqueue_indirect_dma source(%arg13 : memref<128x128xf32, #tpu.memory_space<vmem>>) target(%dma_start3A_470 : memref<10240x128xf32, #tpu.memory_space<vmem_shared>>) offsets(%dma_start3A_467 : memref<128xi32, #tpu.memory_space<vmem>>) semaphore(%arg16 : memref<!tpu.dma_semaphore, #tpu.memory_space<semaphore_mem>>) {add = true}
    }
    %scan3A_7 = arith.constant 5 : i32
    %dma_wait3A = arith.constant 0 : i32
    %dma_wait3A_8 = arith.constant 0 : i32
    %dma_wait3A_9 = tpu.memref_slice %arg6[%dma_wait3A, %dma_wait3A_8] : memref<640x128xf32, #tpu.memory_space<hbm>> -> memref<128x128xf32, #tpu.memory_space<hbm>>
    %dma_wait3A_10 = arith.constant 0 : i32
    %dma_wait3A_11 = arith.constant 0 : i32
    %dma_wait3A_12 = tpu.memref_slice %arg6[%dma_wait3A_10, %dma_wait3A_11] : memref<640x128xf32, #tpu.memory_space<hbm>> -> memref<128x128xf32, #tpu.memory_space<hbm>>
    tpu.wait_dma2 semaphore(%arg15 : memref<!tpu.dma_semaphore, #tpu.memory_space<semaphore_mem>>) src(%dma_wait3A_12 : memref<128x128xf32, #tpu.memory_space<hbm>>) dst(%arg12 : memref<128x128xf32, #tpu.memory_space<vmem>>)
    %dma_wait3A_13 = arith.constant 0 : i32
    %dma_wait3A_14 = arith.constant 0 : i32
    %dma_wait3A_15 = tpu.memref_slice %arg6[%dma_wait3A_13, %dma_wait3A_14] : memref<640x128xf32, #tpu.memory_space<hbm>> -> memref<128x128xf32, #tpu.memory_space<hbm>>
    %dma_wait3A_16 = arith.constant 0 : i32
    %dma_wait3A_17 = arith.constant 0 : i32
    %dma_wait3A_18 = tpu.memref_slice %arg6[%dma_wait3A_16, %dma_wait3A_17] : memref<640x128xf32, #tpu.memory_space<hbm>> -> memref<128x128xf32, #tpu.memory_space<hbm>>
    tpu.wait_dma2 semaphore(%arg15 : memref<!tpu.dma_semaphore, #tpu.memory_space<semaphore_mem>>) src(%dma_wait3A_18 : memref<128x128xf32, #tpu.memory_space<hbm>>) dst(%arg12 : memref<128x128xf32, #tpu.memory_space<vmem>>)
    %dma_wait3A_19 = arith.constant 0 : i32
    %dma_wait3A_20 = arith.constant 0 : i32
    %dma_wait3A_21 = tpu.memref_slice %arg6[%dma_wait3A_19, %dma_wait3A_20] : memref<640x128xf32, #tpu.memory_space<hbm>> -> memref<128x128xf32, #tpu.memory_space<hbm>>
    %dma_wait3A_22 = arith.constant 0 : i32
    %dma_wait3A_23 = arith.constant 0 : i32
    %dma_wait3A_24 = tpu.memref_slice %arg6[%dma_wait3A_22, %dma_wait3A_23] : memref<640x128xf32, #tpu.memory_space<hbm>> -> memref<128x128xf32, #tpu.memory_space<hbm>>
    tpu.wait_dma2 semaphore(%arg15 : memref<!tpu.dma_semaphore, #tpu.memory_space<semaphore_mem>>) src(%dma_wait3A_24 : memref<128x128xf32, #tpu.memory_space<hbm>>) dst(%arg12 : memref<128x128xf32, #tpu.memory_space<vmem>>)
    %dma_wait3A_25 = arith.constant 0 : i32
    %dma_wait3A_26 = arith.constant 0 : i32
    %dma_wait3A_27 = tpu.memref_slice %arg6[%dma_wait3A_25, %dma_wait3A_26] : memref<640x128xf32, #tpu.memory_space<hbm>> -> memref<128x128xf32, #tpu.memory_space<hbm>>
    %dma_wait3A_28 = arith.constant 0 : i32
    %dma_wait3A_29 = arith.constant 0 : i32
    %dma_wait3A_30 = tpu.memref_slice %arg6[%dma_wait3A_28, %dma_wait3A_29] : memref<640x128xf32, #tpu.memory_space<hbm>> -> memref<128x128xf32, #tpu.memory_space<hbm>>
    tpu.wait_dma2 semaphore(%arg15 : memref<!tpu.dma_semaphore, #tpu.memory_space<semaphore_mem>>) src(%dma_wait3A_30 : memref<128x128xf32, #tpu.memory_space<hbm>>) dst(%arg12 : memref<128x128xf32, #tpu.memory_space<vmem>>)
    %dma_wait3A_31 = arith.constant 0 : i32
    %dma_wait3A_32 = arith.constant 0 : i32
    %dma_wait3A_33 = tpu.memref_slice %arg6[%dma_wait3A_31, %dma_wait3A_32] : memref<640x128xf32, #tpu.memory_space<hbm>> -> memref<128x128xf32, #tpu.memory_space<hbm>>
    %dma_wait3A_34 = arith.constant 0 : i32
    %dma_wait3A_35 = arith.constant 0 : i32
    %dma_wait3A_36 = tpu.memref_slice %arg6[%dma_wait3A_34, %dma_wait3A_35] : memref<640x128xf32, #tpu.memory_space<hbm>> -> memref<128x128xf32, #tpu.memory_space<hbm>>
    tpu.wait_dma2 semaphore(%arg15 : memref<!tpu.dma_semaphore, #tpu.memory_space<semaphore_mem>>) src(%dma_wait3A_36 : memref<128x128xf32, #tpu.memory_space<hbm>>) dst(%arg12 : memref<128x128xf32, #tpu.memory_space<vmem>>)
    %dma_wait3A_37 = arith.constant 0 : i32
    %dma_wait3A_38 = arith.constant 0 : i32
    %dma_wait3A_39 = tpu.memref_slice %arg6[%dma_wait3A_37, %dma_wait3A_38] : memref<640x128xf32, #tpu.memory_space<hbm>> -> memref<128x128xf32, #tpu.memory_space<hbm>>
    %dma_wait3A_40 = arith.constant 0 : i32
    %dma_wait3A_41 = arith.constant 0 : i32
    %dma_wait3A_42 = tpu.memref_slice %arg6[%dma_wait3A_40, %dma_wait3A_41] : memref<640x128xf32, #tpu.memory_space<hbm>> -> memref<128x128xf32, #tpu.memory_space<hbm>>
    tpu.wait_dma2 semaphore(%arg15 : memref<!tpu.dma_semaphore, #tpu.memory_space<semaphore_mem>>) src(%dma_wait3A_42 : memref<128x128xf32, #tpu.memory_space<hbm>>) dst(%arg12 : memref<128x128xf32, #tpu.memory_space<vmem>>)
    %dma_wait3A_43 = arith.constant 0 : i32
    %dma_wait3A_44 = arith.constant 0 : i32
    %dma_wait3A_45 = tpu.memref_slice %arg6[%dma_wait3A_43, %dma_wait3A_44] : memref<640x128xf32, #tpu.memory_space<hbm>> -> memref<128x128xf32, #tpu.memory_space<hbm>>
    %dma_wait3A_46 = arith.constant 0 : i32
    %dma_wait3A_47 = arith.constant 0 : i32
    %dma_wait3A_48 = tpu.memref_slice %arg6[%dma_wait3A_46, %dma_wait3A_47] : memref<640x128xf32, #tpu.memory_space<hbm>> -> memref<128x128xf32, #tpu.memory_space<hbm>>
    tpu.wait_dma2 semaphore(%arg15 : memref<!tpu.dma_semaphore, #tpu.memory_space<semaphore_mem>>) src(%dma_wait3A_48 : memref<128x128xf32, #tpu.memory_space<hbm>>) dst(%arg12 : memref<128x128xf32, #tpu.memory_space<vmem>>)
    %dma_wait3A_49 = arith.constant 0 : i32
    %dma_wait3A_50 = arith.constant 0 : i32
    %dma_wait3A_51 = tpu.memref_slice %arg6[%dma_wait3A_49, %dma_wait3A_50] : memref<640x128xf32, #tpu.memory_space<hbm>> -> memref<128x128xf32, #tpu.memory_space<hbm>>
    %dma_wait3A_52 = arith.constant 0 : i32
    %dma_wait3A_53 = arith.constant 0 : i32
    %dma_wait3A_54 = tpu.memref_slice %arg6[%dma_wait3A_52, %dma_wait3A_53] : memref<640x128xf32, #tpu.memory_space<hbm>> -> memref<128x128xf32, #tpu.memory_space<hbm>>
    tpu.wait_dma2 semaphore(%arg15 : memref<!tpu.dma_semaphore, #tpu.memory_space<semaphore_mem>>) src(%dma_wait3A_54 : memref<128x128xf32, #tpu.memory_space<hbm>>) dst(%arg12 : memref<128x128xf32, #tpu.memory_space<vmem>>)
    %dma_wait3A_55 = arith.constant 0 : i32
    %dma_wait3A_56 = arith.constant 0 : i32
    %dma_wait3A_57 = tpu.memref_slice %arg6[%dma_wait3A_55, %dma_wait3A_56] : memref<640x128xf32, #tpu.memory_space<hbm>> -> memref<128x128xf32, #tpu.memory_space<hbm>>
    %dma_wait3A_58 = arith.constant 0 : i32
    %dma_wait3A_59 = arith.constant 0 : i32
    %dma_wait3A_60 = tpu.memref_slice %arg6[%dma_wait3A_58, %dma_wait3A_59] : memref<640x128xf32, #tpu.memory_space<hbm>> -> memref<128x128xf32, #tpu.memory_space<hbm>>
    tpu.wait_dma2 semaphore(%arg15 : memref<!tpu.dma_semaphore, #tpu.memory_space<semaphore_mem>>) src(%dma_wait3A_60 : memref<128x128xf32, #tpu.memory_space<hbm>>) dst(%arg12 : memref<128x128xf32, #tpu.memory_space<vmem>>)
    %dma_wait3A_61 = arith.constant 0 : i32
    %dma_wait3A_62 = arith.constant 0 : i32
    %dma_wait3A_63 = tpu.memref_slice %arg6[%dma_wait3A_61, %dma_wait3A_62] : memref<640x128xf32, #tpu.memory_space<hbm>> -> memref<128x128xf32, #tpu.memory_space<hbm>>
    %dma_wait3A_64 = arith.constant 0 : i32
    %dma_wait3A_65 = arith.constant 0 : i32
    %dma_wait3A_66 = tpu.memref_slice %arg6[%dma_wait3A_64, %dma_wait3A_65] : memref<640x128xf32, #tpu.memory_space<hbm>> -> memref<128x128xf32, #tpu.memory_space<hbm>>
    tpu.wait_dma2 semaphore(%arg15 : memref<!tpu.dma_semaphore, #tpu.memory_space<semaphore_mem>>) src(%dma_wait3A_66 : memref<128x128xf32, #tpu.memory_space<hbm>>) dst(%arg12 : memref<128x128xf32, #tpu.memory_space<vmem>>)
    %dma_wait3A_67 = arith.constant 0 : i32
    %dma_wait3A_68 = arith.constant 0 : i32
    %dma_wait3A_69 = tpu.memref_slice %arg6[%dma_wait3A_67, %dma_wait3A_68] : memref<640x128xf32, #tpu.memory_space<hbm>> -> memref<128x128xf32, #tpu.memory_space<hbm>>
    %dma_wait3A_70 = arith.constant 0 : i32
    %dma_wait3A_71 = arith.constant 0 : i32
    %dma_wait3A_72 = tpu.memref_slice %arg6[%dma_wait3A_70, %dma_wait3A_71] : memref<640x128xf32, #tpu.memory_space<hbm>> -> memref<128x128xf32, #tpu.memory_space<hbm>>
    tpu.wait_dma2 semaphore(%arg15 : memref<!tpu.dma_semaphore, #tpu.memory_space<semaphore_mem>>) src(%dma_wait3A_72 : memref<128x128xf32, #tpu.memory_space<hbm>>) dst(%arg12 : memref<128x128xf32, #tpu.memory_space<vmem>>)
    %dma_wait3A_73 = arith.constant 0 : i32
    %dma_wait3A_74 = arith.constant 0 : i32
    %dma_wait3A_75 = tpu.memref_slice %arg6[%dma_wait3A_73, %dma_wait3A_74] : memref<640x128xf32, #tpu.memory_space<hbm>> -> memref<128x128xf32, #tpu.memory_space<hbm>>
    %dma_wait3A_76 = arith.constant 0 : i32
    %dma_wait3A_77 = arith.constant 0 : i32
    %dma_wait3A_78 = tpu.memref_slice %arg6[%dma_wait3A_76, %dma_wait3A_77] : memref<640x128xf32, #tpu.memory_space<hbm>> -> memref<128x128xf32, #tpu.memory_space<hbm>>
    tpu.wait_dma2 semaphore(%arg15 : memref<!tpu.dma_semaphore, #tpu.memory_space<semaphore_mem>>) src(%dma_wait3A_78 : memref<128x128xf32, #tpu.memory_space<hbm>>) dst(%arg12 : memref<128x128xf32, #tpu.memory_space<vmem>>)
    %dma_wait3A_79 = arith.constant 0 : i32
    %dma_wait3A_80 = arith.constant 0 : i32
    %dma_wait3A_81 = tpu.memref_slice %arg6[%dma_wait3A_79, %dma_wait3A_80] : memref<640x128xf32, #tpu.memory_space<hbm>> -> memref<128x128xf32, #tpu.memory_space<hbm>>
    %dma_wait3A_82 = arith.constant 0 : i32
    %dma_wait3A_83 = arith.constant 0 : i32
    %dma_wait3A_84 = tpu.memref_slice %arg6[%dma_wait3A_82, %dma_wait3A_83] : memref<640x128xf32, #tpu.memory_space<hbm>> -> memref<128x128xf32, #tpu.memory_space<hbm>>
    tpu.wait_dma2 semaphore(%arg15 : memref<!tpu.dma_semaphore, #tpu.memory_space<semaphore_mem>>) src(%dma_wait3A_84 : memref<128x128xf32, #tpu.memory_space<hbm>>) dst(%arg12 : memref<128x128xf32, #tpu.memory_space<vmem>>)
    %dma_wait3A_85 = arith.constant 0 : i32
    %dma_wait3A_86 = arith.constant 0 : i32
    %dma_wait3A_87 = tpu.memref_slice %arg6[%dma_wait3A_85, %dma_wait3A_86] : memref<640x128xf32, #tpu.memory_space<hbm>> -> memref<128x128xf32, #tpu.memory_space<hbm>>
    %dma_wait3A_88 = arith.constant 0 : i32
    %dma_wait3A_89 = arith.constant 0 : i32
    %dma_wait3A_90 = tpu.memref_slice %arg6[%dma_wait3A_88, %dma_wait3A_89] : memref<640x128xf32, #tpu.memory_space<hbm>> -> memref<128x128xf32, #tpu.memory_space<hbm>>
    tpu.wait_dma2 semaphore(%arg15 : memref<!tpu.dma_semaphore, #tpu.memory_space<semaphore_mem>>) src(%dma_wait3A_90 : memref<128x128xf32, #tpu.memory_space<hbm>>) dst(%arg12 : memref<128x128xf32, #tpu.memory_space<vmem>>)
    %dma_wait3A_91 = arith.constant 0 : i32
    %dma_wait3A_92 = arith.constant 0 : i32
    %dma_wait3A_93 = tpu.memref_slice %arg6[%dma_wait3A_91, %dma_wait3A_92] : memref<640x128xf32, #tpu.memory_space<hbm>> -> memref<128x128xf32, #tpu.memory_space<hbm>>
    %dma_wait3A_94 = arith.constant 0 : i32
    %dma_wait3A_95 = arith.constant 0 : i32
    %dma_wait3A_96 = tpu.memref_slice %arg6[%dma_wait3A_94, %dma_wait3A_95] : memref<640x128xf32, #tpu.memory_space<hbm>> -> memref<128x128xf32, #tpu.memory_space<hbm>>
    tpu.wait_dma2 semaphore(%arg15 : memref<!tpu.dma_semaphore, #tpu.memory_space<semaphore_mem>>) src(%dma_wait3A_96 : memref<128x128xf32, #tpu.memory_space<hbm>>) dst(%arg12 : memref<128x128xf32, #tpu.memory_space<vmem>>)
    %dma_wait3A_97 = arith.constant 0 : i32
    %dma_wait3A_98 = arith.constant 0 : i32
    %dma_wait3A_99 = tpu.memref_slice %arg6[%dma_wait3A_97, %dma_wait3A_98] : memref<640x128xf32, #tpu.memory_space<hbm>> -> memref<128x128xf32, #tpu.memory_space<hbm>>
    %dma_wait3A_100 = arith.constant 0 : i32
    %dma_wait3A_101 = arith.constant 0 : i32
    %dma_wait3A_102 = tpu.memref_slice %arg6[%dma_wait3A_100, %dma_wait3A_101] : memref<640x128xf32, #tpu.memory_space<hbm>> -> memref<128x128xf32, #tpu.memory_space<hbm>>
    tpu.wait_dma2 semaphore(%arg15 : memref<!tpu.dma_semaphore, #tpu.memory_space<semaphore_mem>>) src(%dma_wait3A_102 : memref<128x128xf32, #tpu.memory_space<hbm>>) dst(%arg12 : memref<128x128xf32, #tpu.memory_space<vmem>>)
    %dma_wait3A_103 = arith.constant 0 : i32
    %dma_wait3A_104 = arith.constant 0 : i32
    %dma_wait3A_105 = tpu.memref_slice %arg6[%dma_wait3A_103, %dma_wait3A_104] : memref<640x128xf32, #tpu.memory_space<hbm>> -> memref<128x128xf32, #tpu.memory_space<hbm>>
    %dma_wait3A_106 = arith.constant 0 : i32
    %dma_wait3A_107 = arith.constant 0 : i32
    %dma_wait3A_108 = tpu.memref_slice %arg6[%dma_wait3A_106, %dma_wait3A_107] : memref<640x128xf32, #tpu.memory_space<hbm>> -> memref<128x128xf32, #tpu.memory_space<hbm>>
    tpu.wait_dma2 semaphore(%arg16 : memref<!tpu.dma_semaphore, #tpu.memory_space<semaphore_mem>>) src(%dma_wait3A_108 : memref<128x128xf32, #tpu.memory_space<hbm>>) dst(%arg12 : memref<128x128xf32, #tpu.memory_space<vmem>>)
    %dma_wait3A_109 = arith.constant 0 : i32
    %dma_wait3A_110 = arith.constant 0 : i32
    %dma_wait3A_111 = tpu.memref_slice %arg6[%dma_wait3A_109, %dma_wait3A_110] : memref<640x128xf32, #tpu.memory_space<hbm>> -> memref<128x128xf32, #tpu.memory_space<hbm>>
    %dma_wait3A_112 = arith.constant 0 : i32
    %dma_wait3A_113 = arith.constant 0 : i32
    %dma_wait3A_114 = tpu.memref_slice %arg6[%dma_wait3A_112, %dma_wait3A_113] : memref<640x128xf32, #tpu.memory_space<hbm>> -> memref<128x128xf32, #tpu.memory_space<hbm>>
    tpu.wait_dma2 semaphore(%arg16 : memref<!tpu.dma_semaphore, #tpu.memory_space<semaphore_mem>>) src(%dma_wait3A_114 : memref<128x128xf32, #tpu.memory_space<hbm>>) dst(%arg12 : memref<128x128xf32, #tpu.memory_space<vmem>>)
    %dma_wait3A_115 = arith.constant 0 : i32
    %dma_wait3A_116 = arith.constant 0 : i32
    %dma_wait3A_117 = tpu.memref_slice %arg6[%dma_wait3A_115, %dma_wait3A_116] : memref<640x128xf32, #tpu.memory_space<hbm>> -> memref<128x128xf32, #tpu.memory_space<hbm>>
    %dma_wait3A_118 = arith.constant 0 : i32
    %dma_wait3A_119 = arith.constant 0 : i32
    %dma_wait3A_120 = tpu.memref_slice %arg6[%dma_wait3A_118, %dma_wait3A_119] : memref<640x128xf32, #tpu.memory_space<hbm>> -> memref<128x128xf32, #tpu.memory_space<hbm>>
    tpu.wait_dma2 semaphore(%arg16 : memref<!tpu.dma_semaphore, #tpu.memory_space<semaphore_mem>>) src(%dma_wait3A_120 : memref<128x128xf32, #tpu.memory_space<hbm>>) dst(%arg12 : memref<128x128xf32, #tpu.memory_space<vmem>>)
    %dma_wait3A_121 = arith.constant 0 : i32
    %dma_wait3A_122 = arith.constant 0 : i32
    %dma_wait3A_123 = tpu.memref_slice %arg6[%dma_wait3A_121, %dma_wait3A_122] : memref<640x128xf32, #tpu.memory_space<hbm>> -> memref<128x128xf32, #tpu.memory_space<hbm>>
    %dma_wait3A_124 = arith.constant 0 : i32
    %dma_wait3A_125 = arith.constant 0 : i32
    %dma_wait3A_126 = tpu.memref_slice %arg6[%dma_wait3A_124, %dma_wait3A_125] : memref<640x128xf32, #tpu.memory_space<hbm>> -> memref<128x128xf32, #tpu.memory_space<hbm>>
    tpu.wait_dma2 semaphore(%arg16 : memref<!tpu.dma_semaphore, #tpu.memory_space<semaphore_mem>>) src(%dma_wait3A_126 : memref<128x128xf32, #tpu.memory_space<hbm>>) dst(%arg12 : memref<128x128xf32, #tpu.memory_space<vmem>>)
    %dma_wait3A_127 = arith.constant 0 : i32
    %dma_wait3A_128 = arith.constant 0 : i32
    %dma_wait3A_129 = tpu.memref_slice %arg6[%dma_wait3A_127, %dma_wait3A_128] : memref<640x128xf32, #tpu.memory_space<hbm>> -> memref<128x128xf32, #tpu.memory_space<hbm>>
    %dma_wait3A_130 = arith.constant 0 : i32
    %dma_wait3A_131 = arith.constant 0 : i32
    %dma_wait3A_132 = tpu.memref_slice %arg6[%dma_wait3A_130, %dma_wait3A_131] : memref<640x128xf32, #tpu.memory_space<hbm>> -> memref<128x128xf32, #tpu.memory_space<hbm>>
    tpu.wait_dma2 semaphore(%arg16 : memref<!tpu.dma_semaphore, #tpu.memory_space<semaphore_mem>>) src(%dma_wait3A_132 : memref<128x128xf32, #tpu.memory_space<hbm>>) dst(%arg12 : memref<128x128xf32, #tpu.memory_space<vmem>>)
    %dma_wait3A_133 = arith.constant 0 : i32
    %dma_wait3A_134 = arith.constant 0 : i32
    %dma_wait3A_135 = tpu.memref_slice %arg6[%dma_wait3A_133, %dma_wait3A_134] : memref<640x128xf32, #tpu.memory_space<hbm>> -> memref<128x128xf32, #tpu.memory_space<hbm>>
    %dma_wait3A_136 = arith.constant 0 : i32
    %dma_wait3A_137 = arith.constant 0 : i32
    %dma_wait3A_138 = tpu.memref_slice %arg6[%dma_wait3A_136, %dma_wait3A_137] : memref<640x128xf32, #tpu.memory_space<hbm>> -> memref<128x128xf32, #tpu.memory_space<hbm>>
    tpu.wait_dma2 semaphore(%arg16 : memref<!tpu.dma_semaphore, #tpu.memory_space<semaphore_mem>>) src(%dma_wait3A_138 : memref<128x128xf32, #tpu.memory_space<hbm>>) dst(%arg12 : memref<128x128xf32, #tpu.memory_space<vmem>>)
    %dma_wait3A_139 = arith.constant 0 : i32
    %dma_wait3A_140 = arith.constant 0 : i32
    %dma_wait3A_141 = tpu.memref_slice %arg6[%dma_wait3A_139, %dma_wait3A_140] : memref<640x128xf32, #tpu.memory_space<hbm>> -> memref<128x128xf32, #tpu.memory_space<hbm>>
    %dma_wait3A_142 = arith.constant 0 : i32
    %dma_wait3A_143 = arith.constant 0 : i32
    %dma_wait3A_144 = tpu.memref_slice %arg6[%dma_wait3A_142, %dma_wait3A_143] : memref<640x128xf32, #tpu.memory_space<hbm>> -> memref<128x128xf32, #tpu.memory_space<hbm>>
    tpu.wait_dma2 semaphore(%arg16 : memref<!tpu.dma_semaphore, #tpu.memory_space<semaphore_mem>>) src(%dma_wait3A_144 : memref<128x128xf32, #tpu.memory_space<hbm>>) dst(%arg12 : memref<128x128xf32, #tpu.memory_space<vmem>>)
    %dma_wait3A_145 = arith.constant 0 : i32
    %dma_wait3A_146 = arith.constant 0 : i32
    %dma_wait3A_147 = tpu.memref_slice %arg6[%dma_wait3A_145, %dma_wait3A_146] : memref<640x128xf32, #tpu.memory_space<hbm>> -> memref<128x128xf32, #tpu.memory_space<hbm>>
    %dma_wait3A_148 = arith.constant 0 : i32
    %dma_wait3A_149 = arith.constant 0 : i32
    %dma_wait3A_150 = tpu.memref_slice %arg6[%dma_wait3A_148, %dma_wait3A_149] : memref<640x128xf32, #tpu.memory_space<hbm>> -> memref<128x128xf32, #tpu.memory_space<hbm>>
    tpu.wait_dma2 semaphore(%arg16 : memref<!tpu.dma_semaphore, #tpu.memory_space<semaphore_mem>>) src(%dma_wait3A_150 : memref<128x128xf32, #tpu.memory_space<hbm>>) dst(%arg12 : memref<128x128xf32, #tpu.memory_space<vmem>>)
    %dma_wait3A_151 = arith.constant 0 : i32
    %dma_wait3A_152 = arith.constant 0 : i32
    %dma_wait3A_153 = tpu.memref_slice %arg6[%dma_wait3A_151, %dma_wait3A_152] : memref<640x128xf32, #tpu.memory_space<hbm>> -> memref<128x128xf32, #tpu.memory_space<hbm>>
    %dma_wait3A_154 = arith.constant 0 : i32
    %dma_wait3A_155 = arith.constant 0 : i32
    %dma_wait3A_156 = tpu.memref_slice %arg6[%dma_wait3A_154, %dma_wait3A_155] : memref<640x128xf32, #tpu.memory_space<hbm>> -> memref<128x128xf32, #tpu.memory_space<hbm>>
    tpu.wait_dma2 semaphore(%arg16 : memref<!tpu.dma_semaphore, #tpu.memory_space<semaphore_mem>>) src(%dma_wait3A_156 : memref<128x128xf32, #tpu.memory_space<hbm>>) dst(%arg12 : memref<128x128xf32, #tpu.memory_space<vmem>>)
    %dma_wait3A_157 = arith.constant 0 : i32
    %dma_wait3A_158 = arith.constant 0 : i32
    %dma_wait3A_159 = tpu.memref_slice %arg6[%dma_wait3A_157, %dma_wait3A_158] : memref<640x128xf32, #tpu.memory_space<hbm>> -> memref<128x128xf32, #tpu.memory_space<hbm>>
    %dma_wait3A_160 = arith.constant 0 : i32
    %dma_wait3A_161 = arith.constant 0 : i32
    %dma_wait3A_162 = tpu.memref_slice %arg6[%dma_wait3A_160, %dma_wait3A_161] : memref<640x128xf32, #tpu.memory_space<hbm>> -> memref<128x128xf32, #tpu.memory_space<hbm>>
    tpu.wait_dma2 semaphore(%arg16 : memref<!tpu.dma_semaphore, #tpu.memory_space<semaphore_mem>>) src(%dma_wait3A_162 : memref<128x128xf32, #tpu.memory_space<hbm>>) dst(%arg12 : memref<128x128xf32, #tpu.memory_space<vmem>>)
    %dma_wait3A_163 = arith.constant 0 : i32
    %dma_wait3A_164 = arith.constant 0 : i32
    %dma_wait3A_165 = tpu.memref_slice %arg6[%dma_wait3A_163, %dma_wait3A_164] : memref<640x128xf32, #tpu.memory_space<hbm>> -> memref<128x128xf32, #tpu.memory_space<hbm>>
    %dma_wait3A_166 = arith.constant 0 : i32
    %dma_wait3A_167 = arith.constant 0 : i32
    %dma_wait3A_168 = tpu.memref_slice %arg6[%dma_wait3A_166, %dma_wait3A_167] : memref<640x128xf32, #tpu.memory_space<hbm>> -> memref<128x128xf32, #tpu.memory_space<hbm>>
    tpu.wait_dma2 semaphore(%arg16 : memref<!tpu.dma_semaphore, #tpu.memory_space<semaphore_mem>>) src(%dma_wait3A_168 : memref<128x128xf32, #tpu.memory_space<hbm>>) dst(%arg12 : memref<128x128xf32, #tpu.memory_space<vmem>>)
    %dma_wait3A_169 = arith.constant 0 : i32
    %dma_wait3A_170 = arith.constant 0 : i32
    %dma_wait3A_171 = tpu.memref_slice %arg6[%dma_wait3A_169, %dma_wait3A_170] : memref<640x128xf32, #tpu.memory_space<hbm>> -> memref<128x128xf32, #tpu.memory_space<hbm>>
    %dma_wait3A_172 = arith.constant 0 : i32
    %dma_wait3A_173 = arith.constant 0 : i32
    %dma_wait3A_174 = tpu.memref_slice %arg6[%dma_wait3A_172, %dma_wait3A_173] : memref<640x128xf32, #tpu.memory_space<hbm>> -> memref<128x128xf32, #tpu.memory_space<hbm>>
    tpu.wait_dma2 semaphore(%arg16 : memref<!tpu.dma_semaphore, #tpu.memory_space<semaphore_mem>>) src(%dma_wait3A_174 : memref<128x128xf32, #tpu.memory_space<hbm>>) dst(%arg12 : memref<128x128xf32, #tpu.memory_space<vmem>>)
    %dma_wait3A_175 = arith.constant 0 : i32
    %dma_wait3A_176 = arith.constant 0 : i32
    %dma_wait3A_177 = tpu.memref_slice %arg6[%dma_wait3A_175, %dma_wait3A_176] : memref<640x128xf32, #tpu.memory_space<hbm>> -> memref<128x128xf32, #tpu.memory_space<hbm>>
    %dma_wait3A_178 = arith.constant 0 : i32
    %dma_wait3A_179 = arith.constant 0 : i32
    %dma_wait3A_180 = tpu.memref_slice %arg6[%dma_wait3A_178, %dma_wait3A_179] : memref<640x128xf32, #tpu.memory_space<hbm>> -> memref<128x128xf32, #tpu.memory_space<hbm>>
    tpu.wait_dma2 semaphore(%arg16 : memref<!tpu.dma_semaphore, #tpu.memory_space<semaphore_mem>>) src(%dma_wait3A_180 : memref<128x128xf32, #tpu.memory_space<hbm>>) dst(%arg12 : memref<128x128xf32, #tpu.memory_space<vmem>>)
    %dma_wait3A_181 = arith.constant 0 : i32
    %dma_wait3A_182 = arith.constant 0 : i32
    %dma_wait3A_183 = tpu.memref_slice %arg6[%dma_wait3A_181, %dma_wait3A_182] : memref<640x128xf32, #tpu.memory_space<hbm>> -> memref<128x128xf32, #tpu.memory_space<hbm>>
    %dma_wait3A_184 = arith.constant 0 : i32
    %dma_wait3A_185 = arith.constant 0 : i32
    %dma_wait3A_186 = tpu.memref_slice %arg6[%dma_wait3A_184, %dma_wait3A_185] : memref<640x128xf32, #tpu.memory_space<hbm>> -> memref<128x128xf32, #tpu.memory_space<hbm>>
    tpu.wait_dma2 semaphore(%arg16 : memref<!tpu.dma_semaphore, #tpu.memory_space<semaphore_mem>>) src(%dma_wait3A_186 : memref<128x128xf32, #tpu.memory_space<hbm>>) dst(%arg12 : memref<128x128xf32, #tpu.memory_space<vmem>>)
    %dma_wait3A_187 = arith.constant 0 : i32
    %dma_wait3A_188 = arith.constant 0 : i32
    %dma_wait3A_189 = tpu.memref_slice %arg6[%dma_wait3A_187, %dma_wait3A_188] : memref<640x128xf32, #tpu.memory_space<hbm>> -> memref<128x128xf32, #tpu.memory_space<hbm>>
    %dma_wait3A_190 = arith.constant 0 : i32
    %dma_wait3A_191 = arith.constant 0 : i32
    %dma_wait3A_192 = tpu.memref_slice %arg6[%dma_wait3A_190, %dma_wait3A_191] : memref<640x128xf32, #tpu.memory_space<hbm>> -> memref<128x128xf32, #tpu.memory_space<hbm>>
    tpu.wait_dma2 semaphore(%arg16 : memref<!tpu.dma_semaphore, #tpu.memory_space<semaphore_mem>>) src(%dma_wait3A_192 : memref<128x128xf32, #tpu.memory_space<hbm>>) dst(%arg12 : memref<128x128xf32, #tpu.memory_space<vmem>>)
    %dma_wait3A_193 = arith.constant 0 : i32
    %dma_wait3A_194 = arith.constant 0 : i32
    %dma_wait3A_195 = tpu.memref_slice %arg6[%dma_wait3A_193, %dma_wait3A_194] : memref<640x128xf32, #tpu.memory_space<hbm>> -> memref<128x128xf32, #tpu.memory_space<hbm>>
    %dma_wait3A_196 = arith.constant 0 : i32
    %dma_wait3A_197 = arith.constant 0 : i32
    %dma_wait3A_198 = tpu.memref_slice %arg6[%dma_wait3A_196, %dma_wait3A_197] : memref<640x128xf32, #tpu.memory_space<hbm>> -> memref<128x128xf32, #tpu.memory_space<hbm>>
    tpu.wait_dma2 semaphore(%arg16 : memref<!tpu.dma_semaphore, #tpu.memory_space<semaphore_mem>>) src(%dma_wait3A_198 : memref<128x128xf32, #tpu.memory_space<hbm>>) dst(%arg12 : memref<128x128xf32, #tpu.memory_space<vmem>>)
    %barrier3A_199 = arith.constant 0 : index
    tpu.barrier barrier_id(%barrier3A_199)
    "tpu.region"() ({
      %run_scoped3A = tpu.sem_alloc : memref<!tpu.dma_semaphore, #tpu.memory_space<semaphore_mem>>
      %dma_start3A = arith.constant 0 : i32
      %dma_start3A_200 = tpu.memref_slice %arg7[%arg0, %mul3A_2, %dma_start3A] : memref<2x10240x128xf32, #tpu.memory_space<hbm>> -> memref<1x640x128xf32, #tpu.memory_space<hbm>>
      %dma_start3A_201 = tpu.memref_squeeze %dma_start3A_200 : memref<1x640x128xf32, #tpu.memory_space<hbm>> -> memref<640x128xf32, #tpu.memory_space<hbm>>
      %dma_start3A_202 = arith.constant 0 : i32
      %dma_start3A_203 = tpu.memref_slice %arg14[%mul3A_2, %dma_start3A_202] : memref<10240x128xf32, #tpu.memory_space<vmem_shared>> -> memref<640x128xf32, #tpu.memory_space<vmem_shared>>
      tpu.enqueue_dma source(%dma_start3A_203 : memref<640x128xf32, #tpu.memory_space<vmem_shared>>) target(%dma_start3A_201 : memref<640x128xf32, #tpu.memory_space<hbm>>) target_semaphore(%run_scoped3A : memref<!tpu.dma_semaphore, #tpu.memory_space<semaphore_mem>>)
      %dma_wait3A_204 = arith.constant 0 : i32
      %dma_wait3A_205 = tpu.memref_slice %arg7[%arg0, %mul3A_2, %dma_wait3A_204] : memref<2x10240x128xf32, #tpu.memory_space<hbm>> -> memref<1x640x128xf32, #tpu.memory_space<hbm>>
      %dma_wait3A_206 = tpu.memref_squeeze %dma_wait3A_205 : memref<1x640x128xf32, #tpu.memory_space<hbm>> -> memref<640x128xf32, #tpu.memory_space<hbm>>
      %dma_wait3A_207 = arith.constant 0 : i32
      %dma_wait3A_208 = tpu.memref_slice %arg14[%mul3A_2, %dma_wait3A_207] : memref<10240x128xf32, #tpu.memory_space<vmem_shared>> -> memref<640x128xf32, #tpu.memory_space<vmem_shared>>
      tpu.wait_dma2 semaphore(%run_scoped3A : memref<!tpu.dma_semaphore, #tpu.memory_space<semaphore_mem>>) src(%dma_wait3A_208 : memref<640x128xf32, #tpu.memory_space<vmem_shared>>) dst(%dma_wait3A_206 : memref<640x128xf32, #tpu.memory_space<hbm>>)
      tpu.yield
    }) : () -> ()
    return
  }
}

#map = affine_map<(d0, d1) -> (0, 0)>
#map1 = affine_map<(d0, d1) -> (0, 0, 0)>
module attributes {stable_mosaic.version = 14 : i64} {
  func.func @edge_pass(%arg0: i32, %arg1: i32, %arg2: memref<10240x128xf32, #tpu.memory_space<hbm>>, %arg3: memref<32x128x80xi32, #tpu.memory_space<hbm>>, %arg4: memref<32x128x80xi32, #tpu.memory_space<hbm>>, %arg5: memref<640x128xf32, #tpu.memory_space<hbm>>, %arg6: memref<2x10240x128xf32, #tpu.memory_space<hbm>>, %arg7: memref<8x80xi32, #tpu.memory_space<vmem>>, %arg8: memref<8x80xi32, #tpu.memory_space<vmem>>, %arg9: memref<8x80xi32, #tpu.memory_space<vmem>>, %arg10: memref<8x80xi32, #tpu.memory_space<vmem>>, %arg11: memref<4x80x128xf32, #tpu.memory_space<vmem>>, %arg12: memref<10240x128xf32, #tpu.memory_space<vmem_shared>>, %arg13: memref<!tpu.dma_semaphore, #tpu.memory_space<semaphore_mem>>, %arg14: memref<!tpu.dma_semaphore, #tpu.memory_space<semaphore_mem>>, %arg15: memref<!tpu.dma_semaphore, #tpu.memory_space<semaphore_mem>>, %arg16: memref<!tpu.dma_semaphore, #tpu.memory_space<semaphore_mem>>, %arg17: memref<!tpu.dma_semaphore, #tpu.memory_space<semaphore_mem>>, %arg18: memref<!tpu.dma_semaphore, #tpu.memory_space<semaphore_mem>>, %arg19: memref<!tpu.dma_semaphore, #tpu.memory_space<semaphore_mem>>, %arg20: memref<!tpu.dma_semaphore, #tpu.memory_space<semaphore_mem>>, %arg21: memref<!tpu.dma_semaphore, #tpu.memory_space<semaphore_mem>>, %arg22: memref<!tpu.dma_semaphore, #tpu.memory_space<semaphore_mem>>) attributes {dimension_semantics = [#tpu.dimension_semantics<core_parallel>, #tpu.dimension_semantics<subcore_parallel>], iteration_bounds = array<i64: 2, 16>, scalar_prefetch = 0 : i64, scratch_operands = 16 : i64, tpu.core_type = #tpu.core_type<sc_vector_subcore>, window_params = [{transform_indices = #map}, {transform_indices = #map1}, {transform_indices = #map1}, {transform_indices = #map}, {transform_indices = #map1}]} {
    %mul3A = arith.constant 16 : i32
    %mul3A_0 = arith.muli %arg0, %mul3A : i32
    %add3A = arith.addi %mul3A_0, %arg1 : i32
    %mul3A_1 = arith.constant 640 : i32
    %mul3A_2 = arith.muli %arg1, %mul3A_1 : i32
    "tpu.region"() ({
      %run_scoped3A = tpu.sem_alloc : memref<!tpu.dma_semaphore, #tpu.memory_space<semaphore_mem>>
      %dma_start3A_58 = arith.constant 0 : i32
      %dma_start3A_59 = arith.constant 0 : i32
      %dma_start3A_60 = tpu.memref_slice %arg3[%add3A, %dma_start3A_58, %dma_start3A_59] : memref<32x128x80xi32, #tpu.memory_space<hbm>> -> memref<1x8x80xi32, #tpu.memory_space<hbm>>
      %dma_start3A_61 = tpu.memref_squeeze %dma_start3A_60 : memref<1x8x80xi32, #tpu.memory_space<hbm>> -> memref<8x80xi32, #tpu.memory_space<hbm>>
      %dma_start3A_62 = arith.constant 0 : i32
      %dma_start3A_63 = arith.constant 0 : i32
      %dma_start3A_64 = tpu.memref_slice %arg3[%add3A, %dma_start3A_62, %dma_start3A_63] : memref<32x128x80xi32, #tpu.memory_space<hbm>> -> memref<1x8x80xi32, #tpu.memory_space<hbm>>
      %dma_start3A_65 = tpu.memref_squeeze %dma_start3A_64 : memref<1x8x80xi32, #tpu.memory_space<hbm>> -> memref<8x80xi32, #tpu.memory_space<hbm>>
      tpu.enqueue_dma source(%dma_start3A_65 : memref<8x80xi32, #tpu.memory_space<hbm>>) target(%arg7 : memref<8x80xi32, #tpu.memory_space<vmem>>) target_semaphore(%run_scoped3A : memref<!tpu.dma_semaphore, #tpu.memory_space<semaphore_mem>>)
      %dma_wait3A_66 = arith.constant 0 : i32
      %dma_wait3A_67 = arith.constant 0 : i32
      %dma_wait3A_68 = tpu.memref_slice %arg3[%add3A, %dma_wait3A_66, %dma_wait3A_67] : memref<32x128x80xi32, #tpu.memory_space<hbm>> -> memref<1x8x80xi32, #tpu.memory_space<hbm>>
      %dma_wait3A_69 = tpu.memref_squeeze %dma_wait3A_68 : memref<1x8x80xi32, #tpu.memory_space<hbm>> -> memref<8x80xi32, #tpu.memory_space<hbm>>
      %dma_wait3A_70 = arith.constant 0 : i32
      %dma_wait3A_71 = arith.constant 0 : i32
      %dma_wait3A_72 = tpu.memref_slice %arg3[%add3A, %dma_wait3A_70, %dma_wait3A_71] : memref<32x128x80xi32, #tpu.memory_space<hbm>> -> memref<1x8x80xi32, #tpu.memory_space<hbm>>
      %dma_wait3A_73 = tpu.memref_squeeze %dma_wait3A_72 : memref<1x8x80xi32, #tpu.memory_space<hbm>> -> memref<8x80xi32, #tpu.memory_space<hbm>>
      tpu.wait_dma2 semaphore(%run_scoped3A : memref<!tpu.dma_semaphore, #tpu.memory_space<semaphore_mem>>) src(%dma_wait3A_73 : memref<8x80xi32, #tpu.memory_space<hbm>>) dst(%arg7 : memref<8x80xi32, #tpu.memory_space<vmem>>)
      tpu.yield
    }) : () -> ()
    "tpu.region"() ({
      %run_scoped3A = tpu.sem_alloc : memref<!tpu.dma_semaphore, #tpu.memory_space<semaphore_mem>>
      %dma_start3A_58 = arith.constant 0 : i32
      %dma_start3A_59 = arith.constant 0 : i32
      %dma_start3A_60 = tpu.memref_slice %arg4[%add3A, %dma_start3A_58, %dma_start3A_59] : memref<32x128x80xi32, #tpu.memory_space<hbm>> -> memref<1x8x80xi32, #tpu.memory_space<hbm>>
      %dma_start3A_61 = tpu.memref_squeeze %dma_start3A_60 : memref<1x8x80xi32, #tpu.memory_space<hbm>> -> memref<8x80xi32, #tpu.memory_space<hbm>>
      %dma_start3A_62 = arith.constant 0 : i32
      %dma_start3A_63 = arith.constant 0 : i32
      %dma_start3A_64 = tpu.memref_slice %arg4[%add3A, %dma_start3A_62, %dma_start3A_63] : memref<32x128x80xi32, #tpu.memory_space<hbm>> -> memref<1x8x80xi32, #tpu.memory_space<hbm>>
      %dma_start3A_65 = tpu.memref_squeeze %dma_start3A_64 : memref<1x8x80xi32, #tpu.memory_space<hbm>> -> memref<8x80xi32, #tpu.memory_space<hbm>>
      tpu.enqueue_dma source(%dma_start3A_65 : memref<8x80xi32, #tpu.memory_space<hbm>>) target(%arg9 : memref<8x80xi32, #tpu.memory_space<vmem>>) target_semaphore(%run_scoped3A : memref<!tpu.dma_semaphore, #tpu.memory_space<semaphore_mem>>)
      %dma_wait3A_66 = arith.constant 0 : i32
      %dma_wait3A_67 = arith.constant 0 : i32
      %dma_wait3A_68 = tpu.memref_slice %arg4[%add3A, %dma_wait3A_66, %dma_wait3A_67] : memref<32x128x80xi32, #tpu.memory_space<hbm>> -> memref<1x8x80xi32, #tpu.memory_space<hbm>>
      %dma_wait3A_69 = tpu.memref_squeeze %dma_wait3A_68 : memref<1x8x80xi32, #tpu.memory_space<hbm>> -> memref<8x80xi32, #tpu.memory_space<hbm>>
      %dma_wait3A_70 = arith.constant 0 : i32
      %dma_wait3A_71 = arith.constant 0 : i32
      %dma_wait3A_72 = tpu.memref_slice %arg4[%add3A, %dma_wait3A_70, %dma_wait3A_71] : memref<32x128x80xi32, #tpu.memory_space<hbm>> -> memref<1x8x80xi32, #tpu.memory_space<hbm>>
      %dma_wait3A_73 = tpu.memref_squeeze %dma_wait3A_72 : memref<1x8x80xi32, #tpu.memory_space<hbm>> -> memref<8x80xi32, #tpu.memory_space<hbm>>
      tpu.wait_dma2 semaphore(%run_scoped3A : memref<!tpu.dma_semaphore, #tpu.memory_space<semaphore_mem>>) src(%dma_wait3A_73 : memref<8x80xi32, #tpu.memory_space<hbm>>) dst(%arg9 : memref<8x80xi32, #tpu.memory_space<vmem>>)
      tpu.yield
    }) : () -> ()
    "tpu.region"() ({
      %run_scoped3A = tpu.sem_alloc : memref<!tpu.dma_semaphore, #tpu.memory_space<semaphore_mem>>
      %dma_start3A_58 = arith.constant 0 : i32
      %dma_start3A_59 = tpu.memref_slice %arg12[%mul3A_2, %dma_start3A_58] : memref<10240x128xf32, #tpu.memory_space<vmem_shared>> -> memref<640x128xf32, #tpu.memory_space<vmem_shared>>
      tpu.enqueue_dma source(%arg5 : memref<640x128xf32, #tpu.memory_space<hbm>>) target(%dma_start3A_59 : memref<640x128xf32, #tpu.memory_space<vmem_shared>>) target_semaphore(%run_scoped3A : memref<!tpu.dma_semaphore, #tpu.memory_space<semaphore_mem>>)
      %dma_wait3A_60 = arith.constant 0 : i32
      %dma_wait3A_61 = tpu.memref_slice %arg12[%mul3A_2, %dma_wait3A_60] : memref<10240x128xf32, #tpu.memory_space<vmem_shared>> -> memref<640x128xf32, #tpu.memory_space<vmem_shared>>
      tpu.wait_dma2 semaphore(%run_scoped3A : memref<!tpu.dma_semaphore, #tpu.memory_space<semaphore_mem>>) src(%arg5 : memref<640x128xf32, #tpu.memory_space<hbm>>) dst(%dma_wait3A_61 : memref<640x128xf32, #tpu.memory_space<vmem_shared>>)
      tpu.yield
    }) : () -> ()
    %barrier3A = arith.constant 0 : index
    tpu.barrier barrier_id(%barrier3A)
    %dma_start3A = arith.constant 0 : i32
    %dma_start3A_3 = arith.constant 0 : i32
    %dma_start3A_4 = arith.constant 0 : i32
    %dma_start3A_5 = arith.constant 0 : i32
    %dma_start3A_6 = tpu.memref_slice %arg11[%dma_start3A_3, %dma_start3A_4, %dma_start3A_5] : memref<4x80x128xf32, #tpu.memory_space<vmem>> -> memref<1x80x128xf32, #tpu.memory_space<vmem>>
    %dma_start3A_7 = tpu.memref_squeeze %dma_start3A_6 : memref<1x80x128xf32, #tpu.memory_space<vmem>> -> memref<80x128xf32, #tpu.memory_space<vmem>>
    %dma_start3A_8 = arith.constant 0 : i32
    %dma_start3A_9 = tpu.memref_slice %arg7[%dma_start3A, %dma_start3A_8] : memref<8x80xi32, #tpu.memory_space<vmem>> -> memref<1x80xi32, #tpu.memory_space<vmem>>
    %dma_start3A_10 = tpu.memref_squeeze %dma_start3A_9 : memref<1x80xi32, #tpu.memory_space<vmem>> -> memref<80xi32, #tpu.memory_space<vmem>>
    %dma_start3A_11 = arith.constant 0 : i32
    %dma_start3A_12 = arith.constant 0 : i32
    %dma_start3A_13 = tpu.memref_slice %arg2[%dma_start3A_11, %dma_start3A_12] : memref<10240x128xf32, #tpu.memory_space<hbm>> -> memref<10240x128xf32, #tpu.memory_space<hbm>>
    tpu.enqueue_indirect_dma source(%dma_start3A_13 : memref<10240x128xf32, #tpu.memory_space<hbm>>) target(%dma_start3A_7 : memref<80x128xf32, #tpu.memory_space<vmem>>) offsets(%dma_start3A_10 : memref<80xi32, #tpu.memory_space<vmem>>) semaphore(%arg13 : memref<!tpu.dma_semaphore, #tpu.memory_space<semaphore_mem>>)
    %dma_start3A_14 = arith.constant 1 : i32
    %dma_start3A_15 = arith.constant 1 : i32
    %dma_start3A_16 = arith.constant 0 : i32
    %dma_start3A_17 = arith.constant 0 : i32
    %dma_start3A_18 = tpu.memref_slice %arg11[%dma_start3A_15, %dma_start3A_16, %dma_start3A_17] : memref<4x80x128xf32, #tpu.memory_space<vmem>> -> memref<1x80x128xf32, #tpu.memory_space<vmem>>
    %dma_start3A_19 = tpu.memref_squeeze %dma_start3A_18 : memref<1x80x128xf32, #tpu.memory_space<vmem>> -> memref<80x128xf32, #tpu.memory_space<vmem>>
    %dma_start3A_20 = arith.constant 0 : i32
    %dma_start3A_21 = tpu.memref_slice %arg7[%dma_start3A_14, %dma_start3A_20] : memref<8x80xi32, #tpu.memory_space<vmem>> -> memref<1x80xi32, #tpu.memory_space<vmem>>
    %dma_start3A_22 = tpu.memref_squeeze %dma_start3A_21 : memref<1x80xi32, #tpu.memory_space<vmem>> -> memref<80xi32, #tpu.memory_space<vmem>>
    %dma_start3A_23 = arith.constant 0 : i32
    %dma_start3A_24 = arith.constant 0 : i32
    %dma_start3A_25 = tpu.memref_slice %arg2[%dma_start3A_23, %dma_start3A_24] : memref<10240x128xf32, #tpu.memory_space<hbm>> -> memref<10240x128xf32, #tpu.memory_space<hbm>>
    tpu.enqueue_indirect_dma source(%dma_start3A_25 : memref<10240x128xf32, #tpu.memory_space<hbm>>) target(%dma_start3A_19 : memref<80x128xf32, #tpu.memory_space<vmem>>) offsets(%dma_start3A_22 : memref<80xi32, #tpu.memory_space<vmem>>) semaphore(%arg14 : memref<!tpu.dma_semaphore, #tpu.memory_space<semaphore_mem>>)
    %dma_start3A_26 = arith.constant 2 : i32
    %dma_start3A_27 = arith.constant 2 : i32
    %dma_start3A_28 = arith.constant 0 : i32
    %dma_start3A_29 = arith.constant 0 : i32
    %dma_start3A_30 = tpu.memref_slice %arg11[%dma_start3A_27, %dma_start3A_28, %dma_start3A_29] : memref<4x80x128xf32, #tpu.memory_space<vmem>> -> memref<1x80x128xf32, #tpu.memory_space<vmem>>
    %dma_start3A_31 = tpu.memref_squeeze %dma_start3A_30 : memref<1x80x128xf32, #tpu.memory_space<vmem>> -> memref<80x128xf32, #tpu.memory_space<vmem>>
    %dma_start3A_32 = arith.constant 0 : i32
    %dma_start3A_33 = tpu.memref_slice %arg7[%dma_start3A_26, %dma_start3A_32] : memref<8x80xi32, #tpu.memory_space<vmem>> -> memref<1x80xi32, #tpu.memory_space<vmem>>
    %dma_start3A_34 = tpu.memref_squeeze %dma_start3A_33 : memref<1x80xi32, #tpu.memory_space<vmem>> -> memref<80xi32, #tpu.memory_space<vmem>>
    %dma_start3A_35 = arith.constant 0 : i32
    %dma_start3A_36 = arith.constant 0 : i32
    %dma_start3A_37 = tpu.memref_slice %arg2[%dma_start3A_35, %dma_start3A_36] : memref<10240x128xf32, #tpu.memory_space<hbm>> -> memref<10240x128xf32, #tpu.memory_space<hbm>>
    tpu.enqueue_indirect_dma source(%dma_start3A_37 : memref<10240x128xf32, #tpu.memory_space<hbm>>) target(%dma_start3A_31 : memref<80x128xf32, #tpu.memory_space<vmem>>) offsets(%dma_start3A_34 : memref<80xi32, #tpu.memory_space<vmem>>) semaphore(%arg15 : memref<!tpu.dma_semaphore, #tpu.memory_space<semaphore_mem>>)
    %scan3A = arith.constant 0 : i32
    %scan3A_38 = arith.constant 0 : i32
    %scan3A_39 = arith.constant 8 : i32
    %scan3A_40 = arith.addi %scan3A_38, %scan3A_39 : i32
    %scan3A_41 = arith.constant 1 : i32
    scf.for %scan3A_58 = %scan3A_38 to %scan3A_40 step %scan3A_41  : i32 {
      %dma_wait3A_59 = arith.constant 0 : i32
      %dma_wait3A_60 = arith.constant 0 : i32
      %dma_wait3A_61 = arith.constant 0 : i32
      %dma_wait3A_62 = tpu.memref_slice %arg11[%dma_wait3A_59, %dma_wait3A_60, %dma_wait3A_61] : memref<4x80x128xf32, #tpu.memory_space<vmem>> -> memref<1x80x128xf32, #tpu.memory_space<vmem>>
      %dma_wait3A_63 = tpu.memref_squeeze %dma_wait3A_62 : memref<1x80x128xf32, #tpu.memory_space<vmem>> -> memref<80x128xf32, #tpu.memory_space<vmem>>
      %dma_wait3A_64 = arith.constant 0 : i32
      %dma_wait3A_65 = arith.constant 0 : i32
      %dma_wait3A_66 = tpu.memref_slice %arg2[%dma_wait3A_64, %dma_wait3A_65] : memref<10240x128xf32, #tpu.memory_space<hbm>> -> memref<80x128xf32, #tpu.memory_space<hbm>>
      %dma_wait3A_67 = arith.constant 0 : i32
      %dma_wait3A_68 = arith.constant 0 : i32
      %dma_wait3A_69 = tpu.memref_slice %arg11[%dma_wait3A_59, %dma_wait3A_67, %dma_wait3A_68] : memref<4x80x128xf32, #tpu.memory_space<vmem>> -> memref<1x80x128xf32, #tpu.memory_space<vmem>>
      %dma_wait3A_70 = tpu.memref_squeeze %dma_wait3A_69 : memref<1x80x128xf32, #tpu.memory_space<vmem>> -> memref<80x128xf32, #tpu.memory_space<vmem>>
      %dma_wait3A_71 = arith.constant 0 : i32
      %dma_wait3A_72 = arith.constant 0 : i32
      %dma_wait3A_73 = tpu.memref_slice %arg2[%dma_wait3A_71, %dma_wait3A_72] : memref<10240x128xf32, #tpu.memory_space<hbm>> -> memref<80x128xf32, #tpu.memory_space<hbm>>
      tpu.wait_dma2 semaphore(%arg13 : memref<!tpu.dma_semaphore, #tpu.memory_space<semaphore_mem>>) src(%dma_wait3A_73 : memref<80x128xf32, #tpu.memory_space<hbm>>) dst(%dma_wait3A_70 : memref<80x128xf32, #tpu.memory_space<vmem>>)
      %dma_start3A_74 = arith.constant 0 : i32
      %dma_start3A_75 = arith.constant 0 : i32
      %dma_start3A_76 = arith.constant 0 : i32
      %dma_start3A_77 = arith.constant 0 : i32
      %dma_start3A_78 = tpu.memref_slice %arg11[%dma_start3A_74, %dma_start3A_76, %dma_start3A_77] : memref<4x80x128xf32, #tpu.memory_space<vmem>> -> memref<1x80x128xf32, #tpu.memory_space<vmem>>
      %dma_start3A_79 = tpu.memref_squeeze %dma_start3A_78 : memref<1x80x128xf32, #tpu.memory_space<vmem>> -> memref<80x128xf32, #tpu.memory_space<vmem>>
      %dma_start3A_80 = arith.constant 0 : i32
      %dma_start3A_81 = tpu.memref_slice %arg9[%dma_start3A_75, %dma_start3A_80] : memref<8x80xi32, #tpu.memory_space<vmem>> -> memref<1x80xi32, #tpu.memory_space<vmem>>
      %dma_start3A_82 = tpu.memref_squeeze %dma_start3A_81 : memref<1x80xi32, #tpu.memory_space<vmem>> -> memref<80xi32, #tpu.memory_space<vmem>>
      %dma_start3A_83 = arith.constant 0 : i32
      %dma_start3A_84 = arith.constant 0 : i32
      %dma_start3A_85 = tpu.memref_slice %arg12[%dma_start3A_83, %dma_start3A_84] : memref<10240x128xf32, #tpu.memory_space<vmem_shared>> -> memref<10240x128xf32, #tpu.memory_space<vmem_shared>>
      tpu.enqueue_indirect_dma source(%dma_start3A_79 : memref<80x128xf32, #tpu.memory_space<vmem>>) target(%dma_start3A_85 : memref<10240x128xf32, #tpu.memory_space<vmem_shared>>) offsets(%dma_start3A_82 : memref<80xi32, #tpu.memory_space<vmem>>) semaphore(%arg17 : memref<!tpu.dma_semaphore, #tpu.memory_space<semaphore_mem>>) {add = true}
      %gt3A = arith.constant 0 : i32
      %gt3A_86 = arith.cmpi sgt, %scan3A_58, %gt3A : i32
      %convert_element_type3A = arith.extui %gt3A_86 : i1 to i32
      %cond3A = arith.constant 0 : i32
      %cond3A_87 = arith.cmpi ne, %convert_element_type3A, %cond3A : i32
      scf.if %cond3A_87 {
        %dma_wait3A_929 = arith.constant 3 : i32
        %dma_wait3A_930 = arith.constant 0 : i32
        %dma_wait3A_931 = arith.constant 0 : i32
        %dma_wait3A_932 = tpu.memref_slice %arg11[%dma_wait3A_929, %dma_wait3A_930, %dma_wait3A_931] : memref<4x80x128xf32, #tpu.memory_space<vmem>> -> memref<1x80x128xf32, #tpu.memory_space<vmem>>
        %dma_wait3A_933 = tpu.memref_squeeze %dma_wait3A_932 : memref<1x80x128xf32, #tpu.memory_space<vmem>> -> memref<80x128xf32, #tpu.memory_space<vmem>>
        %dma_wait3A_934 = arith.constant 0 : i32
        %dma_wait3A_935 = arith.constant 0 : i32
        %dma_wait3A_936 = tpu.memref_slice %arg2[%dma_wait3A_934, %dma_wait3A_935] : memref<10240x128xf32, #tpu.memory_space<hbm>> -> memref<80x128xf32, #tpu.memory_space<hbm>>
        %dma_wait3A_937 = arith.constant 0 : i32
        %dma_wait3A_938 = arith.constant 0 : i32
        %dma_wait3A_939 = tpu.memref_slice %arg11[%dma_wait3A_929, %dma_wait3A_937, %dma_wait3A_938] : memref<4x80x128xf32, #tpu.memory_space<vmem>> -> memref<1x80x128xf32, #tpu.memory_space<vmem>>
        %dma_wait3A_940 = tpu.memref_squeeze %dma_wait3A_939 : memref<1x80x128xf32, #tpu.memory_space<vmem>> -> memref<80x128xf32, #tpu.memory_space<vmem>>
        %dma_wait3A_941 = arith.constant 0 : i32
        %dma_wait3A_942 = arith.constant 0 : i32
        %dma_wait3A_943 = tpu.memref_slice %arg2[%dma_wait3A_941, %dma_wait3A_942] : memref<10240x128xf32, #tpu.memory_space<hbm>> -> memref<80x128xf32, #tpu.memory_space<hbm>>
        tpu.wait_dma2 semaphore(%arg20 : memref<!tpu.dma_semaphore, #tpu.memory_space<semaphore_mem>>) src(%dma_wait3A_943 : memref<80x128xf32, #tpu.memory_space<hbm>>) dst(%dma_wait3A_940 : memref<80x128xf32, #tpu.memory_space<vmem>>)
      } else {
      }
      %dma_start3A_88 = arith.constant 3 : i32
      %dma_start3A_89 = arith.constant 3 : i32
      %dma_start3A_90 = arith.constant 0 : i32
      %dma_start3A_91 = arith.constant 0 : i32
      %dma_start3A_92 = tpu.memref_slice %arg11[%dma_start3A_89, %dma_start3A_90, %dma_start3A_91] : memref<4x80x128xf32, #tpu.memory_space<vmem>> -> memref<1x80x128xf32, #tpu.memory_space<vmem>>
      %dma_start3A_93 = tpu.memref_squeeze %dma_start3A_92 : memref<1x80x128xf32, #tpu.memory_space<vmem>> -> memref<80x128xf32, #tpu.memory_space<vmem>>
      %dma_start3A_94 = arith.constant 0 : i32
      %dma_start3A_95 = tpu.memref_slice %arg7[%dma_start3A_88, %dma_start3A_94] : memref<8x80xi32, #tpu.memory_space<vmem>> -> memref<1x80xi32, #tpu.memory_space<vmem>>
      %dma_start3A_96 = tpu.memref_squeeze %dma_start3A_95 : memref<1x80xi32, #tpu.memory_space<vmem>> -> memref<80xi32, #tpu.memory_space<vmem>>
      %dma_start3A_97 = arith.constant 0 : i32
      %dma_start3A_98 = arith.constant 0 : i32
      %dma_start3A_99 = tpu.memref_slice %arg2[%dma_start3A_97, %dma_start3A_98] : memref<10240x128xf32, #tpu.memory_space<hbm>> -> memref<10240x128xf32, #tpu.memory_space<hbm>>
      tpu.enqueue_indirect_dma source(%dma_start3A_99 : memref<10240x128xf32, #tpu.memory_space<hbm>>) target(%dma_start3A_93 : memref<80x128xf32, #tpu.memory_space<vmem>>) offsets(%dma_start3A_96 : memref<80xi32, #tpu.memory_space<vmem>>) semaphore(%arg16 : memref<!tpu.dma_semaphore, #tpu.memory_space<semaphore_mem>>)
      %dma_wait3A_100 = arith.constant 1 : i32
      %dma_wait3A_101 = arith.constant 0 : i32
      %dma_wait3A_102 = arith.constant 0 : i32
      %dma_wait3A_103 = tpu.memref_slice %arg11[%dma_wait3A_100, %dma_wait3A_101, %dma_wait3A_102] : memref<4x80x128xf32, #tpu.memory_space<vmem>> -> memref<1x80x128xf32, #tpu.memory_space<vmem>>
      %dma_wait3A_104 = tpu.memref_squeeze %dma_wait3A_103 : memref<1x80x128xf32, #tpu.memory_space<vmem>> -> memref<80x128xf32, #tpu.memory_space<vmem>>
      %dma_wait3A_105 = arith.constant 0 : i32
      %dma_wait3A_106 = arith.constant 0 : i32
      %dma_wait3A_107 = tpu.memref_slice %arg2[%dma_wait3A_105, %dma_wait3A_106] : memref<10240x128xf32, #tpu.memory_space<hbm>> -> memref<80x128xf32, #tpu.memory_space<hbm>>
      %dma_wait3A_108 = arith.constant 0 : i32
      %dma_wait3A_109 = arith.constant 0 : i32
      %dma_wait3A_110 = tpu.memref_slice %arg11[%dma_wait3A_100, %dma_wait3A_108, %dma_wait3A_109] : memref<4x80x128xf32, #tpu.memory_space<vmem>> -> memref<1x80x128xf32, #tpu.memory_space<vmem>>
      %dma_wait3A_111 = tpu.memref_squeeze %dma_wait3A_110 : memref<1x80x128xf32, #tpu.memory_space<vmem>> -> memref<80x128xf32, #tpu.memory_space<vmem>>
      %dma_wait3A_112 = arith.constant 0 : i32
      %dma_wait3A_113 = arith.constant 0 : i32
      %dma_wait3A_114 = tpu.memref_slice %arg2[%dma_wait3A_112, %dma_wait3A_113] : memref<10240x128xf32, #tpu.memory_space<hbm>> -> memref<80x128xf32, #tpu.memory_space<hbm>>
      tpu.wait_dma2 semaphore(%arg14 : memref<!tpu.dma_semaphore, #tpu.memory_space<semaphore_mem>>) src(%dma_wait3A_114 : memref<80x128xf32, #tpu.memory_space<hbm>>) dst(%dma_wait3A_111 : memref<80x128xf32, #tpu.memory_space<vmem>>)
      %dma_start3A_115 = arith.constant 1 : i32
      %dma_start3A_116 = arith.constant 1 : i32
      %dma_start3A_117 = arith.constant 0 : i32
      %dma_start3A_118 = arith.constant 0 : i32
      %dma_start3A_119 = tpu.memref_slice %arg11[%dma_start3A_115, %dma_start3A_117, %dma_start3A_118] : memref<4x80x128xf32, #tpu.memory_space<vmem>> -> memref<1x80x128xf32, #tpu.memory_space<vmem>>
      %dma_start3A_120 = tpu.memref_squeeze %dma_start3A_119 : memref<1x80x128xf32, #tpu.memory_space<vmem>> -> memref<80x128xf32, #tpu.memory_space<vmem>>
      %dma_start3A_121 = arith.constant 0 : i32
      %dma_start3A_122 = tpu.memref_slice %arg9[%dma_start3A_116, %dma_start3A_121] : memref<8x80xi32, #tpu.memory_space<vmem>> -> memref<1x80xi32, #tpu.memory_space<vmem>>
      %dma_start3A_123 = tpu.memref_squeeze %dma_start3A_122 : memref<1x80xi32, #tpu.memory_space<vmem>> -> memref<80xi32, #tpu.memory_space<vmem>>
      %dma_start3A_124 = arith.constant 0 : i32
      %dma_start3A_125 = arith.constant 0 : i32
      %dma_start3A_126 = tpu.memref_slice %arg12[%dma_start3A_124, %dma_start3A_125] : memref<10240x128xf32, #tpu.memory_space<vmem_shared>> -> memref<10240x128xf32, #tpu.memory_space<vmem_shared>>
      tpu.enqueue_indirect_dma source(%dma_start3A_120 : memref<80x128xf32, #tpu.memory_space<vmem>>) target(%dma_start3A_126 : memref<10240x128xf32, #tpu.memory_space<vmem_shared>>) offsets(%dma_start3A_123 : memref<80xi32, #tpu.memory_space<vmem>>) semaphore(%arg18 : memref<!tpu.dma_semaphore, #tpu.memory_space<semaphore_mem>>) {add = true}
      %dma_wait3A_127 = arith.constant 0 : i32
      %dma_wait3A_128 = arith.constant 0 : i32
      %dma_wait3A_129 = arith.constant 0 : i32
      %dma_wait3A_130 = tpu.memref_slice %arg11[%dma_wait3A_127, %dma_wait3A_128, %dma_wait3A_129] : memref<4x80x128xf32, #tpu.memory_space<vmem>> -> memref<1x80x128xf32, #tpu.memory_space<vmem>>
      %dma_wait3A_131 = tpu.memref_squeeze %dma_wait3A_130 : memref<1x80x128xf32, #tpu.memory_space<vmem>> -> memref<80x128xf32, #tpu.memory_space<vmem>>
      %dma_wait3A_132 = arith.constant 0 : i32
      %dma_wait3A_133 = arith.constant 0 : i32
      %dma_wait3A_134 = tpu.memref_slice %arg2[%dma_wait3A_132, %dma_wait3A_133] : memref<10240x128xf32, #tpu.memory_space<hbm>> -> memref<80x128xf32, #tpu.memory_space<hbm>>
      %dma_wait3A_135 = arith.constant 0 : i32
      %dma_wait3A_136 = arith.constant 0 : i32
      %dma_wait3A_137 = tpu.memref_slice %arg11[%dma_wait3A_127, %dma_wait3A_135, %dma_wait3A_136] : memref<4x80x128xf32, #tpu.memory_space<vmem>> -> memref<1x80x128xf32, #tpu.memory_space<vmem>>
      %dma_wait3A_138 = tpu.memref_squeeze %dma_wait3A_137 : memref<1x80x128xf32, #tpu.memory_space<vmem>> -> memref<80x128xf32, #tpu.memory_space<vmem>>
      %dma_wait3A_139 = arith.constant 0 : i32
      %dma_wait3A_140 = arith.constant 0 : i32
      %dma_wait3A_141 = tpu.memref_slice %arg2[%dma_wait3A_139, %dma_wait3A_140] : memref<10240x128xf32, #tpu.memory_space<hbm>> -> memref<80x128xf32, #tpu.memory_space<hbm>>
      tpu.wait_dma2 semaphore(%arg17 : memref<!tpu.dma_semaphore, #tpu.memory_space<semaphore_mem>>) src(%dma_wait3A_141 : memref<80x128xf32, #tpu.memory_space<hbm>>) dst(%dma_wait3A_138 : memref<80x128xf32, #tpu.memory_space<vmem>>)
      %mul3A_142 = arith.constant 2 : i32
      %mul3A_143 = arith.muli %mul3A_142, %scan3A_58 : i32
      %add3A_144 = arith.constant 1 : i32
      %add3A_145 = arith.addi %mul3A_143, %add3A_144 : i32
      %mul3A_146 = arith.constant 8 : i32
      %mul3A_147 = arith.muli %add3A_145, %mul3A_146 : i32
      %dma_start3A_148 = arith.constant 0 : i32
      %dma_start3A_149 = tpu.memref_slice %arg3[%add3A, %mul3A_147, %dma_start3A_148] : memref<32x128x80xi32, #tpu.memory_space<hbm>> -> memref<1x8x80xi32, #tpu.memory_space<hbm>>
      %dma_start3A_150 = tpu.memref_squeeze %dma_start3A_149 : memref<1x8x80xi32, #tpu.memory_space<hbm>> -> memref<8x80xi32, #tpu.memory_space<hbm>>
      %dma_start3A_151 = arith.constant 0 : i32
      %dma_start3A_152 = tpu.memref_slice %arg3[%add3A, %mul3A_147, %dma_start3A_151] : memref<32x128x80xi32, #tpu.memory_space<hbm>> -> memref<1x8x80xi32, #tpu.memory_space<hbm>>
      %dma_start3A_153 = tpu.memref_squeeze %dma_start3A_152 : memref<1x8x80xi32, #tpu.memory_space<hbm>> -> memref<8x80xi32, #tpu.memory_space<hbm>>
      tpu.enqueue_dma source(%dma_start3A_153 : memref<8x80xi32, #tpu.memory_space<hbm>>) target(%arg8 : memref<8x80xi32, #tpu.memory_space<vmem>>) target_semaphore(%arg22 : memref<!tpu.dma_semaphore, #tpu.memory_space<semaphore_mem>>)
      %mul3A_154 = arith.constant 8 : i32
      %mul3A_155 = arith.muli %add3A_145, %mul3A_154 : i32
      %dma_start3A_156 = arith.constant 0 : i32
      %dma_start3A_157 = tpu.memref_slice %arg4[%add3A, %mul3A_155, %dma_start3A_156] : memref<32x128x80xi32, #tpu.memory_space<hbm>> -> memref<1x8x80xi32, #tpu.memory_space<hbm>>
      %dma_start3A_158 = tpu.memref_squeeze %dma_start3A_157 : memref<1x8x80xi32, #tpu.memory_space<hbm>> -> memref<8x80xi32, #tpu.memory_space<hbm>>
      %dma_start3A_159 = arith.constant 0 : i32
      %dma_start3A_160 = tpu.memref_slice %arg4[%add3A, %mul3A_155, %dma_start3A_159] : memref<32x128x80xi32, #tpu.memory_space<hbm>> -> memref<1x8x80xi32, #tpu.memory_space<hbm>>
      %dma_start3A_161 = tpu.memref_squeeze %dma_start3A_160 : memref<1x8x80xi32, #tpu.memory_space<hbm>> -> memref<8x80xi32, #tpu.memory_space<hbm>>
      tpu.enqueue_dma source(%dma_start3A_161 : memref<8x80xi32, #tpu.memory_space<hbm>>) target(%arg10 : memref<8x80xi32, #tpu.memory_space<vmem>>) target_semaphore(%arg22 : memref<!tpu.dma_semaphore, #tpu.memory_space<semaphore_mem>>)
      %dma_start3A_162 = arith.constant 4 : i32
      %dma_start3A_163 = arith.constant 0 : i32
      %dma_start3A_164 = arith.constant 0 : i32
      %dma_start3A_165 = arith.constant 0 : i32
      %dma_start3A_166 = tpu.memref_slice %arg11[%dma_start3A_163, %dma_start3A_164, %dma_start3A_165] : memref<4x80x128xf32, #tpu.memory_space<vmem>> -> memref<1x80x128xf32, #tpu.memory_space<vmem>>
      %dma_start3A_167 = tpu.memref_squeeze %dma_start3A_166 : memref<1x80x128xf32, #tpu.memory_space<vmem>> -> memref<80x128xf32, #tpu.memory_space<vmem>>
      %dma_start3A_168 = arith.constant 0 : i32
      %dma_start3A_169 = tpu.memref_slice %arg7[%dma_start3A_162, %dma_start3A_168] : memref<8x80xi32, #tpu.memory_space<vmem>> -> memref<1x80xi32, #tpu.memory_space<vmem>>
      %dma_start3A_170 = tpu.memref_squeeze %dma_start3A_169 : memref<1x80xi32, #tpu.memory_space<vmem>> -> memref<80xi32, #tpu.memory_space<vmem>>
      %dma_start3A_171 = arith.constant 0 : i32
      %dma_start3A_172 = arith.constant 0 : i32
      %dma_start3A_173 = tpu.memref_slice %arg2[%dma_start3A_171, %dma_start3A_172] : memref<10240x128xf32, #tpu.memory_space<hbm>> -> memref<10240x128xf32, #tpu.memory_space<hbm>>
      tpu.enqueue_indirect_dma source(%dma_start3A_173 : memref<10240x128xf32, #tpu.memory_space<hbm>>) target(%dma_start3A_167 : memref<80x128xf32, #tpu.memory_space<vmem>>) offsets(%dma_start3A_170 : memref<80xi32, #tpu.memory_space<vmem>>) semaphore(%arg13 : memref<!tpu.dma_semaphore, #tpu.memory_space<semaphore_mem>>)
      %dma_wait3A_174 = arith.constant 2 : i32
      %dma_wait3A_175 = arith.constant 0 : i32
      %dma_wait3A_176 = arith.constant 0 : i32
      %dma_wait3A_177 = tpu.memref_slice %arg11[%dma_wait3A_174, %dma_wait3A_175, %dma_wait3A_176] : memref<4x80x128xf32, #tpu.memory_space<vmem>> -> memref<1x80x128xf32, #tpu.memory_space<vmem>>
      %dma_wait3A_178 = tpu.memref_squeeze %dma_wait3A_177 : memref<1x80x128xf32, #tpu.memory_space<vmem>> -> memref<80x128xf32, #tpu.memory_space<vmem>>
      %dma_wait3A_179 = arith.constant 0 : i32
      %dma_wait3A_180 = arith.constant 0 : i32
      %dma_wait3A_181 = tpu.memref_slice %arg2[%dma_wait3A_179, %dma_wait3A_180] : memref<10240x128xf32, #tpu.memory_space<hbm>> -> memref<80x128xf32, #tpu.memory_space<hbm>>
      %dma_wait3A_182 = arith.constant 0 : i32
      %dma_wait3A_183 = arith.constant 0 : i32
      %dma_wait3A_184 = tpu.memref_slice %arg11[%dma_wait3A_174, %dma_wait3A_182, %dma_wait3A_183] : memref<4x80x128xf32, #tpu.memory_space<vmem>> -> memref<1x80x128xf32, #tpu.memory_space<vmem>>
      %dma_wait3A_185 = tpu.memref_squeeze %dma_wait3A_184 : memref<1x80x128xf32, #tpu.memory_space<vmem>> -> memref<80x128xf32, #tpu.memory_space<vmem>>
      %dma_wait3A_186 = arith.constant 0 : i32
      %dma_wait3A_187 = arith.constant 0 : i32
      %dma_wait3A_188 = tpu.memref_slice %arg2[%dma_wait3A_186, %dma_wait3A_187] : memref<10240x128xf32, #tpu.memory_space<hbm>> -> memref<80x128xf32, #tpu.memory_space<hbm>>
      tpu.wait_dma2 semaphore(%arg15 : memref<!tpu.dma_semaphore, #tpu.memory_space<semaphore_mem>>) src(%dma_wait3A_188 : memref<80x128xf32, #tpu.memory_space<hbm>>) dst(%dma_wait3A_185 : memref<80x128xf32, #tpu.memory_space<vmem>>)
      %dma_start3A_189 = arith.constant 2 : i32
      %dma_start3A_190 = arith.constant 2 : i32
      %dma_start3A_191 = arith.constant 0 : i32
      %dma_start3A_192 = arith.constant 0 : i32
      %dma_start3A_193 = tpu.memref_slice %arg11[%dma_start3A_189, %dma_start3A_191, %dma_start3A_192] : memref<4x80x128xf32, #tpu.memory_space<vmem>> -> memref<1x80x128xf32, #tpu.memory_space<vmem>>
      %dma_start3A_194 = tpu.memref_squeeze %dma_start3A_193 : memref<1x80x128xf32, #tpu.memory_space<vmem>> -> memref<80x128xf32, #tpu.memory_space<vmem>>
      %dma_start3A_195 = arith.constant 0 : i32
      %dma_start3A_196 = tpu.memref_slice %arg9[%dma_start3A_190, %dma_start3A_195] : memref<8x80xi32, #tpu.memory_space<vmem>> -> memref<1x80xi32, #tpu.memory_space<vmem>>
      %dma_start3A_197 = tpu.memref_squeeze %dma_start3A_196 : memref<1x80xi32, #tpu.memory_space<vmem>> -> memref<80xi32, #tpu.memory_space<vmem>>
      %dma_start3A_198 = arith.constant 0 : i32
      %dma_start3A_199 = arith.constant 0 : i32
      %dma_start3A_200 = tpu.memref_slice %arg12[%dma_start3A_198, %dma_start3A_199] : memref<10240x128xf32, #tpu.memory_space<vmem_shared>> -> memref<10240x128xf32, #tpu.memory_space<vmem_shared>>
      tpu.enqueue_indirect_dma source(%dma_start3A_194 : memref<80x128xf32, #tpu.memory_space<vmem>>) target(%dma_start3A_200 : memref<10240x128xf32, #tpu.memory_space<vmem_shared>>) offsets(%dma_start3A_197 : memref<80xi32, #tpu.memory_space<vmem>>) semaphore(%arg19 : memref<!tpu.dma_semaphore, #tpu.memory_space<semaphore_mem>>) {add = true}
      %dma_wait3A_201 = arith.constant 1 : i32
      %dma_wait3A_202 = arith.constant 0 : i32
      %dma_wait3A_203 = arith.constant 0 : i32
      %dma_wait3A_204 = tpu.memref_slice %arg11[%dma_wait3A_201, %dma_wait3A_202, %dma_wait3A_203] : memref<4x80x128xf32, #tpu.memory_space<vmem>> -> memref<1x80x128xf32, #tpu.memory_space<vmem>>
      %dma_wait3A_205 = tpu.memref_squeeze %dma_wait3A_204 : memref<1x80x128xf32, #tpu.memory_space<vmem>> -> memref<80x128xf32, #tpu.memory_space<vmem>>
      %dma_wait3A_206 = arith.constant 0 : i32
      %dma_wait3A_207 = arith.constant 0 : i32
      %dma_wait3A_208 = tpu.memref_slice %arg2[%dma_wait3A_206, %dma_wait3A_207] : memref<10240x128xf32, #tpu.memory_space<hbm>> -> memref<80x128xf32, #tpu.memory_space<hbm>>
      %dma_wait3A_209 = arith.constant 0 : i32
      %dma_wait3A_210 = arith.constant 0 : i32
      %dma_wait3A_211 = tpu.memref_slice %arg11[%dma_wait3A_201, %dma_wait3A_209, %dma_wait3A_210] : memref<4x80x128xf32, #tpu.memory_space<vmem>> -> memref<1x80x128xf32, #tpu.memory_space<vmem>>
      %dma_wait3A_212 = tpu.memref_squeeze %dma_wait3A_211 : memref<1x80x128xf32, #tpu.memory_space<vmem>> -> memref<80x128xf32, #tpu.memory_space<vmem>>
      %dma_wait3A_213 = arith.constant 0 : i32
      %dma_wait3A_214 = arith.constant 0 : i32
      %dma_wait3A_215 = tpu.memref_slice %arg2[%dma_wait3A_213, %dma_wait3A_214] : memref<10240x128xf32, #tpu.memory_space<hbm>> -> memref<80x128xf32, #tpu.memory_space<hbm>>
      tpu.wait_dma2 semaphore(%arg18 : memref<!tpu.dma_semaphore, #tpu.memory_space<semaphore_mem>>) src(%dma_wait3A_215 : memref<80x128xf32, #tpu.memory_space<hbm>>) dst(%dma_wait3A_212 : memref<80x128xf32, #tpu.memory_space<vmem>>)
      %dma_start3A_216 = arith.constant 5 : i32
      %dma_start3A_217 = arith.constant 1 : i32
      %dma_start3A_218 = arith.constant 0 : i32
      %dma_start3A_219 = arith.constant 0 : i32
      %dma_start3A_220 = tpu.memref_slice %arg11[%dma_start3A_217, %dma_start3A_218, %dma_start3A_219] : memref<4x80x128xf32, #tpu.memory_space<vmem>> -> memref<1x80x128xf32, #tpu.memory_space<vmem>>
      %dma_start3A_221 = tpu.memref_squeeze %dma_start3A_220 : memref<1x80x128xf32, #tpu.memory_space<vmem>> -> memref<80x128xf32, #tpu.memory_space<vmem>>
      %dma_start3A_222 = arith.constant 0 : i32
      %dma_start3A_223 = tpu.memref_slice %arg7[%dma_start3A_216, %dma_start3A_222] : memref<8x80xi32, #tpu.memory_space<vmem>> -> memref<1x80xi32, #tpu.memory_space<vmem>>
      %dma_start3A_224 = tpu.memref_squeeze %dma_start3A_223 : memref<1x80xi32, #tpu.memory_space<vmem>> -> memref<80xi32, #tpu.memory_space<vmem>>
      %dma_start3A_225 = arith.constant 0 : i32
      %dma_start3A_226 = arith.constant 0 : i32
      %dma_start3A_227 = tpu.memref_slice %arg2[%dma_start3A_225, %dma_start3A_226] : memref<10240x128xf32, #tpu.memory_space<hbm>> -> memref<10240x128xf32, #tpu.memory_space<hbm>>
      tpu.enqueue_indirect_dma source(%dma_start3A_227 : memref<10240x128xf32, #tpu.memory_space<hbm>>) target(%dma_start3A_221 : memref<80x128xf32, #tpu.memory_space<vmem>>) offsets(%dma_start3A_224 : memref<80xi32, #tpu.memory_space<vmem>>) semaphore(%arg14 : memref<!tpu.dma_semaphore, #tpu.memory_space<semaphore_mem>>)
      %dma_wait3A_228 = arith.constant 3 : i32
      %dma_wait3A_229 = arith.constant 0 : i32
      %dma_wait3A_230 = arith.constant 0 : i32
      %dma_wait3A_231 = tpu.memref_slice %arg11[%dma_wait3A_228, %dma_wait3A_229, %dma_wait3A_230] : memref<4x80x128xf32, #tpu.memory_space<vmem>> -> memref<1x80x128xf32, #tpu.memory_space<vmem>>
      %dma_wait3A_232 = tpu.memref_squeeze %dma_wait3A_231 : memref<1x80x128xf32, #tpu.memory_space<vmem>> -> memref<80x128xf32, #tpu.memory_space<vmem>>
      %dma_wait3A_233 = arith.constant 0 : i32
      %dma_wait3A_234 = arith.constant 0 : i32
      %dma_wait3A_235 = tpu.memref_slice %arg2[%dma_wait3A_233, %dma_wait3A_234] : memref<10240x128xf32, #tpu.memory_space<hbm>> -> memref<80x128xf32, #tpu.memory_space<hbm>>
      %dma_wait3A_236 = arith.constant 0 : i32
      %dma_wait3A_237 = arith.constant 0 : i32
      %dma_wait3A_238 = tpu.memref_slice %arg11[%dma_wait3A_228, %dma_wait3A_236, %dma_wait3A_237] : memref<4x80x128xf32, #tpu.memory_space<vmem>> -> memref<1x80x128xf32, #tpu.memory_space<vmem>>
      %dma_wait3A_239 = tpu.memref_squeeze %dma_wait3A_238 : memref<1x80x128xf32, #tpu.memory_space<vmem>> -> memref<80x128xf32, #tpu.memory_space<vmem>>
      %dma_wait3A_240 = arith.constant 0 : i32
      %dma_wait3A_241 = arith.constant 0 : i32
      %dma_wait3A_242 = tpu.memref_slice %arg2[%dma_wait3A_240, %dma_wait3A_241] : memref<10240x128xf32, #tpu.memory_space<hbm>> -> memref<80x128xf32, #tpu.memory_space<hbm>>
      tpu.wait_dma2 semaphore(%arg16 : memref<!tpu.dma_semaphore, #tpu.memory_space<semaphore_mem>>) src(%dma_wait3A_242 : memref<80x128xf32, #tpu.memory_space<hbm>>) dst(%dma_wait3A_239 : memref<80x128xf32, #tpu.memory_space<vmem>>)
      %dma_start3A_243 = arith.constant 3 : i32
      %dma_start3A_244 = arith.constant 3 : i32
      %dma_start3A_245 = arith.constant 0 : i32
      %dma_start3A_246 = arith.constant 0 : i32
      %dma_start3A_247 = tpu.memref_slice %arg11[%dma_start3A_243, %dma_start3A_245, %dma_start3A_246] : memref<4x80x128xf32, #tpu.memory_space<vmem>> -> memref<1x80x128xf32, #tpu.memory_space<vmem>>
      %dma_start3A_248 = tpu.memref_squeeze %dma_start3A_247 : memref<1x80x128xf32, #tpu.memory_space<vmem>> -> memref<80x128xf32, #tpu.memory_space<vmem>>
      %dma_start3A_249 = arith.constant 0 : i32
      %dma_start3A_250 = tpu.memref_slice %arg9[%dma_start3A_244, %dma_start3A_249] : memref<8x80xi32, #tpu.memory_space<vmem>> -> memref<1x80xi32, #tpu.memory_space<vmem>>
      %dma_start3A_251 = tpu.memref_squeeze %dma_start3A_250 : memref<1x80xi32, #tpu.memory_space<vmem>> -> memref<80xi32, #tpu.memory_space<vmem>>
      %dma_start3A_252 = arith.constant 0 : i32
      %dma_start3A_253 = arith.constant 0 : i32
      %dma_start3A_254 = tpu.memref_slice %arg12[%dma_start3A_252, %dma_start3A_253] : memref<10240x128xf32, #tpu.memory_space<vmem_shared>> -> memref<10240x128xf32, #tpu.memory_space<vmem_shared>>
      tpu.enqueue_indirect_dma source(%dma_start3A_248 : memref<80x128xf32, #tpu.memory_space<vmem>>) target(%dma_start3A_254 : memref<10240x128xf32, #tpu.memory_space<vmem_shared>>) offsets(%dma_start3A_251 : memref<80xi32, #tpu.memory_space<vmem>>) semaphore(%arg20 : memref<!tpu.dma_semaphore, #tpu.memory_space<semaphore_mem>>) {add = true}
      %dma_wait3A_255 = arith.constant 2 : i32
      %dma_wait3A_256 = arith.constant 0 : i32
      %dma_wait3A_257 = arith.constant 0 : i32
      %dma_wait3A_258 = tpu.memref_slice %arg11[%dma_wait3A_255, %dma_wait3A_256, %dma_wait3A_257] : memref<4x80x128xf32, #tpu.memory_space<vmem>> -> memref<1x80x128xf32, #tpu.memory_space<vmem>>
      %dma_wait3A_259 = tpu.memref_squeeze %dma_wait3A_258 : memref<1x80x128xf32, #tpu.memory_space<vmem>> -> memref<80x128xf32, #tpu.memory_space<vmem>>
      %dma_wait3A_260 = arith.constant 0 : i32
      %dma_wait3A_261 = arith.constant 0 : i32
      %dma_wait3A_262 = tpu.memref_slice %arg2[%dma_wait3A_260, %dma_wait3A_261] : memref<10240x128xf32, #tpu.memory_space<hbm>> -> memref<80x128xf32, #tpu.memory_space<hbm>>
      %dma_wait3A_263 = arith.constant 0 : i32
      %dma_wait3A_264 = arith.constant 0 : i32
      %dma_wait3A_265 = tpu.memref_slice %arg11[%dma_wait3A_255, %dma_wait3A_263, %dma_wait3A_264] : memref<4x80x128xf32, #tpu.memory_space<vmem>> -> memref<1x80x128xf32, #tpu.memory_space<vmem>>
      %dma_wait3A_266 = tpu.memref_squeeze %dma_wait3A_265 : memref<1x80x128xf32, #tpu.memory_space<vmem>> -> memref<80x128xf32, #tpu.memory_space<vmem>>
      %dma_wait3A_267 = arith.constant 0 : i32
      %dma_wait3A_268 = arith.constant 0 : i32
      %dma_wait3A_269 = tpu.memref_slice %arg2[%dma_wait3A_267, %dma_wait3A_268] : memref<10240x128xf32, #tpu.memory_space<hbm>> -> memref<80x128xf32, #tpu.memory_space<hbm>>
      tpu.wait_dma2 semaphore(%arg19 : memref<!tpu.dma_semaphore, #tpu.memory_space<semaphore_mem>>) src(%dma_wait3A_269 : memref<80x128xf32, #tpu.memory_space<hbm>>) dst(%dma_wait3A_266 : memref<80x128xf32, #tpu.memory_space<vmem>>)
      %dma_start3A_270 = arith.constant 6 : i32
      %dma_start3A_271 = arith.constant 2 : i32
      %dma_start3A_272 = arith.constant 0 : i32
      %dma_start3A_273 = arith.constant 0 : i32
      %dma_start3A_274 = tpu.memref_slice %arg11[%dma_start3A_271, %dma_start3A_272, %dma_start3A_273] : memref<4x80x128xf32, #tpu.memory_space<vmem>> -> memref<1x80x128xf32, #tpu.memory_space<vmem>>
      %dma_start3A_275 = tpu.memref_squeeze %dma_start3A_274 : memref<1x80x128xf32, #tpu.memory_space<vmem>> -> memref<80x128xf32, #tpu.memory_space<vmem>>
      %dma_start3A_276 = arith.constant 0 : i32
      %dma_start3A_277 = tpu.memref_slice %arg7[%dma_start3A_270, %dma_start3A_276] : memref<8x80xi32, #tpu.memory_space<vmem>> -> memref<1x80xi32, #tpu.memory_space<vmem>>
      %dma_start3A_278 = tpu.memref_squeeze %dma_start3A_277 : memref<1x80xi32, #tpu.memory_space<vmem>> -> memref<80xi32, #tpu.memory_space<vmem>>
      %dma_start3A_279 = arith.constant 0 : i32
      %dma_start3A_280 = arith.constant 0 : i32
      %dma_start3A_281 = tpu.memref_slice %arg2[%dma_start3A_279, %dma_start3A_280] : memref<10240x128xf32, #tpu.memory_space<hbm>> -> memref<10240x128xf32, #tpu.memory_space<hbm>>
      tpu.enqueue_indirect_dma source(%dma_start3A_281 : memref<10240x128xf32, #tpu.memory_space<hbm>>) target(%dma_start3A_275 : memref<80x128xf32, #tpu.memory_space<vmem>>) offsets(%dma_start3A_278 : memref<80xi32, #tpu.memory_space<vmem>>) semaphore(%arg15 : memref<!tpu.dma_semaphore, #tpu.memory_space<semaphore_mem>>)
      %dma_wait3A_282 = arith.constant 0 : i32
      %dma_wait3A_283 = arith.constant 0 : i32
      %dma_wait3A_284 = arith.constant 0 : i32
      %dma_wait3A_285 = tpu.memref_slice %arg11[%dma_wait3A_282, %dma_wait3A_283, %dma_wait3A_284] : memref<4x80x128xf32, #tpu.memory_space<vmem>> -> memref<1x80x128xf32, #tpu.memory_space<vmem>>
      %dma_wait3A_286 = tpu.memref_squeeze %dma_wait3A_285 : memref<1x80x128xf32, #tpu.memory_space<vmem>> -> memref<80x128xf32, #tpu.memory_space<vmem>>
      %dma_wait3A_287 = arith.constant 0 : i32
      %dma_wait3A_288 = arith.constant 0 : i32
      %dma_wait3A_289 = tpu.memref_slice %arg2[%dma_wait3A_287, %dma_wait3A_288] : memref<10240x128xf32, #tpu.memory_space<hbm>> -> memref<80x128xf32, #tpu.memory_space<hbm>>
      %dma_wait3A_290 = arith.constant 0 : i32
      %dma_wait3A_291 = arith.constant 0 : i32
      %dma_wait3A_292 = tpu.memref_slice %arg11[%dma_wait3A_282, %dma_wait3A_290, %dma_wait3A_291] : memref<4x80x128xf32, #tpu.memory_space<vmem>> -> memref<1x80x128xf32, #tpu.memory_space<vmem>>
      %dma_wait3A_293 = tpu.memref_squeeze %dma_wait3A_292 : memref<1x80x128xf32, #tpu.memory_space<vmem>> -> memref<80x128xf32, #tpu.memory_space<vmem>>
      %dma_wait3A_294 = arith.constant 0 : i32
      %dma_wait3A_295 = arith.constant 0 : i32
      %dma_wait3A_296 = tpu.memref_slice %arg2[%dma_wait3A_294, %dma_wait3A_295] : memref<10240x128xf32, #tpu.memory_space<hbm>> -> memref<80x128xf32, #tpu.memory_space<hbm>>
      tpu.wait_dma2 semaphore(%arg13 : memref<!tpu.dma_semaphore, #tpu.memory_space<semaphore_mem>>) src(%dma_wait3A_296 : memref<80x128xf32, #tpu.memory_space<hbm>>) dst(%dma_wait3A_293 : memref<80x128xf32, #tpu.memory_space<vmem>>)
      %dma_start3A_297 = arith.constant 0 : i32
      %dma_start3A_298 = arith.constant 4 : i32
      %dma_start3A_299 = arith.constant 0 : i32
      %dma_start3A_300 = arith.constant 0 : i32
      %dma_start3A_301 = tpu.memref_slice %arg11[%dma_start3A_297, %dma_start3A_299, %dma_start3A_300] : memref<4x80x128xf32, #tpu.memory_space<vmem>> -> memref<1x80x128xf32, #tpu.memory_space<vmem>>
      %dma_start3A_302 = tpu.memref_squeeze %dma_start3A_301 : memref<1x80x128xf32, #tpu.memory_space<vmem>> -> memref<80x128xf32, #tpu.memory_space<vmem>>
      %dma_start3A_303 = arith.constant 0 : i32
      %dma_start3A_304 = tpu.memref_slice %arg9[%dma_start3A_298, %dma_start3A_303] : memref<8x80xi32, #tpu.memory_space<vmem>> -> memref<1x80xi32, #tpu.memory_space<vmem>>
      %dma_start3A_305 = tpu.memref_squeeze %dma_start3A_304 : memref<1x80xi32, #tpu.memory_space<vmem>> -> memref<80xi32, #tpu.memory_space<vmem>>
      %dma_start3A_306 = arith.constant 0 : i32
      %dma_start3A_307 = arith.constant 0 : i32
      %dma_start3A_308 = tpu.memref_slice %arg12[%dma_start3A_306, %dma_start3A_307] : memref<10240x128xf32, #tpu.memory_space<vmem_shared>> -> memref<10240x128xf32, #tpu.memory_space<vmem_shared>>
      tpu.enqueue_indirect_dma source(%dma_start3A_302 : memref<80x128xf32, #tpu.memory_space<vmem>>) target(%dma_start3A_308 : memref<10240x128xf32, #tpu.memory_space<vmem_shared>>) offsets(%dma_start3A_305 : memref<80xi32, #tpu.memory_space<vmem>>) semaphore(%arg17 : memref<!tpu.dma_semaphore, #tpu.memory_space<semaphore_mem>>) {add = true}
      %dma_wait3A_309 = arith.constant 3 : i32
      %dma_wait3A_310 = arith.constant 0 : i32
      %dma_wait3A_311 = arith.constant 0 : i32
      %dma_wait3A_312 = tpu.memref_slice %arg11[%dma_wait3A_309, %dma_wait3A_310, %dma_wait3A_311] : memref<4x80x128xf32, #tpu.memory_space<vmem>> -> memref<1x80x128xf32, #tpu.memory_space<vmem>>
      %dma_wait3A_313 = tpu.memref_squeeze %dma_wait3A_312 : memref<1x80x128xf32, #tpu.memory_space<vmem>> -> memref<80x128xf32, #tpu.memory_space<vmem>>
      %dma_wait3A_314 = arith.constant 0 : i32
      %dma_wait3A_315 = arith.constant 0 : i32
      %dma_wait3A_316 = tpu.memref_slice %arg2[%dma_wait3A_314, %dma_wait3A_315] : memref<10240x128xf32, #tpu.memory_space<hbm>> -> memref<80x128xf32, #tpu.memory_space<hbm>>
      %dma_wait3A_317 = arith.constant 0 : i32
      %dma_wait3A_318 = arith.constant 0 : i32
      %dma_wait3A_319 = tpu.memref_slice %arg11[%dma_wait3A_309, %dma_wait3A_317, %dma_wait3A_318] : memref<4x80x128xf32, #tpu.memory_space<vmem>> -> memref<1x80x128xf32, #tpu.memory_space<vmem>>
      %dma_wait3A_320 = tpu.memref_squeeze %dma_wait3A_319 : memref<1x80x128xf32, #tpu.memory_space<vmem>> -> memref<80x128xf32, #tpu.memory_space<vmem>>
      %dma_wait3A_321 = arith.constant 0 : i32
      %dma_wait3A_322 = arith.constant 0 : i32
      %dma_wait3A_323 = tpu.memref_slice %arg2[%dma_wait3A_321, %dma_wait3A_322] : memref<10240x128xf32, #tpu.memory_space<hbm>> -> memref<80x128xf32, #tpu.memory_space<hbm>>
      tpu.wait_dma2 semaphore(%arg20 : memref<!tpu.dma_semaphore, #tpu.memory_space<semaphore_mem>>) src(%dma_wait3A_323 : memref<80x128xf32, #tpu.memory_space<hbm>>) dst(%dma_wait3A_320 : memref<80x128xf32, #tpu.memory_space<vmem>>)
      %dma_start3A_324 = arith.constant 7 : i32
      %dma_start3A_325 = arith.constant 3 : i32
      %dma_start3A_326 = arith.constant 0 : i32
      %dma_start3A_327 = arith.constant 0 : i32
      %dma_start3A_328 = tpu.memref_slice %arg11[%dma_start3A_325, %dma_start3A_326, %dma_start3A_327] : memref<4x80x128xf32, #tpu.memory_space<vmem>> -> memref<1x80x128xf32, #tpu.memory_space<vmem>>
      %dma_start3A_329 = tpu.memref_squeeze %dma_start3A_328 : memref<1x80x128xf32, #tpu.memory_space<vmem>> -> memref<80x128xf32, #tpu.memory_space<vmem>>
      %dma_start3A_330 = arith.constant 0 : i32
      %dma_start3A_331 = tpu.memref_slice %arg7[%dma_start3A_324, %dma_start3A_330] : memref<8x80xi32, #tpu.memory_space<vmem>> -> memref<1x80xi32, #tpu.memory_space<vmem>>
      %dma_start3A_332 = tpu.memref_squeeze %dma_start3A_331 : memref<1x80xi32, #tpu.memory_space<vmem>> -> memref<80xi32, #tpu.memory_space<vmem>>
      %dma_start3A_333 = arith.constant 0 : i32
      %dma_start3A_334 = arith.constant 0 : i32
      %dma_start3A_335 = tpu.memref_slice %arg2[%dma_start3A_333, %dma_start3A_334] : memref<10240x128xf32, #tpu.memory_space<hbm>> -> memref<10240x128xf32, #tpu.memory_space<hbm>>
      tpu.enqueue_indirect_dma source(%dma_start3A_335 : memref<10240x128xf32, #tpu.memory_space<hbm>>) target(%dma_start3A_329 : memref<80x128xf32, #tpu.memory_space<vmem>>) offsets(%dma_start3A_332 : memref<80xi32, #tpu.memory_space<vmem>>) semaphore(%arg16 : memref<!tpu.dma_semaphore, #tpu.memory_space<semaphore_mem>>)
      %dma_wait3A_336 = arith.constant 1 : i32
      %dma_wait3A_337 = arith.constant 0 : i32
      %dma_wait3A_338 = arith.constant 0 : i32
      %dma_wait3A_339 = tpu.memref_slice %arg11[%dma_wait3A_336, %dma_wait3A_337, %dma_wait3A_338] : memref<4x80x128xf32, #tpu.memory_space<vmem>> -> memref<1x80x128xf32, #tpu.memory_space<vmem>>
      %dma_wait3A_340 = tpu.memref_squeeze %dma_wait3A_339 : memref<1x80x128xf32, #tpu.memory_space<vmem>> -> memref<80x128xf32, #tpu.memory_space<vmem>>
      %dma_wait3A_341 = arith.constant 0 : i32
      %dma_wait3A_342 = arith.constant 0 : i32
      %dma_wait3A_343 = tpu.memref_slice %arg2[%dma_wait3A_341, %dma_wait3A_342] : memref<10240x128xf32, #tpu.memory_space<hbm>> -> memref<80x128xf32, #tpu.memory_space<hbm>>
      %dma_wait3A_344 = arith.constant 0 : i32
      %dma_wait3A_345 = arith.constant 0 : i32
      %dma_wait3A_346 = tpu.memref_slice %arg11[%dma_wait3A_336, %dma_wait3A_344, %dma_wait3A_345] : memref<4x80x128xf32, #tpu.memory_space<vmem>> -> memref<1x80x128xf32, #tpu.memory_space<vmem>>
      %dma_wait3A_347 = tpu.memref_squeeze %dma_wait3A_346 : memref<1x80x128xf32, #tpu.memory_space<vmem>> -> memref<80x128xf32, #tpu.memory_space<vmem>>
      %dma_wait3A_348 = arith.constant 0 : i32
      %dma_wait3A_349 = arith.constant 0 : i32
      %dma_wait3A_350 = tpu.memref_slice %arg2[%dma_wait3A_348, %dma_wait3A_349] : memref<10240x128xf32, #tpu.memory_space<hbm>> -> memref<80x128xf32, #tpu.memory_space<hbm>>
      tpu.wait_dma2 semaphore(%arg14 : memref<!tpu.dma_semaphore, #tpu.memory_space<semaphore_mem>>) src(%dma_wait3A_350 : memref<80x128xf32, #tpu.memory_space<hbm>>) dst(%dma_wait3A_347 : memref<80x128xf32, #tpu.memory_space<vmem>>)
      %dma_start3A_351 = arith.constant 1 : i32
      %dma_start3A_352 = arith.constant 5 : i32
      %dma_start3A_353 = arith.constant 0 : i32
      %dma_start3A_354 = arith.constant 0 : i32
      %dma_start3A_355 = tpu.memref_slice %arg11[%dma_start3A_351, %dma_start3A_353, %dma_start3A_354] : memref<4x80x128xf32, #tpu.memory_space<vmem>> -> memref<1x80x128xf32, #tpu.memory_space<vmem>>
      %dma_start3A_356 = tpu.memref_squeeze %dma_start3A_355 : memref<1x80x128xf32, #tpu.memory_space<vmem>> -> memref<80x128xf32, #tpu.memory_space<vmem>>
      %dma_start3A_357 = arith.constant 0 : i32
      %dma_start3A_358 = tpu.memref_slice %arg9[%dma_start3A_352, %dma_start3A_357] : memref<8x80xi32, #tpu.memory_space<vmem>> -> memref<1x80xi32, #tpu.memory_space<vmem>>
      %dma_start3A_359 = tpu.memref_squeeze %dma_start3A_358 : memref<1x80xi32, #tpu.memory_space<vmem>> -> memref<80xi32, #tpu.memory_space<vmem>>
      %dma_start3A_360 = arith.constant 0 : i32
      %dma_start3A_361 = arith.constant 0 : i32
      %dma_start3A_362 = tpu.memref_slice %arg12[%dma_start3A_360, %dma_start3A_361] : memref<10240x128xf32, #tpu.memory_space<vmem_shared>> -> memref<10240x128xf32, #tpu.memory_space<vmem_shared>>
      tpu.enqueue_indirect_dma source(%dma_start3A_356 : memref<80x128xf32, #tpu.memory_space<vmem>>) target(%dma_start3A_362 : memref<10240x128xf32, #tpu.memory_space<vmem_shared>>) offsets(%dma_start3A_359 : memref<80xi32, #tpu.memory_space<vmem>>) semaphore(%arg18 : memref<!tpu.dma_semaphore, #tpu.memory_space<semaphore_mem>>) {add = true}
      %dma_wait3A_363 = arith.constant 0 : i32
      %dma_wait3A_364 = arith.constant 0 : i32
      %dma_wait3A_365 = arith.constant 0 : i32
      %dma_wait3A_366 = tpu.memref_slice %arg11[%dma_wait3A_363, %dma_wait3A_364, %dma_wait3A_365] : memref<4x80x128xf32, #tpu.memory_space<vmem>> -> memref<1x80x128xf32, #tpu.memory_space<vmem>>
      %dma_wait3A_367 = tpu.memref_squeeze %dma_wait3A_366 : memref<1x80x128xf32, #tpu.memory_space<vmem>> -> memref<80x128xf32, #tpu.memory_space<vmem>>
      %dma_wait3A_368 = arith.constant 0 : i32
      %dma_wait3A_369 = arith.constant 0 : i32
      %dma_wait3A_370 = tpu.memref_slice %arg2[%dma_wait3A_368, %dma_wait3A_369] : memref<10240x128xf32, #tpu.memory_space<hbm>> -> memref<80x128xf32, #tpu.memory_space<hbm>>
      %dma_wait3A_371 = arith.constant 0 : i32
      %dma_wait3A_372 = arith.constant 0 : i32
      %dma_wait3A_373 = tpu.memref_slice %arg11[%dma_wait3A_363, %dma_wait3A_371, %dma_wait3A_372] : memref<4x80x128xf32, #tpu.memory_space<vmem>> -> memref<1x80x128xf32, #tpu.memory_space<vmem>>
      %dma_wait3A_374 = tpu.memref_squeeze %dma_wait3A_373 : memref<1x80x128xf32, #tpu.memory_space<vmem>> -> memref<80x128xf32, #tpu.memory_space<vmem>>
      %dma_wait3A_375 = arith.constant 0 : i32
      %dma_wait3A_376 = arith.constant 0 : i32
      %dma_wait3A_377 = tpu.memref_slice %arg2[%dma_wait3A_375, %dma_wait3A_376] : memref<10240x128xf32, #tpu.memory_space<hbm>> -> memref<80x128xf32, #tpu.memory_space<hbm>>
      tpu.wait_dma2 semaphore(%arg17 : memref<!tpu.dma_semaphore, #tpu.memory_space<semaphore_mem>>) src(%dma_wait3A_377 : memref<80x128xf32, #tpu.memory_space<hbm>>) dst(%dma_wait3A_374 : memref<80x128xf32, #tpu.memory_space<vmem>>)
      %dma_wait3A_378 = arith.constant 0 : i32
      %dma_wait3A_379 = arith.constant 0 : i32
      %dma_wait3A_380 = tpu.memref_slice %arg3[%add3A, %dma_wait3A_378, %dma_wait3A_379] : memref<32x128x80xi32, #tpu.memory_space<hbm>> -> memref<1x8x80xi32, #tpu.memory_space<hbm>>
      %dma_wait3A_381 = tpu.memref_squeeze %dma_wait3A_380 : memref<1x8x80xi32, #tpu.memory_space<hbm>> -> memref<8x80xi32, #tpu.memory_space<hbm>>
      %dma_wait3A_382 = arith.constant 0 : i32
      %dma_wait3A_383 = arith.constant 0 : i32
      %dma_wait3A_384 = tpu.memref_slice %arg3[%add3A, %dma_wait3A_382, %dma_wait3A_383] : memref<32x128x80xi32, #tpu.memory_space<hbm>> -> memref<1x8x80xi32, #tpu.memory_space<hbm>>
      %dma_wait3A_385 = tpu.memref_squeeze %dma_wait3A_384 : memref<1x8x80xi32, #tpu.memory_space<hbm>> -> memref<8x80xi32, #tpu.memory_space<hbm>>
      tpu.wait_dma2 semaphore(%arg22 : memref<!tpu.dma_semaphore, #tpu.memory_space<semaphore_mem>>) src(%dma_wait3A_385 : memref<8x80xi32, #tpu.memory_space<hbm>>) dst(%arg8 : memref<8x80xi32, #tpu.memory_space<vmem>>)
      %dma_wait3A_386 = arith.constant 0 : i32
      %dma_wait3A_387 = arith.constant 0 : i32
      %dma_wait3A_388 = tpu.memref_slice %arg3[%add3A, %dma_wait3A_386, %dma_wait3A_387] : memref<32x128x80xi32, #tpu.memory_space<hbm>> -> memref<1x8x80xi32, #tpu.memory_space<hbm>>
      %dma_wait3A_389 = tpu.memref_squeeze %dma_wait3A_388 : memref<1x8x80xi32, #tpu.memory_space<hbm>> -> memref<8x80xi32, #tpu.memory_space<hbm>>
      %dma_wait3A_390 = arith.constant 0 : i32
      %dma_wait3A_391 = arith.constant 0 : i32
      %dma_wait3A_392 = tpu.memref_slice %arg3[%add3A, %dma_wait3A_390, %dma_wait3A_391] : memref<32x128x80xi32, #tpu.memory_space<hbm>> -> memref<1x8x80xi32, #tpu.memory_space<hbm>>
      %dma_wait3A_393 = tpu.memref_squeeze %dma_wait3A_392 : memref<1x8x80xi32, #tpu.memory_space<hbm>> -> memref<8x80xi32, #tpu.memory_space<hbm>>
      tpu.wait_dma2 semaphore(%arg22 : memref<!tpu.dma_semaphore, #tpu.memory_space<semaphore_mem>>) src(%dma_wait3A_393 : memref<8x80xi32, #tpu.memory_space<hbm>>) dst(%arg10 : memref<8x80xi32, #tpu.memory_space<vmem>>)
      %dma_start3A_394 = arith.constant 0 : i32
      %dma_start3A_395 = arith.constant 0 : i32
      %dma_start3A_396 = arith.constant 0 : i32
      %dma_start3A_397 = arith.constant 0 : i32
      %dma_start3A_398 = tpu.memref_slice %arg11[%dma_start3A_395, %dma_start3A_396, %dma_start3A_397] : memref<4x80x128xf32, #tpu.memory_space<vmem>> -> memref<1x80x128xf32, #tpu.memory_space<vmem>>
      %dma_start3A_399 = tpu.memref_squeeze %dma_start3A_398 : memref<1x80x128xf32, #tpu.memory_space<vmem>> -> memref<80x128xf32, #tpu.memory_space<vmem>>
      %dma_start3A_400 = arith.constant 0 : i32
      %dma_start3A_401 = tpu.memref_slice %arg8[%dma_start3A_394, %dma_start3A_400] : memref<8x80xi32, #tpu.memory_space<vmem>> -> memref<1x80xi32, #tpu.memory_space<vmem>>
      %dma_start3A_402 = tpu.memref_squeeze %dma_start3A_401 : memref<1x80xi32, #tpu.memory_space<vmem>> -> memref<80xi32, #tpu.memory_space<vmem>>
      %dma_start3A_403 = arith.constant 0 : i32
      %dma_start3A_404 = arith.constant 0 : i32
      %dma_start3A_405 = tpu.memref_slice %arg2[%dma_start3A_403, %dma_start3A_404] : memref<10240x128xf32, #tpu.memory_space<hbm>> -> memref<10240x128xf32, #tpu.memory_space<hbm>>
      tpu.enqueue_indirect_dma source(%dma_start3A_405 : memref<10240x128xf32, #tpu.memory_space<hbm>>) target(%dma_start3A_399 : memref<80x128xf32, #tpu.memory_space<vmem>>) offsets(%dma_start3A_402 : memref<80xi32, #tpu.memory_space<vmem>>) semaphore(%arg13 : memref<!tpu.dma_semaphore, #tpu.memory_space<semaphore_mem>>)
      %dma_wait3A_406 = arith.constant 2 : i32
      %dma_wait3A_407 = arith.constant 0 : i32
      %dma_wait3A_408 = arith.constant 0 : i32
      %dma_wait3A_409 = tpu.memref_slice %arg11[%dma_wait3A_406, %dma_wait3A_407, %dma_wait3A_408] : memref<4x80x128xf32, #tpu.memory_space<vmem>> -> memref<1x80x128xf32, #tpu.memory_space<vmem>>
      %dma_wait3A_410 = tpu.memref_squeeze %dma_wait3A_409 : memref<1x80x128xf32, #tpu.memory_space<vmem>> -> memref<80x128xf32, #tpu.memory_space<vmem>>
      %dma_wait3A_411 = arith.constant 0 : i32
      %dma_wait3A_412 = arith.constant 0 : i32
      %dma_wait3A_413 = tpu.memref_slice %arg2[%dma_wait3A_411, %dma_wait3A_412] : memref<10240x128xf32, #tpu.memory_space<hbm>> -> memref<80x128xf32, #tpu.memory_space<hbm>>
      %dma_wait3A_414 = arith.constant 0 : i32
      %dma_wait3A_415 = arith.constant 0 : i32
      %dma_wait3A_416 = tpu.memref_slice %arg11[%dma_wait3A_406, %dma_wait3A_414, %dma_wait3A_415] : memref<4x80x128xf32, #tpu.memory_space<vmem>> -> memref<1x80x128xf32, #tpu.memory_space<vmem>>
      %dma_wait3A_417 = tpu.memref_squeeze %dma_wait3A_416 : memref<1x80x128xf32, #tpu.memory_space<vmem>> -> memref<80x128xf32, #tpu.memory_space<vmem>>
      %dma_wait3A_418 = arith.constant 0 : i32
      %dma_wait3A_419 = arith.constant 0 : i32
      %dma_wait3A_420 = tpu.memref_slice %arg2[%dma_wait3A_418, %dma_wait3A_419] : memref<10240x128xf32, #tpu.memory_space<hbm>> -> memref<80x128xf32, #tpu.memory_space<hbm>>
      tpu.wait_dma2 semaphore(%arg15 : memref<!tpu.dma_semaphore, #tpu.memory_space<semaphore_mem>>) src(%dma_wait3A_420 : memref<80x128xf32, #tpu.memory_space<hbm>>) dst(%dma_wait3A_417 : memref<80x128xf32, #tpu.memory_space<vmem>>)
      %dma_start3A_421 = arith.constant 2 : i32
      %dma_start3A_422 = arith.constant 6 : i32
      %dma_start3A_423 = arith.constant 0 : i32
      %dma_start3A_424 = arith.constant 0 : i32
      %dma_start3A_425 = tpu.memref_slice %arg11[%dma_start3A_421, %dma_start3A_423, %dma_start3A_424] : memref<4x80x128xf32, #tpu.memory_space<vmem>> -> memref<1x80x128xf32, #tpu.memory_space<vmem>>
      %dma_start3A_426 = tpu.memref_squeeze %dma_start3A_425 : memref<1x80x128xf32, #tpu.memory_space<vmem>> -> memref<80x128xf32, #tpu.memory_space<vmem>>
      %dma_start3A_427 = arith.constant 0 : i32
      %dma_start3A_428 = tpu.memref_slice %arg9[%dma_start3A_422, %dma_start3A_427] : memref<8x80xi32, #tpu.memory_space<vmem>> -> memref<1x80xi32, #tpu.memory_space<vmem>>
      %dma_start3A_429 = tpu.memref_squeeze %dma_start3A_428 : memref<1x80xi32, #tpu.memory_space<vmem>> -> memref<80xi32, #tpu.memory_space<vmem>>
      %dma_start3A_430 = arith.constant 0 : i32
      %dma_start3A_431 = arith.constant 0 : i32
      %dma_start3A_432 = tpu.memref_slice %arg12[%dma_start3A_430, %dma_start3A_431] : memref<10240x128xf32, #tpu.memory_space<vmem_shared>> -> memref<10240x128xf32, #tpu.memory_space<vmem_shared>>
      tpu.enqueue_indirect_dma source(%dma_start3A_426 : memref<80x128xf32, #tpu.memory_space<vmem>>) target(%dma_start3A_432 : memref<10240x128xf32, #tpu.memory_space<vmem_shared>>) offsets(%dma_start3A_429 : memref<80xi32, #tpu.memory_space<vmem>>) semaphore(%arg19 : memref<!tpu.dma_semaphore, #tpu.memory_space<semaphore_mem>>) {add = true}
      %dma_wait3A_433 = arith.constant 1 : i32
      %dma_wait3A_434 = arith.constant 0 : i32
      %dma_wait3A_435 = arith.constant 0 : i32
      %dma_wait3A_436 = tpu.memref_slice %arg11[%dma_wait3A_433, %dma_wait3A_434, %dma_wait3A_435] : memref<4x80x128xf32, #tpu.memory_space<vmem>> -> memref<1x80x128xf32, #tpu.memory_space<vmem>>
      %dma_wait3A_437 = tpu.memref_squeeze %dma_wait3A_436 : memref<1x80x128xf32, #tpu.memory_space<vmem>> -> memref<80x128xf32, #tpu.memory_space<vmem>>
      %dma_wait3A_438 = arith.constant 0 : i32
      %dma_wait3A_439 = arith.constant 0 : i32
      %dma_wait3A_440 = tpu.memref_slice %arg2[%dma_wait3A_438, %dma_wait3A_439] : memref<10240x128xf32, #tpu.memory_space<hbm>> -> memref<80x128xf32, #tpu.memory_space<hbm>>
      %dma_wait3A_441 = arith.constant 0 : i32
      %dma_wait3A_442 = arith.constant 0 : i32
      %dma_wait3A_443 = tpu.memref_slice %arg11[%dma_wait3A_433, %dma_wait3A_441, %dma_wait3A_442] : memref<4x80x128xf32, #tpu.memory_space<vmem>> -> memref<1x80x128xf32, #tpu.memory_space<vmem>>
      %dma_wait3A_444 = tpu.memref_squeeze %dma_wait3A_443 : memref<1x80x128xf32, #tpu.memory_space<vmem>> -> memref<80x128xf32, #tpu.memory_space<vmem>>
      %dma_wait3A_445 = arith.constant 0 : i32
      %dma_wait3A_446 = arith.constant 0 : i32
      %dma_wait3A_447 = tpu.memref_slice %arg2[%dma_wait3A_445, %dma_wait3A_446] : memref<10240x128xf32, #tpu.memory_space<hbm>> -> memref<80x128xf32, #tpu.memory_space<hbm>>
      tpu.wait_dma2 semaphore(%arg18 : memref<!tpu.dma_semaphore, #tpu.memory_space<semaphore_mem>>) src(%dma_wait3A_447 : memref<80x128xf32, #tpu.memory_space<hbm>>) dst(%dma_wait3A_444 : memref<80x128xf32, #tpu.memory_space<vmem>>)
      %dma_start3A_448 = arith.constant 1 : i32
      %dma_start3A_449 = arith.constant 1 : i32
      %dma_start3A_450 = arith.constant 0 : i32
      %dma_start3A_451 = arith.constant 0 : i32
      %dma_start3A_452 = tpu.memref_slice %arg11[%dma_start3A_449, %dma_start3A_450, %dma_start3A_451] : memref<4x80x128xf32, #tpu.memory_space<vmem>> -> memref<1x80x128xf32, #tpu.memory_space<vmem>>
      %dma_start3A_453 = tpu.memref_squeeze %dma_start3A_452 : memref<1x80x128xf32, #tpu.memory_space<vmem>> -> memref<80x128xf32, #tpu.memory_space<vmem>>
      %dma_start3A_454 = arith.constant 0 : i32
      %dma_start3A_455 = tpu.memref_slice %arg8[%dma_start3A_448, %dma_start3A_454] : memref<8x80xi32, #tpu.memory_space<vmem>> -> memref<1x80xi32, #tpu.memory_space<vmem>>
      %dma_start3A_456 = tpu.memref_squeeze %dma_start3A_455 : memref<1x80xi32, #tpu.memory_space<vmem>> -> memref<80xi32, #tpu.memory_space<vmem>>
      %dma_start3A_457 = arith.constant 0 : i32
      %dma_start3A_458 = arith.constant 0 : i32
      %dma_start3A_459 = tpu.memref_slice %arg2[%dma_start3A_457, %dma_start3A_458] : memref<10240x128xf32, #tpu.memory_space<hbm>> -> memref<10240x128xf32, #tpu.memory_space<hbm>>
      tpu.enqueue_indirect_dma source(%dma_start3A_459 : memref<10240x128xf32, #tpu.memory_space<hbm>>) target(%dma_start3A_453 : memref<80x128xf32, #tpu.memory_space<vmem>>) offsets(%dma_start3A_456 : memref<80xi32, #tpu.memory_space<vmem>>) semaphore(%arg14 : memref<!tpu.dma_semaphore, #tpu.memory_space<semaphore_mem>>)
      %dma_wait3A_460 = arith.constant 3 : i32
      %dma_wait3A_461 = arith.constant 0 : i32
      %dma_wait3A_462 = arith.constant 0 : i32
      %dma_wait3A_463 = tpu.memref_slice %arg11[%dma_wait3A_460, %dma_wait3A_461, %dma_wait3A_462] : memref<4x80x128xf32, #tpu.memory_space<vmem>> -> memref<1x80x128xf32, #tpu.memory_space<vmem>>
      %dma_wait3A_464 = tpu.memref_squeeze %dma_wait3A_463 : memref<1x80x128xf32, #tpu.memory_space<vmem>> -> memref<80x128xf32, #tpu.memory_space<vmem>>
      %dma_wait3A_465 = arith.constant 0 : i32
      %dma_wait3A_466 = arith.constant 0 : i32
      %dma_wait3A_467 = tpu.memref_slice %arg2[%dma_wait3A_465, %dma_wait3A_466] : memref<10240x128xf32, #tpu.memory_space<hbm>> -> memref<80x128xf32, #tpu.memory_space<hbm>>
      %dma_wait3A_468 = arith.constant 0 : i32
      %dma_wait3A_469 = arith.constant 0 : i32
      %dma_wait3A_470 = tpu.memref_slice %arg11[%dma_wait3A_460, %dma_wait3A_468, %dma_wait3A_469] : memref<4x80x128xf32, #tpu.memory_space<vmem>> -> memref<1x80x128xf32, #tpu.memory_space<vmem>>
      %dma_wait3A_471 = tpu.memref_squeeze %dma_wait3A_470 : memref<1x80x128xf32, #tpu.memory_space<vmem>> -> memref<80x128xf32, #tpu.memory_space<vmem>>
      %dma_wait3A_472 = arith.constant 0 : i32
      %dma_wait3A_473 = arith.constant 0 : i32
      %dma_wait3A_474 = tpu.memref_slice %arg2[%dma_wait3A_472, %dma_wait3A_473] : memref<10240x128xf32, #tpu.memory_space<hbm>> -> memref<80x128xf32, #tpu.memory_space<hbm>>
      tpu.wait_dma2 semaphore(%arg16 : memref<!tpu.dma_semaphore, #tpu.memory_space<semaphore_mem>>) src(%dma_wait3A_474 : memref<80x128xf32, #tpu.memory_space<hbm>>) dst(%dma_wait3A_471 : memref<80x128xf32, #tpu.memory_space<vmem>>)
      %dma_start3A_475 = arith.constant 3 : i32
      %dma_start3A_476 = arith.constant 7 : i32
      %dma_start3A_477 = arith.constant 0 : i32
      %dma_start3A_478 = arith.constant 0 : i32
      %dma_start3A_479 = tpu.memref_slice %arg11[%dma_start3A_475, %dma_start3A_477, %dma_start3A_478] : memref<4x80x128xf32, #tpu.memory_space<vmem>> -> memref<1x80x128xf32, #tpu.memory_space<vmem>>
      %dma_start3A_480 = tpu.memref_squeeze %dma_start3A_479 : memref<1x80x128xf32, #tpu.memory_space<vmem>> -> memref<80x128xf32, #tpu.memory_space<vmem>>
      %dma_start3A_481 = arith.constant 0 : i32
      %dma_start3A_482 = tpu.memref_slice %arg9[%dma_start3A_476, %dma_start3A_481] : memref<8x80xi32, #tpu.memory_space<vmem>> -> memref<1x80xi32, #tpu.memory_space<vmem>>
      %dma_start3A_483 = tpu.memref_squeeze %dma_start3A_482 : memref<1x80xi32, #tpu.memory_space<vmem>> -> memref<80xi32, #tpu.memory_space<vmem>>
      %dma_start3A_484 = arith.constant 0 : i32
      %dma_start3A_485 = arith.constant 0 : i32
      %dma_start3A_486 = tpu.memref_slice %arg12[%dma_start3A_484, %dma_start3A_485] : memref<10240x128xf32, #tpu.memory_space<vmem_shared>> -> memref<10240x128xf32, #tpu.memory_space<vmem_shared>>
      tpu.enqueue_indirect_dma source(%dma_start3A_480 : memref<80x128xf32, #tpu.memory_space<vmem>>) target(%dma_start3A_486 : memref<10240x128xf32, #tpu.memory_space<vmem_shared>>) offsets(%dma_start3A_483 : memref<80xi32, #tpu.memory_space<vmem>>) semaphore(%arg20 : memref<!tpu.dma_semaphore, #tpu.memory_space<semaphore_mem>>) {add = true}
      %dma_wait3A_487 = arith.constant 2 : i32
      %dma_wait3A_488 = arith.constant 0 : i32
      %dma_wait3A_489 = arith.constant 0 : i32
      %dma_wait3A_490 = tpu.memref_slice %arg11[%dma_wait3A_487, %dma_wait3A_488, %dma_wait3A_489] : memref<4x80x128xf32, #tpu.memory_space<vmem>> -> memref<1x80x128xf32, #tpu.memory_space<vmem>>
      %dma_wait3A_491 = tpu.memref_squeeze %dma_wait3A_490 : memref<1x80x128xf32, #tpu.memory_space<vmem>> -> memref<80x128xf32, #tpu.memory_space<vmem>>
      %dma_wait3A_492 = arith.constant 0 : i32
      %dma_wait3A_493 = arith.constant 0 : i32
      %dma_wait3A_494 = tpu.memref_slice %arg2[%dma_wait3A_492, %dma_wait3A_493] : memref<10240x128xf32, #tpu.memory_space<hbm>> -> memref<80x128xf32, #tpu.memory_space<hbm>>
      %dma_wait3A_495 = arith.constant 0 : i32
      %dma_wait3A_496 = arith.constant 0 : i32
      %dma_wait3A_497 = tpu.memref_slice %arg11[%dma_wait3A_487, %dma_wait3A_495, %dma_wait3A_496] : memref<4x80x128xf32, #tpu.memory_space<vmem>> -> memref<1x80x128xf32, #tpu.memory_space<vmem>>
      %dma_wait3A_498 = tpu.memref_squeeze %dma_wait3A_497 : memref<1x80x128xf32, #tpu.memory_space<vmem>> -> memref<80x128xf32, #tpu.memory_space<vmem>>
      %dma_wait3A_499 = arith.constant 0 : i32
      %dma_wait3A_500 = arith.constant 0 : i32
      %dma_wait3A_501 = tpu.memref_slice %arg2[%dma_wait3A_499, %dma_wait3A_500] : memref<10240x128xf32, #tpu.memory_space<hbm>> -> memref<80x128xf32, #tpu.memory_space<hbm>>
      tpu.wait_dma2 semaphore(%arg19 : memref<!tpu.dma_semaphore, #tpu.memory_space<semaphore_mem>>) src(%dma_wait3A_501 : memref<80x128xf32, #tpu.memory_space<hbm>>) dst(%dma_wait3A_498 : memref<80x128xf32, #tpu.memory_space<vmem>>)
      %dma_start3A_502 = arith.constant 2 : i32
      %dma_start3A_503 = arith.constant 2 : i32
      %dma_start3A_504 = arith.constant 0 : i32
      %dma_start3A_505 = arith.constant 0 : i32
      %dma_start3A_506 = tpu.memref_slice %arg11[%dma_start3A_503, %dma_start3A_504, %dma_start3A_505] : memref<4x80x128xf32, #tpu.memory_space<vmem>> -> memref<1x80x128xf32, #tpu.memory_space<vmem>>
      %dma_start3A_507 = tpu.memref_squeeze %dma_start3A_506 : memref<1x80x128xf32, #tpu.memory_space<vmem>> -> memref<80x128xf32, #tpu.memory_space<vmem>>
      %dma_start3A_508 = arith.constant 0 : i32
      %dma_start3A_509 = tpu.memref_slice %arg8[%dma_start3A_502, %dma_start3A_508] : memref<8x80xi32, #tpu.memory_space<vmem>> -> memref<1x80xi32, #tpu.memory_space<vmem>>
      %dma_start3A_510 = tpu.memref_squeeze %dma_start3A_509 : memref<1x80xi32, #tpu.memory_space<vmem>> -> memref<80xi32, #tpu.memory_space<vmem>>
      %dma_start3A_511 = arith.constant 0 : i32
      %dma_start3A_512 = arith.constant 0 : i32
      %dma_start3A_513 = tpu.memref_slice %arg2[%dma_start3A_511, %dma_start3A_512] : memref<10240x128xf32, #tpu.memory_space<hbm>> -> memref<10240x128xf32, #tpu.memory_space<hbm>>
      tpu.enqueue_indirect_dma source(%dma_start3A_513 : memref<10240x128xf32, #tpu.memory_space<hbm>>) target(%dma_start3A_507 : memref<80x128xf32, #tpu.memory_space<vmem>>) offsets(%dma_start3A_510 : memref<80xi32, #tpu.memory_space<vmem>>) semaphore(%arg15 : memref<!tpu.dma_semaphore, #tpu.memory_space<semaphore_mem>>)
      %dma_wait3A_514 = arith.constant 0 : i32
      %dma_wait3A_515 = arith.constant 0 : i32
      %dma_wait3A_516 = arith.constant 0 : i32
      %dma_wait3A_517 = tpu.memref_slice %arg11[%dma_wait3A_514, %dma_wait3A_515, %dma_wait3A_516] : memref<4x80x128xf32, #tpu.memory_space<vmem>> -> memref<1x80x128xf32, #tpu.memory_space<vmem>>
      %dma_wait3A_518 = tpu.memref_squeeze %dma_wait3A_517 : memref<1x80x128xf32, #tpu.memory_space<vmem>> -> memref<80x128xf32, #tpu.memory_space<vmem>>
      %dma_wait3A_519 = arith.constant 0 : i32
      %dma_wait3A_520 = arith.constant 0 : i32
      %dma_wait3A_521 = tpu.memref_slice %arg2[%dma_wait3A_519, %dma_wait3A_520] : memref<10240x128xf32, #tpu.memory_space<hbm>> -> memref<80x128xf32, #tpu.memory_space<hbm>>
      %dma_wait3A_522 = arith.constant 0 : i32
      %dma_wait3A_523 = arith.constant 0 : i32
      %dma_wait3A_524 = tpu.memref_slice %arg11[%dma_wait3A_514, %dma_wait3A_522, %dma_wait3A_523] : memref<4x80x128xf32, #tpu.memory_space<vmem>> -> memref<1x80x128xf32, #tpu.memory_space<vmem>>
      %dma_wait3A_525 = tpu.memref_squeeze %dma_wait3A_524 : memref<1x80x128xf32, #tpu.memory_space<vmem>> -> memref<80x128xf32, #tpu.memory_space<vmem>>
      %dma_wait3A_526 = arith.constant 0 : i32
      %dma_wait3A_527 = arith.constant 0 : i32
      %dma_wait3A_528 = tpu.memref_slice %arg2[%dma_wait3A_526, %dma_wait3A_527] : memref<10240x128xf32, #tpu.memory_space<hbm>> -> memref<80x128xf32, #tpu.memory_space<hbm>>
      tpu.wait_dma2 semaphore(%arg13 : memref<!tpu.dma_semaphore, #tpu.memory_space<semaphore_mem>>) src(%dma_wait3A_528 : memref<80x128xf32, #tpu.memory_space<hbm>>) dst(%dma_wait3A_525 : memref<80x128xf32, #tpu.memory_space<vmem>>)
      %dma_start3A_529 = arith.constant 0 : i32
      %dma_start3A_530 = arith.constant 0 : i32
      %dma_start3A_531 = arith.constant 0 : i32
      %dma_start3A_532 = arith.constant 0 : i32
      %dma_start3A_533 = tpu.memref_slice %arg11[%dma_start3A_529, %dma_start3A_531, %dma_start3A_532] : memref<4x80x128xf32, #tpu.memory_space<vmem>> -> memref<1x80x128xf32, #tpu.memory_space<vmem>>
      %dma_start3A_534 = tpu.memref_squeeze %dma_start3A_533 : memref<1x80x128xf32, #tpu.memory_space<vmem>> -> memref<80x128xf32, #tpu.memory_space<vmem>>
      %dma_start3A_535 = arith.constant 0 : i32
      %dma_start3A_536 = tpu.memref_slice %arg10[%dma_start3A_530, %dma_start3A_535] : memref<8x80xi32, #tpu.memory_space<vmem>> -> memref<1x80xi32, #tpu.memory_space<vmem>>
      %dma_start3A_537 = tpu.memref_squeeze %dma_start3A_536 : memref<1x80xi32, #tpu.memory_space<vmem>> -> memref<80xi32, #tpu.memory_space<vmem>>
      %dma_start3A_538 = arith.constant 0 : i32
      %dma_start3A_539 = arith.constant 0 : i32
      %dma_start3A_540 = tpu.memref_slice %arg12[%dma_start3A_538, %dma_start3A_539] : memref<10240x128xf32, #tpu.memory_space<vmem_shared>> -> memref<10240x128xf32, #tpu.memory_space<vmem_shared>>
      tpu.enqueue_indirect_dma source(%dma_start3A_534 : memref<80x128xf32, #tpu.memory_space<vmem>>) target(%dma_start3A_540 : memref<10240x128xf32, #tpu.memory_space<vmem_shared>>) offsets(%dma_start3A_537 : memref<80xi32, #tpu.memory_space<vmem>>) semaphore(%arg17 : memref<!tpu.dma_semaphore, #tpu.memory_space<semaphore_mem>>) {add = true}
      %dma_wait3A_541 = arith.constant 3 : i32
      %dma_wait3A_542 = arith.constant 0 : i32
      %dma_wait3A_543 = arith.constant 0 : i32
      %dma_wait3A_544 = tpu.memref_slice %arg11[%dma_wait3A_541, %dma_wait3A_542, %dma_wait3A_543] : memref<4x80x128xf32, #tpu.memory_space<vmem>> -> memref<1x80x128xf32, #tpu.memory_space<vmem>>
      %dma_wait3A_545 = tpu.memref_squeeze %dma_wait3A_544 : memref<1x80x128xf32, #tpu.memory_space<vmem>> -> memref<80x128xf32, #tpu.memory_space<vmem>>
      %dma_wait3A_546 = arith.constant 0 : i32
      %dma_wait3A_547 = arith.constant 0 : i32
      %dma_wait3A_548 = tpu.memref_slice %arg2[%dma_wait3A_546, %dma_wait3A_547] : memref<10240x128xf32, #tpu.memory_space<hbm>> -> memref<80x128xf32, #tpu.memory_space<hbm>>
      %dma_wait3A_549 = arith.constant 0 : i32
      %dma_wait3A_550 = arith.constant 0 : i32
      %dma_wait3A_551 = tpu.memref_slice %arg11[%dma_wait3A_541, %dma_wait3A_549, %dma_wait3A_550] : memref<4x80x128xf32, #tpu.memory_space<vmem>> -> memref<1x80x128xf32, #tpu.memory_space<vmem>>
      %dma_wait3A_552 = tpu.memref_squeeze %dma_wait3A_551 : memref<1x80x128xf32, #tpu.memory_space<vmem>> -> memref<80x128xf32, #tpu.memory_space<vmem>>
      %dma_wait3A_553 = arith.constant 0 : i32
      %dma_wait3A_554 = arith.constant 0 : i32
      %dma_wait3A_555 = tpu.memref_slice %arg2[%dma_wait3A_553, %dma_wait3A_554] : memref<10240x128xf32, #tpu.memory_space<hbm>> -> memref<80x128xf32, #tpu.memory_space<hbm>>
      tpu.wait_dma2 semaphore(%arg20 : memref<!tpu.dma_semaphore, #tpu.memory_space<semaphore_mem>>) src(%dma_wait3A_555 : memref<80x128xf32, #tpu.memory_space<hbm>>) dst(%dma_wait3A_552 : memref<80x128xf32, #tpu.memory_space<vmem>>)
      %dma_start3A_556 = arith.constant 3 : i32
      %dma_start3A_557 = arith.constant 3 : i32
      %dma_start3A_558 = arith.constant 0 : i32
      %dma_start3A_559 = arith.constant 0 : i32
      %dma_start3A_560 = tpu.memref_slice %arg11[%dma_start3A_557, %dma_start3A_558, %dma_start3A_559] : memref<4x80x128xf32, #tpu.memory_space<vmem>> -> memref<1x80x128xf32, #tpu.memory_space<vmem>>
      %dma_start3A_561 = tpu.memref_squeeze %dma_start3A_560 : memref<1x80x128xf32, #tpu.memory_space<vmem>> -> memref<80x128xf32, #tpu.memory_space<vmem>>
      %dma_start3A_562 = arith.constant 0 : i32
      %dma_start3A_563 = tpu.memref_slice %arg8[%dma_start3A_556, %dma_start3A_562] : memref<8x80xi32, #tpu.memory_space<vmem>> -> memref<1x80xi32, #tpu.memory_space<vmem>>
      %dma_start3A_564 = tpu.memref_squeeze %dma_start3A_563 : memref<1x80xi32, #tpu.memory_space<vmem>> -> memref<80xi32, #tpu.memory_space<vmem>>
      %dma_start3A_565 = arith.constant 0 : i32
      %dma_start3A_566 = arith.constant 0 : i32
      %dma_start3A_567 = tpu.memref_slice %arg2[%dma_start3A_565, %dma_start3A_566] : memref<10240x128xf32, #tpu.memory_space<hbm>> -> memref<10240x128xf32, #tpu.memory_space<hbm>>
      tpu.enqueue_indirect_dma source(%dma_start3A_567 : memref<10240x128xf32, #tpu.memory_space<hbm>>) target(%dma_start3A_561 : memref<80x128xf32, #tpu.memory_space<vmem>>) offsets(%dma_start3A_564 : memref<80xi32, #tpu.memory_space<vmem>>) semaphore(%arg16 : memref<!tpu.dma_semaphore, #tpu.memory_space<semaphore_mem>>)
      %dma_wait3A_568 = arith.constant 1 : i32
      %dma_wait3A_569 = arith.constant 0 : i32
      %dma_wait3A_570 = arith.constant 0 : i32
      %dma_wait3A_571 = tpu.memref_slice %arg11[%dma_wait3A_568, %dma_wait3A_569, %dma_wait3A_570] : memref<4x80x128xf32, #tpu.memory_space<vmem>> -> memref<1x80x128xf32, #tpu.memory_space<vmem>>
      %dma_wait3A_572 = tpu.memref_squeeze %dma_wait3A_571 : memref<1x80x128xf32, #tpu.memory_space<vmem>> -> memref<80x128xf32, #tpu.memory_space<vmem>>
      %dma_wait3A_573 = arith.constant 0 : i32
      %dma_wait3A_574 = arith.constant 0 : i32
      %dma_wait3A_575 = tpu.memref_slice %arg2[%dma_wait3A_573, %dma_wait3A_574] : memref<10240x128xf32, #tpu.memory_space<hbm>> -> memref<80x128xf32, #tpu.memory_space<hbm>>
      %dma_wait3A_576 = arith.constant 0 : i32
      %dma_wait3A_577 = arith.constant 0 : i32
      %dma_wait3A_578 = tpu.memref_slice %arg11[%dma_wait3A_568, %dma_wait3A_576, %dma_wait3A_577] : memref<4x80x128xf32, #tpu.memory_space<vmem>> -> memref<1x80x128xf32, #tpu.memory_space<vmem>>
      %dma_wait3A_579 = tpu.memref_squeeze %dma_wait3A_578 : memref<1x80x128xf32, #tpu.memory_space<vmem>> -> memref<80x128xf32, #tpu.memory_space<vmem>>
      %dma_wait3A_580 = arith.constant 0 : i32
      %dma_wait3A_581 = arith.constant 0 : i32
      %dma_wait3A_582 = tpu.memref_slice %arg2[%dma_wait3A_580, %dma_wait3A_581] : memref<10240x128xf32, #tpu.memory_space<hbm>> -> memref<80x128xf32, #tpu.memory_space<hbm>>
      tpu.wait_dma2 semaphore(%arg14 : memref<!tpu.dma_semaphore, #tpu.memory_space<semaphore_mem>>) src(%dma_wait3A_582 : memref<80x128xf32, #tpu.memory_space<hbm>>) dst(%dma_wait3A_579 : memref<80x128xf32, #tpu.memory_space<vmem>>)
      %dma_start3A_583 = arith.constant 1 : i32
      %dma_start3A_584 = arith.constant 1 : i32
      %dma_start3A_585 = arith.constant 0 : i32
      %dma_start3A_586 = arith.constant 0 : i32
      %dma_start3A_587 = tpu.memref_slice %arg11[%dma_start3A_583, %dma_start3A_585, %dma_start3A_586] : memref<4x80x128xf32, #tpu.memory_space<vmem>> -> memref<1x80x128xf32, #tpu.memory_space<vmem>>
      %dma_start3A_588 = tpu.memref_squeeze %dma_start3A_587 : memref<1x80x128xf32, #tpu.memory_space<vmem>> -> memref<80x128xf32, #tpu.memory_space<vmem>>
      %dma_start3A_589 = arith.constant 0 : i32
      %dma_start3A_590 = tpu.memref_slice %arg10[%dma_start3A_584, %dma_start3A_589] : memref<8x80xi32, #tpu.memory_space<vmem>> -> memref<1x80xi32, #tpu.memory_space<vmem>>
      %dma_start3A_591 = tpu.memref_squeeze %dma_start3A_590 : memref<1x80xi32, #tpu.memory_space<vmem>> -> memref<80xi32, #tpu.memory_space<vmem>>
      %dma_start3A_592 = arith.constant 0 : i32
      %dma_start3A_593 = arith.constant 0 : i32
      %dma_start3A_594 = tpu.memref_slice %arg12[%dma_start3A_592, %dma_start3A_593] : memref<10240x128xf32, #tpu.memory_space<vmem_shared>> -> memref<10240x128xf32, #tpu.memory_space<vmem_shared>>
      tpu.enqueue_indirect_dma source(%dma_start3A_588 : memref<80x128xf32, #tpu.memory_space<vmem>>) target(%dma_start3A_594 : memref<10240x128xf32, #tpu.memory_space<vmem_shared>>) offsets(%dma_start3A_591 : memref<80xi32, #tpu.memory_space<vmem>>) semaphore(%arg18 : memref<!tpu.dma_semaphore, #tpu.memory_space<semaphore_mem>>) {add = true}
      %dma_wait3A_595 = arith.constant 0 : i32
      %dma_wait3A_596 = arith.constant 0 : i32
      %dma_wait3A_597 = arith.constant 0 : i32
      %dma_wait3A_598 = tpu.memref_slice %arg11[%dma_wait3A_595, %dma_wait3A_596, %dma_wait3A_597] : memref<4x80x128xf32, #tpu.memory_space<vmem>> -> memref<1x80x128xf32, #tpu.memory_space<vmem>>
      %dma_wait3A_599 = tpu.memref_squeeze %dma_wait3A_598 : memref<1x80x128xf32, #tpu.memory_space<vmem>> -> memref<80x128xf32, #tpu.memory_space<vmem>>
      %dma_wait3A_600 = arith.constant 0 : i32
      %dma_wait3A_601 = arith.constant 0 : i32
      %dma_wait3A_602 = tpu.memref_slice %arg2[%dma_wait3A_600, %dma_wait3A_601] : memref<10240x128xf32, #tpu.memory_space<hbm>> -> memref<80x128xf32, #tpu.memory_space<hbm>>
      %dma_wait3A_603 = arith.constant 0 : i32
      %dma_wait3A_604 = arith.constant 0 : i32
      %dma_wait3A_605 = tpu.memref_slice %arg11[%dma_wait3A_595, %dma_wait3A_603, %dma_wait3A_604] : memref<4x80x128xf32, #tpu.memory_space<vmem>> -> memref<1x80x128xf32, #tpu.memory_space<vmem>>
      %dma_wait3A_606 = tpu.memref_squeeze %dma_wait3A_605 : memref<1x80x128xf32, #tpu.memory_space<vmem>> -> memref<80x128xf32, #tpu.memory_space<vmem>>
      %dma_wait3A_607 = arith.constant 0 : i32
      %dma_wait3A_608 = arith.constant 0 : i32
      %dma_wait3A_609 = tpu.memref_slice %arg2[%dma_wait3A_607, %dma_wait3A_608] : memref<10240x128xf32, #tpu.memory_space<hbm>> -> memref<80x128xf32, #tpu.memory_space<hbm>>
      tpu.wait_dma2 semaphore(%arg17 : memref<!tpu.dma_semaphore, #tpu.memory_space<semaphore_mem>>) src(%dma_wait3A_609 : memref<80x128xf32, #tpu.memory_space<hbm>>) dst(%dma_wait3A_606 : memref<80x128xf32, #tpu.memory_space<vmem>>)
      %lt3A = arith.constant 7 : i32
      %lt3A_610 = arith.cmpi slt, %scan3A_58, %lt3A : i32
      %convert_element_type3A_611 = arith.extui %lt3A_610 : i1 to i32
      %cond3A_612 = arith.constant 0 : i32
      %cond3A_613 = arith.cmpi ne, %convert_element_type3A_611, %cond3A_612 : i32
      scf.if %cond3A_613 {
        %mul3A_929 = arith.constant 2 : i32
        %mul3A_930 = arith.muli %mul3A_929, %scan3A_58 : i32
        %add3A_931 = arith.constant 2 : i32
        %add3A_932 = arith.addi %mul3A_930, %add3A_931 : i32
        %mul3A_933 = arith.constant 8 : i32
        %mul3A_934 = arith.muli %add3A_932, %mul3A_933 : i32
        %dma_start3A_935 = arith.constant 0 : i32
        %dma_start3A_936 = tpu.memref_slice %arg3[%add3A, %mul3A_934, %dma_start3A_935] : memref<32x128x80xi32, #tpu.memory_space<hbm>> -> memref<1x8x80xi32, #tpu.memory_space<hbm>>
        %dma_start3A_937 = tpu.memref_squeeze %dma_start3A_936 : memref<1x8x80xi32, #tpu.memory_space<hbm>> -> memref<8x80xi32, #tpu.memory_space<hbm>>
        %dma_start3A_938 = arith.constant 0 : i32
        %dma_start3A_939 = tpu.memref_slice %arg3[%add3A, %mul3A_934, %dma_start3A_938] : memref<32x128x80xi32, #tpu.memory_space<hbm>> -> memref<1x8x80xi32, #tpu.memory_space<hbm>>
        %dma_start3A_940 = tpu.memref_squeeze %dma_start3A_939 : memref<1x8x80xi32, #tpu.memory_space<hbm>> -> memref<8x80xi32, #tpu.memory_space<hbm>>
        tpu.enqueue_dma source(%dma_start3A_940 : memref<8x80xi32, #tpu.memory_space<hbm>>) target(%arg7 : memref<8x80xi32, #tpu.memory_space<vmem>>) target_semaphore(%arg21 : memref<!tpu.dma_semaphore, #tpu.memory_space<semaphore_mem>>)
        %mul3A_941 = arith.constant 8 : i32
        %mul3A_942 = arith.muli %add3A_932, %mul3A_941 : i32
        %dma_start3A_943 = arith.constant 0 : i32
        %dma_start3A_944 = tpu.memref_slice %arg4[%add3A, %mul3A_942, %dma_start3A_943] : memref<32x128x80xi32, #tpu.memory_space<hbm>> -> memref<1x8x80xi32, #tpu.memory_space<hbm>>
        %dma_start3A_945 = tpu.memref_squeeze %dma_start3A_944 : memref<1x8x80xi32, #tpu.memory_space<hbm>> -> memref<8x80xi32, #tpu.memory_space<hbm>>
        %dma_start3A_946 = arith.constant 0 : i32
        %dma_start3A_947 = tpu.memref_slice %arg4[%add3A, %mul3A_942, %dma_start3A_946] : memref<32x128x80xi32, #tpu.memory_space<hbm>> -> memref<1x8x80xi32, #tpu.memory_space<hbm>>
        %dma_start3A_948 = tpu.memref_squeeze %dma_start3A_947 : memref<1x8x80xi32, #tpu.memory_space<hbm>> -> memref<8x80xi32, #tpu.memory_space<hbm>>
        tpu.enqueue_dma source(%dma_start3A_948 : memref<8x80xi32, #tpu.memory_space<hbm>>) target(%arg9 : memref<8x80xi32, #tpu.memory_space<vmem>>) target_semaphore(%arg21 : memref<!tpu.dma_semaphore, #tpu.memory_space<semaphore_mem>>)
      } else {
      }
      %dma_start3A_614 = arith.constant 4 : i32
      %dma_start3A_615 = arith.constant 0 : i32
      %dma_start3A_616 = arith.constant 0 : i32
      %dma_start3A_617 = arith.constant 0 : i32
      %dma_start3A_618 = tpu.memref_slice %arg11[%dma_start3A_615, %dma_start3A_616, %dma_start3A_617] : memref<4x80x128xf32, #tpu.memory_space<vmem>> -> memref<1x80x128xf32, #tpu.memory_space<vmem>>
      %dma_start3A_619 = tpu.memref_squeeze %dma_start3A_618 : memref<1x80x128xf32, #tpu.memory_space<vmem>> -> memref<80x128xf32, #tpu.memory_space<vmem>>
      %dma_start3A_620 = arith.constant 0 : i32
      %dma_start3A_621 = tpu.memref_slice %arg8[%dma_start3A_614, %dma_start3A_620] : memref<8x80xi32, #tpu.memory_space<vmem>> -> memref<1x80xi32, #tpu.memory_space<vmem>>
      %dma_start3A_622 = tpu.memref_squeeze %dma_start3A_621 : memref<1x80xi32, #tpu.memory_space<vmem>> -> memref<80xi32, #tpu.memory_space<vmem>>
      %dma_start3A_623 = arith.constant 0 : i32
      %dma_start3A_624 = arith.constant 0 : i32
      %dma_start3A_625 = tpu.memref_slice %arg2[%dma_start3A_623, %dma_start3A_624] : memref<10240x128xf32, #tpu.memory_space<hbm>> -> memref<10240x128xf32, #tpu.memory_space<hbm>>
      tpu.enqueue_indirect_dma source(%dma_start3A_625 : memref<10240x128xf32, #tpu.memory_space<hbm>>) target(%dma_start3A_619 : memref<80x128xf32, #tpu.memory_space<vmem>>) offsets(%dma_start3A_622 : memref<80xi32, #tpu.memory_space<vmem>>) semaphore(%arg13 : memref<!tpu.dma_semaphore, #tpu.memory_space<semaphore_mem>>)
      %dma_wait3A_626 = arith.constant 2 : i32
      %dma_wait3A_627 = arith.constant 0 : i32
      %dma_wait3A_628 = arith.constant 0 : i32
      %dma_wait3A_629 = tpu.memref_slice %arg11[%dma_wait3A_626, %dma_wait3A_627, %dma_wait3A_628] : memref<4x80x128xf32, #tpu.memory_space<vmem>> -> memref<1x80x128xf32, #tpu.memory_space<vmem>>
      %dma_wait3A_630 = tpu.memref_squeeze %dma_wait3A_629 : memref<1x80x128xf32, #tpu.memory_space<vmem>> -> memref<80x128xf32, #tpu.memory_space<vmem>>
      %dma_wait3A_631 = arith.constant 0 : i32
      %dma_wait3A_632 = arith.constant 0 : i32
      %dma_wait3A_633 = tpu.memref_slice %arg2[%dma_wait3A_631, %dma_wait3A_632] : memref<10240x128xf32, #tpu.memory_space<hbm>> -> memref<80x128xf32, #tpu.memory_space<hbm>>
      %dma_wait3A_634 = arith.constant 0 : i32
      %dma_wait3A_635 = arith.constant 0 : i32
      %dma_wait3A_636 = tpu.memref_slice %arg11[%dma_wait3A_626, %dma_wait3A_634, %dma_wait3A_635] : memref<4x80x128xf32, #tpu.memory_space<vmem>> -> memref<1x80x128xf32, #tpu.memory_space<vmem>>
      %dma_wait3A_637 = tpu.memref_squeeze %dma_wait3A_636 : memref<1x80x128xf32, #tpu.memory_space<vmem>> -> memref<80x128xf32, #tpu.memory_space<vmem>>
      %dma_wait3A_638 = arith.constant 0 : i32
      %dma_wait3A_639 = arith.constant 0 : i32
      %dma_wait3A_640 = tpu.memref_slice %arg2[%dma_wait3A_638, %dma_wait3A_639] : memref<10240x128xf32, #tpu.memory_space<hbm>> -> memref<80x128xf32, #tpu.memory_space<hbm>>
      tpu.wait_dma2 semaphore(%arg15 : memref<!tpu.dma_semaphore, #tpu.memory_space<semaphore_mem>>) src(%dma_wait3A_640 : memref<80x128xf32, #tpu.memory_space<hbm>>) dst(%dma_wait3A_637 : memref<80x128xf32, #tpu.memory_space<vmem>>)
      %dma_start3A_641 = arith.constant 2 : i32
      %dma_start3A_642 = arith.constant 2 : i32
      %dma_start3A_643 = arith.constant 0 : i32
      %dma_start3A_644 = arith.constant 0 : i32
      %dma_start3A_645 = tpu.memref_slice %arg11[%dma_start3A_641, %dma_start3A_643, %dma_start3A_644] : memref<4x80x128xf32, #tpu.memory_space<vmem>> -> memref<1x80x128xf32, #tpu.memory_space<vmem>>
      %dma_start3A_646 = tpu.memref_squeeze %dma_start3A_645 : memref<1x80x128xf32, #tpu.memory_space<vmem>> -> memref<80x128xf32, #tpu.memory_space<vmem>>
      %dma_start3A_647 = arith.constant 0 : i32
      %dma_start3A_648 = tpu.memref_slice %arg10[%dma_start3A_642, %dma_start3A_647] : memref<8x80xi32, #tpu.memory_space<vmem>> -> memref<1x80xi32, #tpu.memory_space<vmem>>
      %dma_start3A_649 = tpu.memref_squeeze %dma_start3A_648 : memref<1x80xi32, #tpu.memory_space<vmem>> -> memref<80xi32, #tpu.memory_space<vmem>>
      %dma_start3A_650 = arith.constant 0 : i32
      %dma_start3A_651 = arith.constant 0 : i32
      %dma_start3A_652 = tpu.memref_slice %arg12[%dma_start3A_650, %dma_start3A_651] : memref<10240x128xf32, #tpu.memory_space<vmem_shared>> -> memref<10240x128xf32, #tpu.memory_space<vmem_shared>>
      tpu.enqueue_indirect_dma source(%dma_start3A_646 : memref<80x128xf32, #tpu.memory_space<vmem>>) target(%dma_start3A_652 : memref<10240x128xf32, #tpu.memory_space<vmem_shared>>) offsets(%dma_start3A_649 : memref<80xi32, #tpu.memory_space<vmem>>) semaphore(%arg19 : memref<!tpu.dma_semaphore, #tpu.memory_space<semaphore_mem>>) {add = true}
      %dma_wait3A_653 = arith.constant 1 : i32
      %dma_wait3A_654 = arith.constant 0 : i32
      %dma_wait3A_655 = arith.constant 0 : i32
      %dma_wait3A_656 = tpu.memref_slice %arg11[%dma_wait3A_653, %dma_wait3A_654, %dma_wait3A_655] : memref<4x80x128xf32, #tpu.memory_space<vmem>> -> memref<1x80x128xf32, #tpu.memory_space<vmem>>
      %dma_wait3A_657 = tpu.memref_squeeze %dma_wait3A_656 : memref<1x80x128xf32, #tpu.memory_space<vmem>> -> memref<80x128xf32, #tpu.memory_space<vmem>>
      %dma_wait3A_658 = arith.constant 0 : i32
      %dma_wait3A_659 = arith.constant 0 : i32
      %dma_wait3A_660 = tpu.memref_slice %arg2[%dma_wait3A_658, %dma_wait3A_659] : memref<10240x128xf32, #tpu.memory_space<hbm>> -> memref<80x128xf32, #tpu.memory_space<hbm>>
      %dma_wait3A_661 = arith.constant 0 : i32
      %dma_wait3A_662 = arith.constant 0 : i32
      %dma_wait3A_663 = tpu.memref_slice %arg11[%dma_wait3A_653, %dma_wait3A_661, %dma_wait3A_662] : memref<4x80x128xf32, #tpu.memory_space<vmem>> -> memref<1x80x128xf32, #tpu.memory_space<vmem>>
      %dma_wait3A_664 = tpu.memref_squeeze %dma_wait3A_663 : memref<1x80x128xf32, #tpu.memory_space<vmem>> -> memref<80x128xf32, #tpu.memory_space<vmem>>
      %dma_wait3A_665 = arith.constant 0 : i32
      %dma_wait3A_666 = arith.constant 0 : i32
      %dma_wait3A_667 = tpu.memref_slice %arg2[%dma_wait3A_665, %dma_wait3A_666] : memref<10240x128xf32, #tpu.memory_space<hbm>> -> memref<80x128xf32, #tpu.memory_space<hbm>>
      tpu.wait_dma2 semaphore(%arg18 : memref<!tpu.dma_semaphore, #tpu.memory_space<semaphore_mem>>) src(%dma_wait3A_667 : memref<80x128xf32, #tpu.memory_space<hbm>>) dst(%dma_wait3A_664 : memref<80x128xf32, #tpu.memory_space<vmem>>)
      %dma_start3A_668 = arith.constant 5 : i32
      %dma_start3A_669 = arith.constant 1 : i32
      %dma_start3A_670 = arith.constant 0 : i32
      %dma_start3A_671 = arith.constant 0 : i32
      %dma_start3A_672 = tpu.memref_slice %arg11[%dma_start3A_669, %dma_start3A_670, %dma_start3A_671] : memref<4x80x128xf32, #tpu.memory_space<vmem>> -> memref<1x80x128xf32, #tpu.memory_space<vmem>>
      %dma_start3A_673 = tpu.memref_squeeze %dma_start3A_672 : memref<1x80x128xf32, #tpu.memory_space<vmem>> -> memref<80x128xf32, #tpu.memory_space<vmem>>
      %dma_start3A_674 = arith.constant 0 : i32
      %dma_start3A_675 = tpu.memref_slice %arg8[%dma_start3A_668, %dma_start3A_674] : memref<8x80xi32, #tpu.memory_space<vmem>> -> memref<1x80xi32, #tpu.memory_space<vmem>>
      %dma_start3A_676 = tpu.memref_squeeze %dma_start3A_675 : memref<1x80xi32, #tpu.memory_space<vmem>> -> memref<80xi32, #tpu.memory_space<vmem>>
      %dma_start3A_677 = arith.constant 0 : i32
      %dma_start3A_678 = arith.constant 0 : i32
      %dma_start3A_679 = tpu.memref_slice %arg2[%dma_start3A_677, %dma_start3A_678] : memref<10240x128xf32, #tpu.memory_space<hbm>> -> memref<10240x128xf32, #tpu.memory_space<hbm>>
      tpu.enqueue_indirect_dma source(%dma_start3A_679 : memref<10240x128xf32, #tpu.memory_space<hbm>>) target(%dma_start3A_673 : memref<80x128xf32, #tpu.memory_space<vmem>>) offsets(%dma_start3A_676 : memref<80xi32, #tpu.memory_space<vmem>>) semaphore(%arg14 : memref<!tpu.dma_semaphore, #tpu.memory_space<semaphore_mem>>)
      %dma_wait3A_680 = arith.constant 3 : i32
      %dma_wait3A_681 = arith.constant 0 : i32
      %dma_wait3A_682 = arith.constant 0 : i32
      %dma_wait3A_683 = tpu.memref_slice %arg11[%dma_wait3A_680, %dma_wait3A_681, %dma_wait3A_682] : memref<4x80x128xf32, #tpu.memory_space<vmem>> -> memref<1x80x128xf32, #tpu.memory_space<vmem>>
      %dma_wait3A_684 = tpu.memref_squeeze %dma_wait3A_683 : memref<1x80x128xf32, #tpu.memory_space<vmem>> -> memref<80x128xf32, #tpu.memory_space<vmem>>
      %dma_wait3A_685 = arith.constant 0 : i32
      %dma_wait3A_686 = arith.constant 0 : i32
      %dma_wait3A_687 = tpu.memref_slice %arg2[%dma_wait3A_685, %dma_wait3A_686] : memref<10240x128xf32, #tpu.memory_space<hbm>> -> memref<80x128xf32, #tpu.memory_space<hbm>>
      %dma_wait3A_688 = arith.constant 0 : i32
      %dma_wait3A_689 = arith.constant 0 : i32
      %dma_wait3A_690 = tpu.memref_slice %arg11[%dma_wait3A_680, %dma_wait3A_688, %dma_wait3A_689] : memref<4x80x128xf32, #tpu.memory_space<vmem>> -> memref<1x80x128xf32, #tpu.memory_space<vmem>>
      %dma_wait3A_691 = tpu.memref_squeeze %dma_wait3A_690 : memref<1x80x128xf32, #tpu.memory_space<vmem>> -> memref<80x128xf32, #tpu.memory_space<vmem>>
      %dma_wait3A_692 = arith.constant 0 : i32
      %dma_wait3A_693 = arith.constant 0 : i32
      %dma_wait3A_694 = tpu.memref_slice %arg2[%dma_wait3A_692, %dma_wait3A_693] : memref<10240x128xf32, #tpu.memory_space<hbm>> -> memref<80x128xf32, #tpu.memory_space<hbm>>
      tpu.wait_dma2 semaphore(%arg16 : memref<!tpu.dma_semaphore, #tpu.memory_space<semaphore_mem>>) src(%dma_wait3A_694 : memref<80x128xf32, #tpu.memory_space<hbm>>) dst(%dma_wait3A_691 : memref<80x128xf32, #tpu.memory_space<vmem>>)
      %dma_start3A_695 = arith.constant 3 : i32
      %dma_start3A_696 = arith.constant 3 : i32
      %dma_start3A_697 = arith.constant 0 : i32
      %dma_start3A_698 = arith.constant 0 : i32
      %dma_start3A_699 = tpu.memref_slice %arg11[%dma_start3A_695, %dma_start3A_697, %dma_start3A_698] : memref<4x80x128xf32, #tpu.memory_space<vmem>> -> memref<1x80x128xf32, #tpu.memory_space<vmem>>
      %dma_start3A_700 = tpu.memref_squeeze %dma_start3A_699 : memref<1x80x128xf32, #tpu.memory_space<vmem>> -> memref<80x128xf32, #tpu.memory_space<vmem>>
      %dma_start3A_701 = arith.constant 0 : i32
      %dma_start3A_702 = tpu.memref_slice %arg10[%dma_start3A_696, %dma_start3A_701] : memref<8x80xi32, #tpu.memory_space<vmem>> -> memref<1x80xi32, #tpu.memory_space<vmem>>
      %dma_start3A_703 = tpu.memref_squeeze %dma_start3A_702 : memref<1x80xi32, #tpu.memory_space<vmem>> -> memref<80xi32, #tpu.memory_space<vmem>>
      %dma_start3A_704 = arith.constant 0 : i32
      %dma_start3A_705 = arith.constant 0 : i32
      %dma_start3A_706 = tpu.memref_slice %arg12[%dma_start3A_704, %dma_start3A_705] : memref<10240x128xf32, #tpu.memory_space<vmem_shared>> -> memref<10240x128xf32, #tpu.memory_space<vmem_shared>>
      tpu.enqueue_indirect_dma source(%dma_start3A_700 : memref<80x128xf32, #tpu.memory_space<vmem>>) target(%dma_start3A_706 : memref<10240x128xf32, #tpu.memory_space<vmem_shared>>) offsets(%dma_start3A_703 : memref<80xi32, #tpu.memory_space<vmem>>) semaphore(%arg20 : memref<!tpu.dma_semaphore, #tpu.memory_space<semaphore_mem>>) {add = true}
      %dma_wait3A_707 = arith.constant 2 : i32
      %dma_wait3A_708 = arith.constant 0 : i32
      %dma_wait3A_709 = arith.constant 0 : i32
      %dma_wait3A_710 = tpu.memref_slice %arg11[%dma_wait3A_707, %dma_wait3A_708, %dma_wait3A_709] : memref<4x80x128xf32, #tpu.memory_space<vmem>> -> memref<1x80x128xf32, #tpu.memory_space<vmem>>
      %dma_wait3A_711 = tpu.memref_squeeze %dma_wait3A_710 : memref<1x80x128xf32, #tpu.memory_space<vmem>> -> memref<80x128xf32, #tpu.memory_space<vmem>>
      %dma_wait3A_712 = arith.constant 0 : i32
      %dma_wait3A_713 = arith.constant 0 : i32
      %dma_wait3A_714 = tpu.memref_slice %arg2[%dma_wait3A_712, %dma_wait3A_713] : memref<10240x128xf32, #tpu.memory_space<hbm>> -> memref<80x128xf32, #tpu.memory_space<hbm>>
      %dma_wait3A_715 = arith.constant 0 : i32
      %dma_wait3A_716 = arith.constant 0 : i32
      %dma_wait3A_717 = tpu.memref_slice %arg11[%dma_wait3A_707, %dma_wait3A_715, %dma_wait3A_716] : memref<4x80x128xf32, #tpu.memory_space<vmem>> -> memref<1x80x128xf32, #tpu.memory_space<vmem>>
      %dma_wait3A_718 = tpu.memref_squeeze %dma_wait3A_717 : memref<1x80x128xf32, #tpu.memory_space<vmem>> -> memref<80x128xf32, #tpu.memory_space<vmem>>
      %dma_wait3A_719 = arith.constant 0 : i32
      %dma_wait3A_720 = arith.constant 0 : i32
      %dma_wait3A_721 = tpu.memref_slice %arg2[%dma_wait3A_719, %dma_wait3A_720] : memref<10240x128xf32, #tpu.memory_space<hbm>> -> memref<80x128xf32, #tpu.memory_space<hbm>>
      tpu.wait_dma2 semaphore(%arg19 : memref<!tpu.dma_semaphore, #tpu.memory_space<semaphore_mem>>) src(%dma_wait3A_721 : memref<80x128xf32, #tpu.memory_space<hbm>>) dst(%dma_wait3A_718 : memref<80x128xf32, #tpu.memory_space<vmem>>)
      %dma_start3A_722 = arith.constant 6 : i32
      %dma_start3A_723 = arith.constant 2 : i32
      %dma_start3A_724 = arith.constant 0 : i32
      %dma_start3A_725 = arith.constant 0 : i32
      %dma_start3A_726 = tpu.memref_slice %arg11[%dma_start3A_723, %dma_start3A_724, %dma_start3A_725] : memref<4x80x128xf32, #tpu.memory_space<vmem>> -> memref<1x80x128xf32, #tpu.memory_space<vmem>>
      %dma_start3A_727 = tpu.memref_squeeze %dma_start3A_726 : memref<1x80x128xf32, #tpu.memory_space<vmem>> -> memref<80x128xf32, #tpu.memory_space<vmem>>
      %dma_start3A_728 = arith.constant 0 : i32
      %dma_start3A_729 = tpu.memref_slice %arg8[%dma_start3A_722, %dma_start3A_728] : memref<8x80xi32, #tpu.memory_space<vmem>> -> memref<1x80xi32, #tpu.memory_space<vmem>>
      %dma_start3A_730 = tpu.memref_squeeze %dma_start3A_729 : memref<1x80xi32, #tpu.memory_space<vmem>> -> memref<80xi32, #tpu.memory_space<vmem>>
      %dma_start3A_731 = arith.constant 0 : i32
      %dma_start3A_732 = arith.constant 0 : i32
      %dma_start3A_733 = tpu.memref_slice %arg2[%dma_start3A_731, %dma_start3A_732] : memref<10240x128xf32, #tpu.memory_space<hbm>> -> memref<10240x128xf32, #tpu.memory_space<hbm>>
      tpu.enqueue_indirect_dma source(%dma_start3A_733 : memref<10240x128xf32, #tpu.memory_space<hbm>>) target(%dma_start3A_727 : memref<80x128xf32, #tpu.memory_space<vmem>>) offsets(%dma_start3A_730 : memref<80xi32, #tpu.memory_space<vmem>>) semaphore(%arg15 : memref<!tpu.dma_semaphore, #tpu.memory_space<semaphore_mem>>)
      %dma_wait3A_734 = arith.constant 0 : i32
      %dma_wait3A_735 = arith.constant 0 : i32
      %dma_wait3A_736 = arith.constant 0 : i32
      %dma_wait3A_737 = tpu.memref_slice %arg11[%dma_wait3A_734, %dma_wait3A_735, %dma_wait3A_736] : memref<4x80x128xf32, #tpu.memory_space<vmem>> -> memref<1x80x128xf32, #tpu.memory_space<vmem>>
      %dma_wait3A_738 = tpu.memref_squeeze %dma_wait3A_737 : memref<1x80x128xf32, #tpu.memory_space<vmem>> -> memref<80x128xf32, #tpu.memory_space<vmem>>
      %dma_wait3A_739 = arith.constant 0 : i32
      %dma_wait3A_740 = arith.constant 0 : i32
      %dma_wait3A_741 = tpu.memref_slice %arg2[%dma_wait3A_739, %dma_wait3A_740] : memref<10240x128xf32, #tpu.memory_space<hbm>> -> memref<80x128xf32, #tpu.memory_space<hbm>>
      %dma_wait3A_742 = arith.constant 0 : i32
      %dma_wait3A_743 = arith.constant 0 : i32
      %dma_wait3A_744 = tpu.memref_slice %arg11[%dma_wait3A_734, %dma_wait3A_742, %dma_wait3A_743] : memref<4x80x128xf32, #tpu.memory_space<vmem>> -> memref<1x80x128xf32, #tpu.memory_space<vmem>>
      %dma_wait3A_745 = tpu.memref_squeeze %dma_wait3A_744 : memref<1x80x128xf32, #tpu.memory_space<vmem>> -> memref<80x128xf32, #tpu.memory_space<vmem>>
      %dma_wait3A_746 = arith.constant 0 : i32
      %dma_wait3A_747 = arith.constant 0 : i32
      %dma_wait3A_748 = tpu.memref_slice %arg2[%dma_wait3A_746, %dma_wait3A_747] : memref<10240x128xf32, #tpu.memory_space<hbm>> -> memref<80x128xf32, #tpu.memory_space<hbm>>
      tpu.wait_dma2 semaphore(%arg13 : memref<!tpu.dma_semaphore, #tpu.memory_space<semaphore_mem>>) src(%dma_wait3A_748 : memref<80x128xf32, #tpu.memory_space<hbm>>) dst(%dma_wait3A_745 : memref<80x128xf32, #tpu.memory_space<vmem>>)
      %dma_start3A_749 = arith.constant 0 : i32
      %dma_start3A_750 = arith.constant 4 : i32
      %dma_start3A_751 = arith.constant 0 : i32
      %dma_start3A_752 = arith.constant 0 : i32
      %dma_start3A_753 = tpu.memref_slice %arg11[%dma_start3A_749, %dma_start3A_751, %dma_start3A_752] : memref<4x80x128xf32, #tpu.memory_space<vmem>> -> memref<1x80x128xf32, #tpu.memory_space<vmem>>
      %dma_start3A_754 = tpu.memref_squeeze %dma_start3A_753 : memref<1x80x128xf32, #tpu.memory_space<vmem>> -> memref<80x128xf32, #tpu.memory_space<vmem>>
      %dma_start3A_755 = arith.constant 0 : i32
      %dma_start3A_756 = tpu.memref_slice %arg10[%dma_start3A_750, %dma_start3A_755] : memref<8x80xi32, #tpu.memory_space<vmem>> -> memref<1x80xi32, #tpu.memory_space<vmem>>
      %dma_start3A_757 = tpu.memref_squeeze %dma_start3A_756 : memref<1x80xi32, #tpu.memory_space<vmem>> -> memref<80xi32, #tpu.memory_space<vmem>>
      %dma_start3A_758 = arith.constant 0 : i32
      %dma_start3A_759 = arith.constant 0 : i32
      %dma_start3A_760 = tpu.memref_slice %arg12[%dma_start3A_758, %dma_start3A_759] : memref<10240x128xf32, #tpu.memory_space<vmem_shared>> -> memref<10240x128xf32, #tpu.memory_space<vmem_shared>>
      tpu.enqueue_indirect_dma source(%dma_start3A_754 : memref<80x128xf32, #tpu.memory_space<vmem>>) target(%dma_start3A_760 : memref<10240x128xf32, #tpu.memory_space<vmem_shared>>) offsets(%dma_start3A_757 : memref<80xi32, #tpu.memory_space<vmem>>) semaphore(%arg17 : memref<!tpu.dma_semaphore, #tpu.memory_space<semaphore_mem>>) {add = true}
      %dma_wait3A_761 = arith.constant 3 : i32
      %dma_wait3A_762 = arith.constant 0 : i32
      %dma_wait3A_763 = arith.constant 0 : i32
      %dma_wait3A_764 = tpu.memref_slice %arg11[%dma_wait3A_761, %dma_wait3A_762, %dma_wait3A_763] : memref<4x80x128xf32, #tpu.memory_space<vmem>> -> memref<1x80x128xf32, #tpu.memory_space<vmem>>
      %dma_wait3A_765 = tpu.memref_squeeze %dma_wait3A_764 : memref<1x80x128xf32, #tpu.memory_space<vmem>> -> memref<80x128xf32, #tpu.memory_space<vmem>>
      %dma_wait3A_766 = arith.constant 0 : i32
      %dma_wait3A_767 = arith.constant 0 : i32
      %dma_wait3A_768 = tpu.memref_slice %arg2[%dma_wait3A_766, %dma_wait3A_767] : memref<10240x128xf32, #tpu.memory_space<hbm>> -> memref<80x128xf32, #tpu.memory_space<hbm>>
      %dma_wait3A_769 = arith.constant 0 : i32
      %dma_wait3A_770 = arith.constant 0 : i32
      %dma_wait3A_771 = tpu.memref_slice %arg11[%dma_wait3A_761, %dma_wait3A_769, %dma_wait3A_770] : memref<4x80x128xf32, #tpu.memory_space<vmem>> -> memref<1x80x128xf32, #tpu.memory_space<vmem>>
      %dma_wait3A_772 = tpu.memref_squeeze %dma_wait3A_771 : memref<1x80x128xf32, #tpu.memory_space<vmem>> -> memref<80x128xf32, #tpu.memory_space<vmem>>
      %dma_wait3A_773 = arith.constant 0 : i32
      %dma_wait3A_774 = arith.constant 0 : i32
      %dma_wait3A_775 = tpu.memref_slice %arg2[%dma_wait3A_773, %dma_wait3A_774] : memref<10240x128xf32, #tpu.memory_space<hbm>> -> memref<80x128xf32, #tpu.memory_space<hbm>>
      tpu.wait_dma2 semaphore(%arg20 : memref<!tpu.dma_semaphore, #tpu.memory_space<semaphore_mem>>) src(%dma_wait3A_775 : memref<80x128xf32, #tpu.memory_space<hbm>>) dst(%dma_wait3A_772 : memref<80x128xf32, #tpu.memory_space<vmem>>)
      %dma_start3A_776 = arith.constant 7 : i32
      %dma_start3A_777 = arith.constant 3 : i32
      %dma_start3A_778 = arith.constant 0 : i32
      %dma_start3A_779 = arith.constant 0 : i32
      %dma_start3A_780 = tpu.memref_slice %arg11[%dma_start3A_777, %dma_start3A_778, %dma_start3A_779] : memref<4x80x128xf32, #tpu.memory_space<vmem>> -> memref<1x80x128xf32, #tpu.memory_space<vmem>>
      %dma_start3A_781 = tpu.memref_squeeze %dma_start3A_780 : memref<1x80x128xf32, #tpu.memory_space<vmem>> -> memref<80x128xf32, #tpu.memory_space<vmem>>
      %dma_start3A_782 = arith.constant 0 : i32
      %dma_start3A_783 = tpu.memref_slice %arg8[%dma_start3A_776, %dma_start3A_782] : memref<8x80xi32, #tpu.memory_space<vmem>> -> memref<1x80xi32, #tpu.memory_space<vmem>>
      %dma_start3A_784 = tpu.memref_squeeze %dma_start3A_783 : memref<1x80xi32, #tpu.memory_space<vmem>> -> memref<80xi32, #tpu.memory_space<vmem>>
      %dma_start3A_785 = arith.constant 0 : i32
      %dma_start3A_786 = arith.constant 0 : i32
      %dma_start3A_787 = tpu.memref_slice %arg2[%dma_start3A_785, %dma_start3A_786] : memref<10240x128xf32, #tpu.memory_space<hbm>> -> memref<10240x128xf32, #tpu.memory_space<hbm>>
      tpu.enqueue_indirect_dma source(%dma_start3A_787 : memref<10240x128xf32, #tpu.memory_space<hbm>>) target(%dma_start3A_781 : memref<80x128xf32, #tpu.memory_space<vmem>>) offsets(%dma_start3A_784 : memref<80xi32, #tpu.memory_space<vmem>>) semaphore(%arg16 : memref<!tpu.dma_semaphore, #tpu.memory_space<semaphore_mem>>)
      %dma_wait3A_788 = arith.constant 1 : i32
      %dma_wait3A_789 = arith.constant 0 : i32
      %dma_wait3A_790 = arith.constant 0 : i32
      %dma_wait3A_791 = tpu.memref_slice %arg11[%dma_wait3A_788, %dma_wait3A_789, %dma_wait3A_790] : memref<4x80x128xf32, #tpu.memory_space<vmem>> -> memref<1x80x128xf32, #tpu.memory_space<vmem>>
      %dma_wait3A_792 = tpu.memref_squeeze %dma_wait3A_791 : memref<1x80x128xf32, #tpu.memory_space<vmem>> -> memref<80x128xf32, #tpu.memory_space<vmem>>
      %dma_wait3A_793 = arith.constant 0 : i32
      %dma_wait3A_794 = arith.constant 0 : i32
      %dma_wait3A_795 = tpu.memref_slice %arg2[%dma_wait3A_793, %dma_wait3A_794] : memref<10240x128xf32, #tpu.memory_space<hbm>> -> memref<80x128xf32, #tpu.memory_space<hbm>>
      %dma_wait3A_796 = arith.constant 0 : i32
      %dma_wait3A_797 = arith.constant 0 : i32
      %dma_wait3A_798 = tpu.memref_slice %arg11[%dma_wait3A_788, %dma_wait3A_796, %dma_wait3A_797] : memref<4x80x128xf32, #tpu.memory_space<vmem>> -> memref<1x80x128xf32, #tpu.memory_space<vmem>>
      %dma_wait3A_799 = tpu.memref_squeeze %dma_wait3A_798 : memref<1x80x128xf32, #tpu.memory_space<vmem>> -> memref<80x128xf32, #tpu.memory_space<vmem>>
      %dma_wait3A_800 = arith.constant 0 : i32
      %dma_wait3A_801 = arith.constant 0 : i32
      %dma_wait3A_802 = tpu.memref_slice %arg2[%dma_wait3A_800, %dma_wait3A_801] : memref<10240x128xf32, #tpu.memory_space<hbm>> -> memref<80x128xf32, #tpu.memory_space<hbm>>
      tpu.wait_dma2 semaphore(%arg14 : memref<!tpu.dma_semaphore, #tpu.memory_space<semaphore_mem>>) src(%dma_wait3A_802 : memref<80x128xf32, #tpu.memory_space<hbm>>) dst(%dma_wait3A_799 : memref<80x128xf32, #tpu.memory_space<vmem>>)
      %dma_start3A_803 = arith.constant 1 : i32
      %dma_start3A_804 = arith.constant 5 : i32
      %dma_start3A_805 = arith.constant 0 : i32
      %dma_start3A_806 = arith.constant 0 : i32
      %dma_start3A_807 = tpu.memref_slice %arg11[%dma_start3A_803, %dma_start3A_805, %dma_start3A_806] : memref<4x80x128xf32, #tpu.memory_space<vmem>> -> memref<1x80x128xf32, #tpu.memory_space<vmem>>
      %dma_start3A_808 = tpu.memref_squeeze %dma_start3A_807 : memref<1x80x128xf32, #tpu.memory_space<vmem>> -> memref<80x128xf32, #tpu.memory_space<vmem>>
      %dma_start3A_809 = arith.constant 0 : i32
      %dma_start3A_810 = tpu.memref_slice %arg10[%dma_start3A_804, %dma_start3A_809] : memref<8x80xi32, #tpu.memory_space<vmem>> -> memref<1x80xi32, #tpu.memory_space<vmem>>
      %dma_start3A_811 = tpu.memref_squeeze %dma_start3A_810 : memref<1x80xi32, #tpu.memory_space<vmem>> -> memref<80xi32, #tpu.memory_space<vmem>>
      %dma_start3A_812 = arith.constant 0 : i32
      %dma_start3A_813 = arith.constant 0 : i32
      %dma_start3A_814 = tpu.memref_slice %arg12[%dma_start3A_812, %dma_start3A_813] : memref<10240x128xf32, #tpu.memory_space<vmem_shared>> -> memref<10240x128xf32, #tpu.memory_space<vmem_shared>>
      tpu.enqueue_indirect_dma source(%dma_start3A_808 : memref<80x128xf32, #tpu.memory_space<vmem>>) target(%dma_start3A_814 : memref<10240x128xf32, #tpu.memory_space<vmem_shared>>) offsets(%dma_start3A_811 : memref<80xi32, #tpu.memory_space<vmem>>) semaphore(%arg18 : memref<!tpu.dma_semaphore, #tpu.memory_space<semaphore_mem>>) {add = true}
      %dma_wait3A_815 = arith.constant 0 : i32
      %dma_wait3A_816 = arith.constant 0 : i32
      %dma_wait3A_817 = arith.constant 0 : i32
      %dma_wait3A_818 = tpu.memref_slice %arg11[%dma_wait3A_815, %dma_wait3A_816, %dma_wait3A_817] : memref<4x80x128xf32, #tpu.memory_space<vmem>> -> memref<1x80x128xf32, #tpu.memory_space<vmem>>
      %dma_wait3A_819 = tpu.memref_squeeze %dma_wait3A_818 : memref<1x80x128xf32, #tpu.memory_space<vmem>> -> memref<80x128xf32, #tpu.memory_space<vmem>>
      %dma_wait3A_820 = arith.constant 0 : i32
      %dma_wait3A_821 = arith.constant 0 : i32
      %dma_wait3A_822 = tpu.memref_slice %arg2[%dma_wait3A_820, %dma_wait3A_821] : memref<10240x128xf32, #tpu.memory_space<hbm>> -> memref<80x128xf32, #tpu.memory_space<hbm>>
      %dma_wait3A_823 = arith.constant 0 : i32
      %dma_wait3A_824 = arith.constant 0 : i32
      %dma_wait3A_825 = tpu.memref_slice %arg11[%dma_wait3A_815, %dma_wait3A_823, %dma_wait3A_824] : memref<4x80x128xf32, #tpu.memory_space<vmem>> -> memref<1x80x128xf32, #tpu.memory_space<vmem>>
      %dma_wait3A_826 = tpu.memref_squeeze %dma_wait3A_825 : memref<1x80x128xf32, #tpu.memory_space<vmem>> -> memref<80x128xf32, #tpu.memory_space<vmem>>
      %dma_wait3A_827 = arith.constant 0 : i32
      %dma_wait3A_828 = arith.constant 0 : i32
      %dma_wait3A_829 = tpu.memref_slice %arg2[%dma_wait3A_827, %dma_wait3A_828] : memref<10240x128xf32, #tpu.memory_space<hbm>> -> memref<80x128xf32, #tpu.memory_space<hbm>>
      tpu.wait_dma2 semaphore(%arg17 : memref<!tpu.dma_semaphore, #tpu.memory_space<semaphore_mem>>) src(%dma_wait3A_829 : memref<80x128xf32, #tpu.memory_space<hbm>>) dst(%dma_wait3A_826 : memref<80x128xf32, #tpu.memory_space<vmem>>)
      %lt3A_830 = arith.constant 7 : i32
      %lt3A_831 = arith.cmpi slt, %scan3A_58, %lt3A_830 : i32
      %convert_element_type3A_832 = arith.extui %lt3A_831 : i1 to i32
      %cond3A_833 = arith.constant 0 : i32
      %cond3A_834 = arith.cmpi ne, %convert_element_type3A_832, %cond3A_833 : i32
      scf.if %cond3A_834 {
        %dma_wait3A_929 = arith.constant 0 : i32
        %dma_wait3A_930 = arith.constant 0 : i32
        %dma_wait3A_931 = tpu.memref_slice %arg3[%add3A, %dma_wait3A_929, %dma_wait3A_930] : memref<32x128x80xi32, #tpu.memory_space<hbm>> -> memref<1x8x80xi32, #tpu.memory_space<hbm>>
        %dma_wait3A_932 = tpu.memref_squeeze %dma_wait3A_931 : memref<1x8x80xi32, #tpu.memory_space<hbm>> -> memref<8x80xi32, #tpu.memory_space<hbm>>
        %dma_wait3A_933 = arith.constant 0 : i32
        %dma_wait3A_934 = arith.constant 0 : i32
        %dma_wait3A_935 = tpu.memref_slice %arg3[%add3A, %dma_wait3A_933, %dma_wait3A_934] : memref<32x128x80xi32, #tpu.memory_space<hbm>> -> memref<1x8x80xi32, #tpu.memory_space<hbm>>
        %dma_wait3A_936 = tpu.memref_squeeze %dma_wait3A_935 : memref<1x8x80xi32, #tpu.memory_space<hbm>> -> memref<8x80xi32, #tpu.memory_space<hbm>>
        tpu.wait_dma2 semaphore(%arg21 : memref<!tpu.dma_semaphore, #tpu.memory_space<semaphore_mem>>) src(%dma_wait3A_936 : memref<8x80xi32, #tpu.memory_space<hbm>>) dst(%arg7 : memref<8x80xi32, #tpu.memory_space<vmem>>)
        %dma_wait3A_937 = arith.constant 0 : i32
        %dma_wait3A_938 = arith.constant 0 : i32
        %dma_wait3A_939 = tpu.memref_slice %arg3[%add3A, %dma_wait3A_937, %dma_wait3A_938] : memref<32x128x80xi32, #tpu.memory_space<hbm>> -> memref<1x8x80xi32, #tpu.memory_space<hbm>>
        %dma_wait3A_940 = tpu.memref_squeeze %dma_wait3A_939 : memref<1x8x80xi32, #tpu.memory_space<hbm>> -> memref<8x80xi32, #tpu.memory_space<hbm>>
        %dma_wait3A_941 = arith.constant 0 : i32
        %dma_wait3A_942 = arith.constant 0 : i32
        %dma_wait3A_943 = tpu.memref_slice %arg3[%add3A, %dma_wait3A_941, %dma_wait3A_942] : memref<32x128x80xi32, #tpu.memory_space<hbm>> -> memref<1x8x80xi32, #tpu.memory_space<hbm>>
        %dma_wait3A_944 = tpu.memref_squeeze %dma_wait3A_943 : memref<1x8x80xi32, #tpu.memory_space<hbm>> -> memref<8x80xi32, #tpu.memory_space<hbm>>
        tpu.wait_dma2 semaphore(%arg21 : memref<!tpu.dma_semaphore, #tpu.memory_space<semaphore_mem>>) src(%dma_wait3A_944 : memref<8x80xi32, #tpu.memory_space<hbm>>) dst(%arg9 : memref<8x80xi32, #tpu.memory_space<vmem>>)
        %dma_start3A_945 = arith.constant 0 : i32
        %dma_start3A_946 = arith.constant 0 : i32
        %dma_start3A_947 = arith.constant 0 : i32
        %dma_start3A_948 = arith.constant 0 : i32
        %dma_start3A_949 = tpu.memref_slice %arg11[%dma_start3A_946, %dma_start3A_947, %dma_start3A_948] : memref<4x80x128xf32, #tpu.memory_space<vmem>> -> memref<1x80x128xf32, #tpu.memory_space<vmem>>
        %dma_start3A_950 = tpu.memref_squeeze %dma_start3A_949 : memref<1x80x128xf32, #tpu.memory_space<vmem>> -> memref<80x128xf32, #tpu.memory_space<vmem>>
        %dma_start3A_951 = arith.constant 0 : i32
        %dma_start3A_952 = tpu.memref_slice %arg7[%dma_start3A_945, %dma_start3A_951] : memref<8x80xi32, #tpu.memory_space<vmem>> -> memref<1x80xi32, #tpu.memory_space<vmem>>
        %dma_start3A_953 = tpu.memref_squeeze %dma_start3A_952 : memref<1x80xi32, #tpu.memory_space<vmem>> -> memref<80xi32, #tpu.memory_space<vmem>>
        %dma_start3A_954 = arith.constant 0 : i32
        %dma_start3A_955 = arith.constant 0 : i32
        %dma_start3A_956 = tpu.memref_slice %arg2[%dma_start3A_954, %dma_start3A_955] : memref<10240x128xf32, #tpu.memory_space<hbm>> -> memref<10240x128xf32, #tpu.memory_space<hbm>>
        tpu.enqueue_indirect_dma source(%dma_start3A_956 : memref<10240x128xf32, #tpu.memory_space<hbm>>) target(%dma_start3A_950 : memref<80x128xf32, #tpu.memory_space<vmem>>) offsets(%dma_start3A_953 : memref<80xi32, #tpu.memory_space<vmem>>) semaphore(%arg13 : memref<!tpu.dma_semaphore, #tpu.memory_space<semaphore_mem>>)
      } else {
      }
      %dma_wait3A_835 = arith.constant 2 : i32
      %dma_wait3A_836 = arith.constant 0 : i32
      %dma_wait3A_837 = arith.constant 0 : i32
      %dma_wait3A_838 = tpu.memref_slice %arg11[%dma_wait3A_835, %dma_wait3A_836, %dma_wait3A_837] : memref<4x80x128xf32, #tpu.memory_space<vmem>> -> memref<1x80x128xf32, #tpu.memory_space<vmem>>
      %dma_wait3A_839 = tpu.memref_squeeze %dma_wait3A_838 : memref<1x80x128xf32, #tpu.memory_space<vmem>> -> memref<80x128xf32, #tpu.memory_space<vmem>>
      %dma_wait3A_840 = arith.constant 0 : i32
      %dma_wait3A_841 = arith.constant 0 : i32
      %dma_wait3A_842 = tpu.memref_slice %arg2[%dma_wait3A_840, %dma_wait3A_841] : memref<10240x128xf32, #tpu.memory_space<hbm>> -> memref<80x128xf32, #tpu.memory_space<hbm>>
      %dma_wait3A_843 = arith.constant 0 : i32
      %dma_wait3A_844 = arith.constant 0 : i32
      %dma_wait3A_845 = tpu.memref_slice %arg11[%dma_wait3A_835, %dma_wait3A_843, %dma_wait3A_844] : memref<4x80x128xf32, #tpu.memory_space<vmem>> -> memref<1x80x128xf32, #tpu.memory_space<vmem>>
      %dma_wait3A_846 = tpu.memref_squeeze %dma_wait3A_845 : memref<1x80x128xf32, #tpu.memory_space<vmem>> -> memref<80x128xf32, #tpu.memory_space<vmem>>
      %dma_wait3A_847 = arith.constant 0 : i32
      %dma_wait3A_848 = arith.constant 0 : i32
      %dma_wait3A_849 = tpu.memref_slice %arg2[%dma_wait3A_847, %dma_wait3A_848] : memref<10240x128xf32, #tpu.memory_space<hbm>> -> memref<80x128xf32, #tpu.memory_space<hbm>>
      tpu.wait_dma2 semaphore(%arg15 : memref<!tpu.dma_semaphore, #tpu.memory_space<semaphore_mem>>) src(%dma_wait3A_849 : memref<80x128xf32, #tpu.memory_space<hbm>>) dst(%dma_wait3A_846 : memref<80x128xf32, #tpu.memory_space<vmem>>)
      %dma_start3A_850 = arith.constant 2 : i32
      %dma_start3A_851 = arith.constant 6 : i32
      %dma_start3A_852 = arith.constant 0 : i32
      %dma_start3A_853 = arith.constant 0 : i32
      %dma_start3A_854 = tpu.memref_slice %arg11[%dma_start3A_850, %dma_start3A_852, %dma_start3A_853] : memref<4x80x128xf32, #tpu.memory_space<vmem>> -> memref<1x80x128xf32, #tpu.memory_space<vmem>>
      %dma_start3A_855 = tpu.memref_squeeze %dma_start3A_854 : memref<1x80x128xf32, #tpu.memory_space<vmem>> -> memref<80x128xf32, #tpu.memory_space<vmem>>
      %dma_start3A_856 = arith.constant 0 : i32
      %dma_start3A_857 = tpu.memref_slice %arg10[%dma_start3A_851, %dma_start3A_856] : memref<8x80xi32, #tpu.memory_space<vmem>> -> memref<1x80xi32, #tpu.memory_space<vmem>>
      %dma_start3A_858 = tpu.memref_squeeze %dma_start3A_857 : memref<1x80xi32, #tpu.memory_space<vmem>> -> memref<80xi32, #tpu.memory_space<vmem>>
      %dma_start3A_859 = arith.constant 0 : i32
      %dma_start3A_860 = arith.constant 0 : i32
      %dma_start3A_861 = tpu.memref_slice %arg12[%dma_start3A_859, %dma_start3A_860] : memref<10240x128xf32, #tpu.memory_space<vmem_shared>> -> memref<10240x128xf32, #tpu.memory_space<vmem_shared>>
      tpu.enqueue_indirect_dma source(%dma_start3A_855 : memref<80x128xf32, #tpu.memory_space<vmem>>) target(%dma_start3A_861 : memref<10240x128xf32, #tpu.memory_space<vmem_shared>>) offsets(%dma_start3A_858 : memref<80xi32, #tpu.memory_space<vmem>>) semaphore(%arg19 : memref<!tpu.dma_semaphore, #tpu.memory_space<semaphore_mem>>) {add = true}
      %dma_wait3A_862 = arith.constant 1 : i32
      %dma_wait3A_863 = arith.constant 0 : i32
      %dma_wait3A_864 = arith.constant 0 : i32
      %dma_wait3A_865 = tpu.memref_slice %arg11[%dma_wait3A_862, %dma_wait3A_863, %dma_wait3A_864] : memref<4x80x128xf32, #tpu.memory_space<vmem>> -> memref<1x80x128xf32, #tpu.memory_space<vmem>>
      %dma_wait3A_866 = tpu.memref_squeeze %dma_wait3A_865 : memref<1x80x128xf32, #tpu.memory_space<vmem>> -> memref<80x128xf32, #tpu.memory_space<vmem>>
      %dma_wait3A_867 = arith.constant 0 : i32
      %dma_wait3A_868 = arith.constant 0 : i32
      %dma_wait3A_869 = tpu.memref_slice %arg2[%dma_wait3A_867, %dma_wait3A_868] : memref<10240x128xf32, #tpu.memory_space<hbm>> -> memref<80x128xf32, #tpu.memory_space<hbm>>
      %dma_wait3A_870 = arith.constant 0 : i32
      %dma_wait3A_871 = arith.constant 0 : i32
      %dma_wait3A_872 = tpu.memref_slice %arg11[%dma_wait3A_862, %dma_wait3A_870, %dma_wait3A_871] : memref<4x80x128xf32, #tpu.memory_space<vmem>> -> memref<1x80x128xf32, #tpu.memory_space<vmem>>
      %dma_wait3A_873 = tpu.memref_squeeze %dma_wait3A_872 : memref<1x80x128xf32, #tpu.memory_space<vmem>> -> memref<80x128xf32, #tpu.memory_space<vmem>>
      %dma_wait3A_874 = arith.constant 0 : i32
      %dma_wait3A_875 = arith.constant 0 : i32
      %dma_wait3A_876 = tpu.memref_slice %arg2[%dma_wait3A_874, %dma_wait3A_875] : memref<10240x128xf32, #tpu.memory_space<hbm>> -> memref<80x128xf32, #tpu.memory_space<hbm>>
      tpu.wait_dma2 semaphore(%arg18 : memref<!tpu.dma_semaphore, #tpu.memory_space<semaphore_mem>>) src(%dma_wait3A_876 : memref<80x128xf32, #tpu.memory_space<hbm>>) dst(%dma_wait3A_873 : memref<80x128xf32, #tpu.memory_space<vmem>>)
      %lt3A_877 = arith.constant 7 : i32
      %lt3A_878 = arith.cmpi slt, %scan3A_58, %lt3A_877 : i32
      %convert_element_type3A_879 = arith.extui %lt3A_878 : i1 to i32
      %cond3A_880 = arith.constant 0 : i32
      %cond3A_881 = arith.cmpi ne, %convert_element_type3A_879, %cond3A_880 : i32
      scf.if %cond3A_881 {
        %dma_start3A_929 = arith.constant 1 : i32
        %dma_start3A_930 = arith.constant 1 : i32
        %dma_start3A_931 = arith.constant 0 : i32
        %dma_start3A_932 = arith.constant 0 : i32
        %dma_start3A_933 = tpu.memref_slice %arg11[%dma_start3A_930, %dma_start3A_931, %dma_start3A_932] : memref<4x80x128xf32, #tpu.memory_space<vmem>> -> memref<1x80x128xf32, #tpu.memory_space<vmem>>
        %dma_start3A_934 = tpu.memref_squeeze %dma_start3A_933 : memref<1x80x128xf32, #tpu.memory_space<vmem>> -> memref<80x128xf32, #tpu.memory_space<vmem>>
        %dma_start3A_935 = arith.constant 0 : i32
        %dma_start3A_936 = tpu.memref_slice %arg7[%dma_start3A_929, %dma_start3A_935] : memref<8x80xi32, #tpu.memory_space<vmem>> -> memref<1x80xi32, #tpu.memory_space<vmem>>
        %dma_start3A_937 = tpu.memref_squeeze %dma_start3A_936 : memref<1x80xi32, #tpu.memory_space<vmem>> -> memref<80xi32, #tpu.memory_space<vmem>>
        %dma_start3A_938 = arith.constant 0 : i32
        %dma_start3A_939 = arith.constant 0 : i32
        %dma_start3A_940 = tpu.memref_slice %arg2[%dma_start3A_938, %dma_start3A_939] : memref<10240x128xf32, #tpu.memory_space<hbm>> -> memref<10240x128xf32, #tpu.memory_space<hbm>>
        tpu.enqueue_indirect_dma source(%dma_start3A_940 : memref<10240x128xf32, #tpu.memory_space<hbm>>) target(%dma_start3A_934 : memref<80x128xf32, #tpu.memory_space<vmem>>) offsets(%dma_start3A_937 : memref<80xi32, #tpu.memory_space<vmem>>) semaphore(%arg14 : memref<!tpu.dma_semaphore, #tpu.memory_space<semaphore_mem>>)
      } else {
      }
      %dma_wait3A_882 = arith.constant 3 : i32
      %dma_wait3A_883 = arith.constant 0 : i32
      %dma_wait3A_884 = arith.constant 0 : i32
      %dma_wait3A_885 = tpu.memref_slice %arg11[%dma_wait3A_882, %dma_wait3A_883, %dma_wait3A_884] : memref<4x80x128xf32, #tpu.memory_space<vmem>> -> memref<1x80x128xf32, #tpu.memory_space<vmem>>
      %dma_wait3A_886 = tpu.memref_squeeze %dma_wait3A_885 : memref<1x80x128xf32, #tpu.memory_space<vmem>> -> memref<80x128xf32, #tpu.memory_space<vmem>>
      %dma_wait3A_887 = arith.constant 0 : i32
      %dma_wait3A_888 = arith.constant 0 : i32
      %dma_wait3A_889 = tpu.memref_slice %arg2[%dma_wait3A_887, %dma_wait3A_888] : memref<10240x128xf32, #tpu.memory_space<hbm>> -> memref<80x128xf32, #tpu.memory_space<hbm>>
      %dma_wait3A_890 = arith.constant 0 : i32
      %dma_wait3A_891 = arith.constant 0 : i32
      %dma_wait3A_892 = tpu.memref_slice %arg11[%dma_wait3A_882, %dma_wait3A_890, %dma_wait3A_891] : memref<4x80x128xf32, #tpu.memory_space<vmem>> -> memref<1x80x128xf32, #tpu.memory_space<vmem>>
      %dma_wait3A_893 = tpu.memref_squeeze %dma_wait3A_892 : memref<1x80x128xf32, #tpu.memory_space<vmem>> -> memref<80x128xf32, #tpu.memory_space<vmem>>
      %dma_wait3A_894 = arith.constant 0 : i32
      %dma_wait3A_895 = arith.constant 0 : i32
      %dma_wait3A_896 = tpu.memref_slice %arg2[%dma_wait3A_894, %dma_wait3A_895] : memref<10240x128xf32, #tpu.memory_space<hbm>> -> memref<80x128xf32, #tpu.memory_space<hbm>>
      tpu.wait_dma2 semaphore(%arg16 : memref<!tpu.dma_semaphore, #tpu.memory_space<semaphore_mem>>) src(%dma_wait3A_896 : memref<80x128xf32, #tpu.memory_space<hbm>>) dst(%dma_wait3A_893 : memref<80x128xf32, #tpu.memory_space<vmem>>)
      %dma_start3A_897 = arith.constant 3 : i32
      %dma_start3A_898 = arith.constant 7 : i32
      %dma_start3A_899 = arith.constant 0 : i32
      %dma_start3A_900 = arith.constant 0 : i32
      %dma_start3A_901 = tpu.memref_slice %arg11[%dma_start3A_897, %dma_start3A_899, %dma_start3A_900] : memref<4x80x128xf32, #tpu.memory_space<vmem>> -> memref<1x80x128xf32, #tpu.memory_space<vmem>>
      %dma_start3A_902 = tpu.memref_squeeze %dma_start3A_901 : memref<1x80x128xf32, #tpu.memory_space<vmem>> -> memref<80x128xf32, #tpu.memory_space<vmem>>
      %dma_start3A_903 = arith.constant 0 : i32
      %dma_start3A_904 = tpu.memref_slice %arg10[%dma_start3A_898, %dma_start3A_903] : memref<8x80xi32, #tpu.memory_space<vmem>> -> memref<1x80xi32, #tpu.memory_space<vmem>>
      %dma_start3A_905 = tpu.memref_squeeze %dma_start3A_904 : memref<1x80xi32, #tpu.memory_space<vmem>> -> memref<80xi32, #tpu.memory_space<vmem>>
      %dma_start3A_906 = arith.constant 0 : i32
      %dma_start3A_907 = arith.constant 0 : i32
      %dma_start3A_908 = tpu.memref_slice %arg12[%dma_start3A_906, %dma_start3A_907] : memref<10240x128xf32, #tpu.memory_space<vmem_shared>> -> memref<10240x128xf32, #tpu.memory_space<vmem_shared>>
      tpu.enqueue_indirect_dma source(%dma_start3A_902 : memref<80x128xf32, #tpu.memory_space<vmem>>) target(%dma_start3A_908 : memref<10240x128xf32, #tpu.memory_space<vmem_shared>>) offsets(%dma_start3A_905 : memref<80xi32, #tpu.memory_space<vmem>>) semaphore(%arg20 : memref<!tpu.dma_semaphore, #tpu.memory_space<semaphore_mem>>) {add = true}
      %dma_wait3A_909 = arith.constant 2 : i32
      %dma_wait3A_910 = arith.constant 0 : i32
      %dma_wait3A_911 = arith.constant 0 : i32
      %dma_wait3A_912 = tpu.memref_slice %arg11[%dma_wait3A_909, %dma_wait3A_910, %dma_wait3A_911] : memref<4x80x128xf32, #tpu.memory_space<vmem>> -> memref<1x80x128xf32, #tpu.memory_space<vmem>>
      %dma_wait3A_913 = tpu.memref_squeeze %dma_wait3A_912 : memref<1x80x128xf32, #tpu.memory_space<vmem>> -> memref<80x128xf32, #tpu.memory_space<vmem>>
      %dma_wait3A_914 = arith.constant 0 : i32
      %dma_wait3A_915 = arith.constant 0 : i32
      %dma_wait3A_916 = tpu.memref_slice %arg2[%dma_wait3A_914, %dma_wait3A_915] : memref<10240x128xf32, #tpu.memory_space<hbm>> -> memref<80x128xf32, #tpu.memory_space<hbm>>
      %dma_wait3A_917 = arith.constant 0 : i32
      %dma_wait3A_918 = arith.constant 0 : i32
      %dma_wait3A_919 = tpu.memref_slice %arg11[%dma_wait3A_909, %dma_wait3A_917, %dma_wait3A_918] : memref<4x80x128xf32, #tpu.memory_space<vmem>> -> memref<1x80x128xf32, #tpu.memory_space<vmem>>
      %dma_wait3A_920 = tpu.memref_squeeze %dma_wait3A_919 : memref<1x80x128xf32, #tpu.memory_space<vmem>> -> memref<80x128xf32, #tpu.memory_space<vmem>>
      %dma_wait3A_921 = arith.constant 0 : i32
      %dma_wait3A_922 = arith.constant 0 : i32
      %dma_wait3A_923 = tpu.memref_slice %arg2[%dma_wait3A_921, %dma_wait3A_922] : memref<10240x128xf32, #tpu.memory_space<hbm>> -> memref<80x128xf32, #tpu.memory_space<hbm>>
      tpu.wait_dma2 semaphore(%arg19 : memref<!tpu.dma_semaphore, #tpu.memory_space<semaphore_mem>>) src(%dma_wait3A_923 : memref<80x128xf32, #tpu.memory_space<hbm>>) dst(%dma_wait3A_920 : memref<80x128xf32, #tpu.memory_space<vmem>>)
      %lt3A_924 = arith.constant 7 : i32
      %lt3A_925 = arith.cmpi slt, %scan3A_58, %lt3A_924 : i32
      %convert_element_type3A_926 = arith.extui %lt3A_925 : i1 to i32
      %cond3A_927 = arith.constant 0 : i32
      %cond3A_928 = arith.cmpi ne, %convert_element_type3A_926, %cond3A_927 : i32
      scf.if %cond3A_928 {
        %dma_start3A_929 = arith.constant 2 : i32
        %dma_start3A_930 = arith.constant 2 : i32
        %dma_start3A_931 = arith.constant 0 : i32
        %dma_start3A_932 = arith.constant 0 : i32
        %dma_start3A_933 = tpu.memref_slice %arg11[%dma_start3A_930, %dma_start3A_931, %dma_start3A_932] : memref<4x80x128xf32, #tpu.memory_space<vmem>> -> memref<1x80x128xf32, #tpu.memory_space<vmem>>
        %dma_start3A_934 = tpu.memref_squeeze %dma_start3A_933 : memref<1x80x128xf32, #tpu.memory_space<vmem>> -> memref<80x128xf32, #tpu.memory_space<vmem>>
        %dma_start3A_935 = arith.constant 0 : i32
        %dma_start3A_936 = tpu.memref_slice %arg7[%dma_start3A_929, %dma_start3A_935] : memref<8x80xi32, #tpu.memory_space<vmem>> -> memref<1x80xi32, #tpu.memory_space<vmem>>
        %dma_start3A_937 = tpu.memref_squeeze %dma_start3A_936 : memref<1x80xi32, #tpu.memory_space<vmem>> -> memref<80xi32, #tpu.memory_space<vmem>>
        %dma_start3A_938 = arith.constant 0 : i32
        %dma_start3A_939 = arith.constant 0 : i32
        %dma_start3A_940 = tpu.memref_slice %arg2[%dma_start3A_938, %dma_start3A_939] : memref<10240x128xf32, #tpu.memory_space<hbm>> -> memref<10240x128xf32, #tpu.memory_space<hbm>>
        tpu.enqueue_indirect_dma source(%dma_start3A_940 : memref<10240x128xf32, #tpu.memory_space<hbm>>) target(%dma_start3A_934 : memref<80x128xf32, #tpu.memory_space<vmem>>) offsets(%dma_start3A_937 : memref<80xi32, #tpu.memory_space<vmem>>) semaphore(%arg15 : memref<!tpu.dma_semaphore, #tpu.memory_space<semaphore_mem>>)
      } else {
      }
    }
    %scan3A_42 = arith.constant 8 : i32
    %dma_wait3A = arith.constant 3 : i32
    %dma_wait3A_43 = arith.constant 0 : i32
    %dma_wait3A_44 = arith.constant 0 : i32
    %dma_wait3A_45 = tpu.memref_slice %arg11[%dma_wait3A, %dma_wait3A_43, %dma_wait3A_44] : memref<4x80x128xf32, #tpu.memory_space<vmem>> -> memref<1x80x128xf32, #tpu.memory_space<vmem>>
    %dma_wait3A_46 = tpu.memref_squeeze %dma_wait3A_45 : memref<1x80x128xf32, #tpu.memory_space<vmem>> -> memref<80x128xf32, #tpu.memory_space<vmem>>
    %dma_wait3A_47 = arith.constant 0 : i32
    %dma_wait3A_48 = arith.constant 0 : i32
    %dma_wait3A_49 = tpu.memref_slice %arg2[%dma_wait3A_47, %dma_wait3A_48] : memref<10240x128xf32, #tpu.memory_space<hbm>> -> memref<80x128xf32, #tpu.memory_space<hbm>>
    %dma_wait3A_50 = arith.constant 0 : i32
    %dma_wait3A_51 = arith.constant 0 : i32
    %dma_wait3A_52 = tpu.memref_slice %arg11[%dma_wait3A, %dma_wait3A_50, %dma_wait3A_51] : memref<4x80x128xf32, #tpu.memory_space<vmem>> -> memref<1x80x128xf32, #tpu.memory_space<vmem>>
    %dma_wait3A_53 = tpu.memref_squeeze %dma_wait3A_52 : memref<1x80x128xf32, #tpu.memory_space<vmem>> -> memref<80x128xf32, #tpu.memory_space<vmem>>
    %dma_wait3A_54 = arith.constant 0 : i32
    %dma_wait3A_55 = arith.constant 0 : i32
    %dma_wait3A_56 = tpu.memref_slice %arg2[%dma_wait3A_54, %dma_wait3A_55] : memref<10240x128xf32, #tpu.memory_space<hbm>> -> memref<80x128xf32, #tpu.memory_space<hbm>>
    tpu.wait_dma2 semaphore(%arg20 : memref<!tpu.dma_semaphore, #tpu.memory_space<semaphore_mem>>) src(%dma_wait3A_56 : memref<80x128xf32, #tpu.memory_space<hbm>>) dst(%dma_wait3A_53 : memref<80x128xf32, #tpu.memory_space<vmem>>)
    %barrier3A_57 = arith.constant 0 : index
    tpu.barrier barrier_id(%barrier3A_57)
    "tpu.region"() ({
      %run_scoped3A = tpu.sem_alloc : memref<!tpu.dma_semaphore, #tpu.memory_space<semaphore_mem>>
      %dma_start3A_58 = arith.constant 0 : i32
      %dma_start3A_59 = tpu.memref_slice %arg6[%arg0, %mul3A_2, %dma_start3A_58] : memref<2x10240x128xf32, #tpu.memory_space<hbm>> -> memref<1x640x128xf32, #tpu.memory_space<hbm>>
      %dma_start3A_60 = tpu.memref_squeeze %dma_start3A_59 : memref<1x640x128xf32, #tpu.memory_space<hbm>> -> memref<640x128xf32, #tpu.memory_space<hbm>>
      %dma_start3A_61 = arith.constant 0 : i32
      %dma_start3A_62 = tpu.memref_slice %arg12[%mul3A_2, %dma_start3A_61] : memref<10240x128xf32, #tpu.memory_space<vmem_shared>> -> memref<640x128xf32, #tpu.memory_space<vmem_shared>>
      tpu.enqueue_dma source(%dma_start3A_62 : memref<640x128xf32, #tpu.memory_space<vmem_shared>>) target(%dma_start3A_60 : memref<640x128xf32, #tpu.memory_space<hbm>>) target_semaphore(%run_scoped3A : memref<!tpu.dma_semaphore, #tpu.memory_space<semaphore_mem>>)
      %dma_wait3A_63 = arith.constant 0 : i32
      %dma_wait3A_64 = tpu.memref_slice %arg6[%arg0, %mul3A_2, %dma_wait3A_63] : memref<2x10240x128xf32, #tpu.memory_space<hbm>> -> memref<1x640x128xf32, #tpu.memory_space<hbm>>
      %dma_wait3A_65 = tpu.memref_squeeze %dma_wait3A_64 : memref<1x640x128xf32, #tpu.memory_space<hbm>> -> memref<640x128xf32, #tpu.memory_space<hbm>>
      %dma_wait3A_66 = arith.constant 0 : i32
      %dma_wait3A_67 = tpu.memref_slice %arg12[%mul3A_2, %dma_wait3A_66] : memref<10240x128xf32, #tpu.memory_space<vmem_shared>> -> memref<640x128xf32, #tpu.memory_space<vmem_shared>>
      tpu.wait_dma2 semaphore(%run_scoped3A : memref<!tpu.dma_semaphore, #tpu.memory_space<semaphore_mem>>) src(%dma_wait3A_67 : memref<640x128xf32, #tpu.memory_space<vmem_shared>>) dst(%dma_wait3A_65 : memref<640x128xf32, #tpu.memory_space<hbm>>)
      tpu.yield
    }) : () -> ()
    return
  }
}

#map = affine_map<(d0, d1) -> (0, 0)>
#map1 = affine_map<(d0, d1) -> (0, 0, 0)>
module attributes {stable_mosaic.version = 14 : i64} {
  func.func @edge_pass(%arg0: i32, %arg1: i32, %arg2: memref<10240x128xf32, #tpu.memory_space<hbm>>, %arg3: memref<32x128x80xi32, #tpu.memory_space<hbm>>, %arg4: memref<32x128x80xi32, #tpu.memory_space<hbm>>, %arg5: memref<640x128xf32, #tpu.memory_space<hbm>>, %arg6: memref<2x10240x128xf32, #tpu.memory_space<hbm>>, %arg7: memref<8x80xi32, #tpu.memory_space<vmem>>, %arg8: memref<8x80xi32, #tpu.memory_space<vmem>>, %arg9: memref<8x80xi32, #tpu.memory_space<vmem>>, %arg10: memref<8x80xi32, #tpu.memory_space<vmem>>, %arg11: memref<4x80x128xf32, #tpu.memory_space<vmem>>, %arg12: memref<10240x128xf32, #tpu.memory_space<vmem_shared>>, %arg13: memref<!tpu.dma_semaphore, #tpu.memory_space<semaphore_mem>>, %arg14: memref<!tpu.dma_semaphore, #tpu.memory_space<semaphore_mem>>, %arg15: memref<!tpu.dma_semaphore, #tpu.memory_space<semaphore_mem>>, %arg16: memref<!tpu.dma_semaphore, #tpu.memory_space<semaphore_mem>>, %arg17: memref<!tpu.dma_semaphore, #tpu.memory_space<semaphore_mem>>, %arg18: memref<!tpu.dma_semaphore, #tpu.memory_space<semaphore_mem>>, %arg19: memref<!tpu.dma_semaphore, #tpu.memory_space<semaphore_mem>>, %arg20: memref<!tpu.dma_semaphore, #tpu.memory_space<semaphore_mem>>, %arg21: memref<!tpu.dma_semaphore, #tpu.memory_space<semaphore_mem>>, %arg22: memref<!tpu.dma_semaphore, #tpu.memory_space<semaphore_mem>>) attributes {dimension_semantics = [#tpu.dimension_semantics<core_parallel>, #tpu.dimension_semantics<subcore_parallel>], iteration_bounds = array<i64: 2, 16>, scalar_prefetch = 0 : i64, scratch_operands = 16 : i64, tpu.core_type = #tpu.core_type<sc_vector_subcore>, window_params = [{transform_indices = #map}, {transform_indices = #map1}, {transform_indices = #map1}, {transform_indices = #map}, {transform_indices = #map1}]} {
    %mul3A = arith.constant 16 : i32
    %mul3A_0 = arith.muli %arg0, %mul3A : i32
    %add3A = arith.addi %mul3A_0, %arg1 : i32
    %mul3A_1 = arith.constant 640 : i32
    %mul3A_2 = arith.muli %arg1, %mul3A_1 : i32
    "tpu.region"() ({
      %run_scoped3A = tpu.sem_alloc : memref<!tpu.dma_semaphore, #tpu.memory_space<semaphore_mem>>
      %dma_start3A_58 = arith.constant 0 : i32
      %dma_start3A_59 = arith.constant 0 : i32
      %dma_start3A_60 = tpu.memref_slice %arg3[%add3A, %dma_start3A_58, %dma_start3A_59] : memref<32x128x80xi32, #tpu.memory_space<hbm>> -> memref<1x8x80xi32, #tpu.memory_space<hbm>>
      %dma_start3A_61 = tpu.memref_squeeze %dma_start3A_60 : memref<1x8x80xi32, #tpu.memory_space<hbm>> -> memref<8x80xi32, #tpu.memory_space<hbm>>
      %dma_start3A_62 = arith.constant 0 : i32
      %dma_start3A_63 = arith.constant 0 : i32
      %dma_start3A_64 = tpu.memref_slice %arg3[%add3A, %dma_start3A_62, %dma_start3A_63] : memref<32x128x80xi32, #tpu.memory_space<hbm>> -> memref<1x8x80xi32, #tpu.memory_space<hbm>>
      %dma_start3A_65 = tpu.memref_squeeze %dma_start3A_64 : memref<1x8x80xi32, #tpu.memory_space<hbm>> -> memref<8x80xi32, #tpu.memory_space<hbm>>
      tpu.enqueue_dma source(%dma_start3A_65 : memref<8x80xi32, #tpu.memory_space<hbm>>) target(%arg7 : memref<8x80xi32, #tpu.memory_space<vmem>>) target_semaphore(%run_scoped3A : memref<!tpu.dma_semaphore, #tpu.memory_space<semaphore_mem>>)
      %dma_wait3A_66 = arith.constant 0 : i32
      %dma_wait3A_67 = arith.constant 0 : i32
      %dma_wait3A_68 = tpu.memref_slice %arg3[%add3A, %dma_wait3A_66, %dma_wait3A_67] : memref<32x128x80xi32, #tpu.memory_space<hbm>> -> memref<1x8x80xi32, #tpu.memory_space<hbm>>
      %dma_wait3A_69 = tpu.memref_squeeze %dma_wait3A_68 : memref<1x8x80xi32, #tpu.memory_space<hbm>> -> memref<8x80xi32, #tpu.memory_space<hbm>>
      %dma_wait3A_70 = arith.constant 0 : i32
      %dma_wait3A_71 = arith.constant 0 : i32
      %dma_wait3A_72 = tpu.memref_slice %arg3[%add3A, %dma_wait3A_70, %dma_wait3A_71] : memref<32x128x80xi32, #tpu.memory_space<hbm>> -> memref<1x8x80xi32, #tpu.memory_space<hbm>>
      %dma_wait3A_73 = tpu.memref_squeeze %dma_wait3A_72 : memref<1x8x80xi32, #tpu.memory_space<hbm>> -> memref<8x80xi32, #tpu.memory_space<hbm>>
      tpu.wait_dma2 semaphore(%run_scoped3A : memref<!tpu.dma_semaphore, #tpu.memory_space<semaphore_mem>>) src(%dma_wait3A_73 : memref<8x80xi32, #tpu.memory_space<hbm>>) dst(%arg7 : memref<8x80xi32, #tpu.memory_space<vmem>>)
      tpu.yield
    }) : () -> ()
    "tpu.region"() ({
      %run_scoped3A = tpu.sem_alloc : memref<!tpu.dma_semaphore, #tpu.memory_space<semaphore_mem>>
      %dma_start3A_58 = arith.constant 0 : i32
      %dma_start3A_59 = arith.constant 0 : i32
      %dma_start3A_60 = tpu.memref_slice %arg4[%add3A, %dma_start3A_58, %dma_start3A_59] : memref<32x128x80xi32, #tpu.memory_space<hbm>> -> memref<1x8x80xi32, #tpu.memory_space<hbm>>
      %dma_start3A_61 = tpu.memref_squeeze %dma_start3A_60 : memref<1x8x80xi32, #tpu.memory_space<hbm>> -> memref<8x80xi32, #tpu.memory_space<hbm>>
      %dma_start3A_62 = arith.constant 0 : i32
      %dma_start3A_63 = arith.constant 0 : i32
      %dma_start3A_64 = tpu.memref_slice %arg4[%add3A, %dma_start3A_62, %dma_start3A_63] : memref<32x128x80xi32, #tpu.memory_space<hbm>> -> memref<1x8x80xi32, #tpu.memory_space<hbm>>
      %dma_start3A_65 = tpu.memref_squeeze %dma_start3A_64 : memref<1x8x80xi32, #tpu.memory_space<hbm>> -> memref<8x80xi32, #tpu.memory_space<hbm>>
      tpu.enqueue_dma source(%dma_start3A_65 : memref<8x80xi32, #tpu.memory_space<hbm>>) target(%arg9 : memref<8x80xi32, #tpu.memory_space<vmem>>) target_semaphore(%run_scoped3A : memref<!tpu.dma_semaphore, #tpu.memory_space<semaphore_mem>>)
      %dma_wait3A_66 = arith.constant 0 : i32
      %dma_wait3A_67 = arith.constant 0 : i32
      %dma_wait3A_68 = tpu.memref_slice %arg4[%add3A, %dma_wait3A_66, %dma_wait3A_67] : memref<32x128x80xi32, #tpu.memory_space<hbm>> -> memref<1x8x80xi32, #tpu.memory_space<hbm>>
      %dma_wait3A_69 = tpu.memref_squeeze %dma_wait3A_68 : memref<1x8x80xi32, #tpu.memory_space<hbm>> -> memref<8x80xi32, #tpu.memory_space<hbm>>
      %dma_wait3A_70 = arith.constant 0 : i32
      %dma_wait3A_71 = arith.constant 0 : i32
      %dma_wait3A_72 = tpu.memref_slice %arg4[%add3A, %dma_wait3A_70, %dma_wait3A_71] : memref<32x128x80xi32, #tpu.memory_space<hbm>> -> memref<1x8x80xi32, #tpu.memory_space<hbm>>
      %dma_wait3A_73 = tpu.memref_squeeze %dma_wait3A_72 : memref<1x8x80xi32, #tpu.memory_space<hbm>> -> memref<8x80xi32, #tpu.memory_space<hbm>>
      tpu.wait_dma2 semaphore(%run_scoped3A : memref<!tpu.dma_semaphore, #tpu.memory_space<semaphore_mem>>) src(%dma_wait3A_73 : memref<8x80xi32, #tpu.memory_space<hbm>>) dst(%arg9 : memref<8x80xi32, #tpu.memory_space<vmem>>)
      tpu.yield
    }) : () -> ()
    "tpu.region"() ({
      %run_scoped3A = tpu.sem_alloc : memref<!tpu.dma_semaphore, #tpu.memory_space<semaphore_mem>>
      %dma_start3A_58 = arith.constant 0 : i32
      %dma_start3A_59 = tpu.memref_slice %arg12[%mul3A_2, %dma_start3A_58] : memref<10240x128xf32, #tpu.memory_space<vmem_shared>> -> memref<640x128xf32, #tpu.memory_space<vmem_shared>>
      tpu.enqueue_dma source(%arg5 : memref<640x128xf32, #tpu.memory_space<hbm>>) target(%dma_start3A_59 : memref<640x128xf32, #tpu.memory_space<vmem_shared>>) target_semaphore(%run_scoped3A : memref<!tpu.dma_semaphore, #tpu.memory_space<semaphore_mem>>)
      %dma_wait3A_60 = arith.constant 0 : i32
      %dma_wait3A_61 = tpu.memref_slice %arg12[%mul3A_2, %dma_wait3A_60] : memref<10240x128xf32, #tpu.memory_space<vmem_shared>> -> memref<640x128xf32, #tpu.memory_space<vmem_shared>>
      tpu.wait_dma2 semaphore(%run_scoped3A : memref<!tpu.dma_semaphore, #tpu.memory_space<semaphore_mem>>) src(%arg5 : memref<640x128xf32, #tpu.memory_space<hbm>>) dst(%dma_wait3A_61 : memref<640x128xf32, #tpu.memory_space<vmem_shared>>)
      tpu.yield
    }) : () -> ()
    %barrier3A = arith.constant 0 : index
    tpu.barrier barrier_id(%barrier3A)
    %dma_start3A = arith.constant 0 : i32
    %dma_start3A_3 = arith.constant 0 : i32
    %dma_start3A_4 = arith.constant 0 : i32
    %dma_start3A_5 = arith.constant 0 : i32
    %dma_start3A_6 = tpu.memref_slice %arg11[%dma_start3A_3, %dma_start3A_4, %dma_start3A_5] : memref<4x80x128xf32, #tpu.memory_space<vmem>> -> memref<1x80x128xf32, #tpu.memory_space<vmem>>
    %dma_start3A_7 = tpu.memref_squeeze %dma_start3A_6 : memref<1x80x128xf32, #tpu.memory_space<vmem>> -> memref<80x128xf32, #tpu.memory_space<vmem>>
    %dma_start3A_8 = arith.constant 0 : i32
    %dma_start3A_9 = tpu.memref_slice %arg7[%dma_start3A, %dma_start3A_8] : memref<8x80xi32, #tpu.memory_space<vmem>> -> memref<1x80xi32, #tpu.memory_space<vmem>>
    %dma_start3A_10 = tpu.memref_squeeze %dma_start3A_9 : memref<1x80xi32, #tpu.memory_space<vmem>> -> memref<80xi32, #tpu.memory_space<vmem>>
    %dma_start3A_11 = arith.constant 0 : i32
    %dma_start3A_12 = arith.constant 0 : i32
    %dma_start3A_13 = tpu.memref_slice %arg2[%dma_start3A_11, %dma_start3A_12] : memref<10240x128xf32, #tpu.memory_space<hbm>> -> memref<10240x128xf32, #tpu.memory_space<hbm>>
    tpu.enqueue_indirect_dma source(%dma_start3A_13 : memref<10240x128xf32, #tpu.memory_space<hbm>>) target(%dma_start3A_7 : memref<80x128xf32, #tpu.memory_space<vmem>>) offsets(%dma_start3A_10 : memref<80xi32, #tpu.memory_space<vmem>>) semaphore(%arg13 : memref<!tpu.dma_semaphore, #tpu.memory_space<semaphore_mem>>)
    %dma_start3A_14 = arith.constant 1 : i32
    %dma_start3A_15 = arith.constant 1 : i32
    %dma_start3A_16 = arith.constant 0 : i32
    %dma_start3A_17 = arith.constant 0 : i32
    %dma_start3A_18 = tpu.memref_slice %arg11[%dma_start3A_15, %dma_start3A_16, %dma_start3A_17] : memref<4x80x128xf32, #tpu.memory_space<vmem>> -> memref<1x80x128xf32, #tpu.memory_space<vmem>>
    %dma_start3A_19 = tpu.memref_squeeze %dma_start3A_18 : memref<1x80x128xf32, #tpu.memory_space<vmem>> -> memref<80x128xf32, #tpu.memory_space<vmem>>
    %dma_start3A_20 = arith.constant 0 : i32
    %dma_start3A_21 = tpu.memref_slice %arg7[%dma_start3A_14, %dma_start3A_20] : memref<8x80xi32, #tpu.memory_space<vmem>> -> memref<1x80xi32, #tpu.memory_space<vmem>>
    %dma_start3A_22 = tpu.memref_squeeze %dma_start3A_21 : memref<1x80xi32, #tpu.memory_space<vmem>> -> memref<80xi32, #tpu.memory_space<vmem>>
    %dma_start3A_23 = arith.constant 0 : i32
    %dma_start3A_24 = arith.constant 0 : i32
    %dma_start3A_25 = tpu.memref_slice %arg2[%dma_start3A_23, %dma_start3A_24] : memref<10240x128xf32, #tpu.memory_space<hbm>> -> memref<10240x128xf32, #tpu.memory_space<hbm>>
    tpu.enqueue_indirect_dma source(%dma_start3A_25 : memref<10240x128xf32, #tpu.memory_space<hbm>>) target(%dma_start3A_19 : memref<80x128xf32, #tpu.memory_space<vmem>>) offsets(%dma_start3A_22 : memref<80xi32, #tpu.memory_space<vmem>>) semaphore(%arg14 : memref<!tpu.dma_semaphore, #tpu.memory_space<semaphore_mem>>)
    %dma_start3A_26 = arith.constant 2 : i32
    %dma_start3A_27 = arith.constant 2 : i32
    %dma_start3A_28 = arith.constant 0 : i32
    %dma_start3A_29 = arith.constant 0 : i32
    %dma_start3A_30 = tpu.memref_slice %arg11[%dma_start3A_27, %dma_start3A_28, %dma_start3A_29] : memref<4x80x128xf32, #tpu.memory_space<vmem>> -> memref<1x80x128xf32, #tpu.memory_space<vmem>>
    %dma_start3A_31 = tpu.memref_squeeze %dma_start3A_30 : memref<1x80x128xf32, #tpu.memory_space<vmem>> -> memref<80x128xf32, #tpu.memory_space<vmem>>
    %dma_start3A_32 = arith.constant 0 : i32
    %dma_start3A_33 = tpu.memref_slice %arg7[%dma_start3A_26, %dma_start3A_32] : memref<8x80xi32, #tpu.memory_space<vmem>> -> memref<1x80xi32, #tpu.memory_space<vmem>>
    %dma_start3A_34 = tpu.memref_squeeze %dma_start3A_33 : memref<1x80xi32, #tpu.memory_space<vmem>> -> memref<80xi32, #tpu.memory_space<vmem>>
    %dma_start3A_35 = arith.constant 0 : i32
    %dma_start3A_36 = arith.constant 0 : i32
    %dma_start3A_37 = tpu.memref_slice %arg2[%dma_start3A_35, %dma_start3A_36] : memref<10240x128xf32, #tpu.memory_space<hbm>> -> memref<10240x128xf32, #tpu.memory_space<hbm>>
    tpu.enqueue_indirect_dma source(%dma_start3A_37 : memref<10240x128xf32, #tpu.memory_space<hbm>>) target(%dma_start3A_31 : memref<80x128xf32, #tpu.memory_space<vmem>>) offsets(%dma_start3A_34 : memref<80xi32, #tpu.memory_space<vmem>>) semaphore(%arg15 : memref<!tpu.dma_semaphore, #tpu.memory_space<semaphore_mem>>)
    %scan3A = arith.constant 0 : i32
    %scan3A_38 = arith.constant 0 : i32
    %scan3A_39 = arith.constant 8 : i32
    %scan3A_40 = arith.addi %scan3A_38, %scan3A_39 : i32
    %scan3A_41 = arith.constant 1 : i32
    scf.for %scan3A_58 = %scan3A_38 to %scan3A_40 step %scan3A_41  : i32 {
      %dma_wait3A_59 = arith.constant 0 : i32
      %dma_wait3A_60 = arith.constant 0 : i32
      %dma_wait3A_61 = arith.constant 0 : i32
      %dma_wait3A_62 = tpu.memref_slice %arg11[%dma_wait3A_59, %dma_wait3A_60, %dma_wait3A_61] : memref<4x80x128xf32, #tpu.memory_space<vmem>> -> memref<1x80x128xf32, #tpu.memory_space<vmem>>
      %dma_wait3A_63 = tpu.memref_squeeze %dma_wait3A_62 : memref<1x80x128xf32, #tpu.memory_space<vmem>> -> memref<80x128xf32, #tpu.memory_space<vmem>>
      %dma_wait3A_64 = arith.constant 0 : i32
      %dma_wait3A_65 = arith.constant 0 : i32
      %dma_wait3A_66 = tpu.memref_slice %arg2[%dma_wait3A_64, %dma_wait3A_65] : memref<10240x128xf32, #tpu.memory_space<hbm>> -> memref<80x128xf32, #tpu.memory_space<hbm>>
      %dma_wait3A_67 = arith.constant 0 : i32
      %dma_wait3A_68 = arith.constant 0 : i32
      %dma_wait3A_69 = tpu.memref_slice %arg11[%dma_wait3A_59, %dma_wait3A_67, %dma_wait3A_68] : memref<4x80x128xf32, #tpu.memory_space<vmem>> -> memref<1x80x128xf32, #tpu.memory_space<vmem>>
      %dma_wait3A_70 = tpu.memref_squeeze %dma_wait3A_69 : memref<1x80x128xf32, #tpu.memory_space<vmem>> -> memref<80x128xf32, #tpu.memory_space<vmem>>
      %dma_wait3A_71 = arith.constant 0 : i32
      %dma_wait3A_72 = arith.constant 0 : i32
      %dma_wait3A_73 = tpu.memref_slice %arg2[%dma_wait3A_71, %dma_wait3A_72] : memref<10240x128xf32, #tpu.memory_space<hbm>> -> memref<80x128xf32, #tpu.memory_space<hbm>>
      tpu.wait_dma2 semaphore(%arg13 : memref<!tpu.dma_semaphore, #tpu.memory_space<semaphore_mem>>) src(%dma_wait3A_73 : memref<80x128xf32, #tpu.memory_space<hbm>>) dst(%dma_wait3A_70 : memref<80x128xf32, #tpu.memory_space<vmem>>)
      %dma_start3A_74 = arith.constant 0 : i32
      %dma_start3A_75 = arith.constant 0 : i32
      %dma_start3A_76 = arith.constant 0 : i32
      %dma_start3A_77 = arith.constant 0 : i32
      %dma_start3A_78 = tpu.memref_slice %arg11[%dma_start3A_74, %dma_start3A_76, %dma_start3A_77] : memref<4x80x128xf32, #tpu.memory_space<vmem>> -> memref<1x80x128xf32, #tpu.memory_space<vmem>>
      %dma_start3A_79 = tpu.memref_squeeze %dma_start3A_78 : memref<1x80x128xf32, #tpu.memory_space<vmem>> -> memref<80x128xf32, #tpu.memory_space<vmem>>
      %dma_start3A_80 = arith.constant 0 : i32
      %dma_start3A_81 = tpu.memref_slice %arg9[%dma_start3A_75, %dma_start3A_80] : memref<8x80xi32, #tpu.memory_space<vmem>> -> memref<1x80xi32, #tpu.memory_space<vmem>>
      %dma_start3A_82 = tpu.memref_squeeze %dma_start3A_81 : memref<1x80xi32, #tpu.memory_space<vmem>> -> memref<80xi32, #tpu.memory_space<vmem>>
      %dma_start3A_83 = arith.constant 0 : i32
      %dma_start3A_84 = arith.constant 0 : i32
      %dma_start3A_85 = tpu.memref_slice %arg12[%dma_start3A_83, %dma_start3A_84] : memref<10240x128xf32, #tpu.memory_space<vmem_shared>> -> memref<10240x128xf32, #tpu.memory_space<vmem_shared>>
      tpu.enqueue_indirect_dma source(%dma_start3A_79 : memref<80x128xf32, #tpu.memory_space<vmem>>) target(%dma_start3A_85 : memref<10240x128xf32, #tpu.memory_space<vmem_shared>>) offsets(%dma_start3A_82 : memref<80xi32, #tpu.memory_space<vmem>>) semaphore(%arg17 : memref<!tpu.dma_semaphore, #tpu.memory_space<semaphore_mem>>) {add = true}
      %gt3A = arith.constant 0 : i32
      %gt3A_86 = arith.cmpi sgt, %scan3A_58, %gt3A : i32
      %convert_element_type3A = arith.extui %gt3A_86 : i1 to i32
      %cond3A = arith.constant 0 : i32
      %cond3A_87 = arith.cmpi ne, %convert_element_type3A, %cond3A : i32
      scf.if %cond3A_87 {
        %dma_wait3A_929 = arith.constant 3 : i32
        %dma_wait3A_930 = arith.constant 0 : i32
        %dma_wait3A_931 = arith.constant 0 : i32
        %dma_wait3A_932 = tpu.memref_slice %arg11[%dma_wait3A_929, %dma_wait3A_930, %dma_wait3A_931] : memref<4x80x128xf32, #tpu.memory_space<vmem>> -> memref<1x80x128xf32, #tpu.memory_space<vmem>>
        %dma_wait3A_933 = tpu.memref_squeeze %dma_wait3A_932 : memref<1x80x128xf32, #tpu.memory_space<vmem>> -> memref<80x128xf32, #tpu.memory_space<vmem>>
        %dma_wait3A_934 = arith.constant 0 : i32
        %dma_wait3A_935 = arith.constant 0 : i32
        %dma_wait3A_936 = tpu.memref_slice %arg2[%dma_wait3A_934, %dma_wait3A_935] : memref<10240x128xf32, #tpu.memory_space<hbm>> -> memref<80x128xf32, #tpu.memory_space<hbm>>
        %dma_wait3A_937 = arith.constant 0 : i32
        %dma_wait3A_938 = arith.constant 0 : i32
        %dma_wait3A_939 = tpu.memref_slice %arg11[%dma_wait3A_929, %dma_wait3A_937, %dma_wait3A_938] : memref<4x80x128xf32, #tpu.memory_space<vmem>> -> memref<1x80x128xf32, #tpu.memory_space<vmem>>
        %dma_wait3A_940 = tpu.memref_squeeze %dma_wait3A_939 : memref<1x80x128xf32, #tpu.memory_space<vmem>> -> memref<80x128xf32, #tpu.memory_space<vmem>>
        %dma_wait3A_941 = arith.constant 0 : i32
        %dma_wait3A_942 = arith.constant 0 : i32
        %dma_wait3A_943 = tpu.memref_slice %arg2[%dma_wait3A_941, %dma_wait3A_942] : memref<10240x128xf32, #tpu.memory_space<hbm>> -> memref<80x128xf32, #tpu.memory_space<hbm>>
        tpu.wait_dma2 semaphore(%arg20 : memref<!tpu.dma_semaphore, #tpu.memory_space<semaphore_mem>>) src(%dma_wait3A_943 : memref<80x128xf32, #tpu.memory_space<hbm>>) dst(%dma_wait3A_940 : memref<80x128xf32, #tpu.memory_space<vmem>>)
      } else {
      }
      %dma_start3A_88 = arith.constant 3 : i32
      %dma_start3A_89 = arith.constant 3 : i32
      %dma_start3A_90 = arith.constant 0 : i32
      %dma_start3A_91 = arith.constant 0 : i32
      %dma_start3A_92 = tpu.memref_slice %arg11[%dma_start3A_89, %dma_start3A_90, %dma_start3A_91] : memref<4x80x128xf32, #tpu.memory_space<vmem>> -> memref<1x80x128xf32, #tpu.memory_space<vmem>>
      %dma_start3A_93 = tpu.memref_squeeze %dma_start3A_92 : memref<1x80x128xf32, #tpu.memory_space<vmem>> -> memref<80x128xf32, #tpu.memory_space<vmem>>
      %dma_start3A_94 = arith.constant 0 : i32
      %dma_start3A_95 = tpu.memref_slice %arg7[%dma_start3A_88, %dma_start3A_94] : memref<8x80xi32, #tpu.memory_space<vmem>> -> memref<1x80xi32, #tpu.memory_space<vmem>>
      %dma_start3A_96 = tpu.memref_squeeze %dma_start3A_95 : memref<1x80xi32, #tpu.memory_space<vmem>> -> memref<80xi32, #tpu.memory_space<vmem>>
      %dma_start3A_97 = arith.constant 0 : i32
      %dma_start3A_98 = arith.constant 0 : i32
      %dma_start3A_99 = tpu.memref_slice %arg2[%dma_start3A_97, %dma_start3A_98] : memref<10240x128xf32, #tpu.memory_space<hbm>> -> memref<10240x128xf32, #tpu.memory_space<hbm>>
      tpu.enqueue_indirect_dma source(%dma_start3A_99 : memref<10240x128xf32, #tpu.memory_space<hbm>>) target(%dma_start3A_93 : memref<80x128xf32, #tpu.memory_space<vmem>>) offsets(%dma_start3A_96 : memref<80xi32, #tpu.memory_space<vmem>>) semaphore(%arg16 : memref<!tpu.dma_semaphore, #tpu.memory_space<semaphore_mem>>)
      %dma_wait3A_100 = arith.constant 1 : i32
      %dma_wait3A_101 = arith.constant 0 : i32
      %dma_wait3A_102 = arith.constant 0 : i32
      %dma_wait3A_103 = tpu.memref_slice %arg11[%dma_wait3A_100, %dma_wait3A_101, %dma_wait3A_102] : memref<4x80x128xf32, #tpu.memory_space<vmem>> -> memref<1x80x128xf32, #tpu.memory_space<vmem>>
      %dma_wait3A_104 = tpu.memref_squeeze %dma_wait3A_103 : memref<1x80x128xf32, #tpu.memory_space<vmem>> -> memref<80x128xf32, #tpu.memory_space<vmem>>
      %dma_wait3A_105 = arith.constant 0 : i32
      %dma_wait3A_106 = arith.constant 0 : i32
      %dma_wait3A_107 = tpu.memref_slice %arg2[%dma_wait3A_105, %dma_wait3A_106] : memref<10240x128xf32, #tpu.memory_space<hbm>> -> memref<80x128xf32, #tpu.memory_space<hbm>>
      %dma_wait3A_108 = arith.constant 0 : i32
      %dma_wait3A_109 = arith.constant 0 : i32
      %dma_wait3A_110 = tpu.memref_slice %arg11[%dma_wait3A_100, %dma_wait3A_108, %dma_wait3A_109] : memref<4x80x128xf32, #tpu.memory_space<vmem>> -> memref<1x80x128xf32, #tpu.memory_space<vmem>>
      %dma_wait3A_111 = tpu.memref_squeeze %dma_wait3A_110 : memref<1x80x128xf32, #tpu.memory_space<vmem>> -> memref<80x128xf32, #tpu.memory_space<vmem>>
      %dma_wait3A_112 = arith.constant 0 : i32
      %dma_wait3A_113 = arith.constant 0 : i32
      %dma_wait3A_114 = tpu.memref_slice %arg2[%dma_wait3A_112, %dma_wait3A_113] : memref<10240x128xf32, #tpu.memory_space<hbm>> -> memref<80x128xf32, #tpu.memory_space<hbm>>
      tpu.wait_dma2 semaphore(%arg14 : memref<!tpu.dma_semaphore, #tpu.memory_space<semaphore_mem>>) src(%dma_wait3A_114 : memref<80x128xf32, #tpu.memory_space<hbm>>) dst(%dma_wait3A_111 : memref<80x128xf32, #tpu.memory_space<vmem>>)
      %dma_start3A_115 = arith.constant 1 : i32
      %dma_start3A_116 = arith.constant 1 : i32
      %dma_start3A_117 = arith.constant 0 : i32
      %dma_start3A_118 = arith.constant 0 : i32
      %dma_start3A_119 = tpu.memref_slice %arg11[%dma_start3A_115, %dma_start3A_117, %dma_start3A_118] : memref<4x80x128xf32, #tpu.memory_space<vmem>> -> memref<1x80x128xf32, #tpu.memory_space<vmem>>
      %dma_start3A_120 = tpu.memref_squeeze %dma_start3A_119 : memref<1x80x128xf32, #tpu.memory_space<vmem>> -> memref<80x128xf32, #tpu.memory_space<vmem>>
      %dma_start3A_121 = arith.constant 0 : i32
      %dma_start3A_122 = tpu.memref_slice %arg9[%dma_start3A_116, %dma_start3A_121] : memref<8x80xi32, #tpu.memory_space<vmem>> -> memref<1x80xi32, #tpu.memory_space<vmem>>
      %dma_start3A_123 = tpu.memref_squeeze %dma_start3A_122 : memref<1x80xi32, #tpu.memory_space<vmem>> -> memref<80xi32, #tpu.memory_space<vmem>>
      %dma_start3A_124 = arith.constant 0 : i32
      %dma_start3A_125 = arith.constant 0 : i32
      %dma_start3A_126 = tpu.memref_slice %arg12[%dma_start3A_124, %dma_start3A_125] : memref<10240x128xf32, #tpu.memory_space<vmem_shared>> -> memref<10240x128xf32, #tpu.memory_space<vmem_shared>>
      tpu.enqueue_indirect_dma source(%dma_start3A_120 : memref<80x128xf32, #tpu.memory_space<vmem>>) target(%dma_start3A_126 : memref<10240x128xf32, #tpu.memory_space<vmem_shared>>) offsets(%dma_start3A_123 : memref<80xi32, #tpu.memory_space<vmem>>) semaphore(%arg18 : memref<!tpu.dma_semaphore, #tpu.memory_space<semaphore_mem>>) {add = true}
      %dma_wait3A_127 = arith.constant 0 : i32
      %dma_wait3A_128 = arith.constant 0 : i32
      %dma_wait3A_129 = arith.constant 0 : i32
      %dma_wait3A_130 = tpu.memref_slice %arg11[%dma_wait3A_127, %dma_wait3A_128, %dma_wait3A_129] : memref<4x80x128xf32, #tpu.memory_space<vmem>> -> memref<1x80x128xf32, #tpu.memory_space<vmem>>
      %dma_wait3A_131 = tpu.memref_squeeze %dma_wait3A_130 : memref<1x80x128xf32, #tpu.memory_space<vmem>> -> memref<80x128xf32, #tpu.memory_space<vmem>>
      %dma_wait3A_132 = arith.constant 0 : i32
      %dma_wait3A_133 = arith.constant 0 : i32
      %dma_wait3A_134 = tpu.memref_slice %arg2[%dma_wait3A_132, %dma_wait3A_133] : memref<10240x128xf32, #tpu.memory_space<hbm>> -> memref<80x128xf32, #tpu.memory_space<hbm>>
      %dma_wait3A_135 = arith.constant 0 : i32
      %dma_wait3A_136 = arith.constant 0 : i32
      %dma_wait3A_137 = tpu.memref_slice %arg11[%dma_wait3A_127, %dma_wait3A_135, %dma_wait3A_136] : memref<4x80x128xf32, #tpu.memory_space<vmem>> -> memref<1x80x128xf32, #tpu.memory_space<vmem>>
      %dma_wait3A_138 = tpu.memref_squeeze %dma_wait3A_137 : memref<1x80x128xf32, #tpu.memory_space<vmem>> -> memref<80x128xf32, #tpu.memory_space<vmem>>
      %dma_wait3A_139 = arith.constant 0 : i32
      %dma_wait3A_140 = arith.constant 0 : i32
      %dma_wait3A_141 = tpu.memref_slice %arg2[%dma_wait3A_139, %dma_wait3A_140] : memref<10240x128xf32, #tpu.memory_space<hbm>> -> memref<80x128xf32, #tpu.memory_space<hbm>>
      tpu.wait_dma2 semaphore(%arg17 : memref<!tpu.dma_semaphore, #tpu.memory_space<semaphore_mem>>) src(%dma_wait3A_141 : memref<80x128xf32, #tpu.memory_space<hbm>>) dst(%dma_wait3A_138 : memref<80x128xf32, #tpu.memory_space<vmem>>)
      %mul3A_142 = arith.constant 2 : i32
      %mul3A_143 = arith.muli %mul3A_142, %scan3A_58 : i32
      %add3A_144 = arith.constant 1 : i32
      %add3A_145 = arith.addi %mul3A_143, %add3A_144 : i32
      %mul3A_146 = arith.constant 8 : i32
      %mul3A_147 = arith.muli %add3A_145, %mul3A_146 : i32
      %dma_start3A_148 = arith.constant 0 : i32
      %dma_start3A_149 = tpu.memref_slice %arg3[%add3A, %mul3A_147, %dma_start3A_148] : memref<32x128x80xi32, #tpu.memory_space<hbm>> -> memref<1x8x80xi32, #tpu.memory_space<hbm>>
      %dma_start3A_150 = tpu.memref_squeeze %dma_start3A_149 : memref<1x8x80xi32, #tpu.memory_space<hbm>> -> memref<8x80xi32, #tpu.memory_space<hbm>>
      %dma_start3A_151 = arith.constant 0 : i32
      %dma_start3A_152 = tpu.memref_slice %arg3[%add3A, %mul3A_147, %dma_start3A_151] : memref<32x128x80xi32, #tpu.memory_space<hbm>> -> memref<1x8x80xi32, #tpu.memory_space<hbm>>
      %dma_start3A_153 = tpu.memref_squeeze %dma_start3A_152 : memref<1x8x80xi32, #tpu.memory_space<hbm>> -> memref<8x80xi32, #tpu.memory_space<hbm>>
      tpu.enqueue_dma source(%dma_start3A_153 : memref<8x80xi32, #tpu.memory_space<hbm>>) target(%arg8 : memref<8x80xi32, #tpu.memory_space<vmem>>) target_semaphore(%arg22 : memref<!tpu.dma_semaphore, #tpu.memory_space<semaphore_mem>>)
      %mul3A_154 = arith.constant 8 : i32
      %mul3A_155 = arith.muli %add3A_145, %mul3A_154 : i32
      %dma_start3A_156 = arith.constant 0 : i32
      %dma_start3A_157 = tpu.memref_slice %arg4[%add3A, %mul3A_155, %dma_start3A_156] : memref<32x128x80xi32, #tpu.memory_space<hbm>> -> memref<1x8x80xi32, #tpu.memory_space<hbm>>
      %dma_start3A_158 = tpu.memref_squeeze %dma_start3A_157 : memref<1x8x80xi32, #tpu.memory_space<hbm>> -> memref<8x80xi32, #tpu.memory_space<hbm>>
      %dma_start3A_159 = arith.constant 0 : i32
      %dma_start3A_160 = tpu.memref_slice %arg4[%add3A, %mul3A_155, %dma_start3A_159] : memref<32x128x80xi32, #tpu.memory_space<hbm>> -> memref<1x8x80xi32, #tpu.memory_space<hbm>>
      %dma_start3A_161 = tpu.memref_squeeze %dma_start3A_160 : memref<1x8x80xi32, #tpu.memory_space<hbm>> -> memref<8x80xi32, #tpu.memory_space<hbm>>
      tpu.enqueue_dma source(%dma_start3A_161 : memref<8x80xi32, #tpu.memory_space<hbm>>) target(%arg10 : memref<8x80xi32, #tpu.memory_space<vmem>>) target_semaphore(%arg22 : memref<!tpu.dma_semaphore, #tpu.memory_space<semaphore_mem>>)
      %dma_start3A_162 = arith.constant 4 : i32
      %dma_start3A_163 = arith.constant 0 : i32
      %dma_start3A_164 = arith.constant 0 : i32
      %dma_start3A_165 = arith.constant 0 : i32
      %dma_start3A_166 = tpu.memref_slice %arg11[%dma_start3A_163, %dma_start3A_164, %dma_start3A_165] : memref<4x80x128xf32, #tpu.memory_space<vmem>> -> memref<1x80x128xf32, #tpu.memory_space<vmem>>
      %dma_start3A_167 = tpu.memref_squeeze %dma_start3A_166 : memref<1x80x128xf32, #tpu.memory_space<vmem>> -> memref<80x128xf32, #tpu.memory_space<vmem>>
      %dma_start3A_168 = arith.constant 0 : i32
      %dma_start3A_169 = tpu.memref_slice %arg7[%dma_start3A_162, %dma_start3A_168] : memref<8x80xi32, #tpu.memory_space<vmem>> -> memref<1x80xi32, #tpu.memory_space<vmem>>
      %dma_start3A_170 = tpu.memref_squeeze %dma_start3A_169 : memref<1x80xi32, #tpu.memory_space<vmem>> -> memref<80xi32, #tpu.memory_space<vmem>>
      %dma_start3A_171 = arith.constant 0 : i32
      %dma_start3A_172 = arith.constant 0 : i32
      %dma_start3A_173 = tpu.memref_slice %arg2[%dma_start3A_171, %dma_start3A_172] : memref<10240x128xf32, #tpu.memory_space<hbm>> -> memref<10240x128xf32, #tpu.memory_space<hbm>>
      tpu.enqueue_indirect_dma source(%dma_start3A_173 : memref<10240x128xf32, #tpu.memory_space<hbm>>) target(%dma_start3A_167 : memref<80x128xf32, #tpu.memory_space<vmem>>) offsets(%dma_start3A_170 : memref<80xi32, #tpu.memory_space<vmem>>) semaphore(%arg13 : memref<!tpu.dma_semaphore, #tpu.memory_space<semaphore_mem>>)
      %dma_wait3A_174 = arith.constant 2 : i32
      %dma_wait3A_175 = arith.constant 0 : i32
      %dma_wait3A_176 = arith.constant 0 : i32
      %dma_wait3A_177 = tpu.memref_slice %arg11[%dma_wait3A_174, %dma_wait3A_175, %dma_wait3A_176] : memref<4x80x128xf32, #tpu.memory_space<vmem>> -> memref<1x80x128xf32, #tpu.memory_space<vmem>>
      %dma_wait3A_178 = tpu.memref_squeeze %dma_wait3A_177 : memref<1x80x128xf32, #tpu.memory_space<vmem>> -> memref<80x128xf32, #tpu.memory_space<vmem>>
      %dma_wait3A_179 = arith.constant 0 : i32
      %dma_wait3A_180 = arith.constant 0 : i32
      %dma_wait3A_181 = tpu.memref_slice %arg2[%dma_wait3A_179, %dma_wait3A_180] : memref<10240x128xf32, #tpu.memory_space<hbm>> -> memref<80x128xf32, #tpu.memory_space<hbm>>
      %dma_wait3A_182 = arith.constant 0 : i32
      %dma_wait3A_183 = arith.constant 0 : i32
      %dma_wait3A_184 = tpu.memref_slice %arg11[%dma_wait3A_174, %dma_wait3A_182, %dma_wait3A_183] : memref<4x80x128xf32, #tpu.memory_space<vmem>> -> memref<1x80x128xf32, #tpu.memory_space<vmem>>
      %dma_wait3A_185 = tpu.memref_squeeze %dma_wait3A_184 : memref<1x80x128xf32, #tpu.memory_space<vmem>> -> memref<80x128xf32, #tpu.memory_space<vmem>>
      %dma_wait3A_186 = arith.constant 0 : i32
      %dma_wait3A_187 = arith.constant 0 : i32
      %dma_wait3A_188 = tpu.memref_slice %arg2[%dma_wait3A_186, %dma_wait3A_187] : memref<10240x128xf32, #tpu.memory_space<hbm>> -> memref<80x128xf32, #tpu.memory_space<hbm>>
      tpu.wait_dma2 semaphore(%arg15 : memref<!tpu.dma_semaphore, #tpu.memory_space<semaphore_mem>>) src(%dma_wait3A_188 : memref<80x128xf32, #tpu.memory_space<hbm>>) dst(%dma_wait3A_185 : memref<80x128xf32, #tpu.memory_space<vmem>>)
      %dma_start3A_189 = arith.constant 2 : i32
      %dma_start3A_190 = arith.constant 2 : i32
      %dma_start3A_191 = arith.constant 0 : i32
      %dma_start3A_192 = arith.constant 0 : i32
      %dma_start3A_193 = tpu.memref_slice %arg11[%dma_start3A_189, %dma_start3A_191, %dma_start3A_192] : memref<4x80x128xf32, #tpu.memory_space<vmem>> -> memref<1x80x128xf32, #tpu.memory_space<vmem>>
      %dma_start3A_194 = tpu.memref_squeeze %dma_start3A_193 : memref<1x80x128xf32, #tpu.memory_space<vmem>> -> memref<80x128xf32, #tpu.memory_space<vmem>>
      %dma_start3A_195 = arith.constant 0 : i32
      %dma_start3A_196 = tpu.memref_slice %arg9[%dma_start3A_190, %dma_start3A_195] : memref<8x80xi32, #tpu.memory_space<vmem>> -> memref<1x80xi32, #tpu.memory_space<vmem>>
      %dma_start3A_197 = tpu.memref_squeeze %dma_start3A_196 : memref<1x80xi32, #tpu.memory_space<vmem>> -> memref<80xi32, #tpu.memory_space<vmem>>
      %dma_start3A_198 = arith.constant 0 : i32
      %dma_start3A_199 = arith.constant 0 : i32
      %dma_start3A_200 = tpu.memref_slice %arg12[%dma_start3A_198, %dma_start3A_199] : memref<10240x128xf32, #tpu.memory_space<vmem_shared>> -> memref<10240x128xf32, #tpu.memory_space<vmem_shared>>
      tpu.enqueue_indirect_dma source(%dma_start3A_194 : memref<80x128xf32, #tpu.memory_space<vmem>>) target(%dma_start3A_200 : memref<10240x128xf32, #tpu.memory_space<vmem_shared>>) offsets(%dma_start3A_197 : memref<80xi32, #tpu.memory_space<vmem>>) semaphore(%arg19 : memref<!tpu.dma_semaphore, #tpu.memory_space<semaphore_mem>>) {add = true}
      %dma_wait3A_201 = arith.constant 1 : i32
      %dma_wait3A_202 = arith.constant 0 : i32
      %dma_wait3A_203 = arith.constant 0 : i32
      %dma_wait3A_204 = tpu.memref_slice %arg11[%dma_wait3A_201, %dma_wait3A_202, %dma_wait3A_203] : memref<4x80x128xf32, #tpu.memory_space<vmem>> -> memref<1x80x128xf32, #tpu.memory_space<vmem>>
      %dma_wait3A_205 = tpu.memref_squeeze %dma_wait3A_204 : memref<1x80x128xf32, #tpu.memory_space<vmem>> -> memref<80x128xf32, #tpu.memory_space<vmem>>
      %dma_wait3A_206 = arith.constant 0 : i32
      %dma_wait3A_207 = arith.constant 0 : i32
      %dma_wait3A_208 = tpu.memref_slice %arg2[%dma_wait3A_206, %dma_wait3A_207] : memref<10240x128xf32, #tpu.memory_space<hbm>> -> memref<80x128xf32, #tpu.memory_space<hbm>>
      %dma_wait3A_209 = arith.constant 0 : i32
      %dma_wait3A_210 = arith.constant 0 : i32
      %dma_wait3A_211 = tpu.memref_slice %arg11[%dma_wait3A_201, %dma_wait3A_209, %dma_wait3A_210] : memref<4x80x128xf32, #tpu.memory_space<vmem>> -> memref<1x80x128xf32, #tpu.memory_space<vmem>>
      %dma_wait3A_212 = tpu.memref_squeeze %dma_wait3A_211 : memref<1x80x128xf32, #tpu.memory_space<vmem>> -> memref<80x128xf32, #tpu.memory_space<vmem>>
      %dma_wait3A_213 = arith.constant 0 : i32
      %dma_wait3A_214 = arith.constant 0 : i32
      %dma_wait3A_215 = tpu.memref_slice %arg2[%dma_wait3A_213, %dma_wait3A_214] : memref<10240x128xf32, #tpu.memory_space<hbm>> -> memref<80x128xf32, #tpu.memory_space<hbm>>
      tpu.wait_dma2 semaphore(%arg18 : memref<!tpu.dma_semaphore, #tpu.memory_space<semaphore_mem>>) src(%dma_wait3A_215 : memref<80x128xf32, #tpu.memory_space<hbm>>) dst(%dma_wait3A_212 : memref<80x128xf32, #tpu.memory_space<vmem>>)
      %dma_start3A_216 = arith.constant 5 : i32
      %dma_start3A_217 = arith.constant 1 : i32
      %dma_start3A_218 = arith.constant 0 : i32
      %dma_start3A_219 = arith.constant 0 : i32
      %dma_start3A_220 = tpu.memref_slice %arg11[%dma_start3A_217, %dma_start3A_218, %dma_start3A_219] : memref<4x80x128xf32, #tpu.memory_space<vmem>> -> memref<1x80x128xf32, #tpu.memory_space<vmem>>
      %dma_start3A_221 = tpu.memref_squeeze %dma_start3A_220 : memref<1x80x128xf32, #tpu.memory_space<vmem>> -> memref<80x128xf32, #tpu.memory_space<vmem>>
      %dma_start3A_222 = arith.constant 0 : i32
      %dma_start3A_223 = tpu.memref_slice %arg7[%dma_start3A_216, %dma_start3A_222] : memref<8x80xi32, #tpu.memory_space<vmem>> -> memref<1x80xi32, #tpu.memory_space<vmem>>
      %dma_start3A_224 = tpu.memref_squeeze %dma_start3A_223 : memref<1x80xi32, #tpu.memory_space<vmem>> -> memref<80xi32, #tpu.memory_space<vmem>>
      %dma_start3A_225 = arith.constant 0 : i32
      %dma_start3A_226 = arith.constant 0 : i32
      %dma_start3A_227 = tpu.memref_slice %arg2[%dma_start3A_225, %dma_start3A_226] : memref<10240x128xf32, #tpu.memory_space<hbm>> -> memref<10240x128xf32, #tpu.memory_space<hbm>>
      tpu.enqueue_indirect_dma source(%dma_start3A_227 : memref<10240x128xf32, #tpu.memory_space<hbm>>) target(%dma_start3A_221 : memref<80x128xf32, #tpu.memory_space<vmem>>) offsets(%dma_start3A_224 : memref<80xi32, #tpu.memory_space<vmem>>) semaphore(%arg14 : memref<!tpu.dma_semaphore, #tpu.memory_space<semaphore_mem>>)
      %dma_wait3A_228 = arith.constant 3 : i32
      %dma_wait3A_229 = arith.constant 0 : i32
      %dma_wait3A_230 = arith.constant 0 : i32
      %dma_wait3A_231 = tpu.memref_slice %arg11[%dma_wait3A_228, %dma_wait3A_229, %dma_wait3A_230] : memref<4x80x128xf32, #tpu.memory_space<vmem>> -> memref<1x80x128xf32, #tpu.memory_space<vmem>>
      %dma_wait3A_232 = tpu.memref_squeeze %dma_wait3A_231 : memref<1x80x128xf32, #tpu.memory_space<vmem>> -> memref<80x128xf32, #tpu.memory_space<vmem>>
      %dma_wait3A_233 = arith.constant 0 : i32
      %dma_wait3A_234 = arith.constant 0 : i32
      %dma_wait3A_235 = tpu.memref_slice %arg2[%dma_wait3A_233, %dma_wait3A_234] : memref<10240x128xf32, #tpu.memory_space<hbm>> -> memref<80x128xf32, #tpu.memory_space<hbm>>
      %dma_wait3A_236 = arith.constant 0 : i32
      %dma_wait3A_237 = arith.constant 0 : i32
      %dma_wait3A_238 = tpu.memref_slice %arg11[%dma_wait3A_228, %dma_wait3A_236, %dma_wait3A_237] : memref<4x80x128xf32, #tpu.memory_space<vmem>> -> memref<1x80x128xf32, #tpu.memory_space<vmem>>
      %dma_wait3A_239 = tpu.memref_squeeze %dma_wait3A_238 : memref<1x80x128xf32, #tpu.memory_space<vmem>> -> memref<80x128xf32, #tpu.memory_space<vmem>>
      %dma_wait3A_240 = arith.constant 0 : i32
      %dma_wait3A_241 = arith.constant 0 : i32
      %dma_wait3A_242 = tpu.memref_slice %arg2[%dma_wait3A_240, %dma_wait3A_241] : memref<10240x128xf32, #tpu.memory_space<hbm>> -> memref<80x128xf32, #tpu.memory_space<hbm>>
      tpu.wait_dma2 semaphore(%arg16 : memref<!tpu.dma_semaphore, #tpu.memory_space<semaphore_mem>>) src(%dma_wait3A_242 : memref<80x128xf32, #tpu.memory_space<hbm>>) dst(%dma_wait3A_239 : memref<80x128xf32, #tpu.memory_space<vmem>>)
      %dma_start3A_243 = arith.constant 3 : i32
      %dma_start3A_244 = arith.constant 3 : i32
      %dma_start3A_245 = arith.constant 0 : i32
      %dma_start3A_246 = arith.constant 0 : i32
      %dma_start3A_247 = tpu.memref_slice %arg11[%dma_start3A_243, %dma_start3A_245, %dma_start3A_246] : memref<4x80x128xf32, #tpu.memory_space<vmem>> -> memref<1x80x128xf32, #tpu.memory_space<vmem>>
      %dma_start3A_248 = tpu.memref_squeeze %dma_start3A_247 : memref<1x80x128xf32, #tpu.memory_space<vmem>> -> memref<80x128xf32, #tpu.memory_space<vmem>>
      %dma_start3A_249 = arith.constant 0 : i32
      %dma_start3A_250 = tpu.memref_slice %arg9[%dma_start3A_244, %dma_start3A_249] : memref<8x80xi32, #tpu.memory_space<vmem>> -> memref<1x80xi32, #tpu.memory_space<vmem>>
      %dma_start3A_251 = tpu.memref_squeeze %dma_start3A_250 : memref<1x80xi32, #tpu.memory_space<vmem>> -> memref<80xi32, #tpu.memory_space<vmem>>
      %dma_start3A_252 = arith.constant 0 : i32
      %dma_start3A_253 = arith.constant 0 : i32
      %dma_start3A_254 = tpu.memref_slice %arg12[%dma_start3A_252, %dma_start3A_253] : memref<10240x128xf32, #tpu.memory_space<vmem_shared>> -> memref<10240x128xf32, #tpu.memory_space<vmem_shared>>
      tpu.enqueue_indirect_dma source(%dma_start3A_248 : memref<80x128xf32, #tpu.memory_space<vmem>>) target(%dma_start3A_254 : memref<10240x128xf32, #tpu.memory_space<vmem_shared>>) offsets(%dma_start3A_251 : memref<80xi32, #tpu.memory_space<vmem>>) semaphore(%arg20 : memref<!tpu.dma_semaphore, #tpu.memory_space<semaphore_mem>>) {add = true}
      %dma_wait3A_255 = arith.constant 2 : i32
      %dma_wait3A_256 = arith.constant 0 : i32
      %dma_wait3A_257 = arith.constant 0 : i32
      %dma_wait3A_258 = tpu.memref_slice %arg11[%dma_wait3A_255, %dma_wait3A_256, %dma_wait3A_257] : memref<4x80x128xf32, #tpu.memory_space<vmem>> -> memref<1x80x128xf32, #tpu.memory_space<vmem>>
      %dma_wait3A_259 = tpu.memref_squeeze %dma_wait3A_258 : memref<1x80x128xf32, #tpu.memory_space<vmem>> -> memref<80x128xf32, #tpu.memory_space<vmem>>
      %dma_wait3A_260 = arith.constant 0 : i32
      %dma_wait3A_261 = arith.constant 0 : i32
      %dma_wait3A_262 = tpu.memref_slice %arg2[%dma_wait3A_260, %dma_wait3A_261] : memref<10240x128xf32, #tpu.memory_space<hbm>> -> memref<80x128xf32, #tpu.memory_space<hbm>>
      %dma_wait3A_263 = arith.constant 0 : i32
      %dma_wait3A_264 = arith.constant 0 : i32
      %dma_wait3A_265 = tpu.memref_slice %arg11[%dma_wait3A_255, %dma_wait3A_263, %dma_wait3A_264] : memref<4x80x128xf32, #tpu.memory_space<vmem>> -> memref<1x80x128xf32, #tpu.memory_space<vmem>>
      %dma_wait3A_266 = tpu.memref_squeeze %dma_wait3A_265 : memref<1x80x128xf32, #tpu.memory_space<vmem>> -> memref<80x128xf32, #tpu.memory_space<vmem>>
      %dma_wait3A_267 = arith.constant 0 : i32
      %dma_wait3A_268 = arith.constant 0 : i32
      %dma_wait3A_269 = tpu.memref_slice %arg2[%dma_wait3A_267, %dma_wait3A_268] : memref<10240x128xf32, #tpu.memory_space<hbm>> -> memref<80x128xf32, #tpu.memory_space<hbm>>
      tpu.wait_dma2 semaphore(%arg19 : memref<!tpu.dma_semaphore, #tpu.memory_space<semaphore_mem>>) src(%dma_wait3A_269 : memref<80x128xf32, #tpu.memory_space<hbm>>) dst(%dma_wait3A_266 : memref<80x128xf32, #tpu.memory_space<vmem>>)
      %dma_start3A_270 = arith.constant 6 : i32
      %dma_start3A_271 = arith.constant 2 : i32
      %dma_start3A_272 = arith.constant 0 : i32
      %dma_start3A_273 = arith.constant 0 : i32
      %dma_start3A_274 = tpu.memref_slice %arg11[%dma_start3A_271, %dma_start3A_272, %dma_start3A_273] : memref<4x80x128xf32, #tpu.memory_space<vmem>> -> memref<1x80x128xf32, #tpu.memory_space<vmem>>
      %dma_start3A_275 = tpu.memref_squeeze %dma_start3A_274 : memref<1x80x128xf32, #tpu.memory_space<vmem>> -> memref<80x128xf32, #tpu.memory_space<vmem>>
      %dma_start3A_276 = arith.constant 0 : i32
      %dma_start3A_277 = tpu.memref_slice %arg7[%dma_start3A_270, %dma_start3A_276] : memref<8x80xi32, #tpu.memory_space<vmem>> -> memref<1x80xi32, #tpu.memory_space<vmem>>
      %dma_start3A_278 = tpu.memref_squeeze %dma_start3A_277 : memref<1x80xi32, #tpu.memory_space<vmem>> -> memref<80xi32, #tpu.memory_space<vmem>>
      %dma_start3A_279 = arith.constant 0 : i32
      %dma_start3A_280 = arith.constant 0 : i32
      %dma_start3A_281 = tpu.memref_slice %arg2[%dma_start3A_279, %dma_start3A_280] : memref<10240x128xf32, #tpu.memory_space<hbm>> -> memref<10240x128xf32, #tpu.memory_space<hbm>>
      tpu.enqueue_indirect_dma source(%dma_start3A_281 : memref<10240x128xf32, #tpu.memory_space<hbm>>) target(%dma_start3A_275 : memref<80x128xf32, #tpu.memory_space<vmem>>) offsets(%dma_start3A_278 : memref<80xi32, #tpu.memory_space<vmem>>) semaphore(%arg15 : memref<!tpu.dma_semaphore, #tpu.memory_space<semaphore_mem>>)
      %dma_wait3A_282 = arith.constant 0 : i32
      %dma_wait3A_283 = arith.constant 0 : i32
      %dma_wait3A_284 = arith.constant 0 : i32
      %dma_wait3A_285 = tpu.memref_slice %arg11[%dma_wait3A_282, %dma_wait3A_283, %dma_wait3A_284] : memref<4x80x128xf32, #tpu.memory_space<vmem>> -> memref<1x80x128xf32, #tpu.memory_space<vmem>>
      %dma_wait3A_286 = tpu.memref_squeeze %dma_wait3A_285 : memref<1x80x128xf32, #tpu.memory_space<vmem>> -> memref<80x128xf32, #tpu.memory_space<vmem>>
      %dma_wait3A_287 = arith.constant 0 : i32
      %dma_wait3A_288 = arith.constant 0 : i32
      %dma_wait3A_289 = tpu.memref_slice %arg2[%dma_wait3A_287, %dma_wait3A_288] : memref<10240x128xf32, #tpu.memory_space<hbm>> -> memref<80x128xf32, #tpu.memory_space<hbm>>
      %dma_wait3A_290 = arith.constant 0 : i32
      %dma_wait3A_291 = arith.constant 0 : i32
      %dma_wait3A_292 = tpu.memref_slice %arg11[%dma_wait3A_282, %dma_wait3A_290, %dma_wait3A_291] : memref<4x80x128xf32, #tpu.memory_space<vmem>> -> memref<1x80x128xf32, #tpu.memory_space<vmem>>
      %dma_wait3A_293 = tpu.memref_squeeze %dma_wait3A_292 : memref<1x80x128xf32, #tpu.memory_space<vmem>> -> memref<80x128xf32, #tpu.memory_space<vmem>>
      %dma_wait3A_294 = arith.constant 0 : i32
      %dma_wait3A_295 = arith.constant 0 : i32
      %dma_wait3A_296 = tpu.memref_slice %arg2[%dma_wait3A_294, %dma_wait3A_295] : memref<10240x128xf32, #tpu.memory_space<hbm>> -> memref<80x128xf32, #tpu.memory_space<hbm>>
      tpu.wait_dma2 semaphore(%arg13 : memref<!tpu.dma_semaphore, #tpu.memory_space<semaphore_mem>>) src(%dma_wait3A_296 : memref<80x128xf32, #tpu.memory_space<hbm>>) dst(%dma_wait3A_293 : memref<80x128xf32, #tpu.memory_space<vmem>>)
      %dma_start3A_297 = arith.constant 0 : i32
      %dma_start3A_298 = arith.constant 4 : i32
      %dma_start3A_299 = arith.constant 0 : i32
      %dma_start3A_300 = arith.constant 0 : i32
      %dma_start3A_301 = tpu.memref_slice %arg11[%dma_start3A_297, %dma_start3A_299, %dma_start3A_300] : memref<4x80x128xf32, #tpu.memory_space<vmem>> -> memref<1x80x128xf32, #tpu.memory_space<vmem>>
      %dma_start3A_302 = tpu.memref_squeeze %dma_start3A_301 : memref<1x80x128xf32, #tpu.memory_space<vmem>> -> memref<80x128xf32, #tpu.memory_space<vmem>>
      %dma_start3A_303 = arith.constant 0 : i32
      %dma_start3A_304 = tpu.memref_slice %arg9[%dma_start3A_298, %dma_start3A_303] : memref<8x80xi32, #tpu.memory_space<vmem>> -> memref<1x80xi32, #tpu.memory_space<vmem>>
      %dma_start3A_305 = tpu.memref_squeeze %dma_start3A_304 : memref<1x80xi32, #tpu.memory_space<vmem>> -> memref<80xi32, #tpu.memory_space<vmem>>
      %dma_start3A_306 = arith.constant 0 : i32
      %dma_start3A_307 = arith.constant 0 : i32
      %dma_start3A_308 = tpu.memref_slice %arg12[%dma_start3A_306, %dma_start3A_307] : memref<10240x128xf32, #tpu.memory_space<vmem_shared>> -> memref<10240x128xf32, #tpu.memory_space<vmem_shared>>
      tpu.enqueue_indirect_dma source(%dma_start3A_302 : memref<80x128xf32, #tpu.memory_space<vmem>>) target(%dma_start3A_308 : memref<10240x128xf32, #tpu.memory_space<vmem_shared>>) offsets(%dma_start3A_305 : memref<80xi32, #tpu.memory_space<vmem>>) semaphore(%arg17 : memref<!tpu.dma_semaphore, #tpu.memory_space<semaphore_mem>>) {add = true}
      %dma_wait3A_309 = arith.constant 3 : i32
      %dma_wait3A_310 = arith.constant 0 : i32
      %dma_wait3A_311 = arith.constant 0 : i32
      %dma_wait3A_312 = tpu.memref_slice %arg11[%dma_wait3A_309, %dma_wait3A_310, %dma_wait3A_311] : memref<4x80x128xf32, #tpu.memory_space<vmem>> -> memref<1x80x128xf32, #tpu.memory_space<vmem>>
      %dma_wait3A_313 = tpu.memref_squeeze %dma_wait3A_312 : memref<1x80x128xf32, #tpu.memory_space<vmem>> -> memref<80x128xf32, #tpu.memory_space<vmem>>
      %dma_wait3A_314 = arith.constant 0 : i32
      %dma_wait3A_315 = arith.constant 0 : i32
      %dma_wait3A_316 = tpu.memref_slice %arg2[%dma_wait3A_314, %dma_wait3A_315] : memref<10240x128xf32, #tpu.memory_space<hbm>> -> memref<80x128xf32, #tpu.memory_space<hbm>>
      %dma_wait3A_317 = arith.constant 0 : i32
      %dma_wait3A_318 = arith.constant 0 : i32
      %dma_wait3A_319 = tpu.memref_slice %arg11[%dma_wait3A_309, %dma_wait3A_317, %dma_wait3A_318] : memref<4x80x128xf32, #tpu.memory_space<vmem>> -> memref<1x80x128xf32, #tpu.memory_space<vmem>>
      %dma_wait3A_320 = tpu.memref_squeeze %dma_wait3A_319 : memref<1x80x128xf32, #tpu.memory_space<vmem>> -> memref<80x128xf32, #tpu.memory_space<vmem>>
      %dma_wait3A_321 = arith.constant 0 : i32
      %dma_wait3A_322 = arith.constant 0 : i32
      %dma_wait3A_323 = tpu.memref_slice %arg2[%dma_wait3A_321, %dma_wait3A_322] : memref<10240x128xf32, #tpu.memory_space<hbm>> -> memref<80x128xf32, #tpu.memory_space<hbm>>
      tpu.wait_dma2 semaphore(%arg20 : memref<!tpu.dma_semaphore, #tpu.memory_space<semaphore_mem>>) src(%dma_wait3A_323 : memref<80x128xf32, #tpu.memory_space<hbm>>) dst(%dma_wait3A_320 : memref<80x128xf32, #tpu.memory_space<vmem>>)
      %dma_start3A_324 = arith.constant 7 : i32
      %dma_start3A_325 = arith.constant 3 : i32
      %dma_start3A_326 = arith.constant 0 : i32
      %dma_start3A_327 = arith.constant 0 : i32
      %dma_start3A_328 = tpu.memref_slice %arg11[%dma_start3A_325, %dma_start3A_326, %dma_start3A_327] : memref<4x80x128xf32, #tpu.memory_space<vmem>> -> memref<1x80x128xf32, #tpu.memory_space<vmem>>
      %dma_start3A_329 = tpu.memref_squeeze %dma_start3A_328 : memref<1x80x128xf32, #tpu.memory_space<vmem>> -> memref<80x128xf32, #tpu.memory_space<vmem>>
      %dma_start3A_330 = arith.constant 0 : i32
      %dma_start3A_331 = tpu.memref_slice %arg7[%dma_start3A_324, %dma_start3A_330] : memref<8x80xi32, #tpu.memory_space<vmem>> -> memref<1x80xi32, #tpu.memory_space<vmem>>
      %dma_start3A_332 = tpu.memref_squeeze %dma_start3A_331 : memref<1x80xi32, #tpu.memory_space<vmem>> -> memref<80xi32, #tpu.memory_space<vmem>>
      %dma_start3A_333 = arith.constant 0 : i32
      %dma_start3A_334 = arith.constant 0 : i32
      %dma_start3A_335 = tpu.memref_slice %arg2[%dma_start3A_333, %dma_start3A_334] : memref<10240x128xf32, #tpu.memory_space<hbm>> -> memref<10240x128xf32, #tpu.memory_space<hbm>>
      tpu.enqueue_indirect_dma source(%dma_start3A_335 : memref<10240x128xf32, #tpu.memory_space<hbm>>) target(%dma_start3A_329 : memref<80x128xf32, #tpu.memory_space<vmem>>) offsets(%dma_start3A_332 : memref<80xi32, #tpu.memory_space<vmem>>) semaphore(%arg16 : memref<!tpu.dma_semaphore, #tpu.memory_space<semaphore_mem>>)
      %dma_wait3A_336 = arith.constant 1 : i32
      %dma_wait3A_337 = arith.constant 0 : i32
      %dma_wait3A_338 = arith.constant 0 : i32
      %dma_wait3A_339 = tpu.memref_slice %arg11[%dma_wait3A_336, %dma_wait3A_337, %dma_wait3A_338] : memref<4x80x128xf32, #tpu.memory_space<vmem>> -> memref<1x80x128xf32, #tpu.memory_space<vmem>>
      %dma_wait3A_340 = tpu.memref_squeeze %dma_wait3A_339 : memref<1x80x128xf32, #tpu.memory_space<vmem>> -> memref<80x128xf32, #tpu.memory_space<vmem>>
      %dma_wait3A_341 = arith.constant 0 : i32
      %dma_wait3A_342 = arith.constant 0 : i32
      %dma_wait3A_343 = tpu.memref_slice %arg2[%dma_wait3A_341, %dma_wait3A_342] : memref<10240x128xf32, #tpu.memory_space<hbm>> -> memref<80x128xf32, #tpu.memory_space<hbm>>
      %dma_wait3A_344 = arith.constant 0 : i32
      %dma_wait3A_345 = arith.constant 0 : i32
      %dma_wait3A_346 = tpu.memref_slice %arg11[%dma_wait3A_336, %dma_wait3A_344, %dma_wait3A_345] : memref<4x80x128xf32, #tpu.memory_space<vmem>> -> memref<1x80x128xf32, #tpu.memory_space<vmem>>
      %dma_wait3A_347 = tpu.memref_squeeze %dma_wait3A_346 : memref<1x80x128xf32, #tpu.memory_space<vmem>> -> memref<80x128xf32, #tpu.memory_space<vmem>>
      %dma_wait3A_348 = arith.constant 0 : i32
      %dma_wait3A_349 = arith.constant 0 : i32
      %dma_wait3A_350 = tpu.memref_slice %arg2[%dma_wait3A_348, %dma_wait3A_349] : memref<10240x128xf32, #tpu.memory_space<hbm>> -> memref<80x128xf32, #tpu.memory_space<hbm>>
      tpu.wait_dma2 semaphore(%arg14 : memref<!tpu.dma_semaphore, #tpu.memory_space<semaphore_mem>>) src(%dma_wait3A_350 : memref<80x128xf32, #tpu.memory_space<hbm>>) dst(%dma_wait3A_347 : memref<80x128xf32, #tpu.memory_space<vmem>>)
      %dma_start3A_351 = arith.constant 1 : i32
      %dma_start3A_352 = arith.constant 5 : i32
      %dma_start3A_353 = arith.constant 0 : i32
      %dma_start3A_354 = arith.constant 0 : i32
      %dma_start3A_355 = tpu.memref_slice %arg11[%dma_start3A_351, %dma_start3A_353, %dma_start3A_354] : memref<4x80x128xf32, #tpu.memory_space<vmem>> -> memref<1x80x128xf32, #tpu.memory_space<vmem>>
      %dma_start3A_356 = tpu.memref_squeeze %dma_start3A_355 : memref<1x80x128xf32, #tpu.memory_space<vmem>> -> memref<80x128xf32, #tpu.memory_space<vmem>>
      %dma_start3A_357 = arith.constant 0 : i32
      %dma_start3A_358 = tpu.memref_slice %arg9[%dma_start3A_352, %dma_start3A_357] : memref<8x80xi32, #tpu.memory_space<vmem>> -> memref<1x80xi32, #tpu.memory_space<vmem>>
      %dma_start3A_359 = tpu.memref_squeeze %dma_start3A_358 : memref<1x80xi32, #tpu.memory_space<vmem>> -> memref<80xi32, #tpu.memory_space<vmem>>
      %dma_start3A_360 = arith.constant 0 : i32
      %dma_start3A_361 = arith.constant 0 : i32
      %dma_start3A_362 = tpu.memref_slice %arg12[%dma_start3A_360, %dma_start3A_361] : memref<10240x128xf32, #tpu.memory_space<vmem_shared>> -> memref<10240x128xf32, #tpu.memory_space<vmem_shared>>
      tpu.enqueue_indirect_dma source(%dma_start3A_356 : memref<80x128xf32, #tpu.memory_space<vmem>>) target(%dma_start3A_362 : memref<10240x128xf32, #tpu.memory_space<vmem_shared>>) offsets(%dma_start3A_359 : memref<80xi32, #tpu.memory_space<vmem>>) semaphore(%arg18 : memref<!tpu.dma_semaphore, #tpu.memory_space<semaphore_mem>>) {add = true}
      %dma_wait3A_363 = arith.constant 0 : i32
      %dma_wait3A_364 = arith.constant 0 : i32
      %dma_wait3A_365 = arith.constant 0 : i32
      %dma_wait3A_366 = tpu.memref_slice %arg11[%dma_wait3A_363, %dma_wait3A_364, %dma_wait3A_365] : memref<4x80x128xf32, #tpu.memory_space<vmem>> -> memref<1x80x128xf32, #tpu.memory_space<vmem>>
      %dma_wait3A_367 = tpu.memref_squeeze %dma_wait3A_366 : memref<1x80x128xf32, #tpu.memory_space<vmem>> -> memref<80x128xf32, #tpu.memory_space<vmem>>
      %dma_wait3A_368 = arith.constant 0 : i32
      %dma_wait3A_369 = arith.constant 0 : i32
      %dma_wait3A_370 = tpu.memref_slice %arg2[%dma_wait3A_368, %dma_wait3A_369] : memref<10240x128xf32, #tpu.memory_space<hbm>> -> memref<80x128xf32, #tpu.memory_space<hbm>>
      %dma_wait3A_371 = arith.constant 0 : i32
      %dma_wait3A_372 = arith.constant 0 : i32
      %dma_wait3A_373 = tpu.memref_slice %arg11[%dma_wait3A_363, %dma_wait3A_371, %dma_wait3A_372] : memref<4x80x128xf32, #tpu.memory_space<vmem>> -> memref<1x80x128xf32, #tpu.memory_space<vmem>>
      %dma_wait3A_374 = tpu.memref_squeeze %dma_wait3A_373 : memref<1x80x128xf32, #tpu.memory_space<vmem>> -> memref<80x128xf32, #tpu.memory_space<vmem>>
      %dma_wait3A_375 = arith.constant 0 : i32
      %dma_wait3A_376 = arith.constant 0 : i32
      %dma_wait3A_377 = tpu.memref_slice %arg2[%dma_wait3A_375, %dma_wait3A_376] : memref<10240x128xf32, #tpu.memory_space<hbm>> -> memref<80x128xf32, #tpu.memory_space<hbm>>
      tpu.wait_dma2 semaphore(%arg17 : memref<!tpu.dma_semaphore, #tpu.memory_space<semaphore_mem>>) src(%dma_wait3A_377 : memref<80x128xf32, #tpu.memory_space<hbm>>) dst(%dma_wait3A_374 : memref<80x128xf32, #tpu.memory_space<vmem>>)
      %dma_wait3A_378 = arith.constant 0 : i32
      %dma_wait3A_379 = arith.constant 0 : i32
      %dma_wait3A_380 = tpu.memref_slice %arg3[%add3A, %dma_wait3A_378, %dma_wait3A_379] : memref<32x128x80xi32, #tpu.memory_space<hbm>> -> memref<1x8x80xi32, #tpu.memory_space<hbm>>
      %dma_wait3A_381 = tpu.memref_squeeze %dma_wait3A_380 : memref<1x8x80xi32, #tpu.memory_space<hbm>> -> memref<8x80xi32, #tpu.memory_space<hbm>>
      %dma_wait3A_382 = arith.constant 0 : i32
      %dma_wait3A_383 = arith.constant 0 : i32
      %dma_wait3A_384 = tpu.memref_slice %arg3[%add3A, %dma_wait3A_382, %dma_wait3A_383] : memref<32x128x80xi32, #tpu.memory_space<hbm>> -> memref<1x8x80xi32, #tpu.memory_space<hbm>>
      %dma_wait3A_385 = tpu.memref_squeeze %dma_wait3A_384 : memref<1x8x80xi32, #tpu.memory_space<hbm>> -> memref<8x80xi32, #tpu.memory_space<hbm>>
      tpu.wait_dma2 semaphore(%arg22 : memref<!tpu.dma_semaphore, #tpu.memory_space<semaphore_mem>>) src(%dma_wait3A_385 : memref<8x80xi32, #tpu.memory_space<hbm>>) dst(%arg8 : memref<8x80xi32, #tpu.memory_space<vmem>>)
      %dma_wait3A_386 = arith.constant 0 : i32
      %dma_wait3A_387 = arith.constant 0 : i32
      %dma_wait3A_388 = tpu.memref_slice %arg3[%add3A, %dma_wait3A_386, %dma_wait3A_387] : memref<32x128x80xi32, #tpu.memory_space<hbm>> -> memref<1x8x80xi32, #tpu.memory_space<hbm>>
      %dma_wait3A_389 = tpu.memref_squeeze %dma_wait3A_388 : memref<1x8x80xi32, #tpu.memory_space<hbm>> -> memref<8x80xi32, #tpu.memory_space<hbm>>
      %dma_wait3A_390 = arith.constant 0 : i32
      %dma_wait3A_391 = arith.constant 0 : i32
      %dma_wait3A_392 = tpu.memref_slice %arg3[%add3A, %dma_wait3A_390, %dma_wait3A_391] : memref<32x128x80xi32, #tpu.memory_space<hbm>> -> memref<1x8x80xi32, #tpu.memory_space<hbm>>
      %dma_wait3A_393 = tpu.memref_squeeze %dma_wait3A_392 : memref<1x8x80xi32, #tpu.memory_space<hbm>> -> memref<8x80xi32, #tpu.memory_space<hbm>>
      tpu.wait_dma2 semaphore(%arg22 : memref<!tpu.dma_semaphore, #tpu.memory_space<semaphore_mem>>) src(%dma_wait3A_393 : memref<8x80xi32, #tpu.memory_space<hbm>>) dst(%arg10 : memref<8x80xi32, #tpu.memory_space<vmem>>)
      %dma_start3A_394 = arith.constant 0 : i32
      %dma_start3A_395 = arith.constant 0 : i32
      %dma_start3A_396 = arith.constant 0 : i32
      %dma_start3A_397 = arith.constant 0 : i32
      %dma_start3A_398 = tpu.memref_slice %arg11[%dma_start3A_395, %dma_start3A_396, %dma_start3A_397] : memref<4x80x128xf32, #tpu.memory_space<vmem>> -> memref<1x80x128xf32, #tpu.memory_space<vmem>>
      %dma_start3A_399 = tpu.memref_squeeze %dma_start3A_398 : memref<1x80x128xf32, #tpu.memory_space<vmem>> -> memref<80x128xf32, #tpu.memory_space<vmem>>
      %dma_start3A_400 = arith.constant 0 : i32
      %dma_start3A_401 = tpu.memref_slice %arg8[%dma_start3A_394, %dma_start3A_400] : memref<8x80xi32, #tpu.memory_space<vmem>> -> memref<1x80xi32, #tpu.memory_space<vmem>>
      %dma_start3A_402 = tpu.memref_squeeze %dma_start3A_401 : memref<1x80xi32, #tpu.memory_space<vmem>> -> memref<80xi32, #tpu.memory_space<vmem>>
      %dma_start3A_403 = arith.constant 0 : i32
      %dma_start3A_404 = arith.constant 0 : i32
      %dma_start3A_405 = tpu.memref_slice %arg2[%dma_start3A_403, %dma_start3A_404] : memref<10240x128xf32, #tpu.memory_space<hbm>> -> memref<10240x128xf32, #tpu.memory_space<hbm>>
      tpu.enqueue_indirect_dma source(%dma_start3A_405 : memref<10240x128xf32, #tpu.memory_space<hbm>>) target(%dma_start3A_399 : memref<80x128xf32, #tpu.memory_space<vmem>>) offsets(%dma_start3A_402 : memref<80xi32, #tpu.memory_space<vmem>>) semaphore(%arg13 : memref<!tpu.dma_semaphore, #tpu.memory_space<semaphore_mem>>)
      %dma_wait3A_406 = arith.constant 2 : i32
      %dma_wait3A_407 = arith.constant 0 : i32
      %dma_wait3A_408 = arith.constant 0 : i32
      %dma_wait3A_409 = tpu.memref_slice %arg11[%dma_wait3A_406, %dma_wait3A_407, %dma_wait3A_408] : memref<4x80x128xf32, #tpu.memory_space<vmem>> -> memref<1x80x128xf32, #tpu.memory_space<vmem>>
      %dma_wait3A_410 = tpu.memref_squeeze %dma_wait3A_409 : memref<1x80x128xf32, #tpu.memory_space<vmem>> -> memref<80x128xf32, #tpu.memory_space<vmem>>
      %dma_wait3A_411 = arith.constant 0 : i32
      %dma_wait3A_412 = arith.constant 0 : i32
      %dma_wait3A_413 = tpu.memref_slice %arg2[%dma_wait3A_411, %dma_wait3A_412] : memref<10240x128xf32, #tpu.memory_space<hbm>> -> memref<80x128xf32, #tpu.memory_space<hbm>>
      %dma_wait3A_414 = arith.constant 0 : i32
      %dma_wait3A_415 = arith.constant 0 : i32
      %dma_wait3A_416 = tpu.memref_slice %arg11[%dma_wait3A_406, %dma_wait3A_414, %dma_wait3A_415] : memref<4x80x128xf32, #tpu.memory_space<vmem>> -> memref<1x80x128xf32, #tpu.memory_space<vmem>>
      %dma_wait3A_417 = tpu.memref_squeeze %dma_wait3A_416 : memref<1x80x128xf32, #tpu.memory_space<vmem>> -> memref<80x128xf32, #tpu.memory_space<vmem>>
      %dma_wait3A_418 = arith.constant 0 : i32
      %dma_wait3A_419 = arith.constant 0 : i32
      %dma_wait3A_420 = tpu.memref_slice %arg2[%dma_wait3A_418, %dma_wait3A_419] : memref<10240x128xf32, #tpu.memory_space<hbm>> -> memref<80x128xf32, #tpu.memory_space<hbm>>
      tpu.wait_dma2 semaphore(%arg15 : memref<!tpu.dma_semaphore, #tpu.memory_space<semaphore_mem>>) src(%dma_wait3A_420 : memref<80x128xf32, #tpu.memory_space<hbm>>) dst(%dma_wait3A_417 : memref<80x128xf32, #tpu.memory_space<vmem>>)
      %dma_start3A_421 = arith.constant 2 : i32
      %dma_start3A_422 = arith.constant 6 : i32
      %dma_start3A_423 = arith.constant 0 : i32
      %dma_start3A_424 = arith.constant 0 : i32
      %dma_start3A_425 = tpu.memref_slice %arg11[%dma_start3A_421, %dma_start3A_423, %dma_start3A_424] : memref<4x80x128xf32, #tpu.memory_space<vmem>> -> memref<1x80x128xf32, #tpu.memory_space<vmem>>
      %dma_start3A_426 = tpu.memref_squeeze %dma_start3A_425 : memref<1x80x128xf32, #tpu.memory_space<vmem>> -> memref<80x128xf32, #tpu.memory_space<vmem>>
      %dma_start3A_427 = arith.constant 0 : i32
      %dma_start3A_428 = tpu.memref_slice %arg9[%dma_start3A_422, %dma_start3A_427] : memref<8x80xi32, #tpu.memory_space<vmem>> -> memref<1x80xi32, #tpu.memory_space<vmem>>
      %dma_start3A_429 = tpu.memref_squeeze %dma_start3A_428 : memref<1x80xi32, #tpu.memory_space<vmem>> -> memref<80xi32, #tpu.memory_space<vmem>>
      %dma_start3A_430 = arith.constant 0 : i32
      %dma_start3A_431 = arith.constant 0 : i32
      %dma_start3A_432 = tpu.memref_slice %arg12[%dma_start3A_430, %dma_start3A_431] : memref<10240x128xf32, #tpu.memory_space<vmem_shared>> -> memref<10240x128xf32, #tpu.memory_space<vmem_shared>>
      tpu.enqueue_indirect_dma source(%dma_start3A_426 : memref<80x128xf32, #tpu.memory_space<vmem>>) target(%dma_start3A_432 : memref<10240x128xf32, #tpu.memory_space<vmem_shared>>) offsets(%dma_start3A_429 : memref<80xi32, #tpu.memory_space<vmem>>) semaphore(%arg19 : memref<!tpu.dma_semaphore, #tpu.memory_space<semaphore_mem>>) {add = true}
      %dma_wait3A_433 = arith.constant 1 : i32
      %dma_wait3A_434 = arith.constant 0 : i32
      %dma_wait3A_435 = arith.constant 0 : i32
      %dma_wait3A_436 = tpu.memref_slice %arg11[%dma_wait3A_433, %dma_wait3A_434, %dma_wait3A_435] : memref<4x80x128xf32, #tpu.memory_space<vmem>> -> memref<1x80x128xf32, #tpu.memory_space<vmem>>
      %dma_wait3A_437 = tpu.memref_squeeze %dma_wait3A_436 : memref<1x80x128xf32, #tpu.memory_space<vmem>> -> memref<80x128xf32, #tpu.memory_space<vmem>>
      %dma_wait3A_438 = arith.constant 0 : i32
      %dma_wait3A_439 = arith.constant 0 : i32
      %dma_wait3A_440 = tpu.memref_slice %arg2[%dma_wait3A_438, %dma_wait3A_439] : memref<10240x128xf32, #tpu.memory_space<hbm>> -> memref<80x128xf32, #tpu.memory_space<hbm>>
      %dma_wait3A_441 = arith.constant 0 : i32
      %dma_wait3A_442 = arith.constant 0 : i32
      %dma_wait3A_443 = tpu.memref_slice %arg11[%dma_wait3A_433, %dma_wait3A_441, %dma_wait3A_442] : memref<4x80x128xf32, #tpu.memory_space<vmem>> -> memref<1x80x128xf32, #tpu.memory_space<vmem>>
      %dma_wait3A_444 = tpu.memref_squeeze %dma_wait3A_443 : memref<1x80x128xf32, #tpu.memory_space<vmem>> -> memref<80x128xf32, #tpu.memory_space<vmem>>
      %dma_wait3A_445 = arith.constant 0 : i32
      %dma_wait3A_446 = arith.constant 0 : i32
      %dma_wait3A_447 = tpu.memref_slice %arg2[%dma_wait3A_445, %dma_wait3A_446] : memref<10240x128xf32, #tpu.memory_space<hbm>> -> memref<80x128xf32, #tpu.memory_space<hbm>>
      tpu.wait_dma2 semaphore(%arg18 : memref<!tpu.dma_semaphore, #tpu.memory_space<semaphore_mem>>) src(%dma_wait3A_447 : memref<80x128xf32, #tpu.memory_space<hbm>>) dst(%dma_wait3A_444 : memref<80x128xf32, #tpu.memory_space<vmem>>)
      %dma_start3A_448 = arith.constant 1 : i32
      %dma_start3A_449 = arith.constant 1 : i32
      %dma_start3A_450 = arith.constant 0 : i32
      %dma_start3A_451 = arith.constant 0 : i32
      %dma_start3A_452 = tpu.memref_slice %arg11[%dma_start3A_449, %dma_start3A_450, %dma_start3A_451] : memref<4x80x128xf32, #tpu.memory_space<vmem>> -> memref<1x80x128xf32, #tpu.memory_space<vmem>>
      %dma_start3A_453 = tpu.memref_squeeze %dma_start3A_452 : memref<1x80x128xf32, #tpu.memory_space<vmem>> -> memref<80x128xf32, #tpu.memory_space<vmem>>
      %dma_start3A_454 = arith.constant 0 : i32
      %dma_start3A_455 = tpu.memref_slice %arg8[%dma_start3A_448, %dma_start3A_454] : memref<8x80xi32, #tpu.memory_space<vmem>> -> memref<1x80xi32, #tpu.memory_space<vmem>>
      %dma_start3A_456 = tpu.memref_squeeze %dma_start3A_455 : memref<1x80xi32, #tpu.memory_space<vmem>> -> memref<80xi32, #tpu.memory_space<vmem>>
      %dma_start3A_457 = arith.constant 0 : i32
      %dma_start3A_458 = arith.constant 0 : i32
      %dma_start3A_459 = tpu.memref_slice %arg2[%dma_start3A_457, %dma_start3A_458] : memref<10240x128xf32, #tpu.memory_space<hbm>> -> memref<10240x128xf32, #tpu.memory_space<hbm>>
      tpu.enqueue_indirect_dma source(%dma_start3A_459 : memref<10240x128xf32, #tpu.memory_space<hbm>>) target(%dma_start3A_453 : memref<80x128xf32, #tpu.memory_space<vmem>>) offsets(%dma_start3A_456 : memref<80xi32, #tpu.memory_space<vmem>>) semaphore(%arg14 : memref<!tpu.dma_semaphore, #tpu.memory_space<semaphore_mem>>)
      %dma_wait3A_460 = arith.constant 3 : i32
      %dma_wait3A_461 = arith.constant 0 : i32
      %dma_wait3A_462 = arith.constant 0 : i32
      %dma_wait3A_463 = tpu.memref_slice %arg11[%dma_wait3A_460, %dma_wait3A_461, %dma_wait3A_462] : memref<4x80x128xf32, #tpu.memory_space<vmem>> -> memref<1x80x128xf32, #tpu.memory_space<vmem>>
      %dma_wait3A_464 = tpu.memref_squeeze %dma_wait3A_463 : memref<1x80x128xf32, #tpu.memory_space<vmem>> -> memref<80x128xf32, #tpu.memory_space<vmem>>
      %dma_wait3A_465 = arith.constant 0 : i32
      %dma_wait3A_466 = arith.constant 0 : i32
      %dma_wait3A_467 = tpu.memref_slice %arg2[%dma_wait3A_465, %dma_wait3A_466] : memref<10240x128xf32, #tpu.memory_space<hbm>> -> memref<80x128xf32, #tpu.memory_space<hbm>>
      %dma_wait3A_468 = arith.constant 0 : i32
      %dma_wait3A_469 = arith.constant 0 : i32
      %dma_wait3A_470 = tpu.memref_slice %arg11[%dma_wait3A_460, %dma_wait3A_468, %dma_wait3A_469] : memref<4x80x128xf32, #tpu.memory_space<vmem>> -> memref<1x80x128xf32, #tpu.memory_space<vmem>>
      %dma_wait3A_471 = tpu.memref_squeeze %dma_wait3A_470 : memref<1x80x128xf32, #tpu.memory_space<vmem>> -> memref<80x128xf32, #tpu.memory_space<vmem>>
      %dma_wait3A_472 = arith.constant 0 : i32
      %dma_wait3A_473 = arith.constant 0 : i32
      %dma_wait3A_474 = tpu.memref_slice %arg2[%dma_wait3A_472, %dma_wait3A_473] : memref<10240x128xf32, #tpu.memory_space<hbm>> -> memref<80x128xf32, #tpu.memory_space<hbm>>
      tpu.wait_dma2 semaphore(%arg16 : memref<!tpu.dma_semaphore, #tpu.memory_space<semaphore_mem>>) src(%dma_wait3A_474 : memref<80x128xf32, #tpu.memory_space<hbm>>) dst(%dma_wait3A_471 : memref<80x128xf32, #tpu.memory_space<vmem>>)
      %dma_start3A_475 = arith.constant 3 : i32
      %dma_start3A_476 = arith.constant 7 : i32
      %dma_start3A_477 = arith.constant 0 : i32
      %dma_start3A_478 = arith.constant 0 : i32
      %dma_start3A_479 = tpu.memref_slice %arg11[%dma_start3A_475, %dma_start3A_477, %dma_start3A_478] : memref<4x80x128xf32, #tpu.memory_space<vmem>> -> memref<1x80x128xf32, #tpu.memory_space<vmem>>
      %dma_start3A_480 = tpu.memref_squeeze %dma_start3A_479 : memref<1x80x128xf32, #tpu.memory_space<vmem>> -> memref<80x128xf32, #tpu.memory_space<vmem>>
      %dma_start3A_481 = arith.constant 0 : i32
      %dma_start3A_482 = tpu.memref_slice %arg9[%dma_start3A_476, %dma_start3A_481] : memref<8x80xi32, #tpu.memory_space<vmem>> -> memref<1x80xi32, #tpu.memory_space<vmem>>
      %dma_start3A_483 = tpu.memref_squeeze %dma_start3A_482 : memref<1x80xi32, #tpu.memory_space<vmem>> -> memref<80xi32, #tpu.memory_space<vmem>>
      %dma_start3A_484 = arith.constant 0 : i32
      %dma_start3A_485 = arith.constant 0 : i32
      %dma_start3A_486 = tpu.memref_slice %arg12[%dma_start3A_484, %dma_start3A_485] : memref<10240x128xf32, #tpu.memory_space<vmem_shared>> -> memref<10240x128xf32, #tpu.memory_space<vmem_shared>>
      tpu.enqueue_indirect_dma source(%dma_start3A_480 : memref<80x128xf32, #tpu.memory_space<vmem>>) target(%dma_start3A_486 : memref<10240x128xf32, #tpu.memory_space<vmem_shared>>) offsets(%dma_start3A_483 : memref<80xi32, #tpu.memory_space<vmem>>) semaphore(%arg20 : memref<!tpu.dma_semaphore, #tpu.memory_space<semaphore_mem>>) {add = true}
      %dma_wait3A_487 = arith.constant 2 : i32
      %dma_wait3A_488 = arith.constant 0 : i32
      %dma_wait3A_489 = arith.constant 0 : i32
      %dma_wait3A_490 = tpu.memref_slice %arg11[%dma_wait3A_487, %dma_wait3A_488, %dma_wait3A_489] : memref<4x80x128xf32, #tpu.memory_space<vmem>> -> memref<1x80x128xf32, #tpu.memory_space<vmem>>
      %dma_wait3A_491 = tpu.memref_squeeze %dma_wait3A_490 : memref<1x80x128xf32, #tpu.memory_space<vmem>> -> memref<80x128xf32, #tpu.memory_space<vmem>>
      %dma_wait3A_492 = arith.constant 0 : i32
      %dma_wait3A_493 = arith.constant 0 : i32
      %dma_wait3A_494 = tpu.memref_slice %arg2[%dma_wait3A_492, %dma_wait3A_493] : memref<10240x128xf32, #tpu.memory_space<hbm>> -> memref<80x128xf32, #tpu.memory_space<hbm>>
      %dma_wait3A_495 = arith.constant 0 : i32
      %dma_wait3A_496 = arith.constant 0 : i32
      %dma_wait3A_497 = tpu.memref_slice %arg11[%dma_wait3A_487, %dma_wait3A_495, %dma_wait3A_496] : memref<4x80x128xf32, #tpu.memory_space<vmem>> -> memref<1x80x128xf32, #tpu.memory_space<vmem>>
      %dma_wait3A_498 = tpu.memref_squeeze %dma_wait3A_497 : memref<1x80x128xf32, #tpu.memory_space<vmem>> -> memref<80x128xf32, #tpu.memory_space<vmem>>
      %dma_wait3A_499 = arith.constant 0 : i32
      %dma_wait3A_500 = arith.constant 0 : i32
      %dma_wait3A_501 = tpu.memref_slice %arg2[%dma_wait3A_499, %dma_wait3A_500] : memref<10240x128xf32, #tpu.memory_space<hbm>> -> memref<80x128xf32, #tpu.memory_space<hbm>>
      tpu.wait_dma2 semaphore(%arg19 : memref<!tpu.dma_semaphore, #tpu.memory_space<semaphore_mem>>) src(%dma_wait3A_501 : memref<80x128xf32, #tpu.memory_space<hbm>>) dst(%dma_wait3A_498 : memref<80x128xf32, #tpu.memory_space<vmem>>)
      %dma_start3A_502 = arith.constant 2 : i32
      %dma_start3A_503 = arith.constant 2 : i32
      %dma_start3A_504 = arith.constant 0 : i32
      %dma_start3A_505 = arith.constant 0 : i32
      %dma_start3A_506 = tpu.memref_slice %arg11[%dma_start3A_503, %dma_start3A_504, %dma_start3A_505] : memref<4x80x128xf32, #tpu.memory_space<vmem>> -> memref<1x80x128xf32, #tpu.memory_space<vmem>>
      %dma_start3A_507 = tpu.memref_squeeze %dma_start3A_506 : memref<1x80x128xf32, #tpu.memory_space<vmem>> -> memref<80x128xf32, #tpu.memory_space<vmem>>
      %dma_start3A_508 = arith.constant 0 : i32
      %dma_start3A_509 = tpu.memref_slice %arg8[%dma_start3A_502, %dma_start3A_508] : memref<8x80xi32, #tpu.memory_space<vmem>> -> memref<1x80xi32, #tpu.memory_space<vmem>>
      %dma_start3A_510 = tpu.memref_squeeze %dma_start3A_509 : memref<1x80xi32, #tpu.memory_space<vmem>> -> memref<80xi32, #tpu.memory_space<vmem>>
      %dma_start3A_511 = arith.constant 0 : i32
      %dma_start3A_512 = arith.constant 0 : i32
      %dma_start3A_513 = tpu.memref_slice %arg2[%dma_start3A_511, %dma_start3A_512] : memref<10240x128xf32, #tpu.memory_space<hbm>> -> memref<10240x128xf32, #tpu.memory_space<hbm>>
      tpu.enqueue_indirect_dma source(%dma_start3A_513 : memref<10240x128xf32, #tpu.memory_space<hbm>>) target(%dma_start3A_507 : memref<80x128xf32, #tpu.memory_space<vmem>>) offsets(%dma_start3A_510 : memref<80xi32, #tpu.memory_space<vmem>>) semaphore(%arg15 : memref<!tpu.dma_semaphore, #tpu.memory_space<semaphore_mem>>)
      %dma_wait3A_514 = arith.constant 0 : i32
      %dma_wait3A_515 = arith.constant 0 : i32
      %dma_wait3A_516 = arith.constant 0 : i32
      %dma_wait3A_517 = tpu.memref_slice %arg11[%dma_wait3A_514, %dma_wait3A_515, %dma_wait3A_516] : memref<4x80x128xf32, #tpu.memory_space<vmem>> -> memref<1x80x128xf32, #tpu.memory_space<vmem>>
      %dma_wait3A_518 = tpu.memref_squeeze %dma_wait3A_517 : memref<1x80x128xf32, #tpu.memory_space<vmem>> -> memref<80x128xf32, #tpu.memory_space<vmem>>
      %dma_wait3A_519 = arith.constant 0 : i32
      %dma_wait3A_520 = arith.constant 0 : i32
      %dma_wait3A_521 = tpu.memref_slice %arg2[%dma_wait3A_519, %dma_wait3A_520] : memref<10240x128xf32, #tpu.memory_space<hbm>> -> memref<80x128xf32, #tpu.memory_space<hbm>>
      %dma_wait3A_522 = arith.constant 0 : i32
      %dma_wait3A_523 = arith.constant 0 : i32
      %dma_wait3A_524 = tpu.memref_slice %arg11[%dma_wait3A_514, %dma_wait3A_522, %dma_wait3A_523] : memref<4x80x128xf32, #tpu.memory_space<vmem>> -> memref<1x80x128xf32, #tpu.memory_space<vmem>>
      %dma_wait3A_525 = tpu.memref_squeeze %dma_wait3A_524 : memref<1x80x128xf32, #tpu.memory_space<vmem>> -> memref<80x128xf32, #tpu.memory_space<vmem>>
      %dma_wait3A_526 = arith.constant 0 : i32
      %dma_wait3A_527 = arith.constant 0 : i32
      %dma_wait3A_528 = tpu.memref_slice %arg2[%dma_wait3A_526, %dma_wait3A_527] : memref<10240x128xf32, #tpu.memory_space<hbm>> -> memref<80x128xf32, #tpu.memory_space<hbm>>
      tpu.wait_dma2 semaphore(%arg13 : memref<!tpu.dma_semaphore, #tpu.memory_space<semaphore_mem>>) src(%dma_wait3A_528 : memref<80x128xf32, #tpu.memory_space<hbm>>) dst(%dma_wait3A_525 : memref<80x128xf32, #tpu.memory_space<vmem>>)
      %dma_start3A_529 = arith.constant 0 : i32
      %dma_start3A_530 = arith.constant 0 : i32
      %dma_start3A_531 = arith.constant 0 : i32
      %dma_start3A_532 = arith.constant 0 : i32
      %dma_start3A_533 = tpu.memref_slice %arg11[%dma_start3A_529, %dma_start3A_531, %dma_start3A_532] : memref<4x80x128xf32, #tpu.memory_space<vmem>> -> memref<1x80x128xf32, #tpu.memory_space<vmem>>
      %dma_start3A_534 = tpu.memref_squeeze %dma_start3A_533 : memref<1x80x128xf32, #tpu.memory_space<vmem>> -> memref<80x128xf32, #tpu.memory_space<vmem>>
      %dma_start3A_535 = arith.constant 0 : i32
      %dma_start3A_536 = tpu.memref_slice %arg10[%dma_start3A_530, %dma_start3A_535] : memref<8x80xi32, #tpu.memory_space<vmem>> -> memref<1x80xi32, #tpu.memory_space<vmem>>
      %dma_start3A_537 = tpu.memref_squeeze %dma_start3A_536 : memref<1x80xi32, #tpu.memory_space<vmem>> -> memref<80xi32, #tpu.memory_space<vmem>>
      %dma_start3A_538 = arith.constant 0 : i32
      %dma_start3A_539 = arith.constant 0 : i32
      %dma_start3A_540 = tpu.memref_slice %arg12[%dma_start3A_538, %dma_start3A_539] : memref<10240x128xf32, #tpu.memory_space<vmem_shared>> -> memref<10240x128xf32, #tpu.memory_space<vmem_shared>>
      tpu.enqueue_indirect_dma source(%dma_start3A_534 : memref<80x128xf32, #tpu.memory_space<vmem>>) target(%dma_start3A_540 : memref<10240x128xf32, #tpu.memory_space<vmem_shared>>) offsets(%dma_start3A_537 : memref<80xi32, #tpu.memory_space<vmem>>) semaphore(%arg17 : memref<!tpu.dma_semaphore, #tpu.memory_space<semaphore_mem>>) {add = true}
      %dma_wait3A_541 = arith.constant 3 : i32
      %dma_wait3A_542 = arith.constant 0 : i32
      %dma_wait3A_543 = arith.constant 0 : i32
      %dma_wait3A_544 = tpu.memref_slice %arg11[%dma_wait3A_541, %dma_wait3A_542, %dma_wait3A_543] : memref<4x80x128xf32, #tpu.memory_space<vmem>> -> memref<1x80x128xf32, #tpu.memory_space<vmem>>
      %dma_wait3A_545 = tpu.memref_squeeze %dma_wait3A_544 : memref<1x80x128xf32, #tpu.memory_space<vmem>> -> memref<80x128xf32, #tpu.memory_space<vmem>>
      %dma_wait3A_546 = arith.constant 0 : i32
      %dma_wait3A_547 = arith.constant 0 : i32
      %dma_wait3A_548 = tpu.memref_slice %arg2[%dma_wait3A_546, %dma_wait3A_547] : memref<10240x128xf32, #tpu.memory_space<hbm>> -> memref<80x128xf32, #tpu.memory_space<hbm>>
      %dma_wait3A_549 = arith.constant 0 : i32
      %dma_wait3A_550 = arith.constant 0 : i32
      %dma_wait3A_551 = tpu.memref_slice %arg11[%dma_wait3A_541, %dma_wait3A_549, %dma_wait3A_550] : memref<4x80x128xf32, #tpu.memory_space<vmem>> -> memref<1x80x128xf32, #tpu.memory_space<vmem>>
      %dma_wait3A_552 = tpu.memref_squeeze %dma_wait3A_551 : memref<1x80x128xf32, #tpu.memory_space<vmem>> -> memref<80x128xf32, #tpu.memory_space<vmem>>
      %dma_wait3A_553 = arith.constant 0 : i32
      %dma_wait3A_554 = arith.constant 0 : i32
      %dma_wait3A_555 = tpu.memref_slice %arg2[%dma_wait3A_553, %dma_wait3A_554] : memref<10240x128xf32, #tpu.memory_space<hbm>> -> memref<80x128xf32, #tpu.memory_space<hbm>>
      tpu.wait_dma2 semaphore(%arg20 : memref<!tpu.dma_semaphore, #tpu.memory_space<semaphore_mem>>) src(%dma_wait3A_555 : memref<80x128xf32, #tpu.memory_space<hbm>>) dst(%dma_wait3A_552 : memref<80x128xf32, #tpu.memory_space<vmem>>)
      %dma_start3A_556 = arith.constant 3 : i32
      %dma_start3A_557 = arith.constant 3 : i32
      %dma_start3A_558 = arith.constant 0 : i32
      %dma_start3A_559 = arith.constant 0 : i32
      %dma_start3A_560 = tpu.memref_slice %arg11[%dma_start3A_557, %dma_start3A_558, %dma_start3A_559] : memref<4x80x128xf32, #tpu.memory_space<vmem>> -> memref<1x80x128xf32, #tpu.memory_space<vmem>>
      %dma_start3A_561 = tpu.memref_squeeze %dma_start3A_560 : memref<1x80x128xf32, #tpu.memory_space<vmem>> -> memref<80x128xf32, #tpu.memory_space<vmem>>
      %dma_start3A_562 = arith.constant 0 : i32
      %dma_start3A_563 = tpu.memref_slice %arg8[%dma_start3A_556, %dma_start3A_562] : memref<8x80xi32, #tpu.memory_space<vmem>> -> memref<1x80xi32, #tpu.memory_space<vmem>>
      %dma_start3A_564 = tpu.memref_squeeze %dma_start3A_563 : memref<1x80xi32, #tpu.memory_space<vmem>> -> memref<80xi32, #tpu.memory_space<vmem>>
      %dma_start3A_565 = arith.constant 0 : i32
      %dma_start3A_566 = arith.constant 0 : i32
      %dma_start3A_567 = tpu.memref_slice %arg2[%dma_start3A_565, %dma_start3A_566] : memref<10240x128xf32, #tpu.memory_space<hbm>> -> memref<10240x128xf32, #tpu.memory_space<hbm>>
      tpu.enqueue_indirect_dma source(%dma_start3A_567 : memref<10240x128xf32, #tpu.memory_space<hbm>>) target(%dma_start3A_561 : memref<80x128xf32, #tpu.memory_space<vmem>>) offsets(%dma_start3A_564 : memref<80xi32, #tpu.memory_space<vmem>>) semaphore(%arg16 : memref<!tpu.dma_semaphore, #tpu.memory_space<semaphore_mem>>)
      %dma_wait3A_568 = arith.constant 1 : i32
      %dma_wait3A_569 = arith.constant 0 : i32
      %dma_wait3A_570 = arith.constant 0 : i32
      %dma_wait3A_571 = tpu.memref_slice %arg11[%dma_wait3A_568, %dma_wait3A_569, %dma_wait3A_570] : memref<4x80x128xf32, #tpu.memory_space<vmem>> -> memref<1x80x128xf32, #tpu.memory_space<vmem>>
      %dma_wait3A_572 = tpu.memref_squeeze %dma_wait3A_571 : memref<1x80x128xf32, #tpu.memory_space<vmem>> -> memref<80x128xf32, #tpu.memory_space<vmem>>
      %dma_wait3A_573 = arith.constant 0 : i32
      %dma_wait3A_574 = arith.constant 0 : i32
      %dma_wait3A_575 = tpu.memref_slice %arg2[%dma_wait3A_573, %dma_wait3A_574] : memref<10240x128xf32, #tpu.memory_space<hbm>> -> memref<80x128xf32, #tpu.memory_space<hbm>>
      %dma_wait3A_576 = arith.constant 0 : i32
      %dma_wait3A_577 = arith.constant 0 : i32
      %dma_wait3A_578 = tpu.memref_slice %arg11[%dma_wait3A_568, %dma_wait3A_576, %dma_wait3A_577] : memref<4x80x128xf32, #tpu.memory_space<vmem>> -> memref<1x80x128xf32, #tpu.memory_space<vmem>>
      %dma_wait3A_579 = tpu.memref_squeeze %dma_wait3A_578 : memref<1x80x128xf32, #tpu.memory_space<vmem>> -> memref<80x128xf32, #tpu.memory_space<vmem>>
      %dma_wait3A_580 = arith.constant 0 : i32
      %dma_wait3A_581 = arith.constant 0 : i32
      %dma_wait3A_582 = tpu.memref_slice %arg2[%dma_wait3A_580, %dma_wait3A_581] : memref<10240x128xf32, #tpu.memory_space<hbm>> -> memref<80x128xf32, #tpu.memory_space<hbm>>
      tpu.wait_dma2 semaphore(%arg14 : memref<!tpu.dma_semaphore, #tpu.memory_space<semaphore_mem>>) src(%dma_wait3A_582 : memref<80x128xf32, #tpu.memory_space<hbm>>) dst(%dma_wait3A_579 : memref<80x128xf32, #tpu.memory_space<vmem>>)
      %dma_start3A_583 = arith.constant 1 : i32
      %dma_start3A_584 = arith.constant 1 : i32
      %dma_start3A_585 = arith.constant 0 : i32
      %dma_start3A_586 = arith.constant 0 : i32
      %dma_start3A_587 = tpu.memref_slice %arg11[%dma_start3A_583, %dma_start3A_585, %dma_start3A_586] : memref<4x80x128xf32, #tpu.memory_space<vmem>> -> memref<1x80x128xf32, #tpu.memory_space<vmem>>
      %dma_start3A_588 = tpu.memref_squeeze %dma_start3A_587 : memref<1x80x128xf32, #tpu.memory_space<vmem>> -> memref<80x128xf32, #tpu.memory_space<vmem>>
      %dma_start3A_589 = arith.constant 0 : i32
      %dma_start3A_590 = tpu.memref_slice %arg10[%dma_start3A_584, %dma_start3A_589] : memref<8x80xi32, #tpu.memory_space<vmem>> -> memref<1x80xi32, #tpu.memory_space<vmem>>
      %dma_start3A_591 = tpu.memref_squeeze %dma_start3A_590 : memref<1x80xi32, #tpu.memory_space<vmem>> -> memref<80xi32, #tpu.memory_space<vmem>>
      %dma_start3A_592 = arith.constant 0 : i32
      %dma_start3A_593 = arith.constant 0 : i32
      %dma_start3A_594 = tpu.memref_slice %arg12[%dma_start3A_592, %dma_start3A_593] : memref<10240x128xf32, #tpu.memory_space<vmem_shared>> -> memref<10240x128xf32, #tpu.memory_space<vmem_shared>>
      tpu.enqueue_indirect_dma source(%dma_start3A_588 : memref<80x128xf32, #tpu.memory_space<vmem>>) target(%dma_start3A_594 : memref<10240x128xf32, #tpu.memory_space<vmem_shared>>) offsets(%dma_start3A_591 : memref<80xi32, #tpu.memory_space<vmem>>) semaphore(%arg18 : memref<!tpu.dma_semaphore, #tpu.memory_space<semaphore_mem>>) {add = true}
      %dma_wait3A_595 = arith.constant 0 : i32
      %dma_wait3A_596 = arith.constant 0 : i32
      %dma_wait3A_597 = arith.constant 0 : i32
      %dma_wait3A_598 = tpu.memref_slice %arg11[%dma_wait3A_595, %dma_wait3A_596, %dma_wait3A_597] : memref<4x80x128xf32, #tpu.memory_space<vmem>> -> memref<1x80x128xf32, #tpu.memory_space<vmem>>
      %dma_wait3A_599 = tpu.memref_squeeze %dma_wait3A_598 : memref<1x80x128xf32, #tpu.memory_space<vmem>> -> memref<80x128xf32, #tpu.memory_space<vmem>>
      %dma_wait3A_600 = arith.constant 0 : i32
      %dma_wait3A_601 = arith.constant 0 : i32
      %dma_wait3A_602 = tpu.memref_slice %arg2[%dma_wait3A_600, %dma_wait3A_601] : memref<10240x128xf32, #tpu.memory_space<hbm>> -> memref<80x128xf32, #tpu.memory_space<hbm>>
      %dma_wait3A_603 = arith.constant 0 : i32
      %dma_wait3A_604 = arith.constant 0 : i32
      %dma_wait3A_605 = tpu.memref_slice %arg11[%dma_wait3A_595, %dma_wait3A_603, %dma_wait3A_604] : memref<4x80x128xf32, #tpu.memory_space<vmem>> -> memref<1x80x128xf32, #tpu.memory_space<vmem>>
      %dma_wait3A_606 = tpu.memref_squeeze %dma_wait3A_605 : memref<1x80x128xf32, #tpu.memory_space<vmem>> -> memref<80x128xf32, #tpu.memory_space<vmem>>
      %dma_wait3A_607 = arith.constant 0 : i32
      %dma_wait3A_608 = arith.constant 0 : i32
      %dma_wait3A_609 = tpu.memref_slice %arg2[%dma_wait3A_607, %dma_wait3A_608] : memref<10240x128xf32, #tpu.memory_space<hbm>> -> memref<80x128xf32, #tpu.memory_space<hbm>>
      tpu.wait_dma2 semaphore(%arg17 : memref<!tpu.dma_semaphore, #tpu.memory_space<semaphore_mem>>) src(%dma_wait3A_609 : memref<80x128xf32, #tpu.memory_space<hbm>>) dst(%dma_wait3A_606 : memref<80x128xf32, #tpu.memory_space<vmem>>)
      %lt3A = arith.constant 7 : i32
      %lt3A_610 = arith.cmpi slt, %scan3A_58, %lt3A : i32
      %convert_element_type3A_611 = arith.extui %lt3A_610 : i1 to i32
      %cond3A_612 = arith.constant 0 : i32
      %cond3A_613 = arith.cmpi ne, %convert_element_type3A_611, %cond3A_612 : i32
      scf.if %cond3A_613 {
        %mul3A_929 = arith.constant 2 : i32
        %mul3A_930 = arith.muli %mul3A_929, %scan3A_58 : i32
        %add3A_931 = arith.constant 2 : i32
        %add3A_932 = arith.addi %mul3A_930, %add3A_931 : i32
        %mul3A_933 = arith.constant 8 : i32
        %mul3A_934 = arith.muli %add3A_932, %mul3A_933 : i32
        %dma_start3A_935 = arith.constant 0 : i32
        %dma_start3A_936 = tpu.memref_slice %arg3[%add3A, %mul3A_934, %dma_start3A_935] : memref<32x128x80xi32, #tpu.memory_space<hbm>> -> memref<1x8x80xi32, #tpu.memory_space<hbm>>
        %dma_start3A_937 = tpu.memref_squeeze %dma_start3A_936 : memref<1x8x80xi32, #tpu.memory_space<hbm>> -> memref<8x80xi32, #tpu.memory_space<hbm>>
        %dma_start3A_938 = arith.constant 0 : i32
        %dma_start3A_939 = tpu.memref_slice %arg3[%add3A, %mul3A_934, %dma_start3A_938] : memref<32x128x80xi32, #tpu.memory_space<hbm>> -> memref<1x8x80xi32, #tpu.memory_space<hbm>>
        %dma_start3A_940 = tpu.memref_squeeze %dma_start3A_939 : memref<1x8x80xi32, #tpu.memory_space<hbm>> -> memref<8x80xi32, #tpu.memory_space<hbm>>
        tpu.enqueue_dma source(%dma_start3A_940 : memref<8x80xi32, #tpu.memory_space<hbm>>) target(%arg7 : memref<8x80xi32, #tpu.memory_space<vmem>>) target_semaphore(%arg21 : memref<!tpu.dma_semaphore, #tpu.memory_space<semaphore_mem>>)
        %mul3A_941 = arith.constant 8 : i32
        %mul3A_942 = arith.muli %add3A_932, %mul3A_941 : i32
        %dma_start3A_943 = arith.constant 0 : i32
        %dma_start3A_944 = tpu.memref_slice %arg4[%add3A, %mul3A_942, %dma_start3A_943] : memref<32x128x80xi32, #tpu.memory_space<hbm>> -> memref<1x8x80xi32, #tpu.memory_space<hbm>>
        %dma_start3A_945 = tpu.memref_squeeze %dma_start3A_944 : memref<1x8x80xi32, #tpu.memory_space<hbm>> -> memref<8x80xi32, #tpu.memory_space<hbm>>
        %dma_start3A_946 = arith.constant 0 : i32
        %dma_start3A_947 = tpu.memref_slice %arg4[%add3A, %mul3A_942, %dma_start3A_946] : memref<32x128x80xi32, #tpu.memory_space<hbm>> -> memref<1x8x80xi32, #tpu.memory_space<hbm>>
        %dma_start3A_948 = tpu.memref_squeeze %dma_start3A_947 : memref<1x8x80xi32, #tpu.memory_space<hbm>> -> memref<8x80xi32, #tpu.memory_space<hbm>>
        tpu.enqueue_dma source(%dma_start3A_948 : memref<8x80xi32, #tpu.memory_space<hbm>>) target(%arg9 : memref<8x80xi32, #tpu.memory_space<vmem>>) target_semaphore(%arg21 : memref<!tpu.dma_semaphore, #tpu.memory_space<semaphore_mem>>)
      } else {
      }
      %dma_start3A_614 = arith.constant 4 : i32
      %dma_start3A_615 = arith.constant 0 : i32
      %dma_start3A_616 = arith.constant 0 : i32
      %dma_start3A_617 = arith.constant 0 : i32
      %dma_start3A_618 = tpu.memref_slice %arg11[%dma_start3A_615, %dma_start3A_616, %dma_start3A_617] : memref<4x80x128xf32, #tpu.memory_space<vmem>> -> memref<1x80x128xf32, #tpu.memory_space<vmem>>
      %dma_start3A_619 = tpu.memref_squeeze %dma_start3A_618 : memref<1x80x128xf32, #tpu.memory_space<vmem>> -> memref<80x128xf32, #tpu.memory_space<vmem>>
      %dma_start3A_620 = arith.constant 0 : i32
      %dma_start3A_621 = tpu.memref_slice %arg8[%dma_start3A_614, %dma_start3A_620] : memref<8x80xi32, #tpu.memory_space<vmem>> -> memref<1x80xi32, #tpu.memory_space<vmem>>
      %dma_start3A_622 = tpu.memref_squeeze %dma_start3A_621 : memref<1x80xi32, #tpu.memory_space<vmem>> -> memref<80xi32, #tpu.memory_space<vmem>>
      %dma_start3A_623 = arith.constant 0 : i32
      %dma_start3A_624 = arith.constant 0 : i32
      %dma_start3A_625 = tpu.memref_slice %arg2[%dma_start3A_623, %dma_start3A_624] : memref<10240x128xf32, #tpu.memory_space<hbm>> -> memref<10240x128xf32, #tpu.memory_space<hbm>>
      tpu.enqueue_indirect_dma source(%dma_start3A_625 : memref<10240x128xf32, #tpu.memory_space<hbm>>) target(%dma_start3A_619 : memref<80x128xf32, #tpu.memory_space<vmem>>) offsets(%dma_start3A_622 : memref<80xi32, #tpu.memory_space<vmem>>) semaphore(%arg13 : memref<!tpu.dma_semaphore, #tpu.memory_space<semaphore_mem>>)
      %dma_wait3A_626 = arith.constant 2 : i32
      %dma_wait3A_627 = arith.constant 0 : i32
      %dma_wait3A_628 = arith.constant 0 : i32
      %dma_wait3A_629 = tpu.memref_slice %arg11[%dma_wait3A_626, %dma_wait3A_627, %dma_wait3A_628] : memref<4x80x128xf32, #tpu.memory_space<vmem>> -> memref<1x80x128xf32, #tpu.memory_space<vmem>>
      %dma_wait3A_630 = tpu.memref_squeeze %dma_wait3A_629 : memref<1x80x128xf32, #tpu.memory_space<vmem>> -> memref<80x128xf32, #tpu.memory_space<vmem>>
      %dma_wait3A_631 = arith.constant 0 : i32
      %dma_wait3A_632 = arith.constant 0 : i32
      %dma_wait3A_633 = tpu.memref_slice %arg2[%dma_wait3A_631, %dma_wait3A_632] : memref<10240x128xf32, #tpu.memory_space<hbm>> -> memref<80x128xf32, #tpu.memory_space<hbm>>
      %dma_wait3A_634 = arith.constant 0 : i32
      %dma_wait3A_635 = arith.constant 0 : i32
      %dma_wait3A_636 = tpu.memref_slice %arg11[%dma_wait3A_626, %dma_wait3A_634, %dma_wait3A_635] : memref<4x80x128xf32, #tpu.memory_space<vmem>> -> memref<1x80x128xf32, #tpu.memory_space<vmem>>
      %dma_wait3A_637 = tpu.memref_squeeze %dma_wait3A_636 : memref<1x80x128xf32, #tpu.memory_space<vmem>> -> memref<80x128xf32, #tpu.memory_space<vmem>>
      %dma_wait3A_638 = arith.constant 0 : i32
      %dma_wait3A_639 = arith.constant 0 : i32
      %dma_wait3A_640 = tpu.memref_slice %arg2[%dma_wait3A_638, %dma_wait3A_639] : memref<10240x128xf32, #tpu.memory_space<hbm>> -> memref<80x128xf32, #tpu.memory_space<hbm>>
      tpu.wait_dma2 semaphore(%arg15 : memref<!tpu.dma_semaphore, #tpu.memory_space<semaphore_mem>>) src(%dma_wait3A_640 : memref<80x128xf32, #tpu.memory_space<hbm>>) dst(%dma_wait3A_637 : memref<80x128xf32, #tpu.memory_space<vmem>>)
      %dma_start3A_641 = arith.constant 2 : i32
      %dma_start3A_642 = arith.constant 2 : i32
      %dma_start3A_643 = arith.constant 0 : i32
      %dma_start3A_644 = arith.constant 0 : i32
      %dma_start3A_645 = tpu.memref_slice %arg11[%dma_start3A_641, %dma_start3A_643, %dma_start3A_644] : memref<4x80x128xf32, #tpu.memory_space<vmem>> -> memref<1x80x128xf32, #tpu.memory_space<vmem>>
      %dma_start3A_646 = tpu.memref_squeeze %dma_start3A_645 : memref<1x80x128xf32, #tpu.memory_space<vmem>> -> memref<80x128xf32, #tpu.memory_space<vmem>>
      %dma_start3A_647 = arith.constant 0 : i32
      %dma_start3A_648 = tpu.memref_slice %arg10[%dma_start3A_642, %dma_start3A_647] : memref<8x80xi32, #tpu.memory_space<vmem>> -> memref<1x80xi32, #tpu.memory_space<vmem>>
      %dma_start3A_649 = tpu.memref_squeeze %dma_start3A_648 : memref<1x80xi32, #tpu.memory_space<vmem>> -> memref<80xi32, #tpu.memory_space<vmem>>
      %dma_start3A_650 = arith.constant 0 : i32
      %dma_start3A_651 = arith.constant 0 : i32
      %dma_start3A_652 = tpu.memref_slice %arg12[%dma_start3A_650, %dma_start3A_651] : memref<10240x128xf32, #tpu.memory_space<vmem_shared>> -> memref<10240x128xf32, #tpu.memory_space<vmem_shared>>
      tpu.enqueue_indirect_dma source(%dma_start3A_646 : memref<80x128xf32, #tpu.memory_space<vmem>>) target(%dma_start3A_652 : memref<10240x128xf32, #tpu.memory_space<vmem_shared>>) offsets(%dma_start3A_649 : memref<80xi32, #tpu.memory_space<vmem>>) semaphore(%arg19 : memref<!tpu.dma_semaphore, #tpu.memory_space<semaphore_mem>>) {add = true}
      %dma_wait3A_653 = arith.constant 1 : i32
      %dma_wait3A_654 = arith.constant 0 : i32
      %dma_wait3A_655 = arith.constant 0 : i32
      %dma_wait3A_656 = tpu.memref_slice %arg11[%dma_wait3A_653, %dma_wait3A_654, %dma_wait3A_655] : memref<4x80x128xf32, #tpu.memory_space<vmem>> -> memref<1x80x128xf32, #tpu.memory_space<vmem>>
      %dma_wait3A_657 = tpu.memref_squeeze %dma_wait3A_656 : memref<1x80x128xf32, #tpu.memory_space<vmem>> -> memref<80x128xf32, #tpu.memory_space<vmem>>
      %dma_wait3A_658 = arith.constant 0 : i32
      %dma_wait3A_659 = arith.constant 0 : i32
      %dma_wait3A_660 = tpu.memref_slice %arg2[%dma_wait3A_658, %dma_wait3A_659] : memref<10240x128xf32, #tpu.memory_space<hbm>> -> memref<80x128xf32, #tpu.memory_space<hbm>>
      %dma_wait3A_661 = arith.constant 0 : i32
      %dma_wait3A_662 = arith.constant 0 : i32
      %dma_wait3A_663 = tpu.memref_slice %arg11[%dma_wait3A_653, %dma_wait3A_661, %dma_wait3A_662] : memref<4x80x128xf32, #tpu.memory_space<vmem>> -> memref<1x80x128xf32, #tpu.memory_space<vmem>>
      %dma_wait3A_664 = tpu.memref_squeeze %dma_wait3A_663 : memref<1x80x128xf32, #tpu.memory_space<vmem>> -> memref<80x128xf32, #tpu.memory_space<vmem>>
      %dma_wait3A_665 = arith.constant 0 : i32
      %dma_wait3A_666 = arith.constant 0 : i32
      %dma_wait3A_667 = tpu.memref_slice %arg2[%dma_wait3A_665, %dma_wait3A_666] : memref<10240x128xf32, #tpu.memory_space<hbm>> -> memref<80x128xf32, #tpu.memory_space<hbm>>
      tpu.wait_dma2 semaphore(%arg18 : memref<!tpu.dma_semaphore, #tpu.memory_space<semaphore_mem>>) src(%dma_wait3A_667 : memref<80x128xf32, #tpu.memory_space<hbm>>) dst(%dma_wait3A_664 : memref<80x128xf32, #tpu.memory_space<vmem>>)
      %dma_start3A_668 = arith.constant 5 : i32
      %dma_start3A_669 = arith.constant 1 : i32
      %dma_start3A_670 = arith.constant 0 : i32
      %dma_start3A_671 = arith.constant 0 : i32
      %dma_start3A_672 = tpu.memref_slice %arg11[%dma_start3A_669, %dma_start3A_670, %dma_start3A_671] : memref<4x80x128xf32, #tpu.memory_space<vmem>> -> memref<1x80x128xf32, #tpu.memory_space<vmem>>
      %dma_start3A_673 = tpu.memref_squeeze %dma_start3A_672 : memref<1x80x128xf32, #tpu.memory_space<vmem>> -> memref<80x128xf32, #tpu.memory_space<vmem>>
      %dma_start3A_674 = arith.constant 0 : i32
      %dma_start3A_675 = tpu.memref_slice %arg8[%dma_start3A_668, %dma_start3A_674] : memref<8x80xi32, #tpu.memory_space<vmem>> -> memref<1x80xi32, #tpu.memory_space<vmem>>
      %dma_start3A_676 = tpu.memref_squeeze %dma_start3A_675 : memref<1x80xi32, #tpu.memory_space<vmem>> -> memref<80xi32, #tpu.memory_space<vmem>>
      %dma_start3A_677 = arith.constant 0 : i32
      %dma_start3A_678 = arith.constant 0 : i32
      %dma_start3A_679 = tpu.memref_slice %arg2[%dma_start3A_677, %dma_start3A_678] : memref<10240x128xf32, #tpu.memory_space<hbm>> -> memref<10240x128xf32, #tpu.memory_space<hbm>>
      tpu.enqueue_indirect_dma source(%dma_start3A_679 : memref<10240x128xf32, #tpu.memory_space<hbm>>) target(%dma_start3A_673 : memref<80x128xf32, #tpu.memory_space<vmem>>) offsets(%dma_start3A_676 : memref<80xi32, #tpu.memory_space<vmem>>) semaphore(%arg14 : memref<!tpu.dma_semaphore, #tpu.memory_space<semaphore_mem>>)
      %dma_wait3A_680 = arith.constant 3 : i32
      %dma_wait3A_681 = arith.constant 0 : i32
      %dma_wait3A_682 = arith.constant 0 : i32
      %dma_wait3A_683 = tpu.memref_slice %arg11[%dma_wait3A_680, %dma_wait3A_681, %dma_wait3A_682] : memref<4x80x128xf32, #tpu.memory_space<vmem>> -> memref<1x80x128xf32, #tpu.memory_space<vmem>>
      %dma_wait3A_684 = tpu.memref_squeeze %dma_wait3A_683 : memref<1x80x128xf32, #tpu.memory_space<vmem>> -> memref<80x128xf32, #tpu.memory_space<vmem>>
      %dma_wait3A_685 = arith.constant 0 : i32
      %dma_wait3A_686 = arith.constant 0 : i32
      %dma_wait3A_687 = tpu.memref_slice %arg2[%dma_wait3A_685, %dma_wait3A_686] : memref<10240x128xf32, #tpu.memory_space<hbm>> -> memref<80x128xf32, #tpu.memory_space<hbm>>
      %dma_wait3A_688 = arith.constant 0 : i32
      %dma_wait3A_689 = arith.constant 0 : i32
      %dma_wait3A_690 = tpu.memref_slice %arg11[%dma_wait3A_680, %dma_wait3A_688, %dma_wait3A_689] : memref<4x80x128xf32, #tpu.memory_space<vmem>> -> memref<1x80x128xf32, #tpu.memory_space<vmem>>
      %dma_wait3A_691 = tpu.memref_squeeze %dma_wait3A_690 : memref<1x80x128xf32, #tpu.memory_space<vmem>> -> memref<80x128xf32, #tpu.memory_space<vmem>>
      %dma_wait3A_692 = arith.constant 0 : i32
      %dma_wait3A_693 = arith.constant 0 : i32
      %dma_wait3A_694 = tpu.memref_slice %arg2[%dma_wait3A_692, %dma_wait3A_693] : memref<10240x128xf32, #tpu.memory_space<hbm>> -> memref<80x128xf32, #tpu.memory_space<hbm>>
      tpu.wait_dma2 semaphore(%arg16 : memref<!tpu.dma_semaphore, #tpu.memory_space<semaphore_mem>>) src(%dma_wait3A_694 : memref<80x128xf32, #tpu.memory_space<hbm>>) dst(%dma_wait3A_691 : memref<80x128xf32, #tpu.memory_space<vmem>>)
      %dma_start3A_695 = arith.constant 3 : i32
      %dma_start3A_696 = arith.constant 3 : i32
      %dma_start3A_697 = arith.constant 0 : i32
      %dma_start3A_698 = arith.constant 0 : i32
      %dma_start3A_699 = tpu.memref_slice %arg11[%dma_start3A_695, %dma_start3A_697, %dma_start3A_698] : memref<4x80x128xf32, #tpu.memory_space<vmem>> -> memref<1x80x128xf32, #tpu.memory_space<vmem>>
      %dma_start3A_700 = tpu.memref_squeeze %dma_start3A_699 : memref<1x80x128xf32, #tpu.memory_space<vmem>> -> memref<80x128xf32, #tpu.memory_space<vmem>>
      %dma_start3A_701 = arith.constant 0 : i32
      %dma_start3A_702 = tpu.memref_slice %arg10[%dma_start3A_696, %dma_start3A_701] : memref<8x80xi32, #tpu.memory_space<vmem>> -> memref<1x80xi32, #tpu.memory_space<vmem>>
      %dma_start3A_703 = tpu.memref_squeeze %dma_start3A_702 : memref<1x80xi32, #tpu.memory_space<vmem>> -> memref<80xi32, #tpu.memory_space<vmem>>
      %dma_start3A_704 = arith.constant 0 : i32
      %dma_start3A_705 = arith.constant 0 : i32
      %dma_start3A_706 = tpu.memref_slice %arg12[%dma_start3A_704, %dma_start3A_705] : memref<10240x128xf32, #tpu.memory_space<vmem_shared>> -> memref<10240x128xf32, #tpu.memory_space<vmem_shared>>
      tpu.enqueue_indirect_dma source(%dma_start3A_700 : memref<80x128xf32, #tpu.memory_space<vmem>>) target(%dma_start3A_706 : memref<10240x128xf32, #tpu.memory_space<vmem_shared>>) offsets(%dma_start3A_703 : memref<80xi32, #tpu.memory_space<vmem>>) semaphore(%arg20 : memref<!tpu.dma_semaphore, #tpu.memory_space<semaphore_mem>>) {add = true}
      %dma_wait3A_707 = arith.constant 2 : i32
      %dma_wait3A_708 = arith.constant 0 : i32
      %dma_wait3A_709 = arith.constant 0 : i32
      %dma_wait3A_710 = tpu.memref_slice %arg11[%dma_wait3A_707, %dma_wait3A_708, %dma_wait3A_709] : memref<4x80x128xf32, #tpu.memory_space<vmem>> -> memref<1x80x128xf32, #tpu.memory_space<vmem>>
      %dma_wait3A_711 = tpu.memref_squeeze %dma_wait3A_710 : memref<1x80x128xf32, #tpu.memory_space<vmem>> -> memref<80x128xf32, #tpu.memory_space<vmem>>
      %dma_wait3A_712 = arith.constant 0 : i32
      %dma_wait3A_713 = arith.constant 0 : i32
      %dma_wait3A_714 = tpu.memref_slice %arg2[%dma_wait3A_712, %dma_wait3A_713] : memref<10240x128xf32, #tpu.memory_space<hbm>> -> memref<80x128xf32, #tpu.memory_space<hbm>>
      %dma_wait3A_715 = arith.constant 0 : i32
      %dma_wait3A_716 = arith.constant 0 : i32
      %dma_wait3A_717 = tpu.memref_slice %arg11[%dma_wait3A_707, %dma_wait3A_715, %dma_wait3A_716] : memref<4x80x128xf32, #tpu.memory_space<vmem>> -> memref<1x80x128xf32, #tpu.memory_space<vmem>>
      %dma_wait3A_718 = tpu.memref_squeeze %dma_wait3A_717 : memref<1x80x128xf32, #tpu.memory_space<vmem>> -> memref<80x128xf32, #tpu.memory_space<vmem>>
      %dma_wait3A_719 = arith.constant 0 : i32
      %dma_wait3A_720 = arith.constant 0 : i32
      %dma_wait3A_721 = tpu.memref_slice %arg2[%dma_wait3A_719, %dma_wait3A_720] : memref<10240x128xf32, #tpu.memory_space<hbm>> -> memref<80x128xf32, #tpu.memory_space<hbm>>
      tpu.wait_dma2 semaphore(%arg19 : memref<!tpu.dma_semaphore, #tpu.memory_space<semaphore_mem>>) src(%dma_wait3A_721 : memref<80x128xf32, #tpu.memory_space<hbm>>) dst(%dma_wait3A_718 : memref<80x128xf32, #tpu.memory_space<vmem>>)
      %dma_start3A_722 = arith.constant 6 : i32
      %dma_start3A_723 = arith.constant 2 : i32
      %dma_start3A_724 = arith.constant 0 : i32
      %dma_start3A_725 = arith.constant 0 : i32
      %dma_start3A_726 = tpu.memref_slice %arg11[%dma_start3A_723, %dma_start3A_724, %dma_start3A_725] : memref<4x80x128xf32, #tpu.memory_space<vmem>> -> memref<1x80x128xf32, #tpu.memory_space<vmem>>
      %dma_start3A_727 = tpu.memref_squeeze %dma_start3A_726 : memref<1x80x128xf32, #tpu.memory_space<vmem>> -> memref<80x128xf32, #tpu.memory_space<vmem>>
      %dma_start3A_728 = arith.constant 0 : i32
      %dma_start3A_729 = tpu.memref_slice %arg8[%dma_start3A_722, %dma_start3A_728] : memref<8x80xi32, #tpu.memory_space<vmem>> -> memref<1x80xi32, #tpu.memory_space<vmem>>
      %dma_start3A_730 = tpu.memref_squeeze %dma_start3A_729 : memref<1x80xi32, #tpu.memory_space<vmem>> -> memref<80xi32, #tpu.memory_space<vmem>>
      %dma_start3A_731 = arith.constant 0 : i32
      %dma_start3A_732 = arith.constant 0 : i32
      %dma_start3A_733 = tpu.memref_slice %arg2[%dma_start3A_731, %dma_start3A_732] : memref<10240x128xf32, #tpu.memory_space<hbm>> -> memref<10240x128xf32, #tpu.memory_space<hbm>>
      tpu.enqueue_indirect_dma source(%dma_start3A_733 : memref<10240x128xf32, #tpu.memory_space<hbm>>) target(%dma_start3A_727 : memref<80x128xf32, #tpu.memory_space<vmem>>) offsets(%dma_start3A_730 : memref<80xi32, #tpu.memory_space<vmem>>) semaphore(%arg15 : memref<!tpu.dma_semaphore, #tpu.memory_space<semaphore_mem>>)
      %dma_wait3A_734 = arith.constant 0 : i32
      %dma_wait3A_735 = arith.constant 0 : i32
      %dma_wait3A_736 = arith.constant 0 : i32
      %dma_wait3A_737 = tpu.memref_slice %arg11[%dma_wait3A_734, %dma_wait3A_735, %dma_wait3A_736] : memref<4x80x128xf32, #tpu.memory_space<vmem>> -> memref<1x80x128xf32, #tpu.memory_space<vmem>>
      %dma_wait3A_738 = tpu.memref_squeeze %dma_wait3A_737 : memref<1x80x128xf32, #tpu.memory_space<vmem>> -> memref<80x128xf32, #tpu.memory_space<vmem>>
      %dma_wait3A_739 = arith.constant 0 : i32
      %dma_wait3A_740 = arith.constant 0 : i32
      %dma_wait3A_741 = tpu.memref_slice %arg2[%dma_wait3A_739, %dma_wait3A_740] : memref<10240x128xf32, #tpu.memory_space<hbm>> -> memref<80x128xf32, #tpu.memory_space<hbm>>
      %dma_wait3A_742 = arith.constant 0 : i32
      %dma_wait3A_743 = arith.constant 0 : i32
      %dma_wait3A_744 = tpu.memref_slice %arg11[%dma_wait3A_734, %dma_wait3A_742, %dma_wait3A_743] : memref<4x80x128xf32, #tpu.memory_space<vmem>> -> memref<1x80x128xf32, #tpu.memory_space<vmem>>
      %dma_wait3A_745 = tpu.memref_squeeze %dma_wait3A_744 : memref<1x80x128xf32, #tpu.memory_space<vmem>> -> memref<80x128xf32, #tpu.memory_space<vmem>>
      %dma_wait3A_746 = arith.constant 0 : i32
      %dma_wait3A_747 = arith.constant 0 : i32
      %dma_wait3A_748 = tpu.memref_slice %arg2[%dma_wait3A_746, %dma_wait3A_747] : memref<10240x128xf32, #tpu.memory_space<hbm>> -> memref<80x128xf32, #tpu.memory_space<hbm>>
      tpu.wait_dma2 semaphore(%arg13 : memref<!tpu.dma_semaphore, #tpu.memory_space<semaphore_mem>>) src(%dma_wait3A_748 : memref<80x128xf32, #tpu.memory_space<hbm>>) dst(%dma_wait3A_745 : memref<80x128xf32, #tpu.memory_space<vmem>>)
      %dma_start3A_749 = arith.constant 0 : i32
      %dma_start3A_750 = arith.constant 4 : i32
      %dma_start3A_751 = arith.constant 0 : i32
      %dma_start3A_752 = arith.constant 0 : i32
      %dma_start3A_753 = tpu.memref_slice %arg11[%dma_start3A_749, %dma_start3A_751, %dma_start3A_752] : memref<4x80x128xf32, #tpu.memory_space<vmem>> -> memref<1x80x128xf32, #tpu.memory_space<vmem>>
      %dma_start3A_754 = tpu.memref_squeeze %dma_start3A_753 : memref<1x80x128xf32, #tpu.memory_space<vmem>> -> memref<80x128xf32, #tpu.memory_space<vmem>>
      %dma_start3A_755 = arith.constant 0 : i32
      %dma_start3A_756 = tpu.memref_slice %arg10[%dma_start3A_750, %dma_start3A_755] : memref<8x80xi32, #tpu.memory_space<vmem>> -> memref<1x80xi32, #tpu.memory_space<vmem>>
      %dma_start3A_757 = tpu.memref_squeeze %dma_start3A_756 : memref<1x80xi32, #tpu.memory_space<vmem>> -> memref<80xi32, #tpu.memory_space<vmem>>
      %dma_start3A_758 = arith.constant 0 : i32
      %dma_start3A_759 = arith.constant 0 : i32
      %dma_start3A_760 = tpu.memref_slice %arg12[%dma_start3A_758, %dma_start3A_759] : memref<10240x128xf32, #tpu.memory_space<vmem_shared>> -> memref<10240x128xf32, #tpu.memory_space<vmem_shared>>
      tpu.enqueue_indirect_dma source(%dma_start3A_754 : memref<80x128xf32, #tpu.memory_space<vmem>>) target(%dma_start3A_760 : memref<10240x128xf32, #tpu.memory_space<vmem_shared>>) offsets(%dma_start3A_757 : memref<80xi32, #tpu.memory_space<vmem>>) semaphore(%arg17 : memref<!tpu.dma_semaphore, #tpu.memory_space<semaphore_mem>>) {add = true}
      %dma_wait3A_761 = arith.constant 3 : i32
      %dma_wait3A_762 = arith.constant 0 : i32
      %dma_wait3A_763 = arith.constant 0 : i32
      %dma_wait3A_764 = tpu.memref_slice %arg11[%dma_wait3A_761, %dma_wait3A_762, %dma_wait3A_763] : memref<4x80x128xf32, #tpu.memory_space<vmem>> -> memref<1x80x128xf32, #tpu.memory_space<vmem>>
      %dma_wait3A_765 = tpu.memref_squeeze %dma_wait3A_764 : memref<1x80x128xf32, #tpu.memory_space<vmem>> -> memref<80x128xf32, #tpu.memory_space<vmem>>
      %dma_wait3A_766 = arith.constant 0 : i32
      %dma_wait3A_767 = arith.constant 0 : i32
      %dma_wait3A_768 = tpu.memref_slice %arg2[%dma_wait3A_766, %dma_wait3A_767] : memref<10240x128xf32, #tpu.memory_space<hbm>> -> memref<80x128xf32, #tpu.memory_space<hbm>>
      %dma_wait3A_769 = arith.constant 0 : i32
      %dma_wait3A_770 = arith.constant 0 : i32
      %dma_wait3A_771 = tpu.memref_slice %arg11[%dma_wait3A_761, %dma_wait3A_769, %dma_wait3A_770] : memref<4x80x128xf32, #tpu.memory_space<vmem>> -> memref<1x80x128xf32, #tpu.memory_space<vmem>>
      %dma_wait3A_772 = tpu.memref_squeeze %dma_wait3A_771 : memref<1x80x128xf32, #tpu.memory_space<vmem>> -> memref<80x128xf32, #tpu.memory_space<vmem>>
      %dma_wait3A_773 = arith.constant 0 : i32
      %dma_wait3A_774 = arith.constant 0 : i32
      %dma_wait3A_775 = tpu.memref_slice %arg2[%dma_wait3A_773, %dma_wait3A_774] : memref<10240x128xf32, #tpu.memory_space<hbm>> -> memref<80x128xf32, #tpu.memory_space<hbm>>
      tpu.wait_dma2 semaphore(%arg20 : memref<!tpu.dma_semaphore, #tpu.memory_space<semaphore_mem>>) src(%dma_wait3A_775 : memref<80x128xf32, #tpu.memory_space<hbm>>) dst(%dma_wait3A_772 : memref<80x128xf32, #tpu.memory_space<vmem>>)
      %dma_start3A_776 = arith.constant 7 : i32
      %dma_start3A_777 = arith.constant 3 : i32
      %dma_start3A_778 = arith.constant 0 : i32
      %dma_start3A_779 = arith.constant 0 : i32
      %dma_start3A_780 = tpu.memref_slice %arg11[%dma_start3A_777, %dma_start3A_778, %dma_start3A_779] : memref<4x80x128xf32, #tpu.memory_space<vmem>> -> memref<1x80x128xf32, #tpu.memory_space<vmem>>
      %dma_start3A_781 = tpu.memref_squeeze %dma_start3A_780 : memref<1x80x128xf32, #tpu.memory_space<vmem>> -> memref<80x128xf32, #tpu.memory_space<vmem>>
      %dma_start3A_782 = arith.constant 0 : i32
      %dma_start3A_783 = tpu.memref_slice %arg8[%dma_start3A_776, %dma_start3A_782] : memref<8x80xi32, #tpu.memory_space<vmem>> -> memref<1x80xi32, #tpu.memory_space<vmem>>
      %dma_start3A_784 = tpu.memref_squeeze %dma_start3A_783 : memref<1x80xi32, #tpu.memory_space<vmem>> -> memref<80xi32, #tpu.memory_space<vmem>>
      %dma_start3A_785 = arith.constant 0 : i32
      %dma_start3A_786 = arith.constant 0 : i32
      %dma_start3A_787 = tpu.memref_slice %arg2[%dma_start3A_785, %dma_start3A_786] : memref<10240x128xf32, #tpu.memory_space<hbm>> -> memref<10240x128xf32, #tpu.memory_space<hbm>>
      tpu.enqueue_indirect_dma source(%dma_start3A_787 : memref<10240x128xf32, #tpu.memory_space<hbm>>) target(%dma_start3A_781 : memref<80x128xf32, #tpu.memory_space<vmem>>) offsets(%dma_start3A_784 : memref<80xi32, #tpu.memory_space<vmem>>) semaphore(%arg16 : memref<!tpu.dma_semaphore, #tpu.memory_space<semaphore_mem>>)
      %dma_wait3A_788 = arith.constant 1 : i32
      %dma_wait3A_789 = arith.constant 0 : i32
      %dma_wait3A_790 = arith.constant 0 : i32
      %dma_wait3A_791 = tpu.memref_slice %arg11[%dma_wait3A_788, %dma_wait3A_789, %dma_wait3A_790] : memref<4x80x128xf32, #tpu.memory_space<vmem>> -> memref<1x80x128xf32, #tpu.memory_space<vmem>>
      %dma_wait3A_792 = tpu.memref_squeeze %dma_wait3A_791 : memref<1x80x128xf32, #tpu.memory_space<vmem>> -> memref<80x128xf32, #tpu.memory_space<vmem>>
      %dma_wait3A_793 = arith.constant 0 : i32
      %dma_wait3A_794 = arith.constant 0 : i32
      %dma_wait3A_795 = tpu.memref_slice %arg2[%dma_wait3A_793, %dma_wait3A_794] : memref<10240x128xf32, #tpu.memory_space<hbm>> -> memref<80x128xf32, #tpu.memory_space<hbm>>
      %dma_wait3A_796 = arith.constant 0 : i32
      %dma_wait3A_797 = arith.constant 0 : i32
      %dma_wait3A_798 = tpu.memref_slice %arg11[%dma_wait3A_788, %dma_wait3A_796, %dma_wait3A_797] : memref<4x80x128xf32, #tpu.memory_space<vmem>> -> memref<1x80x128xf32, #tpu.memory_space<vmem>>
      %dma_wait3A_799 = tpu.memref_squeeze %dma_wait3A_798 : memref<1x80x128xf32, #tpu.memory_space<vmem>> -> memref<80x128xf32, #tpu.memory_space<vmem>>
      %dma_wait3A_800 = arith.constant 0 : i32
      %dma_wait3A_801 = arith.constant 0 : i32
      %dma_wait3A_802 = tpu.memref_slice %arg2[%dma_wait3A_800, %dma_wait3A_801] : memref<10240x128xf32, #tpu.memory_space<hbm>> -> memref<80x128xf32, #tpu.memory_space<hbm>>
      tpu.wait_dma2 semaphore(%arg14 : memref<!tpu.dma_semaphore, #tpu.memory_space<semaphore_mem>>) src(%dma_wait3A_802 : memref<80x128xf32, #tpu.memory_space<hbm>>) dst(%dma_wait3A_799 : memref<80x128xf32, #tpu.memory_space<vmem>>)
      %dma_start3A_803 = arith.constant 1 : i32
      %dma_start3A_804 = arith.constant 5 : i32
      %dma_start3A_805 = arith.constant 0 : i32
      %dma_start3A_806 = arith.constant 0 : i32
      %dma_start3A_807 = tpu.memref_slice %arg11[%dma_start3A_803, %dma_start3A_805, %dma_start3A_806] : memref<4x80x128xf32, #tpu.memory_space<vmem>> -> memref<1x80x128xf32, #tpu.memory_space<vmem>>
      %dma_start3A_808 = tpu.memref_squeeze %dma_start3A_807 : memref<1x80x128xf32, #tpu.memory_space<vmem>> -> memref<80x128xf32, #tpu.memory_space<vmem>>
      %dma_start3A_809 = arith.constant 0 : i32
      %dma_start3A_810 = tpu.memref_slice %arg10[%dma_start3A_804, %dma_start3A_809] : memref<8x80xi32, #tpu.memory_space<vmem>> -> memref<1x80xi32, #tpu.memory_space<vmem>>
      %dma_start3A_811 = tpu.memref_squeeze %dma_start3A_810 : memref<1x80xi32, #tpu.memory_space<vmem>> -> memref<80xi32, #tpu.memory_space<vmem>>
      %dma_start3A_812 = arith.constant 0 : i32
      %dma_start3A_813 = arith.constant 0 : i32
      %dma_start3A_814 = tpu.memref_slice %arg12[%dma_start3A_812, %dma_start3A_813] : memref<10240x128xf32, #tpu.memory_space<vmem_shared>> -> memref<10240x128xf32, #tpu.memory_space<vmem_shared>>
      tpu.enqueue_indirect_dma source(%dma_start3A_808 : memref<80x128xf32, #tpu.memory_space<vmem>>) target(%dma_start3A_814 : memref<10240x128xf32, #tpu.memory_space<vmem_shared>>) offsets(%dma_start3A_811 : memref<80xi32, #tpu.memory_space<vmem>>) semaphore(%arg18 : memref<!tpu.dma_semaphore, #tpu.memory_space<semaphore_mem>>) {add = true}
      %dma_wait3A_815 = arith.constant 0 : i32
      %dma_wait3A_816 = arith.constant 0 : i32
      %dma_wait3A_817 = arith.constant 0 : i32
      %dma_wait3A_818 = tpu.memref_slice %arg11[%dma_wait3A_815, %dma_wait3A_816, %dma_wait3A_817] : memref<4x80x128xf32, #tpu.memory_space<vmem>> -> memref<1x80x128xf32, #tpu.memory_space<vmem>>
      %dma_wait3A_819 = tpu.memref_squeeze %dma_wait3A_818 : memref<1x80x128xf32, #tpu.memory_space<vmem>> -> memref<80x128xf32, #tpu.memory_space<vmem>>
      %dma_wait3A_820 = arith.constant 0 : i32
      %dma_wait3A_821 = arith.constant 0 : i32
      %dma_wait3A_822 = tpu.memref_slice %arg2[%dma_wait3A_820, %dma_wait3A_821] : memref<10240x128xf32, #tpu.memory_space<hbm>> -> memref<80x128xf32, #tpu.memory_space<hbm>>
      %dma_wait3A_823 = arith.constant 0 : i32
      %dma_wait3A_824 = arith.constant 0 : i32
      %dma_wait3A_825 = tpu.memref_slice %arg11[%dma_wait3A_815, %dma_wait3A_823, %dma_wait3A_824] : memref<4x80x128xf32, #tpu.memory_space<vmem>> -> memref<1x80x128xf32, #tpu.memory_space<vmem>>
      %dma_wait3A_826 = tpu.memref_squeeze %dma_wait3A_825 : memref<1x80x128xf32, #tpu.memory_space<vmem>> -> memref<80x128xf32, #tpu.memory_space<vmem>>
      %dma_wait3A_827 = arith.constant 0 : i32
      %dma_wait3A_828 = arith.constant 0 : i32
      %dma_wait3A_829 = tpu.memref_slice %arg2[%dma_wait3A_827, %dma_wait3A_828] : memref<10240x128xf32, #tpu.memory_space<hbm>> -> memref<80x128xf32, #tpu.memory_space<hbm>>
      tpu.wait_dma2 semaphore(%arg17 : memref<!tpu.dma_semaphore, #tpu.memory_space<semaphore_mem>>) src(%dma_wait3A_829 : memref<80x128xf32, #tpu.memory_space<hbm>>) dst(%dma_wait3A_826 : memref<80x128xf32, #tpu.memory_space<vmem>>)
      %lt3A_830 = arith.constant 7 : i32
      %lt3A_831 = arith.cmpi slt, %scan3A_58, %lt3A_830 : i32
      %convert_element_type3A_832 = arith.extui %lt3A_831 : i1 to i32
      %cond3A_833 = arith.constant 0 : i32
      %cond3A_834 = arith.cmpi ne, %convert_element_type3A_832, %cond3A_833 : i32
      scf.if %cond3A_834 {
        %dma_wait3A_929 = arith.constant 0 : i32
        %dma_wait3A_930 = arith.constant 0 : i32
        %dma_wait3A_931 = tpu.memref_slice %arg3[%add3A, %dma_wait3A_929, %dma_wait3A_930] : memref<32x128x80xi32, #tpu.memory_space<hbm>> -> memref<1x8x80xi32, #tpu.memory_space<hbm>>
        %dma_wait3A_932 = tpu.memref_squeeze %dma_wait3A_931 : memref<1x8x80xi32, #tpu.memory_space<hbm>> -> memref<8x80xi32, #tpu.memory_space<hbm>>
        %dma_wait3A_933 = arith.constant 0 : i32
        %dma_wait3A_934 = arith.constant 0 : i32
        %dma_wait3A_935 = tpu.memref_slice %arg3[%add3A, %dma_wait3A_933, %dma_wait3A_934] : memref<32x128x80xi32, #tpu.memory_space<hbm>> -> memref<1x8x80xi32, #tpu.memory_space<hbm>>
        %dma_wait3A_936 = tpu.memref_squeeze %dma_wait3A_935 : memref<1x8x80xi32, #tpu.memory_space<hbm>> -> memref<8x80xi32, #tpu.memory_space<hbm>>
        tpu.wait_dma2 semaphore(%arg21 : memref<!tpu.dma_semaphore, #tpu.memory_space<semaphore_mem>>) src(%dma_wait3A_936 : memref<8x80xi32, #tpu.memory_space<hbm>>) dst(%arg7 : memref<8x80xi32, #tpu.memory_space<vmem>>)
        %dma_wait3A_937 = arith.constant 0 : i32
        %dma_wait3A_938 = arith.constant 0 : i32
        %dma_wait3A_939 = tpu.memref_slice %arg3[%add3A, %dma_wait3A_937, %dma_wait3A_938] : memref<32x128x80xi32, #tpu.memory_space<hbm>> -> memref<1x8x80xi32, #tpu.memory_space<hbm>>
        %dma_wait3A_940 = tpu.memref_squeeze %dma_wait3A_939 : memref<1x8x80xi32, #tpu.memory_space<hbm>> -> memref<8x80xi32, #tpu.memory_space<hbm>>
        %dma_wait3A_941 = arith.constant 0 : i32
        %dma_wait3A_942 = arith.constant 0 : i32
        %dma_wait3A_943 = tpu.memref_slice %arg3[%add3A, %dma_wait3A_941, %dma_wait3A_942] : memref<32x128x80xi32, #tpu.memory_space<hbm>> -> memref<1x8x80xi32, #tpu.memory_space<hbm>>
        %dma_wait3A_944 = tpu.memref_squeeze %dma_wait3A_943 : memref<1x8x80xi32, #tpu.memory_space<hbm>> -> memref<8x80xi32, #tpu.memory_space<hbm>>
        tpu.wait_dma2 semaphore(%arg21 : memref<!tpu.dma_semaphore, #tpu.memory_space<semaphore_mem>>) src(%dma_wait3A_944 : memref<8x80xi32, #tpu.memory_space<hbm>>) dst(%arg9 : memref<8x80xi32, #tpu.memory_space<vmem>>)
        %dma_start3A_945 = arith.constant 0 : i32
        %dma_start3A_946 = arith.constant 0 : i32
        %dma_start3A_947 = arith.constant 0 : i32
        %dma_start3A_948 = arith.constant 0 : i32
        %dma_start3A_949 = tpu.memref_slice %arg11[%dma_start3A_946, %dma_start3A_947, %dma_start3A_948] : memref<4x80x128xf32, #tpu.memory_space<vmem>> -> memref<1x80x128xf32, #tpu.memory_space<vmem>>
        %dma_start3A_950 = tpu.memref_squeeze %dma_start3A_949 : memref<1x80x128xf32, #tpu.memory_space<vmem>> -> memref<80x128xf32, #tpu.memory_space<vmem>>
        %dma_start3A_951 = arith.constant 0 : i32
        %dma_start3A_952 = tpu.memref_slice %arg7[%dma_start3A_945, %dma_start3A_951] : memref<8x80xi32, #tpu.memory_space<vmem>> -> memref<1x80xi32, #tpu.memory_space<vmem>>
        %dma_start3A_953 = tpu.memref_squeeze %dma_start3A_952 : memref<1x80xi32, #tpu.memory_space<vmem>> -> memref<80xi32, #tpu.memory_space<vmem>>
        %dma_start3A_954 = arith.constant 0 : i32
        %dma_start3A_955 = arith.constant 0 : i32
        %dma_start3A_956 = tpu.memref_slice %arg2[%dma_start3A_954, %dma_start3A_955] : memref<10240x128xf32, #tpu.memory_space<hbm>> -> memref<10240x128xf32, #tpu.memory_space<hbm>>
        tpu.enqueue_indirect_dma source(%dma_start3A_956 : memref<10240x128xf32, #tpu.memory_space<hbm>>) target(%dma_start3A_950 : memref<80x128xf32, #tpu.memory_space<vmem>>) offsets(%dma_start3A_953 : memref<80xi32, #tpu.memory_space<vmem>>) semaphore(%arg13 : memref<!tpu.dma_semaphore, #tpu.memory_space<semaphore_mem>>)
      } else {
      }
      %dma_wait3A_835 = arith.constant 2 : i32
      %dma_wait3A_836 = arith.constant 0 : i32
      %dma_wait3A_837 = arith.constant 0 : i32
      %dma_wait3A_838 = tpu.memref_slice %arg11[%dma_wait3A_835, %dma_wait3A_836, %dma_wait3A_837] : memref<4x80x128xf32, #tpu.memory_space<vmem>> -> memref<1x80x128xf32, #tpu.memory_space<vmem>>
      %dma_wait3A_839 = tpu.memref_squeeze %dma_wait3A_838 : memref<1x80x128xf32, #tpu.memory_space<vmem>> -> memref<80x128xf32, #tpu.memory_space<vmem>>
      %dma_wait3A_840 = arith.constant 0 : i32
      %dma_wait3A_841 = arith.constant 0 : i32
      %dma_wait3A_842 = tpu.memref_slice %arg2[%dma_wait3A_840, %dma_wait3A_841] : memref<10240x128xf32, #tpu.memory_space<hbm>> -> memref<80x128xf32, #tpu.memory_space<hbm>>
      %dma_wait3A_843 = arith.constant 0 : i32
      %dma_wait3A_844 = arith.constant 0 : i32
      %dma_wait3A_845 = tpu.memref_slice %arg11[%dma_wait3A_835, %dma_wait3A_843, %dma_wait3A_844] : memref<4x80x128xf32, #tpu.memory_space<vmem>> -> memref<1x80x128xf32, #tpu.memory_space<vmem>>
      %dma_wait3A_846 = tpu.memref_squeeze %dma_wait3A_845 : memref<1x80x128xf32, #tpu.memory_space<vmem>> -> memref<80x128xf32, #tpu.memory_space<vmem>>
      %dma_wait3A_847 = arith.constant 0 : i32
      %dma_wait3A_848 = arith.constant 0 : i32
      %dma_wait3A_849 = tpu.memref_slice %arg2[%dma_wait3A_847, %dma_wait3A_848] : memref<10240x128xf32, #tpu.memory_space<hbm>> -> memref<80x128xf32, #tpu.memory_space<hbm>>
      tpu.wait_dma2 semaphore(%arg15 : memref<!tpu.dma_semaphore, #tpu.memory_space<semaphore_mem>>) src(%dma_wait3A_849 : memref<80x128xf32, #tpu.memory_space<hbm>>) dst(%dma_wait3A_846 : memref<80x128xf32, #tpu.memory_space<vmem>>)
      %dma_start3A_850 = arith.constant 2 : i32
      %dma_start3A_851 = arith.constant 6 : i32
      %dma_start3A_852 = arith.constant 0 : i32
      %dma_start3A_853 = arith.constant 0 : i32
      %dma_start3A_854 = tpu.memref_slice %arg11[%dma_start3A_850, %dma_start3A_852, %dma_start3A_853] : memref<4x80x128xf32, #tpu.memory_space<vmem>> -> memref<1x80x128xf32, #tpu.memory_space<vmem>>
      %dma_start3A_855 = tpu.memref_squeeze %dma_start3A_854 : memref<1x80x128xf32, #tpu.memory_space<vmem>> -> memref<80x128xf32, #tpu.memory_space<vmem>>
      %dma_start3A_856 = arith.constant 0 : i32
      %dma_start3A_857 = tpu.memref_slice %arg10[%dma_start3A_851, %dma_start3A_856] : memref<8x80xi32, #tpu.memory_space<vmem>> -> memref<1x80xi32, #tpu.memory_space<vmem>>
      %dma_start3A_858 = tpu.memref_squeeze %dma_start3A_857 : memref<1x80xi32, #tpu.memory_space<vmem>> -> memref<80xi32, #tpu.memory_space<vmem>>
      %dma_start3A_859 = arith.constant 0 : i32
      %dma_start3A_860 = arith.constant 0 : i32
      %dma_start3A_861 = tpu.memref_slice %arg12[%dma_start3A_859, %dma_start3A_860] : memref<10240x128xf32, #tpu.memory_space<vmem_shared>> -> memref<10240x128xf32, #tpu.memory_space<vmem_shared>>
      tpu.enqueue_indirect_dma source(%dma_start3A_855 : memref<80x128xf32, #tpu.memory_space<vmem>>) target(%dma_start3A_861 : memref<10240x128xf32, #tpu.memory_space<vmem_shared>>) offsets(%dma_start3A_858 : memref<80xi32, #tpu.memory_space<vmem>>) semaphore(%arg19 : memref<!tpu.dma_semaphore, #tpu.memory_space<semaphore_mem>>) {add = true}
      %dma_wait3A_862 = arith.constant 1 : i32
      %dma_wait3A_863 = arith.constant 0 : i32
      %dma_wait3A_864 = arith.constant 0 : i32
      %dma_wait3A_865 = tpu.memref_slice %arg11[%dma_wait3A_862, %dma_wait3A_863, %dma_wait3A_864] : memref<4x80x128xf32, #tpu.memory_space<vmem>> -> memref<1x80x128xf32, #tpu.memory_space<vmem>>
      %dma_wait3A_866 = tpu.memref_squeeze %dma_wait3A_865 : memref<1x80x128xf32, #tpu.memory_space<vmem>> -> memref<80x128xf32, #tpu.memory_space<vmem>>
      %dma_wait3A_867 = arith.constant 0 : i32
      %dma_wait3A_868 = arith.constant 0 : i32
      %dma_wait3A_869 = tpu.memref_slice %arg2[%dma_wait3A_867, %dma_wait3A_868] : memref<10240x128xf32, #tpu.memory_space<hbm>> -> memref<80x128xf32, #tpu.memory_space<hbm>>
      %dma_wait3A_870 = arith.constant 0 : i32
      %dma_wait3A_871 = arith.constant 0 : i32
      %dma_wait3A_872 = tpu.memref_slice %arg11[%dma_wait3A_862, %dma_wait3A_870, %dma_wait3A_871] : memref<4x80x128xf32, #tpu.memory_space<vmem>> -> memref<1x80x128xf32, #tpu.memory_space<vmem>>
      %dma_wait3A_873 = tpu.memref_squeeze %dma_wait3A_872 : memref<1x80x128xf32, #tpu.memory_space<vmem>> -> memref<80x128xf32, #tpu.memory_space<vmem>>
      %dma_wait3A_874 = arith.constant 0 : i32
      %dma_wait3A_875 = arith.constant 0 : i32
      %dma_wait3A_876 = tpu.memref_slice %arg2[%dma_wait3A_874, %dma_wait3A_875] : memref<10240x128xf32, #tpu.memory_space<hbm>> -> memref<80x128xf32, #tpu.memory_space<hbm>>
      tpu.wait_dma2 semaphore(%arg18 : memref<!tpu.dma_semaphore, #tpu.memory_space<semaphore_mem>>) src(%dma_wait3A_876 : memref<80x128xf32, #tpu.memory_space<hbm>>) dst(%dma_wait3A_873 : memref<80x128xf32, #tpu.memory_space<vmem>>)
      %lt3A_877 = arith.constant 7 : i32
      %lt3A_878 = arith.cmpi slt, %scan3A_58, %lt3A_877 : i32
      %convert_element_type3A_879 = arith.extui %lt3A_878 : i1 to i32
      %cond3A_880 = arith.constant 0 : i32
      %cond3A_881 = arith.cmpi ne, %convert_element_type3A_879, %cond3A_880 : i32
      scf.if %cond3A_881 {
        %dma_start3A_929 = arith.constant 1 : i32
        %dma_start3A_930 = arith.constant 1 : i32
        %dma_start3A_931 = arith.constant 0 : i32
        %dma_start3A_932 = arith.constant 0 : i32
        %dma_start3A_933 = tpu.memref_slice %arg11[%dma_start3A_930, %dma_start3A_931, %dma_start3A_932] : memref<4x80x128xf32, #tpu.memory_space<vmem>> -> memref<1x80x128xf32, #tpu.memory_space<vmem>>
        %dma_start3A_934 = tpu.memref_squeeze %dma_start3A_933 : memref<1x80x128xf32, #tpu.memory_space<vmem>> -> memref<80x128xf32, #tpu.memory_space<vmem>>
        %dma_start3A_935 = arith.constant 0 : i32
        %dma_start3A_936 = tpu.memref_slice %arg7[%dma_start3A_929, %dma_start3A_935] : memref<8x80xi32, #tpu.memory_space<vmem>> -> memref<1x80xi32, #tpu.memory_space<vmem>>
        %dma_start3A_937 = tpu.memref_squeeze %dma_start3A_936 : memref<1x80xi32, #tpu.memory_space<vmem>> -> memref<80xi32, #tpu.memory_space<vmem>>
        %dma_start3A_938 = arith.constant 0 : i32
        %dma_start3A_939 = arith.constant 0 : i32
        %dma_start3A_940 = tpu.memref_slice %arg2[%dma_start3A_938, %dma_start3A_939] : memref<10240x128xf32, #tpu.memory_space<hbm>> -> memref<10240x128xf32, #tpu.memory_space<hbm>>
        tpu.enqueue_indirect_dma source(%dma_start3A_940 : memref<10240x128xf32, #tpu.memory_space<hbm>>) target(%dma_start3A_934 : memref<80x128xf32, #tpu.memory_space<vmem>>) offsets(%dma_start3A_937 : memref<80xi32, #tpu.memory_space<vmem>>) semaphore(%arg14 : memref<!tpu.dma_semaphore, #tpu.memory_space<semaphore_mem>>)
      } else {
      }
      %dma_wait3A_882 = arith.constant 3 : i32
      %dma_wait3A_883 = arith.constant 0 : i32
      %dma_wait3A_884 = arith.constant 0 : i32
      %dma_wait3A_885 = tpu.memref_slice %arg11[%dma_wait3A_882, %dma_wait3A_883, %dma_wait3A_884] : memref<4x80x128xf32, #tpu.memory_space<vmem>> -> memref<1x80x128xf32, #tpu.memory_space<vmem>>
      %dma_wait3A_886 = tpu.memref_squeeze %dma_wait3A_885 : memref<1x80x128xf32, #tpu.memory_space<vmem>> -> memref<80x128xf32, #tpu.memory_space<vmem>>
      %dma_wait3A_887 = arith.constant 0 : i32
      %dma_wait3A_888 = arith.constant 0 : i32
      %dma_wait3A_889 = tpu.memref_slice %arg2[%dma_wait3A_887, %dma_wait3A_888] : memref<10240x128xf32, #tpu.memory_space<hbm>> -> memref<80x128xf32, #tpu.memory_space<hbm>>
      %dma_wait3A_890 = arith.constant 0 : i32
      %dma_wait3A_891 = arith.constant 0 : i32
      %dma_wait3A_892 = tpu.memref_slice %arg11[%dma_wait3A_882, %dma_wait3A_890, %dma_wait3A_891] : memref<4x80x128xf32, #tpu.memory_space<vmem>> -> memref<1x80x128xf32, #tpu.memory_space<vmem>>
      %dma_wait3A_893 = tpu.memref_squeeze %dma_wait3A_892 : memref<1x80x128xf32, #tpu.memory_space<vmem>> -> memref<80x128xf32, #tpu.memory_space<vmem>>
      %dma_wait3A_894 = arith.constant 0 : i32
      %dma_wait3A_895 = arith.constant 0 : i32
      %dma_wait3A_896 = tpu.memref_slice %arg2[%dma_wait3A_894, %dma_wait3A_895] : memref<10240x128xf32, #tpu.memory_space<hbm>> -> memref<80x128xf32, #tpu.memory_space<hbm>>
      tpu.wait_dma2 semaphore(%arg16 : memref<!tpu.dma_semaphore, #tpu.memory_space<semaphore_mem>>) src(%dma_wait3A_896 : memref<80x128xf32, #tpu.memory_space<hbm>>) dst(%dma_wait3A_893 : memref<80x128xf32, #tpu.memory_space<vmem>>)
      %dma_start3A_897 = arith.constant 3 : i32
      %dma_start3A_898 = arith.constant 7 : i32
      %dma_start3A_899 = arith.constant 0 : i32
      %dma_start3A_900 = arith.constant 0 : i32
      %dma_start3A_901 = tpu.memref_slice %arg11[%dma_start3A_897, %dma_start3A_899, %dma_start3A_900] : memref<4x80x128xf32, #tpu.memory_space<vmem>> -> memref<1x80x128xf32, #tpu.memory_space<vmem>>
      %dma_start3A_902 = tpu.memref_squeeze %dma_start3A_901 : memref<1x80x128xf32, #tpu.memory_space<vmem>> -> memref<80x128xf32, #tpu.memory_space<vmem>>
      %dma_start3A_903 = arith.constant 0 : i32
      %dma_start3A_904 = tpu.memref_slice %arg10[%dma_start3A_898, %dma_start3A_903] : memref<8x80xi32, #tpu.memory_space<vmem>> -> memref<1x80xi32, #tpu.memory_space<vmem>>
      %dma_start3A_905 = tpu.memref_squeeze %dma_start3A_904 : memref<1x80xi32, #tpu.memory_space<vmem>> -> memref<80xi32, #tpu.memory_space<vmem>>
      %dma_start3A_906 = arith.constant 0 : i32
      %dma_start3A_907 = arith.constant 0 : i32
      %dma_start3A_908 = tpu.memref_slice %arg12[%dma_start3A_906, %dma_start3A_907] : memref<10240x128xf32, #tpu.memory_space<vmem_shared>> -> memref<10240x128xf32, #tpu.memory_space<vmem_shared>>
      tpu.enqueue_indirect_dma source(%dma_start3A_902 : memref<80x128xf32, #tpu.memory_space<vmem>>) target(%dma_start3A_908 : memref<10240x128xf32, #tpu.memory_space<vmem_shared>>) offsets(%dma_start3A_905 : memref<80xi32, #tpu.memory_space<vmem>>) semaphore(%arg20 : memref<!tpu.dma_semaphore, #tpu.memory_space<semaphore_mem>>) {add = true}
      %dma_wait3A_909 = arith.constant 2 : i32
      %dma_wait3A_910 = arith.constant 0 : i32
      %dma_wait3A_911 = arith.constant 0 : i32
      %dma_wait3A_912 = tpu.memref_slice %arg11[%dma_wait3A_909, %dma_wait3A_910, %dma_wait3A_911] : memref<4x80x128xf32, #tpu.memory_space<vmem>> -> memref<1x80x128xf32, #tpu.memory_space<vmem>>
      %dma_wait3A_913 = tpu.memref_squeeze %dma_wait3A_912 : memref<1x80x128xf32, #tpu.memory_space<vmem>> -> memref<80x128xf32, #tpu.memory_space<vmem>>
      %dma_wait3A_914 = arith.constant 0 : i32
      %dma_wait3A_915 = arith.constant 0 : i32
      %dma_wait3A_916 = tpu.memref_slice %arg2[%dma_wait3A_914, %dma_wait3A_915] : memref<10240x128xf32, #tpu.memory_space<hbm>> -> memref<80x128xf32, #tpu.memory_space<hbm>>
      %dma_wait3A_917 = arith.constant 0 : i32
      %dma_wait3A_918 = arith.constant 0 : i32
      %dma_wait3A_919 = tpu.memref_slice %arg11[%dma_wait3A_909, %dma_wait3A_917, %dma_wait3A_918] : memref<4x80x128xf32, #tpu.memory_space<vmem>> -> memref<1x80x128xf32, #tpu.memory_space<vmem>>
      %dma_wait3A_920 = tpu.memref_squeeze %dma_wait3A_919 : memref<1x80x128xf32, #tpu.memory_space<vmem>> -> memref<80x128xf32, #tpu.memory_space<vmem>>
      %dma_wait3A_921 = arith.constant 0 : i32
      %dma_wait3A_922 = arith.constant 0 : i32
      %dma_wait3A_923 = tpu.memref_slice %arg2[%dma_wait3A_921, %dma_wait3A_922] : memref<10240x128xf32, #tpu.memory_space<hbm>> -> memref<80x128xf32, #tpu.memory_space<hbm>>
      tpu.wait_dma2 semaphore(%arg19 : memref<!tpu.dma_semaphore, #tpu.memory_space<semaphore_mem>>) src(%dma_wait3A_923 : memref<80x128xf32, #tpu.memory_space<hbm>>) dst(%dma_wait3A_920 : memref<80x128xf32, #tpu.memory_space<vmem>>)
      %lt3A_924 = arith.constant 7 : i32
      %lt3A_925 = arith.cmpi slt, %scan3A_58, %lt3A_924 : i32
      %convert_element_type3A_926 = arith.extui %lt3A_925 : i1 to i32
      %cond3A_927 = arith.constant 0 : i32
      %cond3A_928 = arith.cmpi ne, %convert_element_type3A_926, %cond3A_927 : i32
      scf.if %cond3A_928 {
        %dma_start3A_929 = arith.constant 2 : i32
        %dma_start3A_930 = arith.constant 2 : i32
        %dma_start3A_931 = arith.constant 0 : i32
        %dma_start3A_932 = arith.constant 0 : i32
        %dma_start3A_933 = tpu.memref_slice %arg11[%dma_start3A_930, %dma_start3A_931, %dma_start3A_932] : memref<4x80x128xf32, #tpu.memory_space<vmem>> -> memref<1x80x128xf32, #tpu.memory_space<vmem>>
        %dma_start3A_934 = tpu.memref_squeeze %dma_start3A_933 : memref<1x80x128xf32, #tpu.memory_space<vmem>> -> memref<80x128xf32, #tpu.memory_space<vmem>>
        %dma_start3A_935 = arith.constant 0 : i32
        %dma_start3A_936 = tpu.memref_slice %arg7[%dma_start3A_929, %dma_start3A_935] : memref<8x80xi32, #tpu.memory_space<vmem>> -> memref<1x80xi32, #tpu.memory_space<vmem>>
        %dma_start3A_937 = tpu.memref_squeeze %dma_start3A_936 : memref<1x80xi32, #tpu.memory_space<vmem>> -> memref<80xi32, #tpu.memory_space<vmem>>
        %dma_start3A_938 = arith.constant 0 : i32
        %dma_start3A_939 = arith.constant 0 : i32
        %dma_start3A_940 = tpu.memref_slice %arg2[%dma_start3A_938, %dma_start3A_939] : memref<10240x128xf32, #tpu.memory_space<hbm>> -> memref<10240x128xf32, #tpu.memory_space<hbm>>
        tpu.enqueue_indirect_dma source(%dma_start3A_940 : memref<10240x128xf32, #tpu.memory_space<hbm>>) target(%dma_start3A_934 : memref<80x128xf32, #tpu.memory_space<vmem>>) offsets(%dma_start3A_937 : memref<80xi32, #tpu.memory_space<vmem>>) semaphore(%arg15 : memref<!tpu.dma_semaphore, #tpu.memory_space<semaphore_mem>>)
      } else {
      }
    }
    %scan3A_42 = arith.constant 8 : i32
    %dma_wait3A = arith.constant 3 : i32
    %dma_wait3A_43 = arith.constant 0 : i32
    %dma_wait3A_44 = arith.constant 0 : i32
    %dma_wait3A_45 = tpu.memref_slice %arg11[%dma_wait3A, %dma_wait3A_43, %dma_wait3A_44] : memref<4x80x128xf32, #tpu.memory_space<vmem>> -> memref<1x80x128xf32, #tpu.memory_space<vmem>>
    %dma_wait3A_46 = tpu.memref_squeeze %dma_wait3A_45 : memref<1x80x128xf32, #tpu.memory_space<vmem>> -> memref<80x128xf32, #tpu.memory_space<vmem>>
    %dma_wait3A_47 = arith.constant 0 : i32
    %dma_wait3A_48 = arith.constant 0 : i32
    %dma_wait3A_49 = tpu.memref_slice %arg2[%dma_wait3A_47, %dma_wait3A_48] : memref<10240x128xf32, #tpu.memory_space<hbm>> -> memref<80x128xf32, #tpu.memory_space<hbm>>
    %dma_wait3A_50 = arith.constant 0 : i32
    %dma_wait3A_51 = arith.constant 0 : i32
    %dma_wait3A_52 = tpu.memref_slice %arg11[%dma_wait3A, %dma_wait3A_50, %dma_wait3A_51] : memref<4x80x128xf32, #tpu.memory_space<vmem>> -> memref<1x80x128xf32, #tpu.memory_space<vmem>>
    %dma_wait3A_53 = tpu.memref_squeeze %dma_wait3A_52 : memref<1x80x128xf32, #tpu.memory_space<vmem>> -> memref<80x128xf32, #tpu.memory_space<vmem>>
    %dma_wait3A_54 = arith.constant 0 : i32
    %dma_wait3A_55 = arith.constant 0 : i32
    %dma_wait3A_56 = tpu.memref_slice %arg2[%dma_wait3A_54, %dma_wait3A_55] : memref<10240x128xf32, #tpu.memory_space<hbm>> -> memref<80x128xf32, #tpu.memory_space<hbm>>
    tpu.wait_dma2 semaphore(%arg20 : memref<!tpu.dma_semaphore, #tpu.memory_space<semaphore_mem>>) src(%dma_wait3A_56 : memref<80x128xf32, #tpu.memory_space<hbm>>) dst(%dma_wait3A_53 : memref<80x128xf32, #tpu.memory_space<vmem>>)
    %barrier3A_57 = arith.constant 0 : index
    tpu.barrier barrier_id(%barrier3A_57)
    "tpu.region"() ({
      %run_scoped3A = tpu.sem_alloc : memref<!tpu.dma_semaphore, #tpu.memory_space<semaphore_mem>>
      %dma_start3A_58 = arith.constant 0 : i32
      %dma_start3A_59 = tpu.memref_slice %arg6[%arg0, %mul3A_2, %dma_start3A_58] : memref<2x10240x128xf32, #tpu.memory_space<hbm>> -> memref<1x640x128xf32, #tpu.memory_space<hbm>>
      %dma_start3A_60 = tpu.memref_squeeze %dma_start3A_59 : memref<1x640x128xf32, #tpu.memory_space<hbm>> -> memref<640x128xf32, #tpu.memory_space<hbm>>
      %dma_start3A_61 = arith.constant 0 : i32
      %dma_start3A_62 = tpu.memref_slice %arg12[%mul3A_2, %dma_start3A_61] : memref<10240x128xf32, #tpu.memory_space<vmem_shared>> -> memref<640x128xf32, #tpu.memory_space<vmem_shared>>
      tpu.enqueue_dma source(%dma_start3A_62 : memref<640x128xf32, #tpu.memory_space<vmem_shared>>) target(%dma_start3A_60 : memref<640x128xf32, #tpu.memory_space<hbm>>) target_semaphore(%run_scoped3A : memref<!tpu.dma_semaphore, #tpu.memory_space<semaphore_mem>>)
      %dma_wait3A_63 = arith.constant 0 : i32
      %dma_wait3A_64 = tpu.memref_slice %arg6[%arg0, %mul3A_2, %dma_wait3A_63] : memref<2x10240x128xf32, #tpu.memory_space<hbm>> -> memref<1x640x128xf32, #tpu.memory_space<hbm>>
      %dma_wait3A_65 = tpu.memref_squeeze %dma_wait3A_64 : memref<1x640x128xf32, #tpu.memory_space<hbm>> -> memref<640x128xf32, #tpu.memory_space<hbm>>
      %dma_wait3A_66 = arith.constant 0 : i32
      %dma_wait3A_67 = tpu.memref_slice %arg12[%mul3A_2, %dma_wait3A_66] : memref<10240x128xf32, #tpu.memory_space<vmem_shared>> -> memref<640x128xf32, #tpu.memory_space<vmem_shared>>
      tpu.wait_dma2 semaphore(%run_scoped3A : memref<!tpu.dma_semaphore, #tpu.memory_space<semaphore_mem>>) src(%dma_wait3A_67 : memref<640x128xf32, #tpu.memory_space<vmem_shared>>) dst(%dma_wait3A_65 : memref<640x128xf32, #tpu.memory_space<hbm>>)
      tpu.yield
    }) : () -> ()
    return
  }
}

module attributes {stable_mosaic.version = 14 : i64} {
  func.func @_mm1_body(%arg0: i32, %arg1: memref<400x128xf32, #tpu.memory_space<vmem>>, %arg2: memref<2x400x128xf32, #tpu.memory_space<vmem>>, %arg3: memref<128x128xf32, #tpu.memory_space<vmem>>, %arg4: memref<400x128xf32, #tpu.memory_space<vmem>>) attributes {dimension_semantics = [#tpu.dimension_semantics<arbitrary>], iteration_bounds = array<i64: 25>, scalar_prefetch = 0 : i64, scratch_operands = 0 : i64, tpu.core_type = #tpu.core_type<tc>, window_params = [{transform_indices = @transform_0, window_bounds = array<i64: 400, 128>}, {transform_indices = @transform_1, window_bounds = array<i64: 2, 400, 128>}, {pipeline_mode = #tpu.pipeline_mode<synchronous>, transform_indices = @transform_2, window_bounds = array<i64: 128, 128>}, {transform_indices = @transform_3, window_bounds = array<i64: 400, 128>}]} {
    %get3A = arith.constant 0 : index
    %get3A_0 = arith.constant 0 : index
    %get3A_1 = vector.load %arg1[%get3A, %get3A_0] : memref<400x128xf32, #tpu.memory_space<vmem>>, vector<400x128xf32>
    %get3A_2 = arith.constant 0 : index
    %get3A_3 = arith.constant 0 : index
    %get3A_4 = arith.constant 0 : index
    %get3A_5 = vector.load %arg2[%get3A_2, %get3A_3, %get3A_4] : memref<2x400x128xf32, #tpu.memory_space<vmem>>, vector<1x400x1xf32>
    %get3A_6 = vector.shape_cast %get3A_5 : vector<1x400x1xf32> to vector<400x1xf32>
    %get3A_7 = arith.constant 1 : index
    %get3A_8 = arith.constant 0 : index
    %get3A_9 = arith.constant 0 : index
    %get3A_10 = vector.load %arg2[%get3A_7, %get3A_8, %get3A_9] : memref<2x400x128xf32, #tpu.memory_space<vmem>>, vector<1x400x1xf32>
    %get3A_11 = vector.shape_cast %get3A_10 : vector<1x400x1xf32> to vector<400x1xf32>
    %add3A = arith.addf %get3A_6, %get3A_11 : vector<400x1xf32>
    %gt3A = arith.constant 0.000000e+00 : f32
    %gt3A_12 = vector.broadcast %gt3A : f32 to vector<400x1xf32>
    %gt3A_13 = arith.cmpf ogt, %add3A, %gt3A_12 : vector<400x1xf32>
    %max3A = arith.constant 9.99999996E-13 : f32
    %max3A_14 = vector.broadcast %max3A : f32 to vector<400x1xf32>
    %max3A_15 = arith.maximumf %add3A, %max3A_14 : vector<400x1xf32>
    %rsqrt3A = math.rsqrt %max3A_15 : vector<400x1xf32>
    %jit3A = arith.constant 0.000000e+00 : f32
    %broadcast_in_dim3A = vector.broadcast %jit3A : f32 to vector<400x1xf32>
    %select_n3A = arith.select %gt3A_13, %rsqrt3A, %broadcast_in_dim3A : vector<400x1xi1>, vector<400x1xf32>
    %mul3A = vector.broadcast %select_n3A : vector<400x1xf32> to vector<400x128xf32>
    %mul3A_16 = arith.mulf %get3A_1, %mul3A : vector<400x128xf32>
    %get3A_17 = arith.constant 0 : index
    %get3A_18 = arith.constant 0 : index
    %get3A_19 = vector.load %arg3[%get3A_17, %get3A_18] : memref<128x128xf32, #tpu.memory_space<vmem>>, vector<128x128xf32>
    %dot_general3A = arith.constant dense<0.000000e+00> : vector<400x128xf32>
    %dot_general3A_20 = tpu.matmul %mul3A_16, %get3A_19, %dot_general3A {dimension_numbers = #tpu.dot_dimension_numbers<[1], [0], [0], [1], [0, 0, 1, 1], [], []>, transpose_lhs_hint = false} : vector<400x128xf32>, vector<128x128xf32>, vector<400x128xf32> -> vector<400x128xf32>
    %swap3A = arith.constant 0 : index
    %swap3A_21 = arith.constant 0 : index
    %swap3A_22 = vector.load %arg4[%swap3A, %swap3A_21] : memref<400x128xf32, #tpu.memory_space<vmem>>, vector<400x128xf32>
    tpu.vector_store %arg4[%swap3A, %swap3A_21], %dot_general3A_20 {strides = array<i32>} : memref<400x128xf32, #tpu.memory_space<vmem>>, vector<400x128xf32>,
    return
  }
  func.func @transform_0(%arg0: i32) -> (i32, i32) {
    %c0_i32 = arith.constant 0 : i32
    %c0_i32_0 = arith.constant 0 : i32
    return %arg0, %c0_i32 : i32, i32
  }
  func.func @transform_1(%arg0: i32) -> (i32, i32, i32) {
    %c0_i32 = arith.constant 0 : i32
    %c0_i32_0 = arith.constant 0 : i32
    %c0_i32_1 = arith.constant 0 : i32
    return %c0_i32, %arg0, %c0_i32_0 : i32, i32, i32
  }
  func.func @transform_2(%arg0: i32) -> (i32, i32) {
    %c0_i32 = arith.constant 0 : i32
    %c0_i32_0 = arith.constant 0 : i32
    %c0_i32_1 = arith.constant 0 : i32
    return %c0_i32, %c0_i32_0 : i32, i32
  }
  func.func @transform_3(%arg0: i32) -> (i32, i32) {
    %c0_i32 = arith.constant 0 : i32
    %c0_i32_0 = arith.constant 0 : i32
    return %arg0, %c0_i32 : i32, i32
  }
}

module attributes {stable_mosaic.version = 14 : i64} {
  func.func @_mm2_body(%arg0: i32, %arg1: memref<2x400x128xf32, #tpu.memory_space<vmem>>, %arg2: memref<2x400x128xf32, #tpu.memory_space<vmem>>, %arg3: memref<1x128xf32, #tpu.memory_space<vmem>>, %arg4: memref<128x128xf32, #tpu.memory_space<vmem>>, %arg5: memref<400x128xf32, #tpu.memory_space<vmem>>) attributes {dimension_semantics = [#tpu.dimension_semantics<arbitrary>], iteration_bounds = array<i64: 25>, scalar_prefetch = 0 : i64, scratch_operands = 0 : i64, tpu.core_type = #tpu.core_type<tc>, window_params = [{transform_indices = @transform_0, window_bounds = array<i64: 2, 400, 128>}, {transform_indices = @transform_1, window_bounds = array<i64: 2, 400, 128>}, {pipeline_mode = #tpu.pipeline_mode<synchronous>, transform_indices = @transform_2, window_bounds = array<i64: 1, 128>}, {pipeline_mode = #tpu.pipeline_mode<synchronous>, transform_indices = @transform_3, window_bounds = array<i64: 128, 128>}, {transform_indices = @transform_4, window_bounds = array<i64: 400, 128>}]} {
    %get3A = arith.constant 0 : index
    %get3A_0 = arith.constant 0 : index
    %get3A_1 = arith.constant 0 : index
    %get3A_2 = vector.load %arg1[%get3A, %get3A_0, %get3A_1] : memref<2x400x128xf32, #tpu.memory_space<vmem>>, vector<1x400x128xf32>
    %get3A_3 = vector.shape_cast %get3A_2 : vector<1x400x128xf32> to vector<400x128xf32>
    %get3A_4 = arith.constant 1 : index
    %get3A_5 = arith.constant 0 : index
    %get3A_6 = arith.constant 0 : index
    %get3A_7 = vector.load %arg1[%get3A_4, %get3A_5, %get3A_6] : memref<2x400x128xf32, #tpu.memory_space<vmem>>, vector<1x400x128xf32>
    %get3A_8 = vector.shape_cast %get3A_7 : vector<1x400x128xf32> to vector<400x128xf32>
    %add3A = arith.addf %get3A_3, %get3A_8 : vector<400x128xf32>
    %get3A_9 = arith.constant 0 : index
    %get3A_10 = arith.constant 0 : index
    %get3A_11 = arith.constant 64 : index
    %get3A_12 = vector.load %arg2[%get3A_9, %get3A_10, %get3A_11] : memref<2x400x128xf32, #tpu.memory_space<vmem>>, vector<1x400x1xf32>
    %get3A_13 = vector.shape_cast %get3A_12 : vector<1x400x1xf32> to vector<400x1xf32>
    %get3A_14 = arith.constant 1 : index
    %get3A_15 = arith.constant 0 : index
    %get3A_16 = arith.constant 64 : index
    %get3A_17 = vector.load %arg2[%get3A_14, %get3A_15, %get3A_16] : memref<2x400x128xf32, #tpu.memory_space<vmem>>, vector<1x400x1xf32>
    %get3A_18 = vector.shape_cast %get3A_17 : vector<1x400x1xf32> to vector<400x1xf32>
    %add3A_19 = arith.addf %get3A_13, %get3A_18 : vector<400x1xf32>
    %gt3A = arith.constant 0.000000e+00 : f32
    %gt3A_20 = vector.broadcast %gt3A : f32 to vector<400x1xf32>
    %gt3A_21 = arith.cmpf ogt, %add3A_19, %gt3A_20 : vector<400x1xf32>
    %max3A = arith.constant 9.99999996E-13 : f32
    %max3A_22 = vector.broadcast %max3A : f32 to vector<400x1xf32>
    %max3A_23 = arith.maximumf %add3A_19, %max3A_22 : vector<400x1xf32>
    %rsqrt3A = math.rsqrt %max3A_23 : vector<400x1xf32>
    %jit3A = arith.constant 0.000000e+00 : f32
    %broadcast_in_dim3A = vector.broadcast %jit3A : f32 to vector<400x1xf32>
    %select_n3A = arith.select %gt3A_21, %rsqrt3A, %broadcast_in_dim3A : vector<400x1xi1>, vector<400x1xf32>
    %mul3A = vector.broadcast %select_n3A : vector<400x1xf32> to vector<400x128xf32>
    %mul3A_24 = arith.mulf %add3A, %mul3A : vector<400x128xf32>
    %get3A_25 = arith.constant 0 : index
    %get3A_26 = arith.constant 0 : index
    %get3A_27 = vector.load %arg3[%get3A_25, %get3A_26] : memref<1x128xf32, #tpu.memory_space<vmem>>, vector<1x128xf32>
    %add3A_28 = vector.broadcast %get3A_27 : vector<1x128xf32> to vector<400x128xf32>
    %add3A_29 = arith.addf %mul3A_24, %add3A_28 : vector<400x128xf32>
    %max3A_30 = arith.constant 0.000000e+00 : f32
    %max3A_31 = vector.broadcast %max3A_30 : f32 to vector<400x128xf32>
    %max3A_32 = arith.maximumf %add3A_29, %max3A_31 : vector<400x128xf32>
    %get3A_33 = arith.constant 0 : index
    %get3A_34 = arith.constant 0 : index
    %get3A_35 = arith.constant 0 : index
    %get3A_36 = vector.load %arg2[%get3A_33, %get3A_34, %get3A_35] : memref<2x400x128xf32, #tpu.memory_space<vmem>>, vector<1x400x1xf32>
    %get3A_37 = vector.shape_cast %get3A_36 : vector<1x400x1xf32> to vector<400x1xf32>
    %get3A_38 = arith.constant 1 : index
    %get3A_39 = arith.constant 0 : index
    %get3A_40 = arith.constant 0 : index
    %get3A_41 = vector.load %arg2[%get3A_38, %get3A_39, %get3A_40] : memref<2x400x128xf32, #tpu.memory_space<vmem>>, vector<1x400x1xf32>
    %get3A_42 = vector.shape_cast %get3A_41 : vector<1x400x1xf32> to vector<400x1xf32>
    %add3A_43 = arith.addf %get3A_37, %get3A_42 : vector<400x1xf32>
    %gt3A_44 = arith.constant 0.000000e+00 : f32
    %gt3A_45 = vector.broadcast %gt3A_44 : f32 to vector<400x1xf32>
    %gt3A_46 = arith.cmpf ogt, %add3A_43, %gt3A_45 : vector<400x1xf32>
    %max3A_47 = arith.constant 9.99999996E-13 : f32
    %max3A_48 = vector.broadcast %max3A_47 : f32 to vector<400x1xf32>
    %max3A_49 = arith.maximumf %add3A_43, %max3A_48 : vector<400x1xf32>
    %rsqrt3A_50 = math.rsqrt %max3A_49 : vector<400x1xf32>
    %jit3A_51 = arith.constant 0.000000e+00 : f32
    %broadcast_in_dim3A_52 = vector.broadcast %jit3A_51 : f32 to vector<400x1xf32>
    %select_n3A_53 = arith.select %gt3A_46, %rsqrt3A_50, %broadcast_in_dim3A_52 : vector<400x1xi1>, vector<400x1xf32>
    %mul3A_54 = vector.broadcast %select_n3A_53 : vector<400x1xf32> to vector<400x128xf32>
    %mul3A_55 = arith.mulf %max3A_32, %mul3A_54 : vector<400x128xf32>
    %get3A_56 = arith.constant 0 : index
    %get3A_57 = arith.constant 0 : index
    %get3A_58 = vector.load %arg4[%get3A_56, %get3A_57] : memref<128x128xf32, #tpu.memory_space<vmem>>, vector<128x128xf32>
    %dot_general3A = arith.constant dense<0.000000e+00> : vector<400x128xf32>
    %dot_general3A_59 = tpu.matmul %mul3A_55, %get3A_58, %dot_general3A {dimension_numbers = #tpu.dot_dimension_numbers<[1], [0], [0], [1], [0, 0, 1, 1], [], []>, transpose_lhs_hint = false} : vector<400x128xf32>, vector<128x128xf32>, vector<400x128xf32> -> vector<400x128xf32>
    %swap3A = arith.constant 0 : index
    %swap3A_60 = arith.constant 0 : index
    %swap3A_61 = vector.load %arg5[%swap3A, %swap3A_60] : memref<400x128xf32, #tpu.memory_space<vmem>>, vector<400x128xf32>
    tpu.vector_store %arg5[%swap3A, %swap3A_60], %dot_general3A_59 {strides = array<i32>} : memref<400x128xf32, #tpu.memory_space<vmem>>, vector<400x128xf32>,
    return
  }
  func.func @transform_0(%arg0: i32) -> (i32, i32, i32) {
    %c0_i32 = arith.constant 0 : i32
    %c0_i32_0 = arith.constant 0 : i32
    %c0_i32_1 = arith.constant 0 : i32
    return %c0_i32, %arg0, %c0_i32_0 : i32, i32, i32
  }
  func.func @transform_1(%arg0: i32) -> (i32, i32, i32) {
    %c0_i32 = arith.constant 0 : i32
    %c0_i32_0 = arith.constant 0 : i32
    %c0_i32_1 = arith.constant 0 : i32
    return %c0_i32, %arg0, %c0_i32_0 : i32, i32, i32
  }
  func.func @transform_2(%arg0: i32) -> (i32, i32) {
    %c0_i32 = arith.constant 0 : i32
    %c0_i32_0 = arith.constant 0 : i32
    %c0_i32_1 = arith.constant 0 : i32
    return %c0_i32, %c0_i32_0 : i32, i32
  }
  func.func @transform_3(%arg0: i32) -> (i32, i32) {
    %c0_i32 = arith.constant 0 : i32
    %c0_i32_0 = arith.constant 0 : i32
    %c0_i32_1 = arith.constant 0 : i32
    return %c0_i32, %c0_i32_0 : i32, i32
  }
  func.func @transform_4(%arg0: i32) -> (i32, i32) {
    %c0_i32 = arith.constant 0 : i32
    %c0_i32_0 = arith.constant 0 : i32
    return %arg0, %c0_i32 : i32, i32
  }
}

module attributes {stable_mosaic.version = 14 : i64} {
  func.func @_fin_body(%arg0: i32, %arg1: memref<2x400x128xf32, #tpu.memory_space<vmem>>, %arg2: memref<2x400x128xf32, #tpu.memory_space<vmem>>, %arg3: memref<1x128xf32, #tpu.memory_space<vmem>>, %arg4: memref<400x128xf32, #tpu.memory_space<vmem>>) attributes {dimension_semantics = [#tpu.dimension_semantics<arbitrary>], iteration_bounds = array<i64: 25>, scalar_prefetch = 0 : i64, scratch_operands = 0 : i64, tpu.core_type = #tpu.core_type<tc>, window_params = [{transform_indices = @transform_0, window_bounds = array<i64: 2, 400, 128>}, {transform_indices = @transform_1, window_bounds = array<i64: 2, 400, 128>}, {pipeline_mode = #tpu.pipeline_mode<synchronous>, transform_indices = @transform_2, window_bounds = array<i64: 1, 128>}, {transform_indices = @transform_3, window_bounds = array<i64: 400, 128>}]} {
    %get3A = arith.constant 0 : index
    %get3A_0 = arith.constant 0 : index
    %get3A_1 = arith.constant 0 : index
    %get3A_2 = vector.load %arg1[%get3A, %get3A_0, %get3A_1] : memref<2x400x128xf32, #tpu.memory_space<vmem>>, vector<1x400x128xf32>
    %get3A_3 = vector.shape_cast %get3A_2 : vector<1x400x128xf32> to vector<400x128xf32>
    %get3A_4 = arith.constant 1 : index
    %get3A_5 = arith.constant 0 : index
    %get3A_6 = arith.constant 0 : index
    %get3A_7 = vector.load %arg1[%get3A_4, %get3A_5, %get3A_6] : memref<2x400x128xf32, #tpu.memory_space<vmem>>, vector<1x400x128xf32>
    %get3A_8 = vector.shape_cast %get3A_7 : vector<1x400x128xf32> to vector<400x128xf32>
    %add3A = arith.addf %get3A_3, %get3A_8 : vector<400x128xf32>
    %get3A_9 = arith.constant 0 : index
    %get3A_10 = arith.constant 0 : index
    %get3A_11 = arith.constant 64 : index
    %get3A_12 = vector.load %arg2[%get3A_9, %get3A_10, %get3A_11] : memref<2x400x128xf32, #tpu.memory_space<vmem>>, vector<1x400x1xf32>
    %get3A_13 = vector.shape_cast %get3A_12 : vector<1x400x1xf32> to vector<400x1xf32>
    %get3A_14 = arith.constant 1 : index
    %get3A_15 = arith.constant 0 : index
    %get3A_16 = arith.constant 64 : index
    %get3A_17 = vector.load %arg2[%get3A_14, %get3A_15, %get3A_16] : memref<2x400x128xf32, #tpu.memory_space<vmem>>, vector<1x400x1xf32>
    %get3A_18 = vector.shape_cast %get3A_17 : vector<1x400x1xf32> to vector<400x1xf32>
    %add3A_19 = arith.addf %get3A_13, %get3A_18 : vector<400x1xf32>
    %gt3A = arith.constant 0.000000e+00 : f32
    %gt3A_20 = vector.broadcast %gt3A : f32 to vector<400x1xf32>
    %gt3A_21 = arith.cmpf ogt, %add3A_19, %gt3A_20 : vector<400x1xf32>
    %max3A = arith.constant 9.99999996E-13 : f32
    %max3A_22 = vector.broadcast %max3A : f32 to vector<400x1xf32>
    %max3A_23 = arith.maximumf %add3A_19, %max3A_22 : vector<400x1xf32>
    %rsqrt3A = math.rsqrt %max3A_23 : vector<400x1xf32>
    %jit3A = arith.constant 0.000000e+00 : f32
    %broadcast_in_dim3A = vector.broadcast %jit3A : f32 to vector<400x1xf32>
    %select_n3A = arith.select %gt3A_21, %rsqrt3A, %broadcast_in_dim3A : vector<400x1xi1>, vector<400x1xf32>
    %mul3A = vector.broadcast %select_n3A : vector<400x1xf32> to vector<400x128xf32>
    %mul3A_24 = arith.mulf %add3A, %mul3A : vector<400x128xf32>
    %get3A_25 = arith.constant 0 : index
    %get3A_26 = arith.constant 0 : index
    %get3A_27 = vector.load %arg3[%get3A_25, %get3A_26] : memref<1x128xf32, #tpu.memory_space<vmem>>, vector<1x128xf32>
    %add3A_28 = vector.broadcast %get3A_27 : vector<1x128xf32> to vector<400x128xf32>
    %add3A_29 = arith.addf %mul3A_24, %add3A_28 : vector<400x128xf32>
    %swap3A = arith.constant 0 : index
    %swap3A_30 = arith.constant 0 : index
    %swap3A_31 = vector.load %arg4[%swap3A, %swap3A_30] : memref<400x128xf32, #tpu.memory_space<vmem>>, vector<400x128xf32>
    tpu.vector_store %arg4[%swap3A, %swap3A_30], %add3A_29 {strides = array<i32>} : memref<400x128xf32, #tpu.memory_space<vmem>>, vector<400x128xf32>,
    return
  }
  func.func @transform_0(%arg0: i32) -> (i32, i32, i32) {
    %c0_i32 = arith.constant 0 : i32
    %c0_i32_0 = arith.constant 0 : i32
    %c0_i32_1 = arith.constant 0 : i32
    return %c0_i32, %arg0, %c0_i32_0 : i32, i32, i32
  }
  func.func @transform_1(%arg0: i32) -> (i32, i32, i32) {
    %c0_i32 = arith.constant 0 : i32
    %c0_i32_0 = arith.constant 0 : i32
    %c0_i32_1 = arith.constant 0 : i32
    return %c0_i32, %arg0, %c0_i32_0 : i32, i32, i32
  }
  func.func @transform_2(%arg0: i32) -> (i32, i32) {
    %c0_i32 = arith.constant 0 : i32
    %c0_i32_0 = arith.constant 0 : i32
    %c0_i32_1 = arith.constant 0 : i32
    return %c0_i32, %c0_i32_0 : i32, i32
  }
  func.func @transform_3(%arg0: i32) -> (i32, i32) {
    %c0_i32 = arith.constant 0 : i32
    %c0_i32_0 = arith.constant 0 : i32
    return %arg0, %c0_i32 : i32, i32
  }
}

</mosaic_0001>

<sc_bundles>
// kernel: kernel.11.cloned.1.call-start
scs
__scs_entry_jumppad:
0x0: {  	(pc) =	sbr.rel $0x88, $3  }
0x1: {  	(tag) =	ssettag $0x0;
	lr =	simm.s32 $0x1  }
0x2: {  	[smem:$0x3F9B] =	sst lr;
	_ =	strace $0xD0000000  }
0x3: {  	_ = 	snop  }
0x4: {  	_ = 	snop  }
0x5: {  	_ = 	snop  }
0x6: {  	_ = 	snop  }
0x7: {  	_ = 	snop  }
__scs_overlays_trampoline_lowered:
0x8: {  	[smem:$0x3FAA] =	sst s0  }
0x9: {  	[smem:$0x3FAB] =	sst s1  }
0xa: {  	[smem:$0x3FAC] =	sst s2  }
0xb: {  	[smem:$0x3FAD] =	sst s3  }
0xc: {  	[smem:$0x3FAE] =	sst s4  }
0xd: {  	[smem:$0x3FAF] =	sst s5  }
0xe: {  	[smem:$0x3FB0] =	sst s6  }
0xf: {  	[smem:$0x3FB1] =	sst s7  }
0x10: {  	[smem:$0x3FB2] =	sst s8  }
0x11: {  	[smem:$0x3FB3] =	sst s9;
	s0 =	simm.s32 @!p0 $0x0  }
0x12: {  	s1 =	sld [smem:$0x3F99];
	s0 =	simm.s32 @p0 $0x1  }
0x13: {  	[smem:$0x3FB4] =	sst s0;
	s0 =	simm.s32 @!p1 $0x0  }
0x14: {  	s2 =	sld [smem:$0x3F98];
	s0 =	simm.s32 @p1 $0x1  }
0x15: {  	[smem:$0x3FB5] =	sst s0;
	s0 =	simm.s32 @!p2 $0x0  }
0x16: {  	s3 =	sld [smem:$0x3FDB];
	s0 =	simm.s32 @p2 $0x1  }
0x17: {  	s4 =	simm.s32 $0x1BF5;
	[smem:$0x3FB7] =	sst s0  }
0x18: {  	s0 =	sld [smem:$0x3F9A];
	_ =	swait.ge [sflag:s4], $0x0  }
0x19: {  	s7 =	sld [smem:$0x3F9B]  }
0x1a: {  	s8 =	sadd.s32 $0xFFFFE003, lr  }
0x1b: {  	s9 =	sadd.s32 $0xFFFFFEF7, lr;
	s5 =	simm.s32 $0xFFFFFFFF;
	p2 =	slt.u32 s8, $0xFFFFF086  }
0x1c: {  	p1 =	slt.u32 s9, $0xF7A;
	s5 =	simm.s32 @!p2 $0x0  }
0x1d: {  	s5 =	simm.s32 @p1 $0x1;
	p0 =	seq.s32 s7, s2  }
0x1e: {  	s7 =	smul.u32 @!p0 $0xF7A, s2;
	p2 =	seq.s32 @!p0 s5, $0x0  }
0x1f: {  	s9 =	smul.u32 $0xF7A, s1;
	s8 =	simm.s32 @!p0 $0x1BF5;
	p2 =	por !p2, p0  }
0x20: {  	[sflag:s8] =	ssyncset.s32 @!p0 $0xFFFFF086;
	s6 =	sadd.s32 @!p0 s3, s7;
	s7 =	simm.s32 @!p0 $0x108  }
0x21: {  	s3 =	sadd.s32 s3, s9;
	s6 =	sadd.s32 @!p0 $0x88, s6;
	s7 =	simm.s32 @p2 $0x1082  }
0x22: {  	[simem:s7], [sflag:s8] =	dma.local @!p0 [hbm:s6], $0xF7A  }
0x23: {  	s9 =	sor.u32 $0xD0000000, s2;
	s6 =	simm.s32 $0x108;
	_ =	swait.ge @!p0 [sflag:s8], $0x0  }
0x24: {  	s3 =	sadd.s32 $0x88, s3;
	s6 =	simm.s32 @!p1 $0x1082;
	[sflag:s4] =	ssyncset.s32 $0xFFFFF086  }
0x25: {  	[simem:s6], [sflag:s4] =	dma.local [hbm:s3], $0xF7A  }
0x26: {  	[smem:$0x3F9B] =	sst s1;
	(tag) =	ssettag s2;
	_ =	strace s9  }
0x27: {  	s1 =	sld [smem:$0x3FAB]  }
0x28: {  	s2 =	sld [smem:$0x3FAC]  }
0x29: {  	s4 =	sld [smem:$0x3FAE]  }
0x2a: {  	p0 =	seq.s32 s5, $0x0;
	s5 =	sld [smem:$0x3FAF]  }
0x2b: {  	s6 =	sld [smem:$0x3FB0]  }
0x2c: {  	s7 =	sld [smem:$0x3FB1]  }
0x2d: {  	s3 =	simm.s32 $0x108;
	s8 =	sld [smem:$0x3FB2]  }
0x2e: {  	s3 =	simm.s32 @!p0 $0x1082;
	s9 =	sld [smem:$0x3FB3]  }
0x2f: {  	lr =	sadd.s32 s0, s3;
	s0 =	sld [smem:$0x3FAA]  }
0x30: {  	s3 =	sld [smem:$0x3FAD]  }
0x31: {  	[smem:$0x3FB6] =	sst s10  }
0x32: {  	s10 =	sld [smem:$0x3FB4];
	_ =	sdelay $0x3  }
0x33: {  	p0 =	seq.s32 s10, $0x1;
	s10 =	sld [smem:$0x3FB6];
	_ =	sdelay $0x3  }
0x34: {  	[smem:$0x3FB6] =	sst s10  }
0x35: {  	s10 =	sld [smem:$0x3FB5];
	_ =	sdelay $0x3  }
0x36: {  	p1 =	seq.s32 s10, $0x1;
	s10 =	sld [smem:$0x3FB6];
	_ =	sdelay $0x3  }
0x37: {  	[smem:$0x3FB6] =	sst s10  }
0x38: {  	s10 =	sld [smem:$0x3FB7]  }
0x39: {  	_ = 	snop;
	(pc) =	sbr.ind lr, $3  }
0x3a: {  	_ = 	snop  }
0x3b: {  	_ = 	snop  }
0x3c: {  	p2 =	seq.s32 s10, $0x1;
	s10 =	sld [smem:$0x3FB6]  }
0x3d: {  	_ =	shalt  }
0x3e: {  	_ =	shalt  }
0x3f: {  	_ =	shalt  }
0x40: {  	_ =	shalt  }
0x41: {  	_ =	shalt  }
0x42: {  	_ =	shalt  }
0x43: {  	_ =	shalt  }
0x44: {  	_ =	shalt  }
0x45: {  	_ =	shalt  }
0x46: {  	_ =	shalt  }
0x47: {  	_ =	shalt  }
0x48: {  	_ =	shalt  }
0x49: {  	_ =	shalt  }
0x4a: {  	_ =	shalt  }
0x4b: {  	_ =	shalt  }
0x4c: {  	_ =	shalt  }
0x4d: {  	_ =	shalt  }
0x4e: {  	_ =	shalt  }
0x4f: {  	_ =	shalt  }
0x50: {  	_ =	shalt  }
0x51: {  	_ =	shalt  }
0x52: {  	_ =	shalt  }
0x53: {  	_ =	shalt  }
0x54: {  	_ =	shalt  }
0x55: {  	_ =	shalt  }
0x56: {  	_ =	shalt  }
0x57: {  	_ =	shalt  }
0x58: {  	_ =	shalt  }
0x59: {  	_ =	shalt  }
0x5a: {  	_ =	shalt  }
0x5b: {  	_ =	shalt  }
0x5c: {  	_ =	shalt  }
0x5d: {  	_ =	shalt  }
0x5e: {  	_ =	shalt  }
0x5f: {  	_ =	shalt  }
0x60: {  	_ =	shalt  }
0x61: {  	_ =	shalt  }
0x62: {  	_ =	shalt  }
0x63: {  	_ =	shalt  }
0x64: {  	_ =	shalt  }
0x65: {  	_ =	shalt  }
0x66: {  	_ =	shalt  }
0x67: {  	_ =	shalt  }
0x68: {  	_ =	shalt  }
0x69: {  	_ =	shalt  }
0x6a: {  	_ =	shalt  }
0x6b: {  	_ =	shalt  }
0x6c: {  	_ =	shalt  }
0x6d: {  	_ =	shalt  }
0x6e: {  	_ =	shalt  }
0x6f: {  	_ =	shalt  }
0x70: {  	_ =	shalt  }
0x71: {  	_ =	shalt  }
0x72: {  	_ =	shalt  }
0x73: {  	_ =	shalt  }
0x74: {  	_ =	shalt  }
0x75: {  	_ =	shalt  }
0x76: {  	_ =	shalt  }
0x77: {  	_ =	shalt  }
0x78: {  	_ =	shalt  }
0x79: {  	_ =	shalt  }
0x7a: {  	_ =	shalt  }
0x7b: {  	_ =	shalt  }
0x7c: {  	_ =	shalt  }
0x7d: {  	_ =	shalt  }
0x7e: {  	_ =	shalt  }
0x7f: {  	_ =	shalt  }
0x80: {  	_ =	shalt  }
0x81: {  	_ =	shalt  }
0x82: {  	_ =	shalt  }
0x83: {  	_ =	shalt  }
0x84: {  	_ =	shalt  }
0x85: {  	_ =	shalt  }
0x86: {  	_ =	shalt  }
0x87: {  	_ =	shalt  }
.Lfunc_end0:
.L_simem_size_0:
called_computation.1_lowered:
.L_overlay_start_0:
0x88: {  	s2 =	sld [smem:$0x3FD9]  }
0x89: {  	s3 =	sld [smem:$0x3FFE];
	_ =	sdelay $0x1  }
0x8a: {  	s1 =	srdreg.scid  }
0x8b: {  	s0 =	sand.u32 $0x1, s1  }
0x8c: {  	s17 =	sshll.u32 s0, $0xA;
	s2 =	sadd.s32 s3, s2  }
0x8d: {  	s2 =	sadd.s32 s2, s17  }
0x8e: {  	[smem:$0x3FC2] =	sst s2  }
0x8f: {  	_ = 	snop  }
0x90: {  	s2 =	sld [smem:$0x3FD0];
	(tm) =	ssettm $0x1  }
0x91: {  	s18 =	sld [smem:$0x3FFB];
	_ =	sdelay $0x3  }
0x92: {  	_ =	strace s18  }
0x93: {  	s3 =	sld [smem:$0x3FFC];
	_ =	sdelay $0x3  }
0x94: {  	_ =	strace s3  }
0x95: {  	s3 =	sld [smem:$0x3FFD];
	_ =	sdelay $0x3  }
0x96: {  	_ =	strace s3  }
0x97: {  	_ =	strace $0x8FFFFFFF  }
0x98: {  	s19 =	sld [smem:$0x3FDB];
	_ =	sdelay $0x1  }
0x99: {  	s4 =	simm.s32 $_scs_section_size  }
0x9a: {  	s5 =	simm.s32 $_size__tile_overlayer_lowered;
	s6 =	simm.s32 $_tile_overlayer_lowered  }
0x9b: {  	s22 =	simm.s32 $0x1BFF;
	s21 =	sshll.u32 s6, $0x1;
	s3 =	sadd.s32 s4, s19  }
0x9c: {  	s7 =	simm.s32 $0x0;
	s20 =	sshll.u32 s5, $0x1;
	s5 =	sadd.s32 s21, s3  }
0x9d: {  	[timem:s7], [sflag:s22] =	dma.local [hbm:s5], s20  }
0x9e: {  	_ =	swait.ge [sflag:s22], s20  }
0x9f: {  	s4 =	ssub.s32 $0x0, s20;
	[sflag:s22] =	ssyncset.done $0x0  }
0xa0: {  	[sflag:s22] =	ssyncadd.s32 s4;
	_ =	sdelay $0x1  }
0xa1: {  	s23 =	simm.s32 $0x1B8B  }
0xa2: {  	_ =	swait.ge [sflag:s23], $0x1  }
0xa3: {  	[sflag:s23] =	ssyncset.done $0x0  }
0xa4: {  	s25 =	simm.s32 $0x1B8E;
	s24 =	sld [smem:$0x3FFE];
	[sflag:s23] =	ssyncadd.s32 $0xFFFFFFFF  }
0xa5: {  	s26 =	simm.s32 $execute0_lowered;
	[smem:$0x3FD2] =	sst s25  }
0xa6: {  	s5 =	sshll.u32 s26, $0x1;
	_ =	strace $0x80000049;
	[dreg:$0x1] =	wrdreg $0xFFFFFFFF  }
0xa7: {  	s28 =	simm.s32 $_size_execute0_lowered;
	s3 =	sadd.s32 s3, s5;
	[dreg:$0x0] =	wrdreg $0x0  }
0xa8: {  	s5 =	sshll.u32 s28, $0x1;
	[dreg:$0x2] =	wrdreg s3  }
0xa9: {  	[dreg:$0x3] =	wrdreg s5  }
0xaa: {  	[dreg:$0x4] =	wrdreg $0xC0  }
0xab: {  	_ =	task [dreg:s7], $0x5FFFF  }
0xac: {  	[dreg:$0x1] =	wrdreg $0xFFFFFFFF  }
0xad: {  	[dreg:$0x0] =	wrdreg $0x60  }
0xae: {  	[dreg:$0x2] =	wrdreg s24  }
0xaf: {  	[dreg:$0x3] =	wrdreg s2  }
0xb0: {  	[dreg:$0x4] =	wrdreg $0xB0000  }
0xb1: {  	[dreg:$0x5] =	wrdreg $0x9  }
0xb2: {  	_ =	task.clear_ibuf [dreg:s7], $0x6FFFF;
	_ =	strace $0x90000049  }
0xb3: {  	s29 =	simm.s32 $0x9;
	_ =	strace $0x8000004B  }
0xb4: {  	_ =	swait.ge [sflag:s29], $0x1  }
0xb5: {  	[sflag:s29] =	ssyncadd.s32 $0xFFFFFFFF  }
0xb6: {  	_ =	strace $0x9000004B  }
0xb7: {  	_ =	sfence  }
0xb8: {  	s30 =	sld [smem:$0x0];
	_ =	sdelay $0x2  }
0xb9: {  	s31 =	sshll.u32 s1, $0xD;
	s1 =	sshrl.u32 s1, $0x2  }
0xba: {  	s3 =	sand.u32 $0x4000, s31;
	s1 =	sadd.s32 s1, s30  }
0xbb: {  	s0 =	sor.u32 s3, s0;
	s1 =	sshll.u32 s1, $0x11  }
0xbc: {  	s0 =	sor.u32 s1, s0  }
0xbd: {  	s0 =	sadd.s32 $0x8F2B, s0  }
0xbe: {  	[sflag:s0] =	ssyncadd.remote.s32 $0x1  }
0xbf: {  	_ =	sfence.sel $0xFFFF  }
0xc0: {  	[dreg:$0x0] =	wrdreg $0xFFFFFFFF;
	(pc) =	sbr.abs _section_cstart, $3  }
0xc1: {  	[dreg:$0x1] =	wrdreg $0xFFFFFFFF  }
0xc2: {  	_ =	task.clear_ibuf [dreg:s7], $0x2FFFF;
	_ =	strace $0x9FFFFFFF  }
0xc3: {  	(tm) =	ssettm $0x7FFFFFFF  }
tec
execute0_lowered:
.L_overlay_start_1:
0x0: {  	(tag) =	ssettag $0x1  }
0x1: {  	s0 =	rddreg [dreg:$0x0]  }
0x2: {  	s2 =	rddreg [dreg:$0x1]  }
0x3: {  	s1 =	rddreg [dreg:$0x2]  }
0x4: {  	s3 =	srdreg.scid;
	s14 =	stileid.u32;
	s28 =	simm.s32 $0x2  }
0x5: {  	s30 =	simm.s32 $0x5;
	s31 =	simm.s32 $0x400;
	s16 =	simm.s32 $0x7  }
0x6: {  	s29 =	simm.s32 $0xA;
	s15 =	simm.s32 $0xF80;
	s5 =	sand.u32 $0x1, s3  }
0x7: {  	s3 =	simm.s32 $0x0;
	s7 =	smul.u32 $0x14000, s14;
	s4 =	sadd.s32 $0x7AC00, s0  }
0x8: {  	s8 =	sadd.s32 $0x6AC00, s0;
	s17 =	sadd.s32 $0x18400, s0;
	s9 =	sshll.u32 s14, $0xE  }
0x9: {  	s10 =	smul.u32 $0x50000, s14;
	s26 =	sshll.u32 s14, $0x6;
	s14 =	simm.s32 $0xE80  }
0xa: {  	s6 =	smul.u32 $0x140000, s5;
	[smem:$0x7FF] =	sst s3;
	s18 =	ssub.s32 $0x2, s5  }
0xb: {  	s5 =	sshll.u32 s5, $0x12;
	_ =	strace $0x8000004A;
	[dreg:$0x4] =	wrdreg s17  }
0xc: {  	s19 =	sshrl.u32 s18, $0x1;
	s5 =	sor.u32 s9, s5;
	s21 =	sshrl.u32 s10, $0x2  }
0xd: {  	s9 =	sor.u32 $0x1C0B, s26;
	s26 =	simm.s32 $0x8800;
	s17 =	simm.s32 $0x780  }
0xe: {  	s6 =	sadd.s32 s7, s6;
	s20 =	sshrl.u32 s5, $0x3;
	s23 =	sadd.s32 s21, s1  }
0xf: {  	s25 =	sor.u32 $0x800, s5;
	s5 =	simm.s32 $0xB;
	s21 =	simm.s32 $0x3800  }
0x10: {  	s7 =	simm.s32 $0x0;
	[dreg:$0x9] =	wrdreg s9;
	s6 =	sshrl.u32 s6, $0x3  }
0x11: {  	s22 =	sadd.s32 s20, s2;
	s11 =	sadd.s32 s20, s8;
	s20 =	simm.s32 $0x3  }
0x12: {  	s0 =	sadd.s32 s6, s0;
	s6 =	ssub.s32 s18, s19;
	[dreg:$0x5] =	wrdreg s22  }
0x13: {  	s10 =	sadd.s32 $0x80, s22;
	[dreg:$0x6] =	wrdreg s11;
	s11 =	sadd.s32 $0x80, s11  }
0x14: {  	s18 =	simm.s32 $0x50;
	s19 =	simm.s32 $0x1000;
	s0 =	sadd.s32 $0xA2C00, s0  }
.Ltmp0:
0x15: {  	s24 =	smax.u32 s6, $0x1;
	[dreg:$0x7] =	wrdreg s0;
	(pc) =	sbr.rel .LBB2_1-.Ltmp0, $4  }
0x16: {  	s22 =	simm.s32 $0x8;
	s6 =	simm.s32 $0x4;
	[dreg:$0x8] =	wrdreg s24  }
0x17: {  	s0 =	sshrl.u32 s25, $0x3;
	s25 =	sshrl.u32 s23, $0x3;
	s23 =	simm.s32 $0x6000  }
0x18: {  	s24 =	simm.s32 $0x1;
	s12 =	sadd.s32 s0, s8;
	s13 =	sadd.s32 s0, s2  }
0x19: {  	s0 =	simm.s32 $0xC00;
	s8 =	simm.s32 $0x6;
	[dreg:$0xa] =	wrdreg s25  }
.LBB2_4:
0x1a: {  	_ =	swait.ge [sflag:s22], $0x2800  }
0x1b: {  	[sflag:s22] =	ssyncset.done $0x0  }
0x1c: {  	[sflag:s22] =	ssyncadd.s32 $0xFFFFD800  }
0x1d: {  	[bflag:$0x0] =	sbarrier.arrive $0xFFFF  }
0x1e: {  	s2 =	rddreg [dreg:$0x7]  }
0x1f: {  	s9 =	rddreg [dreg:$0x9]  }
0x20: {  	s5 =	simm.s32 $0xB;
	s25 =	rddreg [dreg:$0xa]  }
0x21: {  	[hbm:s2], [sflag:s9] =	dma.local [spmem:s25], $0x2800  }
0x22: {  	_ =	swait.ge [sflag:s5], $0x2800  }
0x23: {  	s7 =	rddreg [dreg:$0xb]  }
0x24: {  	s2 =	rddreg [dreg:$0x8];
	s7 =	sadd.s32 $0x1, s7  }
0x25: {  	p0 =	sne.s32 s7, s2  }
.Ltmp1:
0x26: {  	_ = 	snop;
	(pc) =	sbr.rel @!p0 .LBB2_5-.Ltmp1, $3  }
0x27: {  	_ =	sdelay $0x1  }
0x28: {  	[sflag:s5] =	ssyncset.done $0x0  }
0x29: {  	[sflag:s5] =	ssyncadd.s32 $0xFFFFD800  }
.LBB2_1:
0x2a: {  	[dreg:$0xb] =	wrdreg s7  }
0x2b: {  	s2 =	rddreg [dreg:$0x5]  }
0x2c: {  	[tilespmem:s3], [sflag:$0xB] =	stream.linear.gather [hbm4b:s2+s3], $0x400, $0x38;
	[tilespmem:$0x1F000] =	vst v63  }
0x2d: {  	_ =	swait.ge [sflag:s5], $0x400  }
0x2e: {  	[sflag:s5] =	ssyncset.done $0x0  }
0x2f: {  	s7 =	simm.s32 $0x800;
	s2 =	rddreg [dreg:$0x6];
	[sflag:s5] =	ssyncadd.s32 $0xFFFFFC00  }
0x30: {  	[tilespmem:s7], [sflag:$0xB] =	stream.linear.gather [hbm4b:s2+s3], $0x400, $0x38;
	[tilespmem:$0x1F000] =	vst v63  }
0x31: {  	_ =	swait.ge [sflag:s5], $0x400  }
0x32: {  	[sflag:s5] =	ssyncset.done $0x0  }
0x33: {  	s7 =	rddreg [dreg:$0x4];
	[sflag:s5] =	ssyncadd.s32 $0xFFFFFC00  }
0x34: {  	[spmem:s25], [sflag:s9] =	dma.local [hbm:s7], $0x2800  }
0x35: {  	_ =	swait.ge [sflag:s5], $0x2800  }
0x36: {  	[sflag:s5] =	ssyncset.done $0x0  }
0x37: {  	[sflag:s5] =	ssyncadd.s32 $0xFFFFD800  }
0x38: {  	[bflag:$0x0] =	sbarrier.arrive $0xFFFF  }
0x39: {  	[tilespmem:s19], [sflag:$0x1] =	stream.indirect.gather [hbm4b:s4+s18], $0x80, s3, s18, $0xb8;
	[tilespmem:$0x1F000] =	vst v63  }
0x3a: {  	s9 =	simm.s32 $0x80  }
0x3b: {  	[tilespmem:s21], [sflag:$0x2] =	stream.indirect.gather [hbm4b:s4+s18], $0x80, s9, s18, $0xb8;
	[tilespmem:$0x1F000] =	vst v63  }
0x3c: {  	s25 =	simm.s32 $0x100  }
0x3d: {  	[tilespmem:s23], [sflag:$0x3] =	stream.indirect.gather [hbm4b:s4+s18], $0x80, s25, s18, $0xb8;
	[tilespmem:$0x1F000] =	vst v63  }
0x3e: {  	s25 =	simm.s32 $0x0  }
.LBB2_2:
0x3f: {  	_ =	swait.ge [sflag:s24], $0x2800  }
0x40: {  	[sflag:s24] =	ssyncset.done $0x0  }
0x41: {  	s2 =	simm.s32 $0x800;
	p0 =	seq.s32 s25, $0x0;
	[sflag:s24] =	ssyncadd.s32 $0xFFFFD800  }
0x42: {  	[spmem:s1] =	stream.indirect.scatter.add.f32 [tilespmem:s19], [sflag:$0x5], $0x80, s2, s18, $0xb8;
	[tilespmem:$0x1F000] =	vst v63  }
0x43: {  	s2 =	simm.s32 @!p0 $0x8  }
0x44: {  	_ =	swait.ge @!p0 [sflag:s2], $0x2800  }
0x45: {  	[sflag:s2] =	ssyncset.done @!p0 $0x0  }
0x46: {  	s7 =	simm.s32 $0x180;
	[sflag:s2] =	ssyncadd.s32 @!p0 $0xFFFFD800  }
0x47: {  	[tilespmem:s26], [sflag:$0x4] =	stream.indirect.gather [hbm4b:s4+s18], $0x80, s7, s18, $0xb8;
	[tilespmem:$0x1F000] =	vst v63  }
0x48: {  	_ =	swait.ge [sflag:s28], $0x2800  }
0x49: {  	[sflag:s28] =	ssyncset.done $0x0  }
0x4a: {  	s9 =	simm.s32 $0x880;
	[sflag:s28] =	ssyncadd.s32 $0xFFFFD800  }
0x4b: {  	[spmem:s1] =	stream.indirect.scatter.add.f32 [tilespmem:s21], [sflag:$0x6], $0x80, s9, s18, $0xb8;
	[tilespmem:$0x1F000] =	vst v63  }
0x4c: {  	_ =	swait.ge [sflag:s30], $0x2800  }
0x4d: {  	[sflag:s30] =	ssyncset.done $0x0  }
0x4e: {  	s5 =	sadd.s32 s25, s10;
	[sflag:s30] =	ssyncadd.s32 $0xFFFFD800  }
0x4f: {  	[tilespmem:s31], [sflag:$0xA] =	stream.linear.gather [hbm4b:s5+s3], $0x400, $0x38;
	[tilespmem:$0x1F000] =	vst v63  }
0x50: {  	s7 =	sadd.s32 s25, s11  }
0x51: {  	[tilespmem:s0], [sflag:$0xA] =	stream.linear.gather [hbm4b:s7+s3], $0x400, $0x38;
	[tilespmem:$0x1F000] =	vst v63  }
0x52: {  	s9 =	simm.s32 $0x200  }
0x53: {  	[tilespmem:s19], [sflag:$0x1] =	stream.indirect.gather [hbm4b:s4+s18], $0x80, s9, s18, $0xb8;
	[tilespmem:$0x1F000] =	vst v63  }
0x54: {  	_ =	swait.ge [sflag:s20], $0x2800  }
0x55: {  	[sflag:s20] =	ssyncset.done $0x0  }
0x56: {  	s5 =	simm.s32 $0x900;
	[sflag:s20] =	ssyncadd.s32 $0xFFFFD800  }
0x57: {  	[spmem:s1] =	stream.indirect.scatter.add.f32 [tilespmem:s23], [sflag:$0x7], $0x80, s5, s18, $0xb8;
	[tilespmem:$0x1F000] =	vst v63  }
0x58: {  	_ =	swait.ge [sflag:s8], $0x2800  }
0x59: {  	[sflag:s8] =	ssyncset.done $0x0  }
0x5a: {  	s7 =	simm.s32 $0x280;
	[sflag:s8] =	ssyncadd.s32 $0xFFFFD800  }
0x5b: {  	[tilespmem:s21], [sflag:$0x2] =	stream.indirect.gather [hbm4b:s4+s18], $0x80, s7, s18, $0xb8;
	[tilespmem:$0x1F000] =	vst v63  }
0x5c: {  	_ =	swait.ge [sflag:s6], $0x2800  }
0x5d: {  	[sflag:s6] =	ssyncset.done $0x0  }
0x5e: {  	s9 =	simm.s32 $0x980;
	[sflag:s6] =	ssyncadd.s32 $0xFFFFD800  }
0x5f: {  	[spmem:s1] =	stream.indirect.scatter.add.f32 [tilespmem:s26], [sflag:$0x8], $0x80, s9, s18, $0xb8;
	[tilespmem:$0x1F000] =	vst v63  }
0x60: {  	_ =	swait.ge [sflag:s16], $0x2800  }
0x61: {  	[sflag:s16] =	ssyncset.done $0x0  }
0x62: {  	s5 =	simm.s32 $0x300;
	[sflag:s16] =	ssyncadd.s32 $0xFFFFD800  }
0x63: {  	[tilespmem:s23], [sflag:$0x3] =	stream.indirect.gather [hbm4b:s4+s18], $0x80, s5, s18, $0xb8;
	[tilespmem:$0x1F000] =	vst v63  }
0x64: {  	_ =	swait.ge [sflag:s24], $0x2800  }
0x65: {  	[sflag:s24] =	ssyncset.done $0x0  }
0x66: {  	s7 =	simm.s32 $0xA00;
	[sflag:s24] =	ssyncadd.s32 $0xFFFFD800  }
0x67: {  	[spmem:s1] =	stream.indirect.scatter.add.f32 [tilespmem:s19], [sflag:$0x5], $0x80, s7, s18, $0xb8;
	[tilespmem:$0x1F000] =	vst v63  }
0x68: {  	_ =	swait.ge [sflag:s22], $0x2800  }
0x69: {  	[sflag:s22] =	ssyncset.done $0x0  }
0x6a: {  	s9 =	simm.s32 $0x380;
	[sflag:s22] =	ssyncadd.s32 $0xFFFFD800  }
0x6b: {  	[tilespmem:s26], [sflag:$0x4] =	stream.indirect.gather [hbm4b:s4+s18], $0x80, s9, s18, $0xb8;
	[tilespmem:$0x1F000] =	vst v63  }
0x6c: {  	_ =	swait.ge [sflag:s28], $0x2800  }
0x6d: {  	[sflag:s28] =	ssyncset.done $0x0  }
0x6e: {  	s5 =	simm.s32 $0xA80;
	[sflag:s28] =	ssyncadd.s32 $0xFFFFD800  }
0x6f: {  	[spmem:s1] =	stream.indirect.scatter.add.f32 [tilespmem:s21], [sflag:$0x6], $0x80, s5, s18, $0xb8;
	[tilespmem:$0x1F000] =	vst v63  }
0x70: {  	_ =	swait.ge [sflag:s30], $0x2800  }
0x71: {  	[sflag:s30] =	ssyncset.done $0x0  }
0x72: {  	[sflag:s30] =	ssyncadd.s32 $0xFFFFD800  }
0x73: {  	_ =	swait.ge [sflag:s29], $0x400  }
0x74: {  	[sflag:s29] =	ssyncset.done $0x0  }
0x75: {  	[sflag:s29] =	ssyncadd.s32 $0xFFFFFC00  }
0x76: {  	_ =	swait.ge [sflag:s29], $0x400  }
0x77: {  	[sflag:s29] =	ssyncset.done $0x0  }
0x78: {  	[sflag:s29] =	ssyncadd.s32 $0xFFFFFC00  }
0x79: {  	[tilespmem:s19], [sflag:$0x1] =	stream.indirect.gather [hbm4b:s4+s18], $0x80, s31, s18, $0xb8;
	[tilespmem:$0x1F000] =	vst v63  }
0x7a: {  	_ =	swait.ge [sflag:s20], $0x2800  }
0x7b: {  	[sflag:s20] =	ssyncset.done $0x0  }
0x7c: {  	s7 =	simm.s32 $0xB00;
	[sflag:s20] =	ssyncadd.s32 $0xFFFFD800  }
0x7d: {  	[spmem:s1] =	stream.indirect.scatter.add.f32 [tilespmem:s23], [sflag:$0x7], $0x80, s7, s18, $0xb8;
	[tilespmem:$0x1F000] =	vst v63  }
0x7e: {  	_ =	swait.ge [sflag:s8], $0x2800  }
0x7f: {  	[sflag:s8] =	ssyncset.done $0x0  }
0x80: {  	s9 =	simm.s32 $0x480;
	[sflag:s8] =	ssyncadd.s32 $0xFFFFD800  }
0x81: {  	[tilespmem:s21], [sflag:$0x2] =	stream.indirect.gather [hbm4b:s4+s18], $0x80, s9, s18, $0xb8;
	[tilespmem:$0x1F000] =	vst v63  }
0x82: {  	_ =	swait.ge [sflag:s6], $0x2800  }
0x83: {  	[sflag:s6] =	ssyncset.done $0x0  }
0x84: {  	s5 =	simm.s32 $0xB80;
	[sflag:s6] =	ssyncadd.s32 $0xFFFFD800  }
0x85: {  	[spmem:s1] =	stream.indirect.scatter.add.f32 [tilespmem:s26], [sflag:$0x8], $0x80, s5, s18, $0xb8;
	[tilespmem:$0x1F000] =	vst v63  }
0x86: {  	_ =	swait.ge [sflag:s16], $0x2800  }
0x87: {  	[sflag:s16] =	ssyncset.done $0x0  }
0x88: {  	s7 =	simm.s32 $0x500;
	[sflag:s16] =	ssyncadd.s32 $0xFFFFD800  }
0x89: {  	[tilespmem:s23], [sflag:$0x3] =	stream.indirect.gather [hbm4b:s4+s18], $0x80, s7, s18, $0xb8;
	[tilespmem:$0x1F000] =	vst v63  }
0x8a: {  	_ =	swait.ge [sflag:s24], $0x2800  }
0x8b: {  	[sflag:s24] =	ssyncset.done $0x0  }
0x8c: {  	[sflag:s24] =	ssyncadd.s32 $0xFFFFD800  }
0x8d: {  	[spmem:s1] =	stream.indirect.scatter.add.f32 [tilespmem:s19], [sflag:$0x5], $0x80, s0, s18, $0xb8;
	[tilespmem:$0x1F000] =	vst v63  }
0x8e: {  	_ =	swait.ge [sflag:s22], $0x2800  }
0x8f: {  	[sflag:s22] =	ssyncset.done $0x0  }
0x90: {  	s9 =	simm.s32 $0x580;
	[sflag:s22] =	ssyncadd.s32 $0xFFFFD800  }
0x91: {  	[tilespmem:s26], [sflag:$0x4] =	stream.indirect.gather [hbm4b:s4+s18], $0x80, s9, s18, $0xb8;
	[tilespmem:$0x1F000] =	vst v63  }
0x92: {  	_ =	swait.ge [sflag:s28], $0x2800  }
0x93: {  	[sflag:s28] =	ssyncset.done $0x0  }
0x94: {  	s5 =	simm.s32 $0xC80;
	[sflag:s28] =	ssyncadd.s32 $0xFFFFD800  }
0x95: {  	[spmem:s1] =	stream.indirect.scatter.add.f32 [tilespmem:s21], [sflag:$0x6], $0x80, s5, s18, $0xb8;
	[tilespmem:$0x1F000] =	vst v63  }
0x96: {  	_ =	swait.ge [sflag:s30], $0x2800  }
0x97: {  	p0 =	seq.s32 s25, $0x700;
	[sflag:s30] =	ssyncset.done $0x0  }
0x98: {  	s2 =	sadd.s32 @!p0 s25, s13;
	s5 =	simm.s32 @!p0 $0x0;
	[sflag:s30] =	ssyncadd.s32 $0xFFFFD800  }
0x99: {  	[tilespmem:s5], [sflag:$0x9] =	stream.linear.gather @!p0 [hbm4b:s2+s5], $0x400, $0x38;
	[tilespmem:$0x1F000] =	vst v63  }
0x9a: {  	s9 =	simm.s32 @!p0 $0x800;
	s2 =	sadd.s32 @!p0 s25, s12  }
0x9b: {  	[tilespmem:s9], [sflag:$0x9] =	stream.linear.gather @!p0 [hbm4b:s2+s5], $0x400, $0x38;
	[tilespmem:$0x1F000] =	vst v63  }
0x9c: {  	s7 =	simm.s32 $0x600  }
0x9d: {  	[tilespmem:s19], [sflag:$0x1] =	stream.indirect.gather [hbm4b:s4+s18], $0x80, s7, s18, $0xb8;
	[tilespmem:$0x1F000] =	vst v63  }
0x9e: {  	_ =	swait.ge [sflag:s20], $0x2800  }
0x9f: {  	[sflag:s20] =	ssyncset.done $0x0  }
0xa0: {  	s9 =	simm.s32 $0xD00;
	[sflag:s20] =	ssyncadd.s32 $0xFFFFD800  }
0xa1: {  	[spmem:s1] =	stream.indirect.scatter.add.f32 [tilespmem:s23], [sflag:$0x7], $0x80, s9, s18, $0xb8;
	[tilespmem:$0x1F000] =	vst v63  }
0xa2: {  	_ =	swait.ge [sflag:s8], $0x2800  }
0xa3: {  	[sflag:s8] =	ssyncset.done $0x0  }
0xa4: {  	s7 =	simm.s32 $0x680;
	[sflag:s8] =	ssyncadd.s32 $0xFFFFD800  }
0xa5: {  	[tilespmem:s21], [sflag:$0x2] =	stream.indirect.gather [hbm4b:s4+s18], $0x80, s7, s18, $0xb8;
	[tilespmem:$0x1F000] =	vst v63  }
0xa6: {  	_ =	swait.ge [sflag:s6], $0x2800  }
0xa7: {  	[sflag:s6] =	ssyncset.done $0x0  }
0xa8: {  	s9 =	simm.s32 $0xD80;
	[sflag:s6] =	ssyncadd.s32 $0xFFFFD800  }
0xa9: {  	[spmem:s1] =	stream.indirect.scatter.add.f32 [tilespmem:s26], [sflag:$0x8], $0x80, s9, s18, $0xb8;
	[tilespmem:$0x1F000] =	vst v63  }
0xaa: {  	_ =	swait.ge [sflag:s16], $0x2800  }
0xab: {  	[sflag:s16] =	ssyncset.done $0x0  }
0xac: {  	s7 =	simm.s32 $0x700;
	[sflag:s16] =	ssyncadd.s32 $0xFFFFD800  }
0xad: {  	[tilespmem:s23], [sflag:$0x3] =	stream.indirect.gather [hbm4b:s4+s18], $0x80, s7, s18, $0xb8;
	[tilespmem:$0x1F000] =	vst v63  }
0xae: {  	_ =	swait.ge [sflag:s24], $0x2800  }
0xaf: {  	[sflag:s24] =	ssyncset.done $0x0  }
0xb0: {  	s9 =	simm.s32 $0xE00;
	[sflag:s24] =	ssyncadd.s32 $0xFFFFD800  }
0xb1: {  	[spmem:s1] =	stream.indirect.scatter.add.f32 [tilespmem:s19], [sflag:$0x5], $0x80, s9, s18, $0xb8;
	[tilespmem:$0x1F000] =	vst v63  }
0xb2: {  	_ =	swait.ge [sflag:s22], $0x2800  }
0xb3: {  	[sflag:s22] =	ssyncset.done $0x0  }
0xb4: {  	[sflag:s22] =	ssyncadd.s32 $0xFFFFD800  }
0xb5: {  	[tilespmem:s26], [sflag:$0x4] =	stream.indirect.gather [hbm4b:s4+s18], $0x80, s17, s18, $0xb8;
	[tilespmem:$0x1F000] =	vst v63  }
0xb6: {  	_ =	swait.ge [sflag:s28], $0x2800  }
0xb7: {  	[sflag:s28] =	ssyncset.done $0x0  }
0xb8: {  	[sflag:s28] =	ssyncadd.s32 $0xFFFFD800  }
0xb9: {  	[spmem:s1] =	stream.indirect.scatter.add.f32 [tilespmem:s21], [sflag:$0x6], $0x80, s14, s18, $0xb8;
	[tilespmem:$0x1F000] =	vst v63  }
0xba: {  	_ =	swait.ge [sflag:s30], $0x2800  }
0xbb: {  	[sflag:s30] =	ssyncset.done $0x0  }
0xbc: {  	s2 =	simm.s32 @p0 $0x3;
	[sflag:s30] =	ssyncadd.s32 $0xFFFFD800  }
0xbd: {  	_ =	swait.ge @p0 [sflag:s2], $0x2800  }
0xbe: {  	s7 =	simm.s32 @p0 $0x6000;
	[sflag:s2] =	ssyncset.done @p0 $0x0  }
0xbf: {  	s9 =	simm.s32 @p0 $0xF00;
	[sflag:s2] =	ssyncadd.s32 @p0 $0xFFFFD800;
	s2 =	simm.s32 @p0 $0x50  }
0xc0: {  	[spmem:s1] =	stream.indirect.scatter.add.f32 @p0 [tilespmem:s7], [sflag:$0x7], $0x80, s9, s2, $0xb8;
	[tilespmem:$0x1F000] =	vst v63  }
0xc1: {  	s2 =	simm.s32 @p0 $0x6  }
0xc2: {  	_ =	swait.ge @p0 [sflag:s2], $0x2800  }
0xc3: {  	[sflag:s2] =	ssyncset.done @p0 $0x0  }
0xc4: {  	[sflag:s2] =	ssyncadd.s32 @p0 $0xFFFFD800;
	s2 =	simm.s32 @!p0 $0x9  }
0xc5: {  	_ =	swait.ge @!p0 [sflag:s2], $0x400  }
0xc6: {  	[sflag:s2] =	ssyncset.done @!p0 $0x0  }
0xc7: {  	[sflag:s2] =	ssyncadd.s32 @!p0 $0xFFFFFC00  }
0xc8: {  	_ =	swait.ge @!p0 [sflag:s2], $0x400  }
0xc9: {  	[sflag:s2] =	ssyncset.done @!p0 $0x0  }
0xca: {  	s7 =	simm.s32 @!p0 $0x1000;
	[sflag:s2] =	ssyncadd.s32 @!p0 $0xFFFFFC00;
	s2 =	simm.s32 @!p0 $0x50  }
0xcb: {  	[tilespmem:s7], [sflag:$0x1] =	stream.indirect.gather @!p0 [hbm4b:s4+s2], $0x80, s5, s2, $0xb8;
	[tilespmem:$0x1F000] =	vst v63  }
0xcc: {  	s5 =	simm.s32 @!p0 $0x3  }
0xcd: {  	_ =	swait.ge @!p0 [sflag:s5], $0x2800  }
0xce: {  	[sflag:s5] =	ssyncset.done @!p0 $0x0  }
0xcf: {  	s7 =	simm.s32 @!p0 $0x6000;
	[sflag:s5] =	ssyncadd.s32 @!p0 $0xFFFFD800;
	s5 =	simm.s32 @!p0 $0xF00  }
0xd0: {  	[spmem:s1] =	stream.indirect.scatter.add.f32 @!p0 [tilespmem:s7], [sflag:$0x7], $0x80, s5, s2, $0xb8;
	[tilespmem:$0x1F000] =	vst v63  }
0xd1: {  	s5 =	simm.s32 @!p0 $0x6  }
0xd2: {  	_ =	swait.ge @!p0 [sflag:s5], $0x2800  }
0xd3: {  	[sflag:s5] =	ssyncset.done @!p0 $0x0  }
0xd4: {  	s7 =	simm.s32 @!p0 $0x3800;
	[sflag:s5] =	ssyncadd.s32 @!p0 $0xFFFFD800;
	s5 =	simm.s32 @!p0 $0x80  }
0xd5: {  	[tilespmem:s7], [sflag:$0x2] =	stream.indirect.gather @!p0 [hbm4b:s4+s2], $0x80, s5, s2, $0xb8;
	[tilespmem:$0x1F000] =	vst v63  }
0xd6: {  	_ =	swait.ge [sflag:s6], $0x2800  }
0xd7: {  	[sflag:s6] =	ssyncset.done $0x0  }
.Ltmp2:
0xd8: {  	[sflag:s6] =	ssyncadd.s32 $0xFFFFD800;
	(pc) =	sbr.rel @p0 .LBB2_4-.Ltmp2, $4  }
0xd9: {  	[spmem:s1] =	stream.indirect.scatter.add.f32 [tilespmem:s26], [sflag:$0x8], $0x80, s15, s18, $0xb8;
	[tilespmem:$0x1F000] =	vst v63  }
0xda: {  	_ =	swait.ge [sflag:s16], $0x2800  }
0xdb: {  	[sflag:s16] =	ssyncset.done $0x0  }
0xdc: {  	[sflag:s16] =	ssyncadd.s32 $0xFFFFD800  }
.Ltmp3:
0xdd: {  	(pc) =	sbr.rel .LBB2_2-.Ltmp3, $3  }
0xde: {  	_ =	sdelay $0x1  }
0xdf: {  	s2 =	simm.s32 $0x100;
	s25 =	sadd.s32 $0x100, s25  }
0xe0: {  	[tilespmem:s23], [sflag:$0x3] =	stream.indirect.gather [hbm4b:s4+s18], $0x80, s2, s18, $0xb8;
	[tilespmem:$0x1F000] =	vst v63  }
.LBB2_5:
0xe1: {  	_ =	sfence.sel $0x180000  }
0xe2: {  	[bflag:$0x0] =	sbarrier.arrive $0xFFFF  }
0xe3: {  	_ =	strace $0x9000004A  }
0xe4: {  	s0 =	stileid.u32;
	[bflag:$0x2] =	sbarrier.arrive $0xFFFF  }
0xe5: {  	p0 =	sne.s32 s0, $0x0;
	s0 =	rddreg [dreg:$0x3]  }
0xe6: {  	s0 =	sadd.s32 @!p0 $0x100000, s0  }
0xe7: {  	[sflag:s0] =	ssyncadd.tile.s32 @!p0 $0x1;
	_ =	shalt  }
.Lfunc_end2:
_tile_overlayer_lowered:
.L_overlay_start_2:
0xe8: {  	(tag) =	ssettag $0x2  }
0xe9: {  	s0 =	rddreg [dreg:$0x0];
	s2 =	stileid.u32  }
0xea: {  	s1 =	rddreg [dreg:$0x1];
	p0 =	sne.s32 s2, $0x0  }
0xeb: {  	s3 =	rddreg [dreg:$0x2];
	[bflag:$0x3] =	sbarrier.arrive $0xFFFF;
	s2 =	simm.s32 @!p0 $0x1C0B  }
0xec: {  	[timem:s3], [sflag:s2] =	dma.local @!p0 [hbm:s0], s1  }
0xed: {  	s0 =	simm.s32 @!p0 $0xB  }
0xee: {  	_ =	swait.ge @!p0 [sflag:s0], s1  }
0xef: {  	s1 =	ssub.s32 @!p0 $0x0, s1;
	[sflag:s0] =	ssyncset.done @!p0 $0x0  }
0xf0: {  	[sflag:s0] =	ssyncadd.s32 @!p0 s1  }
0xf1: {  	[bflag:$0x3] =	sbarrier.arrive $0xFFFF  }
0xf2: {  	_ =	shalt  }

// kernel: kernel.14.cloned.1.call-start
scs
__scs_entry_jumppad:
0x0: {  	(pc) =	sbr.rel $0x88, $3  }
0x1: {  	(tag) =	ssettag $0x0;
	lr =	simm.s32 $0x1  }
0x2: {  	[smem:$0x3F9B] =	sst lr;
	_ =	strace $0xD0000000  }
0x3: {  	_ = 	snop  }
0x4: {  	_ = 	snop  }
0x5: {  	_ = 	snop  }
0x6: {  	_ = 	snop  }
0x7: {  	_ = 	snop  }
__scs_overlays_trampoline_lowered:
0x8: {  	[smem:$0x3FAA] =	sst s0  }
0x9: {  	[smem:$0x3FAB] =	sst s1  }
0xa: {  	[smem:$0x3FAC] =	sst s2  }
0xb: {  	[smem:$0x3FAD] =	sst s3  }
0xc: {  	[smem:$0x3FAE] =	sst s4  }
0xd: {  	[smem:$0x3FAF] =	sst s5  }
0xe: {  	[smem:$0x3FB0] =	sst s6  }
0xf: {  	[smem:$0x3FB1] =	sst s7  }
0x10: {  	[smem:$0x3FB2] =	sst s8  }
0x11: {  	[smem:$0x3FB3] =	sst s9;
	s0 =	simm.s32 @!p0 $0x0  }
0x12: {  	s1 =	sld [smem:$0x3F99];
	s0 =	simm.s32 @p0 $0x1  }
0x13: {  	[smem:$0x3FB4] =	sst s0;
	s0 =	simm.s32 @!p1 $0x0  }
0x14: {  	s2 =	sld [smem:$0x3F98];
	s0 =	simm.s32 @p1 $0x1  }
0x15: {  	[smem:$0x3FB5] =	sst s0;
	s0 =	simm.s32 @!p2 $0x0  }
0x16: {  	s3 =	sld [smem:$0x3FDB];
	s0 =	simm.s32 @p2 $0x1  }
0x17: {  	s4 =	simm.s32 $0x1BF5;
	[smem:$0x3FB7] =	sst s0  }
0x18: {  	s0 =	sld [smem:$0x3F9A];
	_ =	swait.ge [sflag:s4], $0x0  }
0x19: {  	s7 =	sld [smem:$0x3F9B]  }
0x1a: {  	s8 =	sadd.s32 $0xFFFFE003, lr  }
0x1b: {  	s9 =	sadd.s32 $0xFFFFFEF7, lr;
	s5 =	simm.s32 $0xFFFFFFFF;
	p2 =	slt.u32 s8, $0xFFFFF086  }
0x1c: {  	p1 =	slt.u32 s9, $0xF7A;
	s5 =	simm.s32 @!p2 $0x0  }
0x1d: {  	s5 =	simm.s32 @p1 $0x1;
	p0 =	seq.s32 s7, s2  }
0x1e: {  	s7 =	smul.u32 @!p0 $0xF7A, s2;
	p2 =	seq.s32 @!p0 s5, $0x0  }
0x1f: {  	s9 =	smul.u32 $0xF7A, s1;
	s8 =	simm.s32 @!p0 $0x1BF5;
	p2 =	por !p2, p0  }
0x20: {  	[sflag:s8] =	ssyncset.s32 @!p0 $0xFFFFF086;
	s6 =	sadd.s32 @!p0 s3, s7;
	s7 =	simm.s32 @!p0 $0x108  }
0x21: {  	s3 =	sadd.s32 s3, s9;
	s6 =	sadd.s32 @!p0 $0x88, s6;
	s7 =	simm.s32 @p2 $0x1082  }
0x22: {  	[simem:s7], [sflag:s8] =	dma.local @!p0 [hbm:s6], $0xF7A  }
0x23: {  	s9 =	sor.u32 $0xD0000000, s2;
	s6 =	simm.s32 $0x108;
	_ =	swait.ge @!p0 [sflag:s8], $0x0  }
0x24: {  	s3 =	sadd.s32 $0x88, s3;
	s6 =	simm.s32 @!p1 $0x1082;
	[sflag:s4] =	ssyncset.s32 $0xFFFFF086  }
0x25: {  	[simem:s6], [sflag:s4] =	dma.local [hbm:s3], $0xF7A  }
0x26: {  	[smem:$0x3F9B] =	sst s1;
	(tag) =	ssettag s2;
	_ =	strace s9  }
0x27: {  	s1 =	sld [smem:$0x3FAB]  }
0x28: {  	s2 =	sld [smem:$0x3FAC]  }
0x29: {  	s4 =	sld [smem:$0x3FAE]  }
0x2a: {  	p0 =	seq.s32 s5, $0x0;
	s5 =	sld [smem:$0x3FAF]  }
0x2b: {  	s6 =	sld [smem:$0x3FB0]  }
0x2c: {  	s7 =	sld [smem:$0x3FB1]  }
0x2d: {  	s3 =	simm.s32 $0x108;
	s8 =	sld [smem:$0x3FB2]  }
0x2e: {  	s3 =	simm.s32 @!p0 $0x1082;
	s9 =	sld [smem:$0x3FB3]  }
0x2f: {  	lr =	sadd.s32 s0, s3;
	s0 =	sld [smem:$0x3FAA]  }
0x30: {  	s3 =	sld [smem:$0x3FAD]  }
0x31: {  	[smem:$0x3FB6] =	sst s10  }
0x32: {  	s10 =	sld [smem:$0x3FB4];
	_ =	sdelay $0x3  }
0x33: {  	p0 =	seq.s32 s10, $0x1;
	s10 =	sld [smem:$0x3FB6];
	_ =	sdelay $0x3  }
0x34: {  	[smem:$0x3FB6] =	sst s10  }
0x35: {  	s10 =	sld [smem:$0x3FB5];
	_ =	sdelay $0x3  }
0x36: {  	p1 =	seq.s32 s10, $0x1;
	s10 =	sld [smem:$0x3FB6];
	_ =	sdelay $0x3  }
0x37: {  	[smem:$0x3FB6] =	sst s10  }
0x38: {  	s10 =	sld [smem:$0x3FB7]  }
0x39: {  	_ = 	snop;
	(pc) =	sbr.ind lr, $3  }
0x3a: {  	_ = 	snop  }
0x3b: {  	_ = 	snop  }
0x3c: {  	p2 =	seq.s32 s10, $0x1;
	s10 =	sld [smem:$0x3FB6]  }
0x3d: {  	_ =	shalt  }
0x3e: {  	_ =	shalt  }
0x3f: {  	_ =	shalt  }
0x40: {  	_ =	shalt  }
0x41: {  	_ =	shalt  }
0x42: {  	_ =	shalt  }
0x43: {  	_ =	shalt  }
0x44: {  	_ =	shalt  }
0x45: {  	_ =	shalt  }
0x46: {  	_ =	shalt  }
0x47: {  	_ =	shalt  }
0x48: {  	_ =	shalt  }
0x49: {  	_ =	shalt  }
0x4a: {  	_ =	shalt  }
0x4b: {  	_ =	shalt  }
0x4c: {  	_ =	shalt  }
0x4d: {  	_ =	shalt  }
0x4e: {  	_ =	shalt  }
0x4f: {  	_ =	shalt  }
0x50: {  	_ =	shalt  }
0x51: {  	_ =	shalt  }
0x52: {  	_ =	shalt  }
0x53: {  	_ =	shalt  }
0x54: {  	_ =	shalt  }
0x55: {  	_ =	shalt  }
0x56: {  	_ =	shalt  }
0x57: {  	_ =	shalt  }
0x58: {  	_ =	shalt  }
0x59: {  	_ =	shalt  }
0x5a: {  	_ =	shalt  }
0x5b: {  	_ =	shalt  }
0x5c: {  	_ =	shalt  }
0x5d: {  	_ =	shalt  }
0x5e: {  	_ =	shalt  }
0x5f: {  	_ =	shalt  }
0x60: {  	_ =	shalt  }
0x61: {  	_ =	shalt  }
0x62: {  	_ =	shalt  }
0x63: {  	_ =	shalt  }
0x64: {  	_ =	shalt  }
0x65: {  	_ =	shalt  }
0x66: {  	_ =	shalt  }
0x67: {  	_ =	shalt  }
0x68: {  	_ =	shalt  }
0x69: {  	_ =	shalt  }
0x6a: {  	_ =	shalt  }
0x6b: {  	_ =	shalt  }
0x6c: {  	_ =	shalt  }
0x6d: {  	_ =	shalt  }
0x6e: {  	_ =	shalt  }
0x6f: {  	_ =	shalt  }
0x70: {  	_ =	shalt  }
0x71: {  	_ =	shalt  }
0x72: {  	_ =	shalt  }
0x73: {  	_ =	shalt  }
0x74: {  	_ =	shalt  }
0x75: {  	_ =	shalt  }
0x76: {  	_ =	shalt  }
0x77: {  	_ =	shalt  }
0x78: {  	_ =	shalt  }
0x79: {  	_ =	shalt  }
0x7a: {  	_ =	shalt  }
0x7b: {  	_ =	shalt  }
0x7c: {  	_ =	shalt  }
0x7d: {  	_ =	shalt  }
0x7e: {  	_ =	shalt  }
0x7f: {  	_ =	shalt  }
0x80: {  	_ =	shalt  }
0x81: {  	_ =	shalt  }
0x82: {  	_ =	shalt  }
0x83: {  	_ =	shalt  }
0x84: {  	_ =	shalt  }
0x85: {  	_ =	shalt  }
0x86: {  	_ =	shalt  }
0x87: {  	_ =	shalt  }
.Lfunc_end0:
.L_simem_size_0:
called_computation.2_lowered:
.L_overlay_start_0:
0x88: {  	s2 =	sld [smem:$0x3FD9]  }
0x89: {  	s3 =	sld [smem:$0x3FFE];
	_ =	sdelay $0x1  }
0x8a: {  	s1 =	srdreg.scid  }
0x8b: {  	s0 =	sand.u32 $0x1, s1  }
0x8c: {  	s17 =	sshll.u32 s0, $0xA;
	s2 =	sadd.s32 s3, s2  }
0x8d: {  	s2 =	sadd.s32 s2, s17  }
0x8e: {  	[smem:$0x3FC2] =	sst s2  }
0x8f: {  	_ = 	snop  }
0x90: {  	s2 =	sld [smem:$0x3FD0];
	(tm) =	ssettm $0x1  }
0x91: {  	s18 =	sld [smem:$0x3FFB];
	_ =	sdelay $0x3  }
0x92: {  	_ =	strace s18  }
0x93: {  	s3 =	sld [smem:$0x3FFC];
	_ =	sdelay $0x3  }
0x94: {  	_ =	strace s3  }
0x95: {  	s3 =	sld [smem:$0x3FFD];
	_ =	sdelay $0x3  }
0x96: {  	_ =	strace s3  }
0x97: {  	_ =	strace $0x8FFFFFFF  }
0x98: {  	s19 =	sld [smem:$0x3FDB];
	_ =	sdelay $0x1  }
0x99: {  	s4 =	simm.s32 $_scs_section_size  }
0x9a: {  	s5 =	simm.s32 $_size__tile_overlayer_lowered;
	s6 =	simm.s32 $_tile_overlayer_lowered  }
0x9b: {  	s22 =	simm.s32 $0x1BFF;
	s21 =	sshll.u32 s6, $0x1;
	s3 =	sadd.s32 s4, s19  }
0x9c: {  	s7 =	simm.s32 $0x0;
	s20 =	sshll.u32 s5, $0x1;
	s5 =	sadd.s32 s21, s3  }
0x9d: {  	[timem:s7], [sflag:s22] =	dma.local [hbm:s5], s20  }
0x9e: {  	_ =	swait.ge [sflag:s22], s20  }
0x9f: {  	s4 =	ssub.s32 $0x0, s20;
	[sflag:s22] =	ssyncset.done $0x0  }
0xa0: {  	[sflag:s22] =	ssyncadd.s32 s4;
	_ =	sdelay $0x1  }
0xa1: {  	s23 =	simm.s32 $0x1B8B  }
0xa2: {  	_ =	swait.ge [sflag:s23], $0x1  }
0xa3: {  	[sflag:s23] =	ssyncset.done $0x0  }
0xa4: {  	s25 =	simm.s32 $0x1B8E;
	s24 =	sld [smem:$0x3FFE];
	[sflag:s23] =	ssyncadd.s32 $0xFFFFFFFF  }
0xa5: {  	s26 =	simm.s32 $execute0_lowered;
	[smem:$0x3FD2] =	sst s25  }
0xa6: {  	s5 =	sshll.u32 s26, $0x1;
	_ =	strace $0x8000004C;
	[dreg:$0x1] =	wrdreg $0xFFFFFFFF  }
0xa7: {  	s28 =	simm.s32 $_size_execute0_lowered;
	s3 =	sadd.s32 s3, s5;
	[dreg:$0x0] =	wrdreg $0x0  }
0xa8: {  	s5 =	sshll.u32 s28, $0x1;
	[dreg:$0x2] =	wrdreg s3  }
0xa9: {  	[dreg:$0x3] =	wrdreg s5  }
0xaa: {  	[dreg:$0x4] =	wrdreg $0xC0  }
0xab: {  	_ =	task [dreg:s7], $0x5FFFF  }
0xac: {  	[dreg:$0x1] =	wrdreg $0xFFFFFFFF  }
0xad: {  	[dreg:$0x0] =	wrdreg $0x60  }
0xae: {  	[dreg:$0x2] =	wrdreg s24  }
0xaf: {  	[dreg:$0x3] =	wrdreg s2  }
0xb0: {  	[dreg:$0x4] =	wrdreg $0xB0000  }
0xb1: {  	[dreg:$0x5] =	wrdreg $0x9  }
0xb2: {  	_ =	task.clear_ibuf [dreg:s7], $0x6FFFF;
	_ =	strace $0x9000004C  }
0xb3: {  	s29 =	simm.s32 $0x9;
	_ =	strace $0x8000004E  }
0xb4: {  	_ =	swait.ge [sflag:s29], $0x1  }
0xb5: {  	[sflag:s29] =	ssyncadd.s32 $0xFFFFFFFF  }
0xb6: {  	_ =	strace $0x9000004E  }
0xb7: {  	_ =	sfence  }
0xb8: {  	s30 =	sld [smem:$0x0];
	_ =	sdelay $0x2  }
0xb9: {  	s31 =	sshll.u32 s1, $0xD;
	s1 =	sshrl.u32 s1, $0x2  }
0xba: {  	s3 =	sand.u32 $0x4000, s31;
	s1 =	sadd.s32 s1, s30  }
0xbb: {  	s0 =	sor.u32 s3, s0;
	s1 =	sshll.u32 s1, $0x11  }
0xbc: {  	s0 =	sor.u32 s1, s0  }
0xbd: {  	s0 =	sadd.s32 $0x8F2B, s0  }
0xbe: {  	[sflag:s0] =	ssyncadd.remote.s32 $0x1  }
0xbf: {  	_ =	sfence.sel $0xFFFF  }
0xc0: {  	[dreg:$0x0] =	wrdreg $0xFFFFFFFF;
	(pc) =	sbr.abs _section_cstart, $3  }
0xc1: {  	[dreg:$0x1] =	wrdreg $0xFFFFFFFF  }
0xc2: {  	_ =	task.clear_ibuf [dreg:s7], $0x2FFFF;
	_ =	strace $0x9FFFFFFF  }
0xc3: {  	(tm) =	ssettm $0x7FFFFFFF  }
tec
execute0_lowered:
.L_overlay_start_1:
0x0: {  	(tag) =	ssettag $0x1  }
0x1: {  	s0 =	rddreg [dreg:$0x0]  }
0x2: {  	s2 =	rddreg [dreg:$0x1]  }
0x3: {  	s1 =	rddreg [dreg:$0x2]  }
0x4: {  	s3 =	srdreg.scid;
	s14 =	stileid.u32;
	s28 =	simm.s32 $0x2  }
0x5: {  	s30 =	simm.s32 $0x5;
	s31 =	simm.s32 $0x400;
	s16 =	simm.s32 $0x7  }
0x6: {  	s29 =	simm.s32 $0xA;
	s15 =	simm.s32 $0xF80;
	s5 =	sand.u32 $0x1, s3  }
0x7: {  	s3 =	simm.s32 $0x0;
	s7 =	smul.u32 $0x14000, s14;
	s4 =	sadd.s32 $0x7AC00, s0  }
0x8: {  	s8 =	sadd.s32 $0x6AC00, s0;
	s17 =	sadd.s32 $0x18400, s0;
	s9 =	sshll.u32 s14, $0xE  }
0x9: {  	s10 =	smul.u32 $0x50000, s14;
	s26 =	sshll.u32 s14, $0x6;
	s14 =	simm.s32 $0xE80  }
0xa: {  	s6 =	smul.u32 $0x140000, s5;
	[smem:$0x7FF] =	sst s3;
	s18 =	ssub.s32 $0x2, s5  }
0xb: {  	s5 =	sshll.u32 s5, $0x12;
	_ =	strace $0x8000004D;
	[dreg:$0x4] =	wrdreg s17  }
0xc: {  	s19 =	sshrl.u32 s18, $0x1;
	s5 =	sor.u32 s9, s5;
	s21 =	sshrl.u32 s10, $0x2  }
0xd: {  	s9 =	sor.u32 $0x1C0B, s26;
	s26 =	simm.s32 $0x8800;
	s17 =	simm.s32 $0x780  }
0xe: {  	s6 =	sadd.s32 s7, s6;
	s20 =	sshrl.u32 s5, $0x3;
	s23 =	sadd.s32 s21, s1  }
0xf: {  	s25 =	sor.u32 $0x800, s5;
	s5 =	simm.s32 $0xB;
	s21 =	simm.s32 $0x3800  }
0x10: {  	s7 =	simm.s32 $0x0;
	[dreg:$0x9] =	wrdreg s9;
	s6 =	sshrl.u32 s6, $0x3  }
0x11: {  	s22 =	sadd.s32 s20, s2;
	s11 =	sadd.s32 s20, s8;
	s20 =	simm.s32 $0x3  }
0x12: {  	s0 =	sadd.s32 s6, s0;
	s6 =	ssub.s32 s18, s19;
	[dreg:$0x5] =	wrdreg s22  }
0x13: {  	s10 =	sadd.s32 $0x80, s22;
	[dreg:$0x6] =	wrdreg s11;
	s11 =	sadd.s32 $0x80, s11  }
0x14: {  	s18 =	simm.s32 $0x50;
	s19 =	simm.s32 $0x1000;
	s0 =	sadd.s32 $0xA2C00, s0  }
.Ltmp0:
0x15: {  	s24 =	smax.u32 s6, $0x1;
	[dreg:$0x7] =	wrdreg s0;
	(pc) =	sbr.rel .LBB2_1-.Ltmp0, $4  }
0x16: {  	s22 =	simm.s32 $0x8;
	s6 =	simm.s32 $0x4;
	[dreg:$0x8] =	wrdreg s24  }
0x17: {  	s0 =	sshrl.u32 s25, $0x3;
	s25 =	sshrl.u32 s23, $0x3;
	s23 =	simm.s32 $0x6000  }
0x18: {  	s24 =	simm.s32 $0x1;
	s12 =	sadd.s32 s0, s8;
	s13 =	sadd.s32 s0, s2  }
0x19: {  	s0 =	simm.s32 $0xC00;
	s8 =	simm.s32 $0x6;
	[dreg:$0xa] =	wrdreg s25  }
.LBB2_4:
0x1a: {  	_ =	swait.ge [sflag:s22], $0x2800  }
0x1b: {  	[sflag:s22] =	ssyncset.done $0x0  }
0x1c: {  	[sflag:s22] =	ssyncadd.s32 $0xFFFFD800  }
0x1d: {  	[bflag:$0x0] =	sbarrier.arrive $0xFFFF  }
0x1e: {  	s2 =	rddreg [dreg:$0x7]  }
0x1f: {  	s9 =	rddreg [dreg:$0x9]  }
0x20: {  	s5 =	simm.s32 $0xB;
	s25 =	rddreg [dreg:$0xa]  }
0x21: {  	[hbm:s2], [sflag:s9] =	dma.local [spmem:s25], $0x2800  }
0x22: {  	_ =	swait.ge [sflag:s5], $0x2800  }
0x23: {  	s7 =	rddreg [dreg:$0xb]  }
0x24: {  	s2 =	rddreg [dreg:$0x8];
	s7 =	sadd.s32 $0x1, s7  }
0x25: {  	p0 =	sne.s32 s7, s2  }
.Ltmp1:
0x26: {  	_ = 	snop;
	(pc) =	sbr.rel @!p0 .LBB2_5-.Ltmp1, $3  }
0x27: {  	_ =	sdelay $0x1  }
0x28: {  	[sflag:s5] =	ssyncset.done $0x0  }
0x29: {  	[sflag:s5] =	ssyncadd.s32 $0xFFFFD800  }
.LBB2_1:
0x2a: {  	[dreg:$0xb] =	wrdreg s7  }
0x2b: {  	s2 =	rddreg [dreg:$0x5]  }
0x2c: {  	[tilespmem:s3], [sflag:$0xB] =	stream.linear.gather [hbm4b:s2+s3], $0x400, $0x38;
	[tilespmem:$0x1F000] =	vst v63  }
0x2d: {  	_ =	swait.ge [sflag:s5], $0x400  }
0x2e: {  	[sflag:s5] =	ssyncset.done $0x0  }
0x2f: {  	s7 =	simm.s32 $0x800;
	s2 =	rddreg [dreg:$0x6];
	[sflag:s5] =	ssyncadd.s32 $0xFFFFFC00  }
0x30: {  	[tilespmem:s7], [sflag:$0xB] =	stream.linear.gather [hbm4b:s2+s3], $0x400, $0x38;
	[tilespmem:$0x1F000] =	vst v63  }
0x31: {  	_ =	swait.ge [sflag:s5], $0x400  }
0x32: {  	[sflag:s5] =	ssyncset.done $0x0  }
0x33: {  	s7 =	rddreg [dreg:$0x4];
	[sflag:s5] =	ssyncadd.s32 $0xFFFFFC00  }
0x34: {  	[spmem:s25], [sflag:s9] =	dma.local [hbm:s7], $0x2800  }
0x35: {  	_ =	swait.ge [sflag:s5], $0x2800  }
0x36: {  	[sflag:s5] =	ssyncset.done $0x0  }
0x37: {  	[sflag:s5] =	ssyncadd.s32 $0xFFFFD800  }
0x38: {  	[bflag:$0x0] =	sbarrier.arrive $0xFFFF  }
0x39: {  	[tilespmem:s19], [sflag:$0x1] =	stream.indirect.gather [hbm4b:s4+s18], $0x80, s3, s18, $0xb8;
	[tilespmem:$0x1F000] =	vst v63  }
0x3a: {  	s9 =	simm.s32 $0x80  }
0x3b: {  	[tilespmem:s21], [sflag:$0x2] =	stream.indirect.gather [hbm4b:s4+s18], $0x80, s9, s18, $0xb8;
	[tilespmem:$0x1F000] =	vst v63  }
0x3c: {  	s25 =	simm.s32 $0x100  }
0x3d: {  	[tilespmem:s23], [sflag:$0x3] =	stream.indirect.gather [hbm4b:s4+s18], $0x80, s25, s18, $0xb8;
	[tilespmem:$0x1F000] =	vst v63  }
0x3e: {  	s25 =	simm.s32 $0x0  }
.LBB2_2:
0x3f: {  	_ =	swait.ge [sflag:s24], $0x2800  }
0x40: {  	[sflag:s24] =	ssyncset.done $0x0  }
0x41: {  	s2 =	simm.s32 $0x800;
	p0 =	seq.s32 s25, $0x0;
	[sflag:s24] =	ssyncadd.s32 $0xFFFFD800  }
0x42: {  	[spmem:s1] =	stream.indirect.scatter.add.f32 [tilespmem:s19], [sflag:$0x5], $0x80, s2, s18, $0xb8;
	[tilespmem:$0x1F000] =	vst v63  }
0x43: {  	s2 =	simm.s32 @!p0 $0x8  }
0x44: {  	_ =	swait.ge @!p0 [sflag:s2], $0x2800  }
0x45: {  	[sflag:s2] =	ssyncset.done @!p0 $0x0  }
0x46: {  	s7 =	simm.s32 $0x180;
	[sflag:s2] =	ssyncadd.s32 @!p0 $0xFFFFD800  }
0x47: {  	[tilespmem:s26], [sflag:$0x4] =	stream.indirect.gather [hbm4b:s4+s18], $0x80, s7, s18, $0xb8;
	[tilespmem:$0x1F000] =	vst v63  }
0x48: {  	_ =	swait.ge [sflag:s28], $0x2800  }
0x49: {  	[sflag:s28] =	ssyncset.done $0x0  }
0x4a: {  	s9 =	simm.s32 $0x880;
	[sflag:s28] =	ssyncadd.s32 $0xFFFFD800  }
0x4b: {  	[spmem:s1] =	stream.indirect.scatter.add.f32 [tilespmem:s21], [sflag:$0x6], $0x80, s9, s18, $0xb8;
	[tilespmem:$0x1F000] =	vst v63  }
0x4c: {  	_ =	swait.ge [sflag:s30], $0x2800  }
0x4d: {  	[sflag:s30] =	ssyncset.done $0x0  }
0x4e: {  	s5 =	sadd.s32 s25, s10;
	[sflag:s30] =	ssyncadd.s32 $0xFFFFD800  }
0x4f: {  	[tilespmem:s31], [sflag:$0xA] =	stream.linear.gather [hbm4b:s5+s3], $0x400, $0x38;
	[tilespmem:$0x1F000] =	vst v63  }
0x50: {  	s7 =	sadd.s32 s25, s11  }
0x51: {  	[tilespmem:s0], [sflag:$0xA] =	stream.linear.gather [hbm4b:s7+s3], $0x400, $0x38;
	[tilespmem:$0x1F000] =	vst v63  }
0x52: {  	s9 =	simm.s32 $0x200  }
0x53: {  	[tilespmem:s19], [sflag:$0x1] =	stream.indirect.gather [hbm4b:s4+s18], $0x80, s9, s18, $0xb8;
	[tilespmem:$0x1F000] =	vst v63  }
0x54: {  	_ =	swait.ge [sflag:s20], $0x2800  }
0x55: {  	[sflag:s20] =	ssyncset.done $0x0  }
0x56: {  	s5 =	simm.s32 $0x900;
	[sflag:s20] =	ssyncadd.s32 $0xFFFFD800  }
0x57: {  	[spmem:s1] =	stream.indirect.scatter.add.f32 [tilespmem:s23], [sflag:$0x7], $0x80, s5, s18, $0xb8;
	[tilespmem:$0x1F000] =	vst v63  }
0x58: {  	_ =	swait.ge [sflag:s8], $0x2800  }
0x59: {  	[sflag:s8] =	ssyncset.done $0x0  }
0x5a: {  	s7 =	simm.s32 $0x280;
	[sflag:s8] =	ssyncadd.s32 $0xFFFFD800  }
0x5b: {  	[tilespmem:s21], [sflag:$0x2] =	stream.indirect.gather [hbm4b:s4+s18], $0x80, s7, s18, $0xb8;
	[tilespmem:$0x1F000] =	vst v63  }
0x5c: {  	_ =	swait.ge [sflag:s6], $0x2800  }
0x5d: {  	[sflag:s6] =	ssyncset.done $0x0  }
0x5e: {  	s9 =	simm.s32 $0x980;
	[sflag:s6] =	ssyncadd.s32 $0xFFFFD800  }
0x5f: {  	[spmem:s1] =	stream.indirect.scatter.add.f32 [tilespmem:s26], [sflag:$0x8], $0x80, s9, s18, $0xb8;
	[tilespmem:$0x1F000] =	vst v63  }
0x60: {  	_ =	swait.ge [sflag:s16], $0x2800  }
0x61: {  	[sflag:s16] =	ssyncset.done $0x0  }
0x62: {  	s5 =	simm.s32 $0x300;
	[sflag:s16] =	ssyncadd.s32 $0xFFFFD800  }
0x63: {  	[tilespmem:s23], [sflag:$0x3] =	stream.indirect.gather [hbm4b:s4+s18], $0x80, s5, s18, $0xb8;
	[tilespmem:$0x1F000] =	vst v63  }
0x64: {  	_ =	swait.ge [sflag:s24], $0x2800  }
0x65: {  	[sflag:s24] =	ssyncset.done $0x0  }
0x66: {  	s7 =	simm.s32 $0xA00;
	[sflag:s24] =	ssyncadd.s32 $0xFFFFD800  }
0x67: {  	[spmem:s1] =	stream.indirect.scatter.add.f32 [tilespmem:s19], [sflag:$0x5], $0x80, s7, s18, $0xb8;
	[tilespmem:$0x1F000] =	vst v63  }
0x68: {  	_ =	swait.ge [sflag:s22], $0x2800  }
0x69: {  	[sflag:s22] =	ssyncset.done $0x0  }
0x6a: {  	s9 =	simm.s32 $0x380;
	[sflag:s22] =	ssyncadd.s32 $0xFFFFD800  }
0x6b: {  	[tilespmem:s26], [sflag:$0x4] =	stream.indirect.gather [hbm4b:s4+s18], $0x80, s9, s18, $0xb8;
	[tilespmem:$0x1F000] =	vst v63  }
0x6c: {  	_ =	swait.ge [sflag:s28], $0x2800  }
0x6d: {  	[sflag:s28] =	ssyncset.done $0x0  }
0x6e: {  	s5 =	simm.s32 $0xA80;
	[sflag:s28] =	ssyncadd.s32 $0xFFFFD800  }
0x6f: {  	[spmem:s1] =	stream.indirect.scatter.add.f32 [tilespmem:s21], [sflag:$0x6], $0x80, s5, s18, $0xb8;
	[tilespmem:$0x1F000] =	vst v63  }
0x70: {  	_ =	swait.ge [sflag:s30], $0x2800  }
0x71: {  	[sflag:s30] =	ssyncset.done $0x0  }
0x72: {  	[sflag:s30] =	ssyncadd.s32 $0xFFFFD800  }
0x73: {  	_ =	swait.ge [sflag:s29], $0x400  }
0x74: {  	[sflag:s29] =	ssyncset.done $0x0  }
0x75: {  	[sflag:s29] =	ssyncadd.s32 $0xFFFFFC00  }
0x76: {  	_ =	swait.ge [sflag:s29], $0x400  }
0x77: {  	[sflag:s29] =	ssyncset.done $0x0  }
0x78: {  	[sflag:s29] =	ssyncadd.s32 $0xFFFFFC00  }
0x79: {  	[tilespmem:s19], [sflag:$0x1] =	stream.indirect.gather [hbm4b:s4+s18], $0x80, s31, s18, $0xb8;
	[tilespmem:$0x1F000] =	vst v63  }
0x7a: {  	_ =	swait.ge [sflag:s20], $0x2800  }
0x7b: {  	[sflag:s20] =	ssyncset.done $0x0  }
0x7c: {  	s7 =	simm.s32 $0xB00;
	[sflag:s20] =	ssyncadd.s32 $0xFFFFD800  }
0x7d: {  	[spmem:s1] =	stream.indirect.scatter.add.f32 [tilespmem:s23], [sflag:$0x7], $0x80, s7, s18, $0xb8;
	[tilespmem:$0x1F000] =	vst v63  }
0x7e: {  	_ =	swait.ge [sflag:s8], $0x2800  }
0x7f: {  	[sflag:s8] =	ssyncset.done $0x0  }
0x80: {  	s9 =	simm.s32 $0x480;
	[sflag:s8] =	ssyncadd.s32 $0xFFFFD800  }
0x81: {  	[tilespmem:s21], [sflag:$0x2] =	stream.indirect.gather [hbm4b:s4+s18], $0x80, s9, s18, $0xb8;
	[tilespmem:$0x1F000] =	vst v63  }
0x82: {  	_ =	swait.ge [sflag:s6], $0x2800  }
0x83: {  	[sflag:s6] =	ssyncset.done $0x0  }
0x84: {  	s5 =	simm.s32 $0xB80;
	[sflag:s6] =	ssyncadd.s32 $0xFFFFD800  }
0x85: {  	[spmem:s1] =	stream.indirect.scatter.add.f32 [tilespmem:s26], [sflag:$0x8], $0x80, s5, s18, $0xb8;
	[tilespmem:$0x1F000] =	vst v63  }
0x86: {  	_ =	swait.ge [sflag:s16], $0x2800  }
0x87: {  	[sflag:s16] =	ssyncset.done $0x0  }
0x88: {  	s7 =	simm.s32 $0x500;
	[sflag:s16] =	ssyncadd.s32 $0xFFFFD800  }
0x89: {  	[tilespmem:s23], [sflag:$0x3] =	stream.indirect.gather [hbm4b:s4+s18], $0x80, s7, s18, $0xb8;
	[tilespmem:$0x1F000] =	vst v63  }
0x8a: {  	_ =	swait.ge [sflag:s24], $0x2800  }
0x8b: {  	[sflag:s24] =	ssyncset.done $0x0  }
0x8c: {  	[sflag:s24] =	ssyncadd.s32 $0xFFFFD800  }
0x8d: {  	[spmem:s1] =	stream.indirect.scatter.add.f32 [tilespmem:s19], [sflag:$0x5], $0x80, s0, s18, $0xb8;
	[tilespmem:$0x1F000] =	vst v63  }
0x8e: {  	_ =	swait.ge [sflag:s22], $0x2800  }
0x8f: {  	[sflag:s22] =	ssyncset.done $0x0  }
0x90: {  	s9 =	simm.s32 $0x580;
	[sflag:s22] =	ssyncadd.s32 $0xFFFFD800  }
0x91: {  	[tilespmem:s26], [sflag:$0x4] =	stream.indirect.gather [hbm4b:s4+s18], $0x80, s9, s18, $0xb8;
	[tilespmem:$0x1F000] =	vst v63  }
0x92: {  	_ =	swait.ge [sflag:s28], $0x2800  }
0x93: {  	[sflag:s28] =	ssyncset.done $0x0  }
0x94: {  	s5 =	simm.s32 $0xC80;
	[sflag:s28] =	ssyncadd.s32 $0xFFFFD800  }
0x95: {  	[spmem:s1] =	stream.indirect.scatter.add.f32 [tilespmem:s21], [sflag:$0x6], $0x80, s5, s18, $0xb8;
	[tilespmem:$0x1F000] =	vst v63  }
0x96: {  	_ =	swait.ge [sflag:s30], $0x2800  }
0x97: {  	p0 =	seq.s32 s25, $0x700;
	[sflag:s30] =	ssyncset.done $0x0  }
0x98: {  	s2 =	sadd.s32 @!p0 s25, s13;
	s5 =	simm.s32 @!p0 $0x0;
	[sflag:s30] =	ssyncadd.s32 $0xFFFFD800  }
0x99: {  	[tilespmem:s5], [sflag:$0x9] =	stream.linear.gather @!p0 [hbm4b:s2+s5], $0x400, $0x38;
	[tilespmem:$0x1F000] =	vst v63  }
0x9a: {  	s9 =	simm.s32 @!p0 $0x800;
	s2 =	sadd.s32 @!p0 s25, s12  }
0x9b: {  	[tilespmem:s9], [sflag:$0x9] =	stream.linear.gather @!p0 [hbm4b:s2+s5], $0x400, $0x38;
	[tilespmem:$0x1F000] =	vst v63  }
0x9c: {  	s7 =	simm.s32 $0x600  }
0x9d: {  	[tilespmem:s19], [sflag:$0x1] =	stream.indirect.gather [hbm4b:s4+s18], $0x80, s7, s18, $0xb8;
	[tilespmem:$0x1F000] =	vst v63  }
0x9e: {  	_ =	swait.ge [sflag:s20], $0x2800  }
0x9f: {  	[sflag:s20] =	ssyncset.done $0x0  }
0xa0: {  	s9 =	simm.s32 $0xD00;
	[sflag:s20] =	ssyncadd.s32 $0xFFFFD800  }
0xa1: {  	[spmem:s1] =	stream.indirect.scatter.add.f32 [tilespmem:s23], [sflag:$0x7], $0x80, s9, s18, $0xb8;
	[tilespmem:$0x1F000] =	vst v63  }
0xa2: {  	_ =	swait.ge [sflag:s8], $0x2800  }
0xa3: {  	[sflag:s8] =	ssyncset.done $0x0  }
0xa4: {  	s7 =	simm.s32 $0x680;
	[sflag:s8] =	ssyncadd.s32 $0xFFFFD800  }
0xa5: {  	[tilespmem:s21], [sflag:$0x2] =	stream.indirect.gather [hbm4b:s4+s18], $0x80, s7, s18, $0xb8;
	[tilespmem:$0x1F000] =	vst v63  }
0xa6: {  	_ =	swait.ge [sflag:s6], $0x2800  }
0xa7: {  	[sflag:s6] =	ssyncset.done $0x0  }
0xa8: {  	s9 =	simm.s32 $0xD80;
	[sflag:s6] =	ssyncadd.s32 $0xFFFFD800  }
0xa9: {  	[spmem:s1] =	stream.indirect.scatter.add.f32 [tilespmem:s26], [sflag:$0x8], $0x80, s9, s18, $0xb8;
	[tilespmem:$0x1F000] =	vst v63  }
0xaa: {  	_ =	swait.ge [sflag:s16], $0x2800  }
0xab: {  	[sflag:s16] =	ssyncset.done $0x0  }
0xac: {  	s7 =	simm.s32 $0x700;
	[sflag:s16] =	ssyncadd.s32 $0xFFFFD800  }
0xad: {  	[tilespmem:s23], [sflag:$0x3] =	stream.indirect.gather [hbm4b:s4+s18], $0x80, s7, s18, $0xb8;
	[tilespmem:$0x1F000] =	vst v63  }
0xae: {  	_ =	swait.ge [sflag:s24], $0x2800  }
0xaf: {  	[sflag:s24] =	ssyncset.done $0x0  }
0xb0: {  	s9 =	simm.s32 $0xE00;
	[sflag:s24] =	ssyncadd.s32 $0xFFFFD800  }
0xb1: {  	[spmem:s1] =	stream.indirect.scatter.add.f32 [tilespmem:s19], [sflag:$0x5], $0x80, s9, s18, $0xb8;
	[tilespmem:$0x1F000] =	vst v63  }
0xb2: {  	_ =	swait.ge [sflag:s22], $0x2800  }
0xb3: {  	[sflag:s22] =	ssyncset.done $0x0  }
0xb4: {  	[sflag:s22] =	ssyncadd.s32 $0xFFFFD800  }
0xb5: {  	[tilespmem:s26], [sflag:$0x4] =	stream.indirect.gather [hbm4b:s4+s18], $0x80, s17, s18, $0xb8;
	[tilespmem:$0x1F000] =	vst v63  }
0xb6: {  	_ =	swait.ge [sflag:s28], $0x2800  }
0xb7: {  	[sflag:s28] =	ssyncset.done $0x0  }
0xb8: {  	[sflag:s28] =	ssyncadd.s32 $0xFFFFD800  }
0xb9: {  	[spmem:s1] =	stream.indirect.scatter.add.f32 [tilespmem:s21], [sflag:$0x6], $0x80, s14, s18, $0xb8;
	[tilespmem:$0x1F000] =	vst v63  }
0xba: {  	_ =	swait.ge [sflag:s30], $0x2800  }
0xbb: {  	[sflag:s30] =	ssyncset.done $0x0  }
0xbc: {  	s2 =	simm.s32 @p0 $0x3;
	[sflag:s30] =	ssyncadd.s32 $0xFFFFD800  }
0xbd: {  	_ =	swait.ge @p0 [sflag:s2], $0x2800  }
0xbe: {  	s7 =	simm.s32 @p0 $0x6000;
	[sflag:s2] =	ssyncset.done @p0 $0x0  }
0xbf: {  	s9 =	simm.s32 @p0 $0xF00;
	[sflag:s2] =	ssyncadd.s32 @p0 $0xFFFFD800;
	s2 =	simm.s32 @p0 $0x50  }
0xc0: {  	[spmem:s1] =	stream.indirect.scatter.add.f32 @p0 [tilespmem:s7], [sflag:$0x7], $0x80, s9, s2, $0xb8;
	[tilespmem:$0x1F000] =	vst v63  }
0xc1: {  	s2 =	simm.s32 @p0 $0x6  }
0xc2: {  	_ =	swait.ge @p0 [sflag:s2], $0x2800  }
0xc3: {  	[sflag:s2] =	ssyncset.done @p0 $0x0  }
0xc4: {  	[sflag:s2] =	ssyncadd.s32 @p0 $0xFFFFD800;
	s2 =	simm.s32 @!p0 $0x9  }
0xc5: {  	_ =	swait.ge @!p0 [sflag:s2], $0x400  }
0xc6: {  	[sflag:s2] =	ssyncset.done @!p0 $0x0  }
0xc7: {  	[sflag:s2] =	ssyncadd.s32 @!p0 $0xFFFFFC00  }
0xc8: {  	_ =	swait.ge @!p0 [sflag:s2], $0x400  }
0xc9: {  	[sflag:s2] =	ssyncset.done @!p0 $0x0  }
0xca: {  	s7 =	simm.s32 @!p0 $0x1000;
	[sflag:s2] =	ssyncadd.s32 @!p0 $0xFFFFFC00;
	s2 =	simm.s32 @!p0 $0x50  }
0xcb: {  	[tilespmem:s7], [sflag:$0x1] =	stream.indirect.gather @!p0 [hbm4b:s4+s2], $0x80, s5, s2, $0xb8;
	[tilespmem:$0x1F000] =	vst v63  }
0xcc: {  	s5 =	simm.s32 @!p0 $0x3  }
0xcd: {  	_ =	swait.ge @!p0 [sflag:s5], $0x2800  }
0xce: {  	[sflag:s5] =	ssyncset.done @!p0 $0x0  }
0xcf: {  	s7 =	simm.s32 @!p0 $0x6000;
	[sflag:s5] =	ssyncadd.s32 @!p0 $0xFFFFD800;
	s5 =	simm.s32 @!p0 $0xF00  }
0xd0: {  	[spmem:s1] =	stream.indirect.scatter.add.f32 @!p0 [tilespmem:s7], [sflag:$0x7], $0x80, s5, s2, $0xb8;
	[tilespmem:$0x1F000] =	vst v63  }
0xd1: {  	s5 =	simm.s32 @!p0 $0x6  }
0xd2: {  	_ =	swait.ge @!p0 [sflag:s5], $0x2800  }
0xd3: {  	[sflag:s5] =	ssyncset.done @!p0 $0x0  }
0xd4: {  	s7 =	simm.s32 @!p0 $0x3800;
	[sflag:s5] =	ssyncadd.s32 @!p0 $0xFFFFD800;
	s5 =	simm.s32 @!p0 $0x80  }
0xd5: {  	[tilespmem:s7], [sflag:$0x2] =	stream.indirect.gather @!p0 [hbm4b:s4+s2], $0x80, s5, s2, $0xb8;
	[tilespmem:$0x1F000] =	vst v63  }
0xd6: {  	_ =	swait.ge [sflag:s6], $0x2800  }
0xd7: {  	[sflag:s6] =	ssyncset.done $0x0  }
.Ltmp2:
0xd8: {  	[sflag:s6] =	ssyncadd.s32 $0xFFFFD800;
	(pc) =	sbr.rel @p0 .LBB2_4-.Ltmp2, $4  }
0xd9: {  	[spmem:s1] =	stream.indirect.scatter.add.f32 [tilespmem:s26], [sflag:$0x8], $0x80, s15, s18, $0xb8;
	[tilespmem:$0x1F000] =	vst v63  }
0xda: {  	_ =	swait.ge [sflag:s16], $0x2800  }
0xdb: {  	[sflag:s16] =	ssyncset.done $0x0  }
0xdc: {  	[sflag:s16] =	ssyncadd.s32 $0xFFFFD800  }
.Ltmp3:
0xdd: {  	(pc) =	sbr.rel .LBB2_2-.Ltmp3, $3  }
0xde: {  	_ =	sdelay $0x1  }
0xdf: {  	s2 =	simm.s32 $0x100;
	s25 =	sadd.s32 $0x100, s25  }
0xe0: {  	[tilespmem:s23], [sflag:$0x3] =	stream.indirect.gather [hbm4b:s4+s18], $0x80, s2, s18, $0xb8;
	[tilespmem:$0x1F000] =	vst v63  }
.LBB2_5:
0xe1: {  	_ =	sfence.sel $0x180000  }
0xe2: {  	[bflag:$0x0] =	sbarrier.arrive $0xFFFF  }
0xe3: {  	_ =	strace $0x9000004D  }
0xe4: {  	s0 =	stileid.u32;
	[bflag:$0x2] =	sbarrier.arrive $0xFFFF  }
0xe5: {  	p0 =	sne.s32 s0, $0x0;
	s0 =	rddreg [dreg:$0x3]  }
0xe6: {  	s0 =	sadd.s32 @!p0 $0x100000, s0  }
0xe7: {  	[sflag:s0] =	ssyncadd.tile.s32 @!p0 $0x1;
	_ =	shalt  }
.Lfunc_end2:
_tile_overlayer_lowered:
.L_overlay_start_2:
0xe8: {  	(tag) =	ssettag $0x2  }
0xe9: {  	s0 =	rddreg [dreg:$0x0];
	s2 =	stileid.u32  }
0xea: {  	s1 =	rddreg [dreg:$0x1];
	p0 =	sne.s32 s2, $0x0  }
0xeb: {  	s3 =	rddreg [dreg:$0x2];
	[bflag:$0x3] =	sbarrier.arrive $0xFFFF;
	s2 =	simm.s32 @!p0 $0x1C0B  }
0xec: {  	[timem:s3], [sflag:s2] =	dma.local @!p0 [hbm:s0], s1  }
0xed: {  	s0 =	simm.s32 @!p0 $0xB  }
0xee: {  	_ =	swait.ge @!p0 [sflag:s0], s1  }
0xef: {  	s1 =	ssub.s32 @!p0 $0x0, s1;
	[sflag:s0] =	ssyncset.done @!p0 $0x0  }
0xf0: {  	[sflag:s0] =	ssyncadd.s32 @!p0 s1  }
0xf1: {  	[bflag:$0x3] =	sbarrier.arrive $0xFFFF  }
0xf2: {  	_ =	shalt  }

// kernel: kernel.8.cloned.1.call-start
scs
__scs_entry_jumppad:
0x0: {  	(pc) =	sbr.rel $0x88, $3  }
0x1: {  	(tag) =	ssettag $0x0;
	lr =	simm.s32 $0x1  }
0x2: {  	[smem:$0x3F9B] =	sst lr;
	_ =	strace $0xD0000000  }
0x3: {  	_ = 	snop  }
0x4: {  	_ = 	snop  }
0x5: {  	_ = 	snop  }
0x6: {  	_ = 	snop  }
0x7: {  	_ = 	snop  }
__scs_overlays_trampoline_lowered:
0x8: {  	[smem:$0x3FAA] =	sst s0  }
0x9: {  	[smem:$0x3FAB] =	sst s1  }
0xa: {  	[smem:$0x3FAC] =	sst s2  }
0xb: {  	[smem:$0x3FAD] =	sst s3  }
0xc: {  	[smem:$0x3FAE] =	sst s4  }
0xd: {  	[smem:$0x3FAF] =	sst s5  }
0xe: {  	[smem:$0x3FB0] =	sst s6  }
0xf: {  	[smem:$0x3FB1] =	sst s7  }
0x10: {  	[smem:$0x3FB2] =	sst s8  }
0x11: {  	[smem:$0x3FB3] =	sst s9;
	s0 =	simm.s32 @!p0 $0x0  }
0x12: {  	s1 =	sld [smem:$0x3F99];
	s0 =	simm.s32 @p0 $0x1  }
0x13: {  	[smem:$0x3FB4] =	sst s0;
	s0 =	simm.s32 @!p1 $0x0  }
0x14: {  	s2 =	sld [smem:$0x3F98];
	s0 =	simm.s32 @p1 $0x1  }
0x15: {  	[smem:$0x3FB5] =	sst s0;
	s0 =	simm.s32 @!p2 $0x0  }
0x16: {  	s3 =	sld [smem:$0x3FDB];
	s0 =	simm.s32 @p2 $0x1  }
0x17: {  	s4 =	simm.s32 $0x1BF5;
	[smem:$0x3FB7] =	sst s0  }
0x18: {  	s0 =	sld [smem:$0x3F9A];
	_ =	swait.ge [sflag:s4], $0x0  }
0x19: {  	s7 =	sld [smem:$0x3F9B]  }
0x1a: {  	s8 =	sadd.s32 $0xFFFFE003, lr  }
0x1b: {  	s9 =	sadd.s32 $0xFFFFFEF7, lr;
	s5 =	simm.s32 $0xFFFFFFFF;
	p2 =	slt.u32 s8, $0xFFFFF086  }
0x1c: {  	p1 =	slt.u32 s9, $0xF7A;
	s5 =	simm.s32 @!p2 $0x0  }
0x1d: {  	s5 =	simm.s32 @p1 $0x1;
	p0 =	seq.s32 s7, s2  }
0x1e: {  	s7 =	smul.u32 @!p0 $0xF7A, s2;
	p2 =	seq.s32 @!p0 s5, $0x0  }
0x1f: {  	s9 =	smul.u32 $0xF7A, s1;
	s8 =	simm.s32 @!p0 $0x1BF5;
	p2 =	por !p2, p0  }
0x20: {  	[sflag:s8] =	ssyncset.s32 @!p0 $0xFFFFF086;
	s6 =	sadd.s32 @!p0 s3, s7;
	s7 =	simm.s32 @!p0 $0x108  }
0x21: {  	s3 =	sadd.s32 s3, s9;
	s6 =	sadd.s32 @!p0 $0x88, s6;
	s7 =	simm.s32 @p2 $0x1082  }
0x22: {  	[simem:s7], [sflag:s8] =	dma.local @!p0 [hbm:s6], $0xF7A  }
0x23: {  	s9 =	sor.u32 $0xD0000000, s2;
	s6 =	simm.s32 $0x108;
	_ =	swait.ge @!p0 [sflag:s8], $0x0  }
0x24: {  	s3 =	sadd.s32 $0x88, s3;
	s6 =	simm.s32 @!p1 $0x1082;
	[sflag:s4] =	ssyncset.s32 $0xFFFFF086  }
0x25: {  	[simem:s6], [sflag:s4] =	dma.local [hbm:s3], $0xF7A  }
0x26: {  	[smem:$0x3F9B] =	sst s1;
	(tag) =	ssettag s2;
	_ =	strace s9  }
0x27: {  	s1 =	sld [smem:$0x3FAB]  }
0x28: {  	s2 =	sld [smem:$0x3FAC]  }
0x29: {  	s4 =	sld [smem:$0x3FAE]  }
0x2a: {  	p0 =	seq.s32 s5, $0x0;
	s5 =	sld [smem:$0x3FAF]  }
0x2b: {  	s6 =	sld [smem:$0x3FB0]  }
0x2c: {  	s7 =	sld [smem:$0x3FB1]  }
0x2d: {  	s3 =	simm.s32 $0x108;
	s8 =	sld [smem:$0x3FB2]  }
0x2e: {  	s3 =	simm.s32 @!p0 $0x1082;
	s9 =	sld [smem:$0x3FB3]  }
0x2f: {  	lr =	sadd.s32 s0, s3;
	s0 =	sld [smem:$0x3FAA]  }
0x30: {  	s3 =	sld [smem:$0x3FAD]  }
0x31: {  	[smem:$0x3FB6] =	sst s10  }
0x32: {  	s10 =	sld [smem:$0x3FB4];
	_ =	sdelay $0x3  }
0x33: {  	p0 =	seq.s32 s10, $0x1;
	s10 =	sld [smem:$0x3FB6];
	_ =	sdelay $0x3  }
0x34: {  	[smem:$0x3FB6] =	sst s10  }
0x35: {  	s10 =	sld [smem:$0x3FB5];
	_ =	sdelay $0x3  }
0x36: {  	p1 =	seq.s32 s10, $0x1;
	s10 =	sld [smem:$0x3FB6];
	_ =	sdelay $0x3  }
0x37: {  	[smem:$0x3FB6] =	sst s10  }
0x38: {  	s10 =	sld [smem:$0x3FB7]  }
0x39: {  	_ = 	snop;
	(pc) =	sbr.ind lr, $3  }
0x3a: {  	_ = 	snop  }
0x3b: {  	_ = 	snop  }
0x3c: {  	p2 =	seq.s32 s10, $0x1;
	s10 =	sld [smem:$0x3FB6]  }
0x3d: {  	_ =	shalt  }
0x3e: {  	_ =	shalt  }
0x3f: {  	_ =	shalt  }
0x40: {  	_ =	shalt  }
0x41: {  	_ =	shalt  }
0x42: {  	_ =	shalt  }
0x43: {  	_ =	shalt  }
0x44: {  	_ =	shalt  }
0x45: {  	_ =	shalt  }
0x46: {  	_ =	shalt  }
0x47: {  	_ =	shalt  }
0x48: {  	_ =	shalt  }
0x49: {  	_ =	shalt  }
0x4a: {  	_ =	shalt  }
0x4b: {  	_ =	shalt  }
0x4c: {  	_ =	shalt  }
0x4d: {  	_ =	shalt  }
0x4e: {  	_ =	shalt  }
0x4f: {  	_ =	shalt  }
0x50: {  	_ =	shalt  }
0x51: {  	_ =	shalt  }
0x52: {  	_ =	shalt  }
0x53: {  	_ =	shalt  }
0x54: {  	_ =	shalt  }
0x55: {  	_ =	shalt  }
0x56: {  	_ =	shalt  }
0x57: {  	_ =	shalt  }
0x58: {  	_ =	shalt  }
0x59: {  	_ =	shalt  }
0x5a: {  	_ =	shalt  }
0x5b: {  	_ =	shalt  }
0x5c: {  	_ =	shalt  }
0x5d: {  	_ =	shalt  }
0x5e: {  	_ =	shalt  }
0x5f: {  	_ =	shalt  }
0x60: {  	_ =	shalt  }
0x61: {  	_ =	shalt  }
0x62: {  	_ =	shalt  }
0x63: {  	_ =	shalt  }
0x64: {  	_ =	shalt  }
0x65: {  	_ =	shalt  }
0x66: {  	_ =	shalt  }
0x67: {  	_ =	shalt  }
0x68: {  	_ =	shalt  }
0x69: {  	_ =	shalt  }
0x6a: {  	_ =	shalt  }
0x6b: {  	_ =	shalt  }
0x6c: {  	_ =	shalt  }
0x6d: {  	_ =	shalt  }
0x6e: {  	_ =	shalt  }
0x6f: {  	_ =	shalt  }
0x70: {  	_ =	shalt  }
0x71: {  	_ =	shalt  }
0x72: {  	_ =	shalt  }
0x73: {  	_ =	shalt  }
0x74: {  	_ =	shalt  }
0x75: {  	_ =	shalt  }
0x76: {  	_ =	shalt  }
0x77: {  	_ =	shalt  }
0x78: {  	_ =	shalt  }
0x79: {  	_ =	shalt  }
0x7a: {  	_ =	shalt  }
0x7b: {  	_ =	shalt  }
0x7c: {  	_ =	shalt  }
0x7d: {  	_ =	shalt  }
0x7e: {  	_ =	shalt  }
0x7f: {  	_ =	shalt  }
0x80: {  	_ =	shalt  }
0x81: {  	_ =	shalt  }
0x82: {  	_ =	shalt  }
0x83: {  	_ =	shalt  }
0x84: {  	_ =	shalt  }
0x85: {  	_ =	shalt  }
0x86: {  	_ =	shalt  }
0x87: {  	_ =	shalt  }
.Lfunc_end0:
.L_simem_size_0:
called_computation_lowered:
.L_overlay_start_0:
0x88: {  	s2 =	sld [smem:$0x3FD9]  }
0x89: {  	s3 =	sld [smem:$0x3FFE];
	_ =	sdelay $0x1  }
0x8a: {  	s1 =	srdreg.scid  }
0x8b: {  	s0 =	sand.u32 $0x1, s1  }
0x8c: {  	s16 =	sshll.u32 s0, $0xA;
	s2 =	sadd.s32 s3, s2  }
0x8d: {  	s2 =	sadd.s32 s2, s16  }
0x8e: {  	[smem:$0x3FC2] =	sst s2  }
0x8f: {  	_ = 	snop  }
0x90: {  	(tm) =	ssettm $0x1  }
0x91: {  	s17 =	sld [smem:$0x3FFB];
	_ =	sdelay $0x3  }
0x92: {  	_ =	strace s17  }
0x93: {  	s2 =	sld [smem:$0x3FFC];
	_ =	sdelay $0x3  }
0x94: {  	_ =	strace s2  }
0x95: {  	s2 =	sld [smem:$0x3FFD];
	_ =	sdelay $0x3  }
0x96: {  	_ =	strace s2  }
0x97: {  	_ =	strace $0x8FFFFFFF  }
0x98: {  	s18 =	sld [smem:$0x3FDB];
	_ =	sdelay $0x1  }
0x99: {  	s19 =	simm.s32 $_scs_section_size  }
0x9a: {  	s4 =	simm.s32 $_size__tile_overlayer_lowered;
	s5 =	simm.s32 $_tile_overlayer_lowered  }
0x9b: {  	s22 =	simm.s32 $0x1BFF;
	s21 =	sshll.u32 s5, $0x1;
	s2 =	sadd.s32 s19, s18  }
0x9c: {  	s6 =	simm.s32 $0x0;
	s20 =	sshll.u32 s4, $0x1;
	s4 =	sadd.s32 s21, s2  }
0x9d: {  	[timem:s6], [sflag:s22] =	dma.local [hbm:s4], s20  }
0x9e: {  	_ =	swait.ge [sflag:s22], s20  }
0x9f: {  	s3 =	ssub.s32 $0x0, s20;
	[sflag:s22] =	ssyncset.done $0x0  }
0xa0: {  	[sflag:s22] =	ssyncadd.s32 s3;
	_ =	sdelay $0x1  }
0xa1: {  	s23 =	simm.s32 $0x1B8B  }
0xa2: {  	_ =	swait.ge [sflag:s23], $0x1  }
0xa3: {  	[sflag:s23] =	ssyncset.done $0x0  }
0xa4: {  	s25 =	simm.s32 $0x1B8E;
	s24 =	sld [smem:$0x3FFE];
	[sflag:s23] =	ssyncadd.s32 $0xFFFFFFFF  }
0xa5: {  	s26 =	simm.s32 $execute0_lowered;
	[smem:$0x3FD2] =	sst s25  }
0xa6: {  	s4 =	sshll.u32 s26, $0x1;
	_ =	strace $0x80000046;
	[dreg:$0x1] =	wrdreg $0xFFFFFFFF  }
0xa7: {  	s28 =	simm.s32 $_size_execute0_lowered;
	s2 =	sadd.s32 s2, s4;
	[dreg:$0x0] =	wrdreg $0x0  }
0xa8: {  	s4 =	sshll.u32 s28, $0x1;
	[dreg:$0x2] =	wrdreg s2  }
0xa9: {  	[dreg:$0x3] =	wrdreg s4  }
0xaa: {  	[dreg:$0x4] =	wrdreg $0xC0  }
0xab: {  	_ =	task [dreg:s6], $0x5FFFF  }
0xac: {  	[dreg:$0x1] =	wrdreg $0xFFFFFFFF  }
0xad: {  	[dreg:$0x0] =	wrdreg $0x60  }
0xae: {  	[dreg:$0x2] =	wrdreg s24  }
0xaf: {  	[dreg:$0x3] =	wrdreg $0x90000  }
0xb0: {  	[dreg:$0x4] =	wrdreg $0x9  }
0xb1: {  	_ =	task.clear_ibuf [dreg:s6], $0x5FFFF;
	_ =	strace $0x90000046  }
0xb2: {  	s29 =	simm.s32 $0x9;
	_ =	strace $0x80000048  }
0xb3: {  	_ =	swait.ge [sflag:s29], $0x1  }
0xb4: {  	[sflag:s29] =	ssyncadd.s32 $0xFFFFFFFF  }
0xb5: {  	_ =	strace $0x90000048  }
0xb6: {  	_ =	sfence  }
0xb7: {  	s30 =	sld [smem:$0x0];
	_ =	sdelay $0x2  }
0xb8: {  	s31 =	sshll.u32 s1, $0xD;
	s1 =	sshrl.u32 s1, $0x2  }
0xb9: {  	s3 =	sand.u32 $0x4000, s31;
	s1 =	sadd.s32 s1, s30  }
0xba: {  	s0 =	sor.u32 s3, s0;
	s1 =	sshll.u32 s1, $0x11  }
0xbb: {  	s0 =	sor.u32 s1, s0  }
0xbc: {  	s0 =	sadd.s32 $0x8F2B, s0  }
0xbd: {  	[sflag:s0] =	ssyncadd.remote.s32 $0x1  }
0xbe: {  	_ =	sfence.sel $0xFFFF  }
0xbf: {  	[dreg:$0x0] =	wrdreg $0xFFFFFFFF;
	(pc) =	sbr.abs _section_cstart, $3  }
0xc0: {  	[dreg:$0x1] =	wrdreg $0xFFFFFFFF  }
0xc1: {  	_ =	task.clear_ibuf [dreg:s6], $0x2FFFF;
	_ =	strace $0x9FFFFFFF  }
0xc2: {  	(tm) =	ssettm $0x7FFFFFFF  }
0xc3: {  	_ =	shalt  }
tec
execute0_lowered:
.L_overlay_start_1:
0x0: {  	(tag) =	ssettag $0x1  }
0x1: {  	s0 =	rddreg [dreg:$0x0]  }
0x2: {  	s1 =	rddreg [dreg:$0x1];
	s2 =	simm.s32 $0x0  }
0x3: {  	s3 =	srdreg.scid;
	s10 =	stileid.u32;
	s13 =	simm.s32 $0x880  }
0x4: {  	s28 =	simm.s32 $0xE80;
	s29 =	simm.s32 $0x700;
	s30 =	simm.s32 $0xF00  }
0x5: {  	s31 =	simm.s32 $0x780;
	[smem:$0x7FF] =	sst s2;
	s3 =	sand.u32 $0x1, s3  }
0x6: {  	s11 =	sadd.s32 $0xD400, s0;
	s6 =	smul.u32 $0x14000, s10;
	s12 =	sadd.s32 $0x3400, s0  }
0x7: {  	s7 =	sadd.s32 $0x17400, s0;
	s15 =	sadd.s32 $0x17C00, s0;
	s16 =	sadd.s32 $0x18400, s0  }
0x8: {  	s17 =	smul.u32 $0x50000, s10;
	_ =	strace $0x80000047;
	[dreg:$0x5] =	wrdreg s7  }
0x9: {  	s9 =	smul.u32 $0x2800, s10;
	s26 =	sshll.u32 s10, $0x6;
	[dreg:$0x6] =	wrdreg s15  }
0xa: {  	s4 =	smul.u32 $0x140000, s3;
	s5 =	sshll.u32 s3, $0x4;
	[dreg:$0x7] =	wrdreg s16  }
0xb: {  	s18 =	ssub.s32 $0x2, s3;
	s3 =	smul.u32 $0x28000, s3;
	[dreg:$0x4] =	wrdreg s12  }
0xc: {  	[dreg:$0x3] =	wrdreg s11;
	s16 =	simm.s32 $0x1000;
	s7 =	simm.s32 $0x3  }
0xd: {  	s5 =	sor.u32 s10, s5;
	s8 =	sshrl.u32 s18, $0x1;
	s21 =	sshrl.u32 s17, $0x2  }
0xe: {  	s10 =	sor.u32 $0x1C05, s26;
	s17 =	simm.s32 $0x580;
	s26 =	simm.s32 $0x680  }
0xf: {  	s5 =	smul.u32 $0x2800, s5;
	s4 =	sadd.s32 s6, s4;
	s19 =	ssub.s32 s18, s8  }
0x10: {  	s3 =	sadd.s32 s9, s3;
	s22 =	sadd.s32 s21, s1;
	s18 =	simm.s32 $0x5000  }
0x11: {  	s9 =	simm.s32 $0x4;
	s21 =	simm.s32 $0xD00;
	s6 =	simm.s32 $0x2  }
0x12: {  	s8 =	simm.s32 $0x0;
	[dreg:$0xd] =	wrdreg s10;
	s4 =	sshrl.u32 s4, $0x3  }
0x13: {  	s23 =	sor.u32 $0x400, s3;
	s24 =	smax.u32 s19, $0x1;
	s3 =	sadd.s32 $0x800, s3  }
0x14: {  	s19 =	simm.s32 $0x800;
	[dreg:$0xe] =	wrdreg s8;
	s0 =	sadd.s32 s4, s0  }
0x15: {  	s5 =	sshrl.u32 s5, $0x3;
	[dreg:$0xb] =	wrdreg s24;
	s25 =	sshrl.u32 s23, $0x3  }
0x16: {  	[dreg:$0xc] =	wrdreg s3;
	s23 =	simm.s32 $0x400;
	s24 =	simm.s32 $0xC00  }
0x17: {  	s4 =	simm.s32 $0xD80;
	s3 =	simm.s32 $0x1;
	s20 =	sadd.s32 s11, s5  }
.Ltmp0:
0x18: {  	s5 =	sadd.s32 s12, s5;
	s0 =	sadd.s32 $0x1AC00, s0;
	(pc) =	sbr.rel .LBB2_1-.Ltmp0, $4  }
0x19: {  	s14 =	sadd.s32 s25, s12;
	s15 =	sadd.s32 s25, s11;
	[dreg:$0x8] =	wrdreg s20  }
0x1a: {  	s11 =	simm.s32 $0x5;
	s12 =	sshrl.u32 s22, $0x3;
	[dreg:$0x9] =	wrdreg s5  }
0x1b: {  	s22 =	simm.s32 $0x80;
	s25 =	simm.s32 $0xE00;
	[dreg:$0xa] =	wrdreg s0  }
0x1c: {  	s20 =	simm.s32 $0x500;
	s5 =	simm.s32 $0x600;
	s0 =	simm.s32 $0xF80  }
.LBB2_6:
0x1d: {  	_ =	swait.ge [sflag:s3], $0x4000  }
0x1e: {  	[sflag:s3] =	ssyncset.done $0x0  }
0x1f: {  	[sflag:s3] =	ssyncadd.s32 $0xFFFFC000  }
0x20: {  	_ =	swait.ge [sflag:s3], $0x4000  }
0x21: {  	[sflag:s3] =	ssyncset.done $0x0  }
0x22: {  	[sflag:s3] =	ssyncadd.s32 $0xFFFFC000  }
0x23: {  	_ =	swait.ge [sflag:s3], $0x4000  }
0x24: {  	[sflag:s3] =	ssyncset.done $0x0  }
0x25: {  	[sflag:s3] =	ssyncadd.s32 $0xFFFFC000  }
0x26: {  	_ =	swait.ge [sflag:s3], $0x4000  }
0x27: {  	[sflag:s3] =	ssyncset.done $0x0  }
0x28: {  	[sflag:s3] =	ssyncadd.s32 $0xFFFFC000  }
0x29: {  	_ =	swait.ge [sflag:s3], $0x4000  }
0x2a: {  	[sflag:s3] =	ssyncset.done $0x0  }
0x2b: {  	[sflag:s3] =	ssyncadd.s32 $0xFFFFC000  }
0x2c: {  	_ =	swait.ge [sflag:s3], $0x4000  }
0x2d: {  	[sflag:s3] =	ssyncset.done $0x0  }
0x2e: {  	[sflag:s3] =	ssyncadd.s32 $0xFFFFC000  }
0x2f: {  	_ =	swait.ge [sflag:s3], $0x4000  }
0x30: {  	[sflag:s3] =	ssyncset.done $0x0  }
0x31: {  	[sflag:s3] =	ssyncadd.s32 $0xFFFFC000  }
0x32: {  	_ =	swait.ge [sflag:s3], $0x4000  }
0x33: {  	[sflag:s3] =	ssyncset.done $0x0  }
0x34: {  	[sflag:s3] =	ssyncadd.s32 $0xFFFFC000  }
0x35: {  	_ =	swait.ge [sflag:s3], $0x4000  }
0x36: {  	[sflag:s3] =	ssyncset.done $0x0  }
0x37: {  	[sflag:s3] =	ssyncadd.s32 $0xFFFFC000  }
0x38: {  	_ =	swait.ge [sflag:s3], $0x4000  }
0x39: {  	[sflag:s3] =	ssyncset.done $0x0  }
0x3a: {  	[sflag:s3] =	ssyncadd.s32 $0xFFFFC000  }
0x3b: {  	_ =	swait.ge [sflag:s3], $0x4000  }
0x3c: {  	[sflag:s3] =	ssyncset.done $0x0  }
0x3d: {  	[sflag:s3] =	ssyncadd.s32 $0xFFFFC000  }
0x3e: {  	_ =	swait.ge [sflag:s3], $0x4000  }
0x3f: {  	[sflag:s3] =	ssyncset.done $0x0  }
0x40: {  	[sflag:s3] =	ssyncadd.s32 $0xFFFFC000  }
0x41: {  	_ =	swait.ge [sflag:s3], $0x4000  }
0x42: {  	[sflag:s3] =	ssyncset.done $0x0  }
0x43: {  	[sflag:s3] =	ssyncadd.s32 $0xFFFFC000  }
0x44: {  	_ =	swait.ge [sflag:s3], $0x4000  }
0x45: {  	[sflag:s3] =	ssyncset.done $0x0  }
0x46: {  	[sflag:s3] =	ssyncadd.s32 $0xFFFFC000  }
0x47: {  	_ =	swait.ge [sflag:s3], $0x4000  }
0x48: {  	[sflag:s3] =	ssyncset.done $0x0  }
0x49: {  	[sflag:s3] =	ssyncadd.s32 $0xFFFFC000  }
0x4a: {  	_ =	swait.ge [sflag:s3], $0x4000  }
0x4b: {  	[sflag:s3] =	ssyncset.done $0x0  }
0x4c: {  	[sflag:s3] =	ssyncadd.s32 $0xFFFFC000  }
0x4d: {  	_ =	swait.ge [sflag:s6], $0x4000  }
0x4e: {  	[sflag:s6] =	ssyncset.done $0x0  }
0x4f: {  	[sflag:s6] =	ssyncadd.s32 $0xFFFFC000  }
0x50: {  	_ =	swait.ge [sflag:s6], $0x4000  }
0x51: {  	[sflag:s6] =	ssyncset.done $0x0  }
0x52: {  	[sflag:s6] =	ssyncadd.s32 $0xFFFFC000  }
0x53: {  	_ =	swait.ge [sflag:s6], $0x4000  }
0x54: {  	[sflag:s6] =	ssyncset.done $0x0  }
0x55: {  	[sflag:s6] =	ssyncadd.s32 $0xFFFFC000  }
0x56: {  	_ =	swait.ge [sflag:s6], $0x4000  }
0x57: {  	[sflag:s6] =	ssyncset.done $0x0  }
0x58: {  	[sflag:s6] =	ssyncadd.s32 $0xFFFFC000  }
0x59: {  	_ =	swait.ge [sflag:s6], $0x4000  }
0x5a: {  	[sflag:s6] =	ssyncset.done $0x0  }
0x5b: {  	[sflag:s6] =	ssyncadd.s32 $0xFFFFC000  }
0x5c: {  	_ =	swait.ge [sflag:s6], $0x4000  }
0x5d: {  	[sflag:s6] =	ssyncset.done $0x0  }
0x5e: {  	[sflag:s6] =	ssyncadd.s32 $0xFFFFC000  }
0x5f: {  	_ =	swait.ge [sflag:s6], $0x4000  }
0x60: {  	[sflag:s6] =	ssyncset.done $0x0  }
0x61: {  	[sflag:s6] =	ssyncadd.s32 $0xFFFFC000  }
0x62: {  	_ =	swait.ge [sflag:s6], $0x4000  }
0x63: {  	[sflag:s6] =	ssyncset.done $0x0  }
0x64: {  	[sflag:s6] =	ssyncadd.s32 $0xFFFFC000  }
0x65: {  	_ =	swait.ge [sflag:s6], $0x4000  }
0x66: {  	[sflag:s6] =	ssyncset.done $0x0  }
0x67: {  	[sflag:s6] =	ssyncadd.s32 $0xFFFFC000  }
0x68: {  	_ =	swait.ge [sflag:s6], $0x4000  }
0x69: {  	[sflag:s6] =	ssyncset.done $0x0  }
0x6a: {  	[sflag:s6] =	ssyncadd.s32 $0xFFFFC000  }
0x6b: {  	_ =	swait.ge [sflag:s6], $0x4000  }
0x6c: {  	[sflag:s6] =	ssyncset.done $0x0  }
0x6d: {  	[sflag:s6] =	ssyncadd.s32 $0xFFFFC000  }
0x6e: {  	_ =	swait.ge [sflag:s6], $0x4000  }
0x6f: {  	[sflag:s6] =	ssyncset.done $0x0  }
0x70: {  	[sflag:s6] =	ssyncadd.s32 $0xFFFFC000  }
0x71: {  	_ =	swait.ge [sflag:s6], $0x4000  }
0x72: {  	[sflag:s6] =	ssyncset.done $0x0  }
0x73: {  	[sflag:s6] =	ssyncadd.s32 $0xFFFFC000  }
0x74: {  	_ =	swait.ge [sflag:s6], $0x4000  }
0x75: {  	[sflag:s6] =	ssyncset.done $0x0  }
0x76: {  	[sflag:s6] =	ssyncadd.s32 $0xFFFFC000  }
0x77: {  	_ =	swait.ge [sflag:s6], $0x4000  }
0x78: {  	[sflag:s6] =	ssyncset.done $0x0  }
0x79: {  	[sflag:s6] =	ssyncadd.s32 $0xFFFFC000  }
0x7a: {  	_ =	swait.ge [sflag:s6], $0x4000  }
0x7b: {  	[sflag:s6] =	ssyncset.done $0x0  }
0x7c: {  	[sflag:s6] =	ssyncadd.s32 $0xFFFFC000  }
0x7d: {  	[bflag:$0x0] =	sbarrier.arrive $0xFFFF  }
0x7e: {  	s8 =	rddreg [dreg:$0xa]  }
0x7f: {  	s11 =	simm.s32 $0x5;
	s10 =	rddreg [dreg:$0xd]  }
0x80: {  	[hbm:s8], [sflag:s10] =	dma.local [spmem:s12], $0x2800  }
0x81: {  	_ =	swait.ge [sflag:s11], $0x2800  }
0x82: {  	s20 =	rddreg [dreg:$0xe]  }
0x83: {  	s8 =	rddreg [dreg:$0xb];
	s20 =	sadd.s32 $0x1, s20  }
0x84: {  	p0 =	sne.s32 s20, s8  }
.Ltmp1:
0x85: {  	_ = 	snop;
	(pc) =	sbr.rel @!p0 .LBB2_7-.Ltmp1, $3  }
0x86: {  	_ =	sdelay $0x1  }
0x87: {  	[sflag:s11] =	ssyncset.done $0x0  }
0x88: {  	[sflag:s11] =	ssyncadd.s32 $0xFFFFD800;
	[dreg:$0xe] =	wrdreg s20;
	s20 =	simm.s32 $0x500  }
.LBB2_1:
0x89: {  	s8 =	rddreg [dreg:$0x5]  }
0x8a: {  	[tilespmem:s16], [sflag:$0x5] =	stream.linear.gather [hbm4b:s8+s2], $0x4000, $0x38;
	[tilespmem:$0x1D000] =	vst v63  }
0x8b: {  	_ =	swait.ge [sflag:s11], $0x4000  }
0x8c: {  	[sflag:s11] =	ssyncset.done $0x0  }
0x8d: {  	s8 =	rddreg [dreg:$0x6];
	[sflag:s11] =	ssyncadd.s32 $0xFFFFC000  }
0x8e: {  	[tilespmem:s18], [sflag:$0x5] =	stream.linear.gather [hbm4b:s8+s2], $0x4000, $0x38;
	[tilespmem:$0x1D000] =	vst v63  }
0x8f: {  	_ =	swait.ge [sflag:s11], $0x4000  }
0x90: {  	[sflag:s11] =	ssyncset.done $0x0  }
0x91: {  	s8 =	rddreg [dreg:$0x8];
	[sflag:s11] =	ssyncadd.s32 $0xFFFFC000  }
0x92: {  	[tilespmem:s2], [sflag:$0x5] =	stream.linear.gather [hbm4b:s8+s2], $0x400, $0x38;
	[tilespmem:$0x1D000] =	vst v63  }
0x93: {  	_ =	swait.ge [sflag:s11], $0x400  }
0x94: {  	[sflag:s11] =	ssyncset.done $0x0  }
0x95: {  	s8 =	rddreg [dreg:$0x9];
	[sflag:s11] =	ssyncadd.s32 $0xFFFFFC00  }
0x96: {  	[tilespmem:s19], [sflag:$0x5] =	stream.linear.gather [hbm4b:s8+s2], $0x400, $0x38;
	[tilespmem:$0x1D000] =	vst v63  }
0x97: {  	_ =	swait.ge [sflag:s11], $0x400  }
0x98: {  	[sflag:s11] =	ssyncset.done $0x0  }
0x99: {  	s8 =	rddreg [dreg:$0x7];
	[sflag:s11] =	ssyncadd.s32 $0xFFFFFC00  }
0x9a: {  	[spmem:s12], [sflag:s10] =	dma.local [hbm:s8], $0x2800  }
.Ltmp2:
0x9b: {  	_ =	swait.ge [sflag:s11], $0x2800;
	(pc) =	sbr.rel .LBB2_2-.Ltmp2, $4  }
0x9c: {  	[sflag:s11] =	ssyncset.done $0x0  }
0x9d: {  	[sflag:s11] =	ssyncadd.s32 $0xFFFFD800  }
0x9e: {  	[bflag:$0x0] =	sbarrier.arrive $0xFFFF  }
0x9f: {  	s10 =	simm.s32 $0x0;
	s8 =	rddreg [dreg:$0xc]  }
.LBB2_4:
0xa0: {  	[spmem:s1] =	stream.indirect.scatter.add.f32 [tilespmem:s16], [sflag:$0x2], $0x80, s17, s22, $0xb8;
	[tilespmem:$0x1D000] =	vst v63  }
0xa1: {  	_ = 	snop  }
0xa2: {  	[spmem:s1] =	stream.indirect.scatter.add.f32 [tilespmem:s18], [sflag:$0x2], $0x80, s4, s22, $0xb8;
	[tilespmem:$0x1D000] =	vst v63  }
0xa3: {  	_ = 	snop  }
0xa4: {  	[spmem:s1] =	stream.indirect.scatter.add.f32 [tilespmem:s16], [sflag:$0x2], $0x80, s5, s22, $0xb8;
	[tilespmem:$0x1D000] =	vst v63  }
0xa5: {  	_ = 	snop  }
0xa6: {  	[spmem:s1] =	stream.indirect.scatter.add.f32 [tilespmem:s18], [sflag:$0x2], $0x80, s25, s22, $0xb8;
	[tilespmem:$0x1D000] =	vst v63  }
0xa7: {  	_ = 	snop  }
0xa8: {  	[spmem:s1] =	stream.indirect.scatter.add.f32 [tilespmem:s16], [sflag:$0x2], $0x80, s26, s22, $0xb8;
	[tilespmem:$0x1D000] =	vst v63  }
0xa9: {  	_ = 	snop  }
0xaa: {  	[spmem:s1] =	stream.indirect.scatter.add.f32 [tilespmem:s18], [sflag:$0x2], $0x80, s28, s22, $0xb8;
	[tilespmem:$0x1D000] =	vst v63  }
.LBB2_5:
0xab: {  	[spmem:s1] =	stream.indirect.scatter.add.f32 [tilespmem:s16], [sflag:$0x2], $0x80, s29, s22, $0xb8;
	[tilespmem:$0x1D000] =	vst v63  }
0xac: {  	s10 =	sadd.s32 $0x100, s10  }
0xad: {  	p0 =	sne.s32 s10, $0x500  }
0xae: {  	[spmem:s1] =	stream.indirect.scatter.add.f32 [tilespmem:s18], [sflag:$0x2], $0x80, s30, s22, $0xb8;
	[tilespmem:$0x1D000] =	vst v63  }
.Ltmp3:
0xaf: {  	_ = 	snop;
	(pc) =	sbr.rel @!p0 .LBB2_6-.Ltmp3, $4  }
0xb0: {  	_ = 	snop  }
0xb1: {  	[spmem:s1] =	stream.indirect.scatter.add.f32 [tilespmem:s16], [sflag:$0x2], $0x80, s31, s22, $0xb8;
	[tilespmem:$0x1D000] =	vst v63  }
0xb2: {  	s8 =	sadd.s32 $0x800, s8  }
0xb3: {  	[spmem:s1] =	stream.indirect.scatter.add.f32 [tilespmem:s18], [sflag:$0x2], $0x80, s0, s22, $0xb8;
	[tilespmem:$0x1D000] =	vst v63  }
.LBB2_2:
0xb4: {  	p0 =	seq.s32 s10, $0x0  }
0xb5: {  	s11 =	simm.s32 @!p0 $0x2  }
0xb6: {  	_ =	swait.ge @!p0 [sflag:s11], $0x4000  }
0xb7: {  	[sflag:s11] =	ssyncset.done @!p0 $0x0  }
0xb8: {  	[sflag:s11] =	ssyncadd.s32 @!p0 $0xFFFFC000  }
0xb9: {  	_ =	swait.ge @!p0 [sflag:s11], $0x4000  }
0xba: {  	[sflag:s11] =	ssyncset.done @!p0 $0x0  }
0xbb: {  	[sflag:s11] =	ssyncadd.s32 @!p0 $0xFFFFC000  }
0xbc: {  	_ =	swait.ge @!p0 [sflag:s11], $0x4000  }
0xbd: {  	[sflag:s11] =	ssyncset.done @!p0 $0x0  }
0xbe: {  	[sflag:s11] =	ssyncadd.s32 @!p0 $0xFFFFC000  }
0xbf: {  	_ =	swait.ge @!p0 [sflag:s11], $0x4000  }
0xc0: {  	[sflag:s11] =	ssyncset.done @!p0 $0x0  }
0xc1: {  	[sflag:s11] =	ssyncadd.s32 @!p0 $0xFFFFC000  }
0xc2: {  	_ =	swait.ge @!p0 [sflag:s11], $0x4000  }
0xc3: {  	[sflag:s11] =	ssyncset.done @!p0 $0x0  }
0xc4: {  	[sflag:s11] =	ssyncadd.s32 @!p0 $0xFFFFC000  }
0xc5: {  	_ =	swait.ge @!p0 [sflag:s11], $0x4000  }
0xc6: {  	[sflag:s11] =	ssyncset.done @!p0 $0x0  }
0xc7: {  	[sflag:s11] =	ssyncadd.s32 @!p0 $0xFFFFC000  }
0xc8: {  	_ =	swait.ge @!p0 [sflag:s11], $0x4000  }
0xc9: {  	[sflag:s11] =	ssyncset.done @!p0 $0x0  }
0xca: {  	[sflag:s11] =	ssyncadd.s32 @!p0 $0xFFFFC000  }
0xcb: {  	_ =	swait.ge @!p0 [sflag:s11], $0x4000  }
0xcc: {  	[sflag:s11] =	ssyncset.done @!p0 $0x0  }
0xcd: {  	[sflag:s11] =	ssyncadd.s32 @!p0 $0xFFFFC000  }
0xce: {  	_ =	swait.ge @!p0 [sflag:s11], $0x4000  }
0xcf: {  	[sflag:s11] =	ssyncset.done @!p0 $0x0  }
0xd0: {  	[sflag:s11] =	ssyncadd.s32 @!p0 $0xFFFFC000  }
0xd1: {  	_ =	swait.ge @!p0 [sflag:s11], $0x4000  }
0xd2: {  	[sflag:s11] =	ssyncset.done @!p0 $0x0  }
0xd3: {  	[sflag:s11] =	ssyncadd.s32 @!p0 $0xFFFFC000  }
0xd4: {  	_ =	swait.ge @!p0 [sflag:s11], $0x4000  }
0xd5: {  	[sflag:s11] =	ssyncset.done @!p0 $0x0  }
0xd6: {  	[sflag:s11] =	ssyncadd.s32 @!p0 $0xFFFFC000  }
0xd7: {  	_ =	swait.ge @!p0 [sflag:s11], $0x4000  }
0xd8: {  	[sflag:s11] =	ssyncset.done @!p0 $0x0  }
0xd9: {  	[sflag:s11] =	ssyncadd.s32 @!p0 $0xFFFFC000  }
0xda: {  	_ =	swait.ge @!p0 [sflag:s11], $0x4000  }
0xdb: {  	[sflag:s11] =	ssyncset.done @!p0 $0x0  }
0xdc: {  	[sflag:s11] =	ssyncadd.s32 @!p0 $0xFFFFC000  }
0xdd: {  	_ =	swait.ge @!p0 [sflag:s11], $0x4000  }
0xde: {  	[sflag:s11] =	ssyncset.done @!p0 $0x0  }
0xdf: {  	[sflag:s11] =	ssyncadd.s32 @!p0 $0xFFFFC000  }
0xe0: {  	_ =	swait.ge @!p0 [sflag:s11], $0x4000  }
0xe1: {  	[sflag:s11] =	ssyncset.done @!p0 $0x0  }
0xe2: {  	[sflag:s11] =	ssyncadd.s32 @!p0 $0xFFFFC000  }
0xe3: {  	_ =	swait.ge @!p0 [sflag:s11], $0x4000  }
0xe4: {  	[sflag:s11] =	ssyncset.done @!p0 $0x0  }
0xe5: {  	[sflag:s11] =	ssyncadd.s32 @!p0 $0xFFFFC000  }
0xe6: {  	[spmem:s1] =	stream.indirect.scatter.add.f32 [tilespmem:s16], [sflag:$0x1], $0x80, s2, s22, $0xb8;
	[tilespmem:$0x1D000] =	vst v63  }
0xe7: {  	_ = 	snop  }
0xe8: {  	[spmem:s1] =	stream.indirect.scatter.add.f32 [tilespmem:s18], [sflag:$0x1], $0x80, s19, s22, $0xb8;
	[tilespmem:$0x1D000] =	vst v63  }
0xe9: {  	s11 =	sadd.s32 s10, s15  }
0xea: {  	[tilespmem:s23], [sflag:$0x4] =	stream.linear.gather [hbm4b:s11+s2], $0x400, $0x38;
	[tilespmem:$0x1D000] =	vst v63  }
0xeb: {  	s11 =	sadd.s32 s10, s14  }
0xec: {  	[tilespmem:s24], [sflag:$0x4] =	stream.linear.gather [hbm4b:s11+s2], $0x400, $0x38;
	[tilespmem:$0x1D000] =	vst v63  }
0xed: {  	_ = 	snop  }
0xee: {  	[spmem:s1] =	stream.indirect.scatter.add.f32 [tilespmem:s16], [sflag:$0x1], $0x80, s22, s22, $0xb8;
	[tilespmem:$0x1D000] =	vst v63  }
0xef: {  	_ = 	snop  }
0xf0: {  	[spmem:s1] =	stream.indirect.scatter.add.f32 [tilespmem:s18], [sflag:$0x1], $0x80, s13, s22, $0xb8;
	[tilespmem:$0x1D000] =	vst v63  }
0xf1: {  	s11 =	simm.s32 $0x100  }
0xf2: {  	[spmem:s1] =	stream.indirect.scatter.add.f32 [tilespmem:s16], [sflag:$0x1], $0x80, s11, s22, $0xb8;
	[tilespmem:$0x1D000] =	vst v63  }
0xf3: {  	s11 =	simm.s32 $0x900  }
0xf4: {  	[spmem:s1] =	stream.indirect.scatter.add.f32 [tilespmem:s18], [sflag:$0x1], $0x80, s11, s22, $0xb8;
	[tilespmem:$0x1D000] =	vst v63  }
0xf5: {  	s11 =	simm.s32 $0x180  }
0xf6: {  	[spmem:s1] =	stream.indirect.scatter.add.f32 [tilespmem:s16], [sflag:$0x1], $0x80, s11, s22, $0xb8;
	[tilespmem:$0x1D000] =	vst v63  }
0xf7: {  	s11 =	simm.s32 $0x980  }
0xf8: {  	[spmem:s1] =	stream.indirect.scatter.add.f32 [tilespmem:s18], [sflag:$0x1], $0x80, s11, s22, $0xb8;
	[tilespmem:$0x1D000] =	vst v63  }
0xf9: {  	s11 =	simm.s32 $0x200  }
0xfa: {  	[spmem:s1] =	stream.indirect.scatter.add.f32 [tilespmem:s16], [sflag:$0x1], $0x80, s11, s22, $0xb8;
	[tilespmem:$0x1D000] =	vst v63  }
0xfb: {  	s11 =	simm.s32 $0xA00  }
0xfc: {  	[spmem:s1] =	stream.indirect.scatter.add.f32 [tilespmem:s18], [sflag:$0x1], $0x80, s11, s22, $0xb8;
	[tilespmem:$0x1D000] =	vst v63  }
0xfd: {  	s11 =	simm.s32 $0x280  }
0xfe: {  	[spmem:s1] =	stream.indirect.scatter.add.f32 [tilespmem:s16], [sflag:$0x1], $0x80, s11, s22, $0xb8;
	[tilespmem:$0x1D000] =	vst v63  }
0xff: {  	s11 =	simm.s32 $0xA80  }
0x100: {  	[spmem:s1] =	stream.indirect.scatter.add.f32 [tilespmem:s18], [sflag:$0x1], $0x80, s11, s22, $0xb8;
	[tilespmem:$0x1D000] =	vst v63  }
0x101: {  	s11 =	simm.s32 $0x300  }
0x102: {  	[spmem:s1] =	stream.indirect.scatter.add.f32 [tilespmem:s16], [sflag:$0x1], $0x80, s11, s22, $0xb8;
	[tilespmem:$0x1D000] =	vst v63  }
0x103: {  	s11 =	simm.s32 $0xB00  }
0x104: {  	[spmem:s1] =	stream.indirect.scatter.add.f32 [tilespmem:s18], [sflag:$0x1], $0x80, s11, s22, $0xb8;
	[tilespmem:$0x1D000] =	vst v63  }
0x105: {  	_ =	swait.ge [sflag:s9], $0x400  }
0x106: {  	[sflag:s9] =	ssyncset.done $0x0  }
0x107: {  	[sflag:s9] =	ssyncadd.s32 $0xFFFFFC00  }
0x108: {  	_ =	swait.ge [sflag:s9], $0x400  }
0x109: {  	[sflag:s9] =	ssyncset.done $0x0  }
0x10a: {  	s11 =	simm.s32 $0x380;
	[sflag:s9] =	ssyncadd.s32 $0xFFFFFC00  }
0x10b: {  	[spmem:s1] =	stream.indirect.scatter.add.f32 [tilespmem:s16], [sflag:$0x1], $0x80, s11, s22, $0xb8;
	[tilespmem:$0x1D000] =	vst v63  }
0x10c: {  	s11 =	simm.s32 $0xB80  }
0x10d: {  	[spmem:s1] =	stream.indirect.scatter.add.f32 [tilespmem:s18], [sflag:$0x1], $0x80, s11, s22, $0xb8;
	[tilespmem:$0x1D000] =	vst v63  }
0x10e: {  	_ = 	snop  }
0x10f: {  	[spmem:s1] =	stream.indirect.scatter.add.f32 [tilespmem:s16], [sflag:$0x2], $0x80, s23, s22, $0xb8;
	[tilespmem:$0x1D000] =	vst v63  }
0x110: {  	_ = 	snop  }
0x111: {  	[spmem:s1] =	stream.indirect.scatter.add.f32 [tilespmem:s18], [sflag:$0x2], $0x80, s24, s22, $0xb8;
	[tilespmem:$0x1D000] =	vst v63  }
0x112: {  	s11 =	simm.s32 $0x480  }
0x113: {  	[spmem:s1] =	stream.indirect.scatter.add.f32 [tilespmem:s16], [sflag:$0x2], $0x80, s11, s22, $0xb8;
	[tilespmem:$0x1D000] =	vst v63  }
0x114: {  	p0 =	seq.s32 s10, $0x400;
	s11 =	simm.s32 $0xC80  }
0x115: {  	[spmem:s1] =	stream.indirect.scatter.add.f32 [tilespmem:s18], [sflag:$0x2], $0x80, s11, s22, $0xb8;
	[tilespmem:$0x1D000] =	vst v63  }
.Ltmp4:
0x116: {  	_ = 	snop;
	(pc) =	sbr.rel @p0 .LBB2_4-.Ltmp4, $4  }
0x117: {  	_ = 	snop  }
0x118: {  	[spmem:s1] =	stream.indirect.scatter.add.f32 [tilespmem:s16], [sflag:$0x2], $0x80, s20, s22, $0xb8;
	[tilespmem:$0x1D000] =	vst v63  }
0x119: {  	_ = 	snop  }
0x11a: {  	[spmem:s1] =	stream.indirect.scatter.add.f32 [tilespmem:s18], [sflag:$0x2], $0x80, s21, s22, $0xb8;
	[tilespmem:$0x1D000] =	vst v63  }
0x11b: {  	_ =	swait.ge [sflag:s3], $0x4000  }
0x11c: {  	[sflag:s3] =	ssyncset.done $0x0  }
0x11d: {  	[sflag:s3] =	ssyncadd.s32 $0xFFFFC000  }
0x11e: {  	_ =	swait.ge [sflag:s3], $0x4000  }
0x11f: {  	[sflag:s3] =	ssyncset.done $0x0  }
0x120: {  	[sflag:s3] =	ssyncadd.s32 $0xFFFFC000  }
0x121: {  	_ =	swait.ge [sflag:s3], $0x4000  }
0x122: {  	[sflag:s3] =	ssyncset.done $0x0  }
0x123: {  	[sflag:s3] =	ssyncadd.s32 $0xFFFFC000  }
0x124: {  	_ =	swait.ge [sflag:s3], $0x4000  }
0x125: {  	[sflag:s3] =	ssyncset.done $0x0  }
0x126: {  	[sflag:s3] =	ssyncadd.s32 $0xFFFFC000  }
0x127: {  	_ =	swait.ge [sflag:s3], $0x4000  }
0x128: {  	[sflag:s3] =	ssyncset.done $0x0  }
0x129: {  	[sflag:s3] =	ssyncadd.s32 $0xFFFFC000  }
0x12a: {  	_ =	swait.ge [sflag:s3], $0x4000  }
0x12b: {  	[sflag:s3] =	ssyncset.done $0x0  }
0x12c: {  	[sflag:s3] =	ssyncadd.s32 $0xFFFFC000  }
0x12d: {  	_ =	swait.ge [sflag:s3], $0x4000  }
0x12e: {  	[sflag:s3] =	ssyncset.done $0x0  }
0x12f: {  	[sflag:s3] =	ssyncadd.s32 $0xFFFFC000  }
0x130: {  	_ =	swait.ge [sflag:s3], $0x4000  }
0x131: {  	[sflag:s3] =	ssyncset.done $0x0  }
0x132: {  	[sflag:s3] =	ssyncadd.s32 $0xFFFFC000  }
0x133: {  	_ =	swait.ge [sflag:s3], $0x4000  }
0x134: {  	[sflag:s3] =	ssyncset.done $0x0  }
0x135: {  	[sflag:s3] =	ssyncadd.s32 $0xFFFFC000  }
0x136: {  	_ =	swait.ge [sflag:s3], $0x4000  }
0x137: {  	[sflag:s3] =	ssyncset.done $0x0  }
0x138: {  	[sflag:s3] =	ssyncadd.s32 $0xFFFFC000  }
0x139: {  	_ =	swait.ge [sflag:s3], $0x4000  }
0x13a: {  	[sflag:s3] =	ssyncset.done $0x0  }
0x13b: {  	[sflag:s3] =	ssyncadd.s32 $0xFFFFC000  }
0x13c: {  	_ =	swait.ge [sflag:s3], $0x4000  }
0x13d: {  	[sflag:s3] =	ssyncset.done $0x0  }
0x13e: {  	[sflag:s3] =	ssyncadd.s32 $0xFFFFC000  }
0x13f: {  	_ =	swait.ge [sflag:s3], $0x4000  }
0x140: {  	[sflag:s3] =	ssyncset.done $0x0  }
0x141: {  	[sflag:s3] =	ssyncadd.s32 $0xFFFFC000  }
0x142: {  	_ =	swait.ge [sflag:s3], $0x4000  }
0x143: {  	[sflag:s3] =	ssyncset.done $0x0  }
0x144: {  	[sflag:s3] =	ssyncadd.s32 $0xFFFFC000  }
0x145: {  	_ =	swait.ge [sflag:s3], $0x4000  }
0x146: {  	[sflag:s3] =	ssyncset.done $0x0  }
0x147: {  	[sflag:s3] =	ssyncadd.s32 $0xFFFFC000  }
0x148: {  	s11 =	sshrl.u32 s8, $0x3;
	_ =	swait.ge [sflag:s3], $0x4000  }
0x149: {  	s13 =	smov.u32 s12;
	[sflag:s3] =	ssyncset.done $0x0;
	s12 =	rddreg [dreg:$0x3]  }
0x14a: {  	[sflag:s3] =	ssyncadd.s32 $0xFFFFC000;
	s12 =	sadd.s32 s12, s11  }
0x14b: {  	[tilespmem:s2], [sflag:$0x3] =	stream.linear.gather [hbm4b:s12+s2], $0x400, $0x38;
	[tilespmem:$0x1D000] =	vst v63  }
0x14c: {  	s12 =	rddreg [dreg:$0x4]  }
0x14d: {  	s11 =	sadd.s32 s12, s11  }
0x14e: {  	[tilespmem:s19], [sflag:$0x3] =	stream.linear.gather [hbm4b:s11+s2], $0x400, $0x38;
	[tilespmem:$0x1D000] =	vst v63  }
0x14f: {  	_ = 	snop  }
0x150: {  	[spmem:s1] =	stream.indirect.scatter.add.f32 [tilespmem:s16], [sflag:$0x2], $0x80, s17, s22, $0xb8;
	[tilespmem:$0x1D000] =	vst v63  }
0x151: {  	_ = 	snop  }
0x152: {  	[spmem:s1] =	stream.indirect.scatter.add.f32 [tilespmem:s18], [sflag:$0x2], $0x80, s4, s22, $0xb8;
	[tilespmem:$0x1D000] =	vst v63  }
0x153: {  	_ = 	snop  }
0x154: {  	[spmem:s1] =	stream.indirect.scatter.add.f32 [tilespmem:s16], [sflag:$0x2], $0x80, s5, s22, $0xb8;
	[tilespmem:$0x1D000] =	vst v63  }
0x155: {  	_ = 	snop  }
0x156: {  	[spmem:s1] =	stream.indirect.scatter.add.f32 [tilespmem:s18], [sflag:$0x2], $0x80, s25, s22, $0xb8;
	[tilespmem:$0x1D000] =	vst v63  }
0x157: {  	_ = 	snop  }
0x158: {  	[spmem:s1] =	stream.indirect.scatter.add.f32 [tilespmem:s16], [sflag:$0x2], $0x80, s26, s22, $0xb8;
	[tilespmem:$0x1D000] =	vst v63  }
0x159: {  	_ = 	snop  }
0x15a: {  	[spmem:s1] =	stream.indirect.scatter.add.f32 [tilespmem:s18], [sflag:$0x2], $0x80, s28, s22, $0xb8;
	[tilespmem:$0x1D000] =	vst v63  }
0x15b: {  	_ =	swait.ge [sflag:s7], $0x400  }
.Ltmp5:
0x15c: {  	[sflag:s7] =	ssyncset.done $0x0;
	(pc) =	sbr.rel .LBB2_5-.Ltmp5, $4  }
0x15d: {  	[sflag:s7] =	ssyncadd.s32 $0xFFFFFC00  }
0x15e: {  	_ =	swait.ge [sflag:s7], $0x400  }
0x15f: {  	[sflag:s7] =	ssyncset.done $0x0  }
0x160: {  	s12 =	smov.u32 s13;
	s13 =	simm.s32 $0x880;
	[sflag:s7] =	ssyncadd.s32 $0xFFFFFC00  }
.LBB2_7:
0x161: {  	_ =	sfence.sel $0x180000  }
0x162: {  	[bflag:$0x0] =	sbarrier.arrive $0xFFFF  }
0x163: {  	_ =	strace $0x90000047  }
0x164: {  	s0 =	stileid.u32;
	[bflag:$0x2] =	sbarrier.arrive $0xFFFF  }
0x165: {  	p0 =	sne.s32 s0, $0x0;
	s0 =	rddreg [dreg:$0x2]  }
0x166: {  	s0 =	sadd.s32 @!p0 $0x100000, s0  }
0x167: {  	[sflag:s0] =	ssyncadd.tile.s32 @!p0 $0x1;
	_ =	shalt  }
.Lfunc_end2:
_tile_overlayer_lowered:
.L_overlay_start_2:
0x168: {  	(tag) =	ssettag $0x2  }
0x169: {  	s0 =	rddreg [dreg:$0x0];
	s2 =	stileid.u32  }
0x16a: {  	s1 =	rddreg [dreg:$0x1];
	p0 =	sne.s32 s2, $0x0  }
0x16b: {  	s3 =	rddreg [dreg:$0x2];
	[bflag:$0x3] =	sbarrier.arrive $0xFFFF;
	s2 =	simm.s32 @!p0 $0x1C05  }
0x16c: {  	[timem:s3], [sflag:s2] =	dma.local @!p0 [hbm:s0], s1  }
0x16d: {  	s0 =	simm.s32 @!p0 $0x5  }
0x16e: {  	_ =	swait.ge @!p0 [sflag:s0], s1  }
0x16f: {  	s1 =	ssub.s32 @!p0 $0x0, s1;
	[sflag:s0] =	ssyncset.done @!p0 $0x0  }
0x170: {  	[sflag:s0] =	ssyncadd.s32 @!p0 s1  }
0x171: {  	[bflag:$0x3] =	sbarrier.arrive $0xFFFF  }
0x172: {  	_ =	shalt  }

</sc_bundles>
